<compile_context>
chip_gen: v7x
topology: tpu7x:2x2x1
jax: 0.10.2.dev20260603
libtpu: 0.0.44.dev20260713+nightly
codegen_flags: <defaults>
</compile_context>

<pallas_src>
import functools

import jax
import jax.numpy as jnp
from jax import lax
from jax.experimental import pallas as pl
from jax.experimental.pallas import tpu as pltpu
from jax.experimental.pallas import tpu_sc as plsc

_pc = pl.pallas_call

N = 10000
E = 320000
D = 128
D2 = 256
LAYERS = 3
NW = 32
EPW = E // NW
K = 80
NCH = EPW // K
RPT = N // 16

BE = 4000
BN_ = 2000



def _bondlen_body(r_ref, bl_ref):
    r = r_ref[...]
    bl_ref[...] = jnp.sqrt(jnp.sum(r * r, axis=1, keepdims=True))


def _bondlen(r):
    return _pc(
        _bondlen_body,
        grid=(E // BE,),
        in_specs=[pl.BlockSpec((BE, 3), lambda i: (i, 0))],
        out_specs=pl.BlockSpec((BE, 1), lambda i: (i, 0)),
        out_shape=jax.ShapeDtypeStruct((E, 1), jnp.float32),
    )(r)


def _rbf_expand(bl):
    lane_i = lax.broadcasted_iota(jnp.int32, (BE, 40), 1)
    c = lane_i.astype(jnp.float32) * (8.0 / 39.0)
    gamma = (39.0 / 8.0) ** 2
    return jnp.exp(-gamma * (bl - c) ** 2)



def _pack_words(h):
    u_lo = lax.bitcast_convert_type(h[:, :D], jnp.int32)
    u_hi = lax.bitcast_convert_type(h[:, D:], jnp.int32)
    r_lo = u_lo + 0x7FFF + jnp.bitwise_and(jnp.right_shift(u_lo, 16), 1)
    r_lo = jnp.bitwise_and(jnp.right_shift(r_lo, 16), 0xFFFF)
    r_hi = u_hi + 0x7FFF + jnp.bitwise_and(jnp.right_shift(u_hi, 16), 1)
    r_hi = jnp.bitwise_and(r_hi, -65536)
    return jnp.bitwise_or(r_lo, r_hi)


def _unpack_words(w):
    lo = lax.bitcast_convert_type(jnp.left_shift(w, 16), jnp.float32)
    hi = lax.bitcast_convert_type(jnp.bitwise_and(w, -65536), jnp.float32)
    return lo, hi



def _embed_body(at_ref, af_ref, ew_ref, eb_ref, ws_ref, bs_ref, wd_ref, bd_ref,
                x_ref, hs_ref, hd_ref):
    t = at_ref[...]
    oh = (lax.broadcasted_iota(jnp.int32, (BN_, 128), 1) == t).astype(jnp.float32)
    v = jnp.dot(oh, af_ref[...], preferred_element_type=jnp.float32)
    x = jnp.dot(v, ew_ref[...], preferred_element_type=jnp.float32) + eb_ref[...]
    x_ref[...] = x
    hs_ref[...] = _pack_words(
        jnp.dot(x, ws_ref[...], preferred_element_type=jnp.float32) + bs_ref[...])
    hd_ref[...] = _pack_words(
        jnp.dot(x, wd_ref[...], preferred_element_type=jnp.float32) + bd_ref[...])


def _embed(at, af_pad, ew, eb, ws, bs, wd, bd):
    da = af_pad.shape[1]
    return _pc(
        _embed_body,
        grid=(N // BN_,),
        in_specs=[
            pl.BlockSpec((BN_, 1), lambda i: (i, 0)),
            pl.BlockSpec((128, da), lambda i: (0, 0)),
            pl.BlockSpec((da, D), lambda i: (0, 0)),
            pl.BlockSpec((1, D), lambda i: (0, 0)),
            pl.BlockSpec((D, D2), lambda i: (0, 0)),
            pl.BlockSpec((1, D2), lambda i: (0, 0)),
            pl.BlockSpec((D, D2), lambda i: (0, 0)),
            pl.BlockSpec((1, D2), lambda i: (0, 0)),
        ],
        out_specs=[
            pl.BlockSpec((BN_, D), lambda i: (i, 0)),
            pl.BlockSpec((BN_, D), lambda i: (i, 0)),
            pl.BlockSpec((BN_, D), lambda i: (i, 0)),
        ],
        out_shape=[
            jax.ShapeDtypeStruct((N, D), jnp.float32),
            jax.ShapeDtypeStruct((N, D), jnp.int32),
            jax.ShapeDtypeStruct((N, D), jnp.int32),
        ],
    )(at, af_pad, ew, eb, ws, bs, wd, bd)



def _sc_gather(hs_i, hd_i, src, dst):
    DW = D2 // 2
    mesh = plsc.VectorSubcoreMesh(core_axis_name="c", subcore_axis_name="s")

    @functools.partial(
        pl.kernel,
        out_type=[
            jax.ShapeDtypeStruct((E, DW), jnp.int32),
            jax.ShapeDtypeStruct((E, DW), jnp.int32),
        ],
        mesh=mesh,
        scratch_types=[
            pltpu.VMEM((NCH, K), jnp.int32),
            pltpu.VMEM((NCH, K), jnp.int32),
            pltpu.VMEM((K, DW), jnp.int32),
            pltpu.VMEM((K, DW), jnp.int32),
            pltpu.VMEM((K, DW), jnp.int32),
            pltpu.VMEM((K, DW), jnp.int32),
            pltpu.SemaphoreType.DMA,
            pltpu.SemaphoreType.DMA,
            pltpu.SemaphoreType.DMA,
            pltpu.SemaphoreType.DMA,
        ],
    )
    def k(hs_hbm, hd_hbm, src_hbm, dst_hbm, ga_hbm, gb_hbm, isrc, idst,
          a0, b0, a1, b1, sa0, sb0, sa1, sb1):
        cid = lax.axis_index("c")
        sid = lax.axis_index("s")
        wid = cid * 16 + sid
        base = wid * EPW
        abufs, bbufs = (a0, a1), (b0, b1)
        sas, sbs = (sa0, sa1), (sb0, sb1)

        pltpu.sync_copy(src_hbm.at[wid], isrc)
        pltpu.sync_copy(dst_hbm.at[wid], idst)

        def issue(j, p):
            pltpu.async_copy(hs_hbm.at[isrc.at[j]], abufs[p], sas[p])
            pltpu.async_copy(hd_hbm.at[idst.at[j]], bbufs[p], sbs[p])

        def drain(j, p):
            e0 = base + j * K
            pltpu.make_async_copy(hs_hbm.at[isrc.at[j]], abufs[p],
                                  sas[p]).wait()
            pltpu.sync_copy(abufs[p], ga_hbm.at[pl.ds(e0, K)])
            pltpu.make_async_copy(hd_hbm.at[idst.at[j]], bbufs[p],
                                  sbs[p]).wait()
            pltpu.sync_copy(bbufs[p], gb_hbm.at[pl.ds(e0, K)])

        issue(0, 0)

        def pair(t, carry):
            issue(2 * t + 1, 1)
            drain(2 * t, 0)
            issue(2 * t + 2, 0)
            drain(2 * t + 1, 1)
            return carry

        lax.fori_loop(0, (NCH - 1) // 2, pair, 0)
        drain(NCH - 1, 0)

    return k(hs_i, hd_i, src.reshape(NW, NCH, K), dst.reshape(NW, NCH, K))



def _sc_scatter(g, dst):
    mesh = plsc.VectorSubcoreMesh(core_axis_name="c", subcore_axis_name="s")

    @functools.partial(
        pl.kernel,
        out_type=jax.ShapeDtypeStruct((2, N, D), jnp.float32),
        mesh=mesh,
        scratch_types=[
            pltpu.VMEM((NCH, K), jnp.int32),
            pltpu.VMEM((K, D), jnp.float32),
            pltpu.VMEM((K, D), jnp.float32),
            pltpu.VMEM((RPT // 25, D), jnp.float32),
            pltpu.VMEM_SHARED((N, D), jnp.float32),
            pltpu.SemaphoreType.DMA,
            pltpu.SemaphoreType.DMA,
        ],
    )
    def k(g_hbm, dst_hbm, out_hbm, idx, g0, g1, zbuf, acc, sl0, sl1):
        cid = lax.axis_index("c")
        sid = lax.axis_index("s")
        wid = cid * 16 + sid
        gbufs, sls = (g0, g1), (sl0, sl1)
        pltpu.sync_copy(dst_hbm.at[wid], idx)

        zr = RPT // 25

        def zrow(i, c2):
            for q in range(D // 16):
                zbuf[i, pl.ds(q * 16, 16)] = jnp.zeros((16,), jnp.float32)
            return c2

        lax.fori_loop(0, zr, zrow, 0)

        def zcp(i, c2):
            pltpu.sync_copy(zbuf, acc.at[pl.ds(sid * RPT + i * zr, zr)])
            return c2

        lax.fori_loop(0, 25, zcp, 0)
        plsc.subcore_barrier()

        def issue_load(j, p):
            e0 = wid * EPW + j * K
            pltpu.async_copy(g_hbm.at[pl.ds(e0, K)], gbufs[p], sls[p])

        def add(j, p):
            e0 = wid * EPW + j * K
            pltpu.make_async_copy(g_hbm.at[pl.ds(e0, K)], gbufs[p],
                                  sls[p]).wait()
            pltpu.sync_copy(gbufs[p], acc.at[idx.at[j]], add=True)

        issue_load(0, 0)

        def pair(t, carry):
            issue_load(2 * t + 1, 1)
            add(2 * t, 0)
            issue_load(2 * t + 2, 0)
            add(2 * t + 1, 1)
            return carry

        lax.fori_loop(0, (NCH - 1) // 2, pair, 0)
        add(NCH - 1, 0)
        plsc.subcore_barrier()

        @pl.when(sid < 15)
        def _():
            pltpu.sync_copy(acc.at[pl.ds(sid * 624, 624)],
                            out_hbm.at[cid, pl.ds(sid * 624, 624)])

        @pl.when(sid == 15)
        def _():
            pltpu.sync_copy(acc.at[pl.ds(15 * 624, 640)],
                            out_hbm.at[cid, pl.ds(15 * 624, 640)])

    return k(g, dst.reshape(NW, NCH, K))



def _stats_body(sa_ref, sb_ref, bl_ref, w_ref, be_ref, sum_ref, ssq_ref):
    i = pl.program_id(0)
    c = jnp.dot(_rbf_expand(bl_ref[...]), w_ref[...],
                preferred_element_type=jnp.float32)
    alo, ahi = _unpack_words(sa_ref[...])
    blo, bhi = _unpack_words(sb_ref[...])
    m_lo = alo + blo + c[:, :D] + be_ref[:, :D]
    m_hi = ahi + bhi + c[:, D:] + be_ref[:, D:]
    m = jnp.concatenate([m_lo, m_hi], axis=1)
    s0 = jnp.pad(jnp.sum(m, axis=0, keepdims=True), ((0, 7), (0, 0)))
    s1 = jnp.pad(jnp.sum(m * m, axis=0, keepdims=True), ((0, 7), (0, 0)))

    @pl.when(i == 0)
    def _():
        sum_ref[...] = jnp.zeros_like(sum_ref)
        ssq_ref[...] = jnp.zeros_like(ssq_ref)

    sum_ref[...] += s0
    ssq_ref[...] += s1


def _stats(sa, sb, bl, w, be):
    return _pc(
        _stats_body,
        grid=(E // BE,),
        in_specs=[
            pl.BlockSpec((BE, D), lambda i: (i, 0)),
            pl.BlockSpec((BE, D), lambda i: (i, 0)),
            pl.BlockSpec((BE, 1), lambda i: (i, 0)),
            pl.BlockSpec((40, D2), lambda i: (0, 0)),
            pl.BlockSpec((1, D2), lambda i: (0, 0)),
        ],
        out_specs=[
            pl.BlockSpec((8, D2), lambda i: (0, 0)),
            pl.BlockSpec((8, D2), lambda i: (0, 0)),
        ],
        out_shape=[
            jax.ShapeDtypeStruct((8, D2), jnp.float32),
            jax.ShapeDtypeStruct((8, D2), jnp.float32),
        ],
    )(sa, sb, bl, w, be)



def _gate_body(sa_ref, sb_ref, bl_ref, w_ref, be_ref, sum_ref, ssq_ref,
               g_ref, b_ref, out_ref):
    c = jnp.dot(_rbf_expand(bl_ref[...]), w_ref[...],
                preferred_element_type=jnp.float32)
    alo, ahi = _unpack_words(sa_ref[...])
    blo, bhi = _unpack_words(sb_ref[...])
    m_lo = alo + blo + c[:, :D] + be_ref[:, :D]
    m_hi = ahi + bhi + c[:, D:] + be_ref[:, D:]
    mu = sum_ref[0:1, :] * (1.0 / E)
    var = ssq_ref[0:1, :] * (1.0 / E) - mu * mu
    rstd = lax.rsqrt(var + 1e-5)
    scale = g_ref[...] * rstd
    shift = b_ref[...] - mu * scale
    hf = m_lo * scale[:, :D] + shift[:, :D]
    hs = m_hi * scale[:, D:] + shift[:, D:]
    out_ref[...] = jax.nn.sigmoid(hf) * jax.nn.softplus(hs)


def _gate(sa, sb, bl, w, be, sums, ssqs, bg, bb):
    return _pc(
        _gate_body,
        grid=(E // BE,),
        in_specs=[
            pl.BlockSpec((BE, D), lambda i: (i, 0)),
            pl.BlockSpec((BE, D), lambda i: (i, 0)),
            pl.BlockSpec((BE, 1), lambda i: (i, 0)),
            pl.BlockSpec((40, D2), lambda i: (0, 0)),
            pl.BlockSpec((1, D2), lambda i: (0, 0)),
            pl.BlockSpec((8, D2), lambda i: (0, 0)),
            pl.BlockSpec((8, D2), lambda i: (0, 0)),
            pl.BlockSpec((1, D2), lambda i: (0, 0)),
            pl.BlockSpec((1, D2), lambda i: (0, 0)),
        ],
        out_specs=pl.BlockSpec((BE, D), lambda i: (i, 0)),
        out_shape=jax.ShapeDtypeStruct((E, D), jnp.float32),
    )(sa, sb, bl, w, be, sums, ssqs, bg, bb)



def _node_core(x_ref, hp_ref, g_ref, b_ref):
    h = hp_ref[0] + hp_ref[1]
    mu = jnp.mean(h, axis=0, keepdims=True)
    d = h - mu
    var = jnp.mean(d * d, axis=0, keepdims=True)
    hn = d * lax.rsqrt(var + 1e-5) * g_ref[...] + b_ref[...]
    return jax.nn.softplus(x_ref[...] + hn)


def _node_body(x_ref, hp_ref, g_ref, b_ref, ws_ref, bs_ref, wd_ref, bd_ref,
               x2_ref, hs_ref, hd_ref):
    x2 = _node_core(x_ref, hp_ref, g_ref, b_ref)
    x2_ref[...] = x2
    hs_ref[...] = _pack_words(
        jnp.dot(x2, ws_ref[...], preferred_element_type=jnp.float32) + bs_ref[...])
    hd_ref[...] = _pack_words(
        jnp.dot(x2, wd_ref[...], preferred_element_type=jnp.float32) + bd_ref[...])


def _node(x, hp, bg, bb, ws, bs, wd, bd):
    return _pc(
        _node_body,
        in_specs=[
            pl.BlockSpec((N, D), lambda: (0, 0)),
            pl.BlockSpec((2, N, D), lambda: (0, 0, 0)),
            pl.BlockSpec((1, D), lambda: (0, 0)),
            pl.BlockSpec((1, D), lambda: (0, 0)),
            pl.BlockSpec((D, D2), lambda: (0, 0)),
            pl.BlockSpec((1, D2), lambda: (0, 0)),
            pl.BlockSpec((D, D2), lambda: (0, 0)),
            pl.BlockSpec((1, D2), lambda: (0, 0)),
        ],
        out_specs=[
            pl.BlockSpec((N, D), lambda: (0, 0)),
            pl.BlockSpec((N, D), lambda: (0, 0)),
            pl.BlockSpec((N, D), lambda: (0, 0)),
        ],
        out_shape=[
            jax.ShapeDtypeStruct((N, D), jnp.float32),
            jax.ShapeDtypeStruct((N, D), jnp.int32),
            jax.ShapeDtypeStruct((N, D), jnp.int32),
        ],
    )(x, hp, bg, bb, ws, bs, wd, bd)


def _final_body(x_ref, hp_ref, g_ref, b_ref, fw_ref, fb_ref, out_ref):
    x2 = _node_core(x_ref, hp_ref, g_ref, b_ref)
    feat = jnp.mean(x2, axis=0, keepdims=True)
    out_ref[...] = jnp.dot(feat, fw_ref[...], preferred_element_type=jnp.float32) + fb_ref[...]


def _final(x, hp, bg, bb, fw, fb):
    return _pc(
        _final_body,
        in_specs=[
            pl.BlockSpec((N, D), lambda: (0, 0)),
            pl.BlockSpec((2, N, D), lambda: (0, 0, 0)),
            pl.BlockSpec((1, D), lambda: (0, 0)),
            pl.BlockSpec((1, D), lambda: (0, 0)),
            pl.BlockSpec((D, 1), lambda: (0, 0)),
            pl.BlockSpec((1, 1), lambda: (0, 0)),
        ],
        out_specs=pl.BlockSpec((1, 1), lambda: (0, 0)),
        out_shape=jax.ShapeDtypeStruct((1, 1), jnp.float32),
    )(x, hp, bg, bb, fw, fb)



def kernel(atom_types, edge_index, r, af_table, emb_W, emb_b, W_src, b_src,
           W_dst, b_dst, W_edge, b_edge, bn_m_g, bn_m_b, bn_g, bn_b,
           fc_out_W, fc_out_b):
    src = edge_index[0].astype(jnp.int32)
    dst = edge_index[1].astype(jnp.int32)

    bl = _bondlen(r)
    af_pad = jnp.pad(af_table, ((0, 128 - af_table.shape[0]), (0, 0)))
    x, hs, hd = _embed(
        atom_types.astype(jnp.int32).reshape(N, 1), af_pad, emb_W,
        emb_b.reshape(1, D), W_src[0], b_src[0].reshape(1, D2),
        W_dst[0], b_dst[0].reshape(1, D2))

    out = None
    for i in range(LAYERS):
        sa, sb = _sc_gather(hs, hd, src, dst)
        be = b_edge[i].reshape(1, D2)
        sums, ssqs = _stats(sa, sb, bl, W_edge[i], be)
        g = _gate(sa, sb, bl, W_edge[i], be, sums, ssqs,
                  bn_m_g[i].reshape(1, D2), bn_m_b[i].reshape(1, D2))
        hp = _sc_scatter(g, dst)
        bg = bn_g[i].reshape(1, D)
        bb = bn_b[i].reshape(1, D)
        if i < LAYERS - 1:
            x, hs, hd = _node(x, hp, bg, bb, W_src[i + 1],
                              b_src[i + 1].reshape(1, D2), W_dst[i + 1],
                              b_dst[i + 1].reshape(1, D2))
        else:
            out = _final(x, hp, bg, bb, fc_out_W, fc_out_b.reshape(1, 1))
    return out

# --- scband reference (transcript-rebuilt; emitter-appended) ---
"""Pipeline reference for scband-cgcnn-69904887710282 (READ-ONLY COPY).

The authoritative reference and input builder live on the scoring server;
editing this copy changes nothing except your own understanding.
"""

import jax, jax.numpy as jnp
import numpy as np

N = 10000
E = 320000
D_ATOM = 200
D_MODEL = 128
D_EDGE = 40
LAYERS = 3
N_SPECIES = 95


def setup_inputs(seed: int = 0) -> dict:
    key = jax.random.key(seed)
    ks = jax.random.split(key, 16)
    inp = {}
    inp["atom_types"] = jax.random.randint(ks[0], (N,), 0, N_SPECIES)
    inp["edge_index"] = jax.random.randint(ks[1], (2, E), 0, N)
    inp["r"] = jax.random.normal(ks[2], (E, 3), dtype=jnp.float32)
    # AtomFeaturizer lookup table (mat2vec, 200-dim per species)
    inp["af_table"] = jax.random.normal(ks[3], (N_SPECIES, D_ATOM), dtype=jnp.float32) * 0.1
    # atom embedding linear
    inp["emb_W"] = jax.random.normal(ks[4], (D_ATOM, D_MODEL), dtype=jnp.float32) * (1.0 / np.sqrt(D_ATOM))
    inp["emb_b"] = jnp.zeros((D_MODEL,), dtype=jnp.float32)
    # stacked per-layer CGCNNConv params
    inp["W_src"] = jax.random.normal(ks[5], (LAYERS, D_MODEL, 2 * D_MODEL), dtype=jnp.float32) * (1.0 / np.sqrt(D_MODEL))
    inp["b_src"] = jnp.zeros((LAYERS, 2 * D_MODEL), dtype=jnp.float32)
    inp["W_dst"] = jax.random.normal(ks[6], (LAYERS, D_MODEL, 2 * D_MODEL), dtype=jnp.float32) * (1.0 / np.sqrt(D_MODEL))
    inp["b_dst"] = jnp.zeros((LAYERS, 2 * D_MODEL), dtype=jnp.float32)
    inp["W_edge"] = jax.random.normal(ks[7], (LAYERS, D_EDGE, 2 * D_MODEL), dtype=jnp.float32) * (1.0 / np.sqrt(D_EDGE))
    inp["b_edge"] = jnp.zeros((LAYERS, 2 * D_MODEL), dtype=jnp.float32)
    inp["bn_m_g"] = jnp.ones((LAYERS, 2 * D_MODEL), dtype=jnp.float32)
    inp["bn_m_b"] = jnp.zeros((LAYERS, 2 * D_MODEL), dtype=jnp.float32)
    inp["bn_g"] = jnp.ones((LAYERS, D_MODEL), dtype=jnp.float32)
    inp["bn_b"] = jnp.zeros((LAYERS, D_MODEL), dtype=jnp.float32)
    inp["fc_out_W"] = jax.random.normal(ks[8], (D_MODEL, 1), dtype=jnp.float32) * 0.05
    inp["fc_out_b"] = jnp.zeros((1,), dtype=jnp.float32)
    return inp


def _batchnorm(x, g, b):
    # training-mode batch norm (batch statistics), eps matches torch default
    mu = jnp.mean(x, axis=0)
    var = jnp.var(x, axis=0)
    return (x - mu) / jnp.sqrt(var + 1e-5) * g + b


def reference(atom_types, edge_index, r, af_table, emb_W, emb_b, W_src, b_src,
              W_dst, b_dst, W_edge, b_edge, bn_m_g, bn_m_b, bn_g, bn_b,
              fc_out_W, fc_out_b):
    src = edge_index[0]
    dst = edge_index[1]
    # RBF expansion of bond lengths: vmin=0, vmax=8.0, bins=40
    bondlength = jnp.linalg.norm(r, axis=-1)
    centers = jnp.linspace(0.0, 8.0, D_EDGE)
    gamma = 1.0 / (centers[1] - centers[0]) ** 2
    edge_feats = jnp.exp(-gamma * (bondlength[:, None] - centers[None, :]) ** 2)
    # atom featurizer lookup + embedding linear
    v = jnp.take(af_table, atom_types, axis=0)
    x = v @ emb_W + emb_b
    for i in range(LAYERS):
        h_src = x @ W_src[i] + b_src[i]
        h_dst = x @ W_dst[i] + b_dst[i]
        # u_add_v over edges + edge linear
        m = jnp.take(h_src, src, axis=0) + jnp.take(h_dst, dst, axis=0) + edge_feats @ W_edge[i] + b_edge[i]
        m = _batchnorm(m, bn_m_g[i], bn_m_b[i])
        h_f, h_s = jnp.split(m, 2, axis=1)
        m = jax.nn.sigmoid(h_f) * jax.nn.softplus(h_s)
        # copy_e -> sum into destination nodes (scatter-add)
        h = jax.ops.segment_sum(m, dst, num_segments=N)
        h = _batchnorm(h, bn_g[i], bn_b[i])
        x = jax.nn.softplus(x + h)
    # AvgPooling readout over the single batched graph, then fc_out (output_level='property')
    features = jnp.mean(x, axis=0, keepdims=True)
    out = features @ fc_out_W + fc_out_b
    return out

if __name__ == "__main__":
    import jax
    _d = setup_inputs()
    print(jax.jit(kernel)(*tuple(_d.values())))

</pallas_src>

<mosaic_0001>
#map = affine_map<(d0, d1) -> (0, 0)>
#map1 = affine_map<(d0, d1) -> (0, 0, 0)>
module attributes {stable_mosaic.version = 14 : i64} {
  func.func @k(%arg0: i32, %arg1: i32, %arg2: memref<320000x128xf32, #tpu.memory_space<hbm>>, %arg3: memref<32x125x80xi32, #tpu.memory_space<hbm>>, %arg4: memref<2x10000x128xf32, #tpu.memory_space<hbm>>, %arg5: memref<125x80xi32, #tpu.memory_space<vmem>>, %arg6: memref<80x128xf32, #tpu.memory_space<vmem>>, %arg7: memref<80x128xf32, #tpu.memory_space<vmem>>, %arg8: memref<25x128xf32, #tpu.memory_space<vmem>>, %arg9: memref<10000x128xf32, #tpu.memory_space<vmem_shared>>, %arg10: memref<!tpu.dma_semaphore, #tpu.memory_space<semaphore_mem>>, %arg11: memref<!tpu.dma_semaphore, #tpu.memory_space<semaphore_mem>>) attributes {dimension_semantics = [#tpu.dimension_semantics<core_parallel>, #tpu.dimension_semantics<subcore_parallel>], iteration_bounds = array<i64: 2, 16>, scalar_prefetch = 0 : i64, scratch_operands = 7 : i64, tpu.core_type = #tpu.core_type<sc_vector_subcore>, window_params = [{transform_indices = #map}, {transform_indices = #map1}, {transform_indices = #map1}]} {
    %mul3A = arith.constant 16 : i32
    %mul3A_0 = arith.muli %arg0, %mul3A : i32
    %add3A = arith.addi %mul3A_0, %arg1 : i32
    "tpu.region"() ({
      %run_scoped3A_39 = tpu.sem_alloc : memref<!tpu.dma_semaphore, #tpu.memory_space<semaphore_mem>>
      %dma_start3A_40 = arith.constant 0 : i32
      %dma_start3A_41 = arith.constant 0 : i32
      %dma_start3A_42 = tpu.memref_slice %arg3[%add3A, %dma_start3A_40, %dma_start3A_41] : memref<32x125x80xi32, #tpu.memory_space<hbm>> -> memref<1x125x80xi32, #tpu.memory_space<hbm>>
      %dma_start3A_43 = tpu.memref_squeeze %dma_start3A_42 : memref<1x125x80xi32, #tpu.memory_space<hbm>> -> memref<125x80xi32, #tpu.memory_space<hbm>>
      %dma_start3A_44 = arith.constant 0 : i32
      %dma_start3A_45 = arith.constant 0 : i32
      %dma_start3A_46 = tpu.memref_slice %arg3[%add3A, %dma_start3A_44, %dma_start3A_45] : memref<32x125x80xi32, #tpu.memory_space<hbm>> -> memref<1x125x80xi32, #tpu.memory_space<hbm>>
      %dma_start3A_47 = tpu.memref_squeeze %dma_start3A_46 : memref<1x125x80xi32, #tpu.memory_space<hbm>> -> memref<125x80xi32, #tpu.memory_space<hbm>>
      tpu.enqueue_dma source(%dma_start3A_47 : memref<125x80xi32, #tpu.memory_space<hbm>>) target(%arg5 : memref<125x80xi32, #tpu.memory_space<vmem>>) target_semaphore(%run_scoped3A_39 : memref<!tpu.dma_semaphore, #tpu.memory_space<semaphore_mem>>)
      %dma_wait3A_48 = arith.constant 0 : i32
      %dma_wait3A_49 = arith.constant 0 : i32
      %dma_wait3A_50 = tpu.memref_slice %arg3[%add3A, %dma_wait3A_48, %dma_wait3A_49] : memref<32x125x80xi32, #tpu.memory_space<hbm>> -> memref<1x125x80xi32, #tpu.memory_space<hbm>>
      %dma_wait3A_51 = tpu.memref_squeeze %dma_wait3A_50 : memref<1x125x80xi32, #tpu.memory_space<hbm>> -> memref<125x80xi32, #tpu.memory_space<hbm>>
      %dma_wait3A_52 = arith.constant 0 : i32
      %dma_wait3A_53 = arith.constant 0 : i32
      %dma_wait3A_54 = tpu.memref_slice %arg3[%add3A, %dma_wait3A_52, %dma_wait3A_53] : memref<32x125x80xi32, #tpu.memory_space<hbm>> -> memref<1x125x80xi32, #tpu.memory_space<hbm>>
      %dma_wait3A_55 = tpu.memref_squeeze %dma_wait3A_54 : memref<1x125x80xi32, #tpu.memory_space<hbm>> -> memref<125x80xi32, #tpu.memory_space<hbm>>
      tpu.wait_dma2 semaphore(%run_scoped3A_39 : memref<!tpu.dma_semaphore, #tpu.memory_space<semaphore_mem>>) src(%dma_wait3A_55 : memref<125x80xi32, #tpu.memory_space<hbm>>) dst(%arg5 : memref<125x80xi32, #tpu.memory_space<vmem>>)
      tpu.yield
    }) : () -> ()
    %scan3A = arith.constant 0 : i32
    %scan3A_1 = arith.constant 0 : i32
    %scan3A_2 = arith.constant 25 : i32
    %scan3A_3 = arith.addi %scan3A_1, %scan3A_2 : i32
    %scan3A_4 = arith.constant 1 : i32
    scf.for %scan3A_39 = %scan3A_1 to %scan3A_3 step %scan3A_4  : i32 {
      %broadcast_in_dim3A = arith.constant 0.000000e+00 : f32
      %broadcast_in_dim3A_40 = vector.broadcast %broadcast_in_dim3A : f32 to vector<16xf32>
      %swap3A = arith.index_cast %scan3A_39 : i32 to index
      %swap3A_41 = arith.constant 0 : index
      %swap3A_42 = tpu.vector_load %arg8[%swap3A, %swap3A_41] {strides = array<i32>} : memref<25x128xf32, #tpu.memory_space<vmem>>, vector<1x16xf32>,
      %swap3A_43 = vector.shape_cast %swap3A_42 : vector<1x16xf32> to vector<16xf32>
      %swap3A_44 = vector.shape_cast %broadcast_in_dim3A_40 : vector<16xf32> to vector<1x16xf32>
      tpu.vector_store %arg8[%swap3A, %swap3A_41], %swap3A_44 {strides = array<i32>} : memref<25x128xf32, #tpu.memory_space<vmem>>, vector<1x16xf32>,
      %broadcast_in_dim3A_45 = arith.constant 0.000000e+00 : f32
      %broadcast_in_dim3A_46 = vector.broadcast %broadcast_in_dim3A_45 : f32 to vector<16xf32>
      %swap3A_47 = arith.index_cast %scan3A_39 : i32 to index
      %swap3A_48 = arith.constant 16 : index
      %swap3A_49 = tpu.vector_load %arg8[%swap3A_47, %swap3A_48] {strides = array<i32>} : memref<25x128xf32, #tpu.memory_space<vmem>>, vector<1x16xf32>,
      %swap3A_50 = vector.shape_cast %swap3A_49 : vector<1x16xf32> to vector<16xf32>
      %swap3A_51 = vector.shape_cast %broadcast_in_dim3A_46 : vector<16xf32> to vector<1x16xf32>
      tpu.vector_store %arg8[%swap3A_47, %swap3A_48], %swap3A_51 {strides = array<i32>} : memref<25x128xf32, #tpu.memory_space<vmem>>, vector<1x16xf32>,
      %broadcast_in_dim3A_52 = arith.constant 0.000000e+00 : f32
      %broadcast_in_dim3A_53 = vector.broadcast %broadcast_in_dim3A_52 : f32 to vector<16xf32>
      %swap3A_54 = arith.index_cast %scan3A_39 : i32 to index
      %swap3A_55 = arith.constant 32 : index
      %swap3A_56 = tpu.vector_load %arg8[%swap3A_54, %swap3A_55] {strides = array<i32>} : memref<25x128xf32, #tpu.memory_space<vmem>>, vector<1x16xf32>,
      %swap3A_57 = vector.shape_cast %swap3A_56 : vector<1x16xf32> to vector<16xf32>
      %swap3A_58 = vector.shape_cast %broadcast_in_dim3A_53 : vector<16xf32> to vector<1x16xf32>
      tpu.vector_store %arg8[%swap3A_54, %swap3A_55], %swap3A_58 {strides = array<i32>} : memref<25x128xf32, #tpu.memory_space<vmem>>, vector<1x16xf32>,
      %broadcast_in_dim3A_59 = arith.constant 0.000000e+00 : f32
      %broadcast_in_dim3A_60 = vector.broadcast %broadcast_in_dim3A_59 : f32 to vector<16xf32>
      %swap3A_61 = arith.index_cast %scan3A_39 : i32 to index
      %swap3A_62 = arith.constant 48 : index
      %swap3A_63 = tpu.vector_load %arg8[%swap3A_61, %swap3A_62] {strides = array<i32>} : memref<25x128xf32, #tpu.memory_space<vmem>>, vector<1x16xf32>,
      %swap3A_64 = vector.shape_cast %swap3A_63 : vector<1x16xf32> to vector<16xf32>
      %swap3A_65 = vector.shape_cast %broadcast_in_dim3A_60 : vector<16xf32> to vector<1x16xf32>
      tpu.vector_store %arg8[%swap3A_61, %swap3A_62], %swap3A_65 {strides = array<i32>} : memref<25x128xf32, #tpu.memory_space<vmem>>, vector<1x16xf32>,
      %broadcast_in_dim3A_66 = arith.constant 0.000000e+00 : f32
      %broadcast_in_dim3A_67 = vector.broadcast %broadcast_in_dim3A_66 : f32 to vector<16xf32>
      %swap3A_68 = arith.index_cast %scan3A_39 : i32 to index
      %swap3A_69 = arith.constant 64 : index
      %swap3A_70 = tpu.vector_load %arg8[%swap3A_68, %swap3A_69] {strides = array<i32>} : memref<25x128xf32, #tpu.memory_space<vmem>>, vector<1x16xf32>,
      %swap3A_71 = vector.shape_cast %swap3A_70 : vector<1x16xf32> to vector<16xf32>
      %swap3A_72 = vector.shape_cast %broadcast_in_dim3A_67 : vector<16xf32> to vector<1x16xf32>
      tpu.vector_store %arg8[%swap3A_68, %swap3A_69], %swap3A_72 {strides = array<i32>} : memref<25x128xf32, #tpu.memory_space<vmem>>, vector<1x16xf32>,
      %broadcast_in_dim3A_73 = arith.constant 0.000000e+00 : f32
      %broadcast_in_dim3A_74 = vector.broadcast %broadcast_in_dim3A_73 : f32 to vector<16xf32>
      %swap3A_75 = arith.index_cast %scan3A_39 : i32 to index
      %swap3A_76 = arith.constant 80 : index
      %swap3A_77 = tpu.vector_load %arg8[%swap3A_75, %swap3A_76] {strides = array<i32>} : memref<25x128xf32, #tpu.memory_space<vmem>>, vector<1x16xf32>,
      %swap3A_78 = vector.shape_cast %swap3A_77 : vector<1x16xf32> to vector<16xf32>
      %swap3A_79 = vector.shape_cast %broadcast_in_dim3A_74 : vector<16xf32> to vector<1x16xf32>
      tpu.vector_store %arg8[%swap3A_75, %swap3A_76], %swap3A_79 {strides = array<i32>} : memref<25x128xf32, #tpu.memory_space<vmem>>, vector<1x16xf32>,
      %broadcast_in_dim3A_80 = arith.constant 0.000000e+00 : f32
      %broadcast_in_dim3A_81 = vector.broadcast %broadcast_in_dim3A_80 : f32 to vector<16xf32>
      %swap3A_82 = arith.index_cast %scan3A_39 : i32 to index
      %swap3A_83 = arith.constant 96 : index
      %swap3A_84 = tpu.vector_load %arg8[%swap3A_82, %swap3A_83] {strides = array<i32>} : memref<25x128xf32, #tpu.memory_space<vmem>>, vector<1x16xf32>,
      %swap3A_85 = vector.shape_cast %swap3A_84 : vector<1x16xf32> to vector<16xf32>
      %swap3A_86 = vector.shape_cast %broadcast_in_dim3A_81 : vector<16xf32> to vector<1x16xf32>
      tpu.vector_store %arg8[%swap3A_82, %swap3A_83], %swap3A_86 {strides = array<i32>} : memref<25x128xf32, #tpu.memory_space<vmem>>, vector<1x16xf32>,
      %broadcast_in_dim3A_87 = arith.constant 0.000000e+00 : f32
      %broadcast_in_dim3A_88 = vector.broadcast %broadcast_in_dim3A_87 : f32 to vector<16xf32>
      %swap3A_89 = arith.index_cast %scan3A_39 : i32 to index
      %swap3A_90 = arith.constant 112 : index
      %swap3A_91 = tpu.vector_load %arg8[%swap3A_89, %swap3A_90] {strides = array<i32>} : memref<25x128xf32, #tpu.memory_space<vmem>>, vector<1x16xf32>,
      %swap3A_92 = vector.shape_cast %swap3A_91 : vector<1x16xf32> to vector<16xf32>
      %swap3A_93 = vector.shape_cast %broadcast_in_dim3A_88 : vector<16xf32> to vector<1x16xf32>
      tpu.vector_store %arg8[%swap3A_89, %swap3A_90], %swap3A_93 {strides = array<i32>} : memref<25x128xf32, #tpu.memory_space<vmem>>, vector<1x16xf32>,
    }
    %scan3A_5 = arith.constant 25 : i32
    %scan3A_6 = arith.constant 0 : i32
    %scan3A_7 = arith.constant 0 : i32
    %scan3A_8 = arith.constant 25 : i32
    %scan3A_9 = arith.addi %scan3A_7, %scan3A_8 : i32
    %scan3A_10 = arith.constant 1 : i32
    scf.for %scan3A_39 = %scan3A_7 to %scan3A_9 step %scan3A_10  : i32 {
      %mul3A_40 = arith.constant 625 : i32
      %mul3A_41 = arith.muli %arg1, %mul3A_40 : i32
      %mul3A_42 = arith.constant 25 : i32
      %mul3A_43 = arith.muli %scan3A_39, %mul3A_42 : i32
      %add3A_44 = arith.addi %mul3A_41, %mul3A_43 : i32
      "tpu.region"() ({
        %run_scoped3A_45 = tpu.sem_alloc : memref<!tpu.dma_semaphore, #tpu.memory_space<semaphore_mem>>
        %dma_start3A_46 = arith.constant 0 : i32
        %dma_start3A_47 = tpu.memref_slice %arg9[%add3A_44, %dma_start3A_46] : memref<10000x128xf32, #tpu.memory_space<vmem_shared>> -> memref<25x128xf32, #tpu.memory_space<vmem_shared>>
        %dma_start3A_48 = arith.constant 0 : i32
        %dma_start3A_49 = tpu.memref_slice %arg9[%add3A_44, %dma_start3A_48] : memref<10000x128xf32, #tpu.memory_space<vmem_shared>> -> memref<25x128xf32, #tpu.memory_space<vmem_shared>>
        tpu.enqueue_dma source(%arg8 : memref<25x128xf32, #tpu.memory_space<vmem>>) target(%dma_start3A_49 : memref<25x128xf32, #tpu.memory_space<vmem_shared>>) target_semaphore(%run_scoped3A_45 : memref<!tpu.dma_semaphore, #tpu.memory_space<semaphore_mem>>)
        %dma_wait3A_50 = arith.constant 0 : i32
        %dma_wait3A_51 = tpu.memref_slice %arg9[%add3A_44, %dma_wait3A_50] : memref<10000x128xf32, #tpu.memory_space<vmem_shared>> -> memref<25x128xf32, #tpu.memory_space<vmem_shared>>
        %dma_wait3A_52 = arith.constant 0 : i32
        %dma_wait3A_53 = tpu.memref_slice %arg9[%add3A_44, %dma_wait3A_52] : memref<10000x128xf32, #tpu.memory_space<vmem_shared>> -> memref<25x128xf32, #tpu.memory_space<vmem_shared>>
        tpu.wait_dma2 semaphore(%run_scoped3A_45 : memref<!tpu.dma_semaphore, #tpu.memory_space<semaphore_mem>>) src(%arg8 : memref<25x128xf32, #tpu.memory_space<vmem>>) dst(%dma_wait3A_53 : memref<25x128xf32, #tpu.memory_space<vmem_shared>>)
        tpu.yield
      }) : () -> ()
    }
    %scan3A_11 = arith.constant 25 : i32
    %barrier3A = arith.constant 0 : index
    tpu.barrier barrier_id(%barrier3A)
    %mul3A_12 = arith.constant 10000 : i32
    %mul3A_13 = arith.muli %add3A, %mul3A_12 : i32
    %add3A_14 = arith.constant 0 : i32
    %add3A_15 = arith.addi %mul3A_13, %add3A_14 : i32
    %dma_start3A = arith.constant 0 : i32
    %dma_start3A_16 = tpu.memref_slice %arg2[%add3A_15, %dma_start3A] : memref<320000x128xf32, #tpu.memory_space<hbm>> -> memref<80x128xf32, #tpu.memory_space<hbm>>
    %dma_start3A_17 = arith.constant 0 : i32
    %dma_start3A_18 = tpu.memref_slice %arg2[%add3A_15, %dma_start3A_17] : memref<320000x128xf32, #tpu.memory_space<hbm>> -> memref<80x128xf32, #tpu.memory_space<hbm>>
    tpu.enqueue_dma source(%dma_start3A_18 : memref<80x128xf32, #tpu.memory_space<hbm>>) target(%arg6 : memref<80x128xf32, #tpu.memory_space<vmem>>) target_semaphore(%arg10 : memref<!tpu.dma_semaphore, #tpu.memory_space<semaphore_mem>>)
    %scan3A_19 = arith.constant 0 : i32
    %scan3A_20 = arith.constant 0 : i32
    %scan3A_21 = arith.constant 62 : i32
    %scan3A_22 = arith.addi %scan3A_20, %scan3A_21 : i32
    %scan3A_23 = arith.constant 1 : i32
    scf.for %scan3A_39 = %scan3A_20 to %scan3A_22 step %scan3A_23  : i32 {
      %mul3A_40 = arith.constant 2 : i32
      %mul3A_41 = arith.muli %mul3A_40, %scan3A_39 : i32
      %add3A_42 = arith.constant 1 : i32
      %add3A_43 = arith.addi %mul3A_41, %add3A_42 : i32
      %mul3A_44 = arith.constant 10000 : i32
      %mul3A_45 = arith.muli %add3A, %mul3A_44 : i32
      %mul3A_46 = arith.constant 80 : i32
      %mul3A_47 = arith.muli %add3A_43, %mul3A_46 : i32
      %add3A_48 = arith.addi %mul3A_45, %mul3A_47 : i32
      %dma_start3A_49 = arith.constant 0 : i32
      %dma_start3A_50 = tpu.memref_slice %arg2[%add3A_48, %dma_start3A_49] : memref<320000x128xf32, #tpu.memory_space<hbm>> -> memref<80x128xf32, #tpu.memory_space<hbm>>
      %dma_start3A_51 = arith.constant 0 : i32
      %dma_start3A_52 = tpu.memref_slice %arg2[%add3A_48, %dma_start3A_51] : memref<320000x128xf32, #tpu.memory_space<hbm>> -> memref<80x128xf32, #tpu.memory_space<hbm>>
      tpu.enqueue_dma source(%dma_start3A_52 : memref<80x128xf32, #tpu.memory_space<hbm>>) target(%arg7 : memref<80x128xf32, #tpu.memory_space<vmem>>) target_semaphore(%arg11 : memref<!tpu.dma_semaphore, #tpu.memory_space<semaphore_mem>>)
      %mul3A_53 = arith.constant 2 : i32
      %mul3A_54 = arith.muli %mul3A_53, %scan3A_39 : i32
      %mul3A_55 = arith.constant 10000 : i32
      %mul3A_56 = arith.muli %add3A, %mul3A_55 : i32
      %mul3A_57 = arith.constant 80 : i32
      %mul3A_58 = arith.muli %mul3A_54, %mul3A_57 : i32
      %add3A_59 = arith.addi %mul3A_56, %mul3A_58 : i32
      %dma_wait3A_60 = arith.constant 0 : i32
      %dma_wait3A_61 = tpu.memref_slice %arg2[%add3A_59, %dma_wait3A_60] : memref<320000x128xf32, #tpu.memory_space<hbm>> -> memref<80x128xf32, #tpu.memory_space<hbm>>
      %dma_wait3A_62 = arith.constant 0 : i32
      %dma_wait3A_63 = tpu.memref_slice %arg2[%add3A_59, %dma_wait3A_62] : memref<320000x128xf32, #tpu.memory_space<hbm>> -> memref<80x128xf32, #tpu.memory_space<hbm>>
      tpu.wait_dma2 semaphore(%arg10 : memref<!tpu.dma_semaphore, #tpu.memory_space<semaphore_mem>>) src(%dma_wait3A_63 : memref<80x128xf32, #tpu.memory_space<hbm>>) dst(%arg6 : memref<80x128xf32, #tpu.memory_space<vmem>>)
      "tpu.region"() ({
        %run_scoped3A_90 = tpu.sem_alloc : memref<!tpu.dma_semaphore, #tpu.memory_space<semaphore_mem>>
        %dma_start3A_91 = arith.constant 0 : i32
        %dma_start3A_92 = tpu.memref_slice %arg5[%mul3A_54, %dma_start3A_91] : memref<125x80xi32, #tpu.memory_space<vmem>> -> memref<1x80xi32, #tpu.memory_space<vmem>>
        %dma_start3A_93 = tpu.memref_squeeze %dma_start3A_92 : memref<1x80xi32, #tpu.memory_space<vmem>> -> memref<80xi32, #tpu.memory_space<vmem>>
        %dma_start3A_94 = arith.constant 0 : i32
        %dma_start3A_95 = arith.constant 0 : i32
        %dma_start3A_96 = tpu.memref_slice %arg9[%dma_start3A_94, %dma_start3A_95] : memref<10000x128xf32, #tpu.memory_space<vmem_shared>> -> memref<10000x128xf32, #tpu.memory_space<vmem_shared>>
        tpu.enqueue_indirect_dma source(%arg6 : memref<80x128xf32, #tpu.memory_space<vmem>>) target(%dma_start3A_96 : memref<10000x128xf32, #tpu.memory_space<vmem_shared>>) offsets(%dma_start3A_93 : memref<80xi32, #tpu.memory_space<vmem>>) semaphore(%run_scoped3A_90 : memref<!tpu.dma_semaphore, #tpu.memory_space<semaphore_mem>>) {add = true}
        %dma_wait3A_97 = arith.constant 0 : i32
        %dma_wait3A_98 = tpu.memref_slice %arg5[%mul3A_54, %dma_wait3A_97] : memref<125x80xi32, #tpu.memory_space<vmem>> -> memref<1x80xi32, #tpu.memory_space<vmem>>
        %dma_wait3A_99 = tpu.memref_squeeze %dma_wait3A_98 : memref<1x80xi32, #tpu.memory_space<vmem>> -> memref<80xi32, #tpu.memory_space<vmem>>
        %dma_wait3A_100 = arith.constant 0 : i32
        %dma_wait3A_101 = arith.constant 0 : i32
        %dma_wait3A_102 = tpu.memref_slice %arg9[%dma_wait3A_100, %dma_wait3A_101] : memref<10000x128xf32, #tpu.memory_space<vmem_shared>> -> memref<10000x128xf32, #tpu.memory_space<vmem_shared>>
        tpu.wait_indirect_dma semaphore(%run_scoped3A_90 : memref<!tpu.dma_semaphore, #tpu.memory_space<semaphore_mem>>) src(%arg6 : memref<80x128xf32, #tpu.memory_space<vmem>>) dst(%dma_wait3A_102 : memref<10000x128xf32, #tpu.memory_space<vmem_shared>>)
        tpu.yield
      }) : () -> ()
      %mul3A_64 = arith.constant 2 : i32
      %mul3A_65 = arith.muli %mul3A_64, %scan3A_39 : i32
      %add3A_66 = arith.constant 2 : i32
      %add3A_67 = arith.addi %mul3A_65, %add3A_66 : i32
      %mul3A_68 = arith.constant 10000 : i32
      %mul3A_69 = arith.muli %add3A, %mul3A_68 : i32
      %mul3A_70 = arith.constant 80 : i32
      %mul3A_71 = arith.muli %add3A_67, %mul3A_70 : i32
      %add3A_72 = arith.addi %mul3A_69, %mul3A_71 : i32
      %dma_start3A_73 = arith.constant 0 : i32
      %dma_start3A_74 = tpu.memref_slice %arg2[%add3A_72, %dma_start3A_73] : memref<320000x128xf32, #tpu.memory_space<hbm>> -> memref<80x128xf32, #tpu.memory_space<hbm>>
      %dma_start3A_75 = arith.constant 0 : i32
      %dma_start3A_76 = tpu.memref_slice %arg2[%add3A_72, %dma_start3A_75] : memref<320000x128xf32, #tpu.memory_space<hbm>> -> memref<80x128xf32, #tpu.memory_space<hbm>>
      tpu.enqueue_dma source(%dma_start3A_76 : memref<80x128xf32, #tpu.memory_space<hbm>>) target(%arg6 : memref<80x128xf32, #tpu.memory_space<vmem>>) target_semaphore(%arg10 : memref<!tpu.dma_semaphore, #tpu.memory_space<semaphore_mem>>)
      %mul3A_77 = arith.constant 2 : i32
      %mul3A_78 = arith.muli %mul3A_77, %scan3A_39 : i32
      %add3A_79 = arith.constant 1 : i32
      %add3A_80 = arith.addi %mul3A_78, %add3A_79 : i32
      %mul3A_81 = arith.constant 10000 : i32
      %mul3A_82 = arith.muli %add3A, %mul3A_81 : i32
      %mul3A_83 = arith.constant 80 : i32
      %mul3A_84 = arith.muli %add3A_80, %mul3A_83 : i32
      %add3A_85 = arith.addi %mul3A_82, %mul3A_84 : i32
      %dma_wait3A_86 = arith.constant 0 : i32
      %dma_wait3A_87 = tpu.memref_slice %arg2[%add3A_85, %dma_wait3A_86] : memref<320000x128xf32, #tpu.memory_space<hbm>> -> memref<80x128xf32, #tpu.memory_space<hbm>>
      %dma_wait3A_88 = arith.constant 0 : i32
      %dma_wait3A_89 = tpu.memref_slice %arg2[%add3A_85, %dma_wait3A_88] : memref<320000x128xf32, #tpu.memory_space<hbm>> -> memref<80x128xf32, #tpu.memory_space<hbm>>
      tpu.wait_dma2 semaphore(%arg11 : memref<!tpu.dma_semaphore, #tpu.memory_space<semaphore_mem>>) src(%dma_wait3A_89 : memref<80x128xf32, #tpu.memory_space<hbm>>) dst(%arg7 : memref<80x128xf32, #tpu.memory_space<vmem>>)
      "tpu.region"() ({
        %run_scoped3A_90 = tpu.sem_alloc : memref<!tpu.dma_semaphore, #tpu.memory_space<semaphore_mem>>
        %dma_start3A_91 = arith.constant 0 : i32
        %dma_start3A_92 = tpu.memref_slice %arg5[%add3A_80, %dma_start3A_91] : memref<125x80xi32, #tpu.memory_space<vmem>> -> memref<1x80xi32, #tpu.memory_space<vmem>>
        %dma_start3A_93 = tpu.memref_squeeze %dma_start3A_92 : memref<1x80xi32, #tpu.memory_space<vmem>> -> memref<80xi32, #tpu.memory_space<vmem>>
        %dma_start3A_94 = arith.constant 0 : i32
        %dma_start3A_95 = arith.constant 0 : i32
        %dma_start3A_96 = tpu.memref_slice %arg9[%dma_start3A_94, %dma_start3A_95] : memref<10000x128xf32, #tpu.memory_space<vmem_shared>> -> memref<10000x128xf32, #tpu.memory_space<vmem_shared>>
        tpu.enqueue_indirect_dma source(%arg7 : memref<80x128xf32, #tpu.memory_space<vmem>>) target(%dma_start3A_96 : memref<10000x128xf32, #tpu.memory_space<vmem_shared>>) offsets(%dma_start3A_93 : memref<80xi32, #tpu.memory_space<vmem>>) semaphore(%run_scoped3A_90 : memref<!tpu.dma_semaphore, #tpu.memory_space<semaphore_mem>>) {add = true}
        %dma_wait3A_97 = arith.constant 0 : i32
        %dma_wait3A_98 = tpu.memref_slice %arg5[%add3A_80, %dma_wait3A_97] : memref<125x80xi32, #tpu.memory_space<vmem>> -> memref<1x80xi32, #tpu.memory_space<vmem>>
        %dma_wait3A_99 = tpu.memref_squeeze %dma_wait3A_98 : memref<1x80xi32, #tpu.memory_space<vmem>> -> memref<80xi32, #tpu.memory_space<vmem>>
        %dma_wait3A_100 = arith.constant 0 : i32
        %dma_wait3A_101 = arith.constant 0 : i32
        %dma_wait3A_102 = tpu.memref_slice %arg9[%dma_wait3A_100, %dma_wait3A_101] : memref<10000x128xf32, #tpu.memory_space<vmem_shared>> -> memref<10000x128xf32, #tpu.memory_space<vmem_shared>>
        tpu.wait_indirect_dma semaphore(%run_scoped3A_90 : memref<!tpu.dma_semaphore, #tpu.memory_space<semaphore_mem>>) src(%arg7 : memref<80x128xf32, #tpu.memory_space<vmem>>) dst(%dma_wait3A_102 : memref<10000x128xf32, #tpu.memory_space<vmem_shared>>)
        tpu.yield
      }) : () -> ()
    }
    %scan3A_24 = arith.constant 62 : i32
    %mul3A_25 = arith.constant 10000 : i32
    %mul3A_26 = arith.muli %add3A, %mul3A_25 : i32
    %add3A_27 = arith.constant 9920 : i32
    %add3A_28 = arith.addi %mul3A_26, %add3A_27 : i32
    %dma_wait3A = arith.constant 0 : i32
    %dma_wait3A_29 = tpu.memref_slice %arg2[%add3A_28, %dma_wait3A] : memref<320000x128xf32, #tpu.memory_space<hbm>> -> memref<80x128xf32, #tpu.memory_space<hbm>>
    %dma_wait3A_30 = arith.constant 0 : i32
    %dma_wait3A_31 = tpu.memref_slice %arg2[%add3A_28, %dma_wait3A_30] : memref<320000x128xf32, #tpu.memory_space<hbm>> -> memref<80x128xf32, #tpu.memory_space<hbm>>
    tpu.wait_dma2 semaphore(%arg10 : memref<!tpu.dma_semaphore, #tpu.memory_space<semaphore_mem>>) src(%dma_wait3A_31 : memref<80x128xf32, #tpu.memory_space<hbm>>) dst(%arg6 : memref<80x128xf32, #tpu.memory_space<vmem>>)
    %run_scoped3A = arith.constant 124 : i32
    "tpu.region"() ({
      %run_scoped3A_39 = tpu.sem_alloc : memref<!tpu.dma_semaphore, #tpu.memory_space<semaphore_mem>>
      %dma_start3A_40 = arith.constant 0 : i32
      %dma_start3A_41 = tpu.memref_slice %arg5[%run_scoped3A, %dma_start3A_40] : memref<125x80xi32, #tpu.memory_space<vmem>> -> memref<1x80xi32, #tpu.memory_space<vmem>>
      %dma_start3A_42 = tpu.memref_squeeze %dma_start3A_41 : memref<1x80xi32, #tpu.memory_space<vmem>> -> memref<80xi32, #tpu.memory_space<vmem>>
      %dma_start3A_43 = arith.constant 0 : i32
      %dma_start3A_44 = arith.constant 0 : i32
      %dma_start3A_45 = tpu.memref_slice %arg9[%dma_start3A_43, %dma_start3A_44] : memref<10000x128xf32, #tpu.memory_space<vmem_shared>> -> memref<10000x128xf32, #tpu.memory_space<vmem_shared>>
      tpu.enqueue_indirect_dma source(%arg6 : memref<80x128xf32, #tpu.memory_space<vmem>>) target(%dma_start3A_45 : memref<10000x128xf32, #tpu.memory_space<vmem_shared>>) offsets(%dma_start3A_42 : memref<80xi32, #tpu.memory_space<vmem>>) semaphore(%run_scoped3A_39 : memref<!tpu.dma_semaphore, #tpu.memory_space<semaphore_mem>>) {add = true}
      %dma_wait3A_46 = arith.constant 0 : i32
      %dma_wait3A_47 = tpu.memref_slice %arg5[%run_scoped3A, %dma_wait3A_46] : memref<125x80xi32, #tpu.memory_space<vmem>> -> memref<1x80xi32, #tpu.memory_space<vmem>>
      %dma_wait3A_48 = tpu.memref_squeeze %dma_wait3A_47 : memref<1x80xi32, #tpu.memory_space<vmem>> -> memref<80xi32, #tpu.memory_space<vmem>>
      %dma_wait3A_49 = arith.constant 0 : i32
      %dma_wait3A_50 = arith.constant 0 : i32
      %dma_wait3A_51 = tpu.memref_slice %arg9[%dma_wait3A_49, %dma_wait3A_50] : memref<10000x128xf32, #tpu.memory_space<vmem_shared>> -> memref<10000x128xf32, #tpu.memory_space<vmem_shared>>
      tpu.wait_indirect_dma semaphore(%run_scoped3A_39 : memref<!tpu.dma_semaphore, #tpu.memory_space<semaphore_mem>>) src(%arg6 : memref<80x128xf32, #tpu.memory_space<vmem>>) dst(%dma_wait3A_51 : memref<10000x128xf32, #tpu.memory_space<vmem_shared>>)
      tpu.yield
    }) : () -> ()
    %barrier3A_32 = arith.constant 0 : index
    tpu.barrier barrier_id(%barrier3A_32)
    %lt3A = arith.constant 15 : i32
    %lt3A_33 = arith.cmpi slt, %arg1, %lt3A : i32
    %convert_element_type3A = arith.extui %lt3A_33 : i1 to i32
    %cond3A = arith.constant 0 : i32
    %cond3A_34 = arith.cmpi ne, %convert_element_type3A, %cond3A : i32
    scf.if %cond3A_34 {
      %mul3A_39 = arith.constant 624 : i32
      %mul3A_40 = arith.muli %arg1, %mul3A_39 : i32
      %mul3A_41 = arith.constant 624 : i32
      %mul3A_42 = arith.muli %arg1, %mul3A_41 : i32
      "tpu.region"() ({
        %run_scoped3A_43 = tpu.sem_alloc : memref<!tpu.dma_semaphore, #tpu.memory_space<semaphore_mem>>
        %dma_start3A_44 = arith.constant 0 : i32
        %dma_start3A_45 = tpu.memref_slice %arg4[%arg0, %mul3A_42, %dma_start3A_44] : memref<2x10000x128xf32, #tpu.memory_space<hbm>> -> memref<1x624x128xf32, #tpu.memory_space<hbm>>
        %dma_start3A_46 = tpu.memref_squeeze %dma_start3A_45 : memref<1x624x128xf32, #tpu.memory_space<hbm>> -> memref<624x128xf32, #tpu.memory_space<hbm>>
        %dma_start3A_47 = arith.constant 0 : i32
        %dma_start3A_48 = tpu.memref_slice %arg9[%mul3A_40, %dma_start3A_47] : memref<10000x128xf32, #tpu.memory_space<vmem_shared>> -> memref<624x128xf32, #tpu.memory_space<vmem_shared>>
        tpu.enqueue_dma source(%dma_start3A_48 : memref<624x128xf32, #tpu.memory_space<vmem_shared>>) target(%dma_start3A_46 : memref<624x128xf32, #tpu.memory_space<hbm>>) target_semaphore(%run_scoped3A_43 : memref<!tpu.dma_semaphore, #tpu.memory_space<semaphore_mem>>)
        %dma_wait3A_49 = arith.constant 0 : i32
        %dma_wait3A_50 = tpu.memref_slice %arg4[%arg0, %mul3A_42, %dma_wait3A_49] : memref<2x10000x128xf32, #tpu.memory_space<hbm>> -> memref<1x624x128xf32, #tpu.memory_space<hbm>>
        %dma_wait3A_51 = tpu.memref_squeeze %dma_wait3A_50 : memref<1x624x128xf32, #tpu.memory_space<hbm>> -> memref<624x128xf32, #tpu.memory_space<hbm>>
        %dma_wait3A_52 = arith.constant 0 : i32
        %dma_wait3A_53 = tpu.memref_slice %arg9[%mul3A_40, %dma_wait3A_52] : memref<10000x128xf32, #tpu.memory_space<vmem_shared>> -> memref<624x128xf32, #tpu.memory_space<vmem_shared>>
        tpu.wait_dma2 semaphore(%run_scoped3A_43 : memref<!tpu.dma_semaphore, #tpu.memory_space<semaphore_mem>>) src(%dma_wait3A_53 : memref<624x128xf32, #tpu.memory_space<vmem_shared>>) dst(%dma_wait3A_51 : memref<624x128xf32, #tpu.memory_space<hbm>>)
        tpu.yield
      }) : () -> ()
    } else {
    }
    %eq3A = arith.constant 15 : i32
    %eq3A_35 = arith.cmpi eq, %arg1, %eq3A : i32
    %convert_element_type3A_36 = arith.extui %eq3A_35 : i1 to i32
    %cond3A_37 = arith.constant 0 : i32
    %cond3A_38 = arith.cmpi ne, %convert_element_type3A_36, %cond3A_37 : i32
    scf.if %cond3A_38 {
      "tpu.region"() ({
        %run_scoped3A_39 = tpu.sem_alloc : memref<!tpu.dma_semaphore, #tpu.memory_space<semaphore_mem>>
        %dma_start3A_40 = arith.constant 9360 : i32
        %dma_start3A_41 = arith.constant 0 : i32
        %dma_start3A_42 = tpu.memref_slice %arg4[%arg0, %dma_start3A_40, %dma_start3A_41] : memref<2x10000x128xf32, #tpu.memory_space<hbm>> -> memref<1x640x128xf32, #tpu.memory_space<hbm>>
        %dma_start3A_43 = tpu.memref_squeeze %dma_start3A_42 : memref<1x640x128xf32, #tpu.memory_space<hbm>> -> memref<640x128xf32, #tpu.memory_space<hbm>>
        %dma_start3A_44 = arith.constant 9360 : i32
        %dma_start3A_45 = arith.constant 0 : i32
        %dma_start3A_46 = tpu.memref_slice %arg9[%dma_start3A_44, %dma_start3A_45] : memref<10000x128xf32, #tpu.memory_space<vmem_shared>> -> memref<640x128xf32, #tpu.memory_space<vmem_shared>>
        tpu.enqueue_dma source(%dma_start3A_46 : memref<640x128xf32, #tpu.memory_space<vmem_shared>>) target(%dma_start3A_43 : memref<640x128xf32, #tpu.memory_space<hbm>>) target_semaphore(%run_scoped3A_39 : memref<!tpu.dma_semaphore, #tpu.memory_space<semaphore_mem>>)
        %dma_wait3A_47 = arith.constant 9360 : i32
        %dma_wait3A_48 = arith.constant 0 : i32
        %dma_wait3A_49 = tpu.memref_slice %arg4[%arg0, %dma_wait3A_47, %dma_wait3A_48] : memref<2x10000x128xf32, #tpu.memory_space<hbm>> -> memref<1x640x128xf32, #tpu.memory_space<hbm>>
        %dma_wait3A_50 = tpu.memref_squeeze %dma_wait3A_49 : memref<1x640x128xf32, #tpu.memory_space<hbm>> -> memref<640x128xf32, #tpu.memory_space<hbm>>
        %dma_wait3A_51 = arith.constant 9360 : i32
        %dma_wait3A_52 = arith.constant 0 : i32
        %dma_wait3A_53 = tpu.memref_slice %arg9[%dma_wait3A_51, %dma_wait3A_52] : memref<10000x128xf32, #tpu.memory_space<vmem_shared>> -> memref<640x128xf32, #tpu.memory_space<vmem_shared>>
        tpu.wait_dma2 semaphore(%run_scoped3A_39 : memref<!tpu.dma_semaphore, #tpu.memory_space<semaphore_mem>>) src(%dma_wait3A_53 : memref<640x128xf32, #tpu.memory_space<vmem_shared>>) dst(%dma_wait3A_50 : memref<640x128xf32, #tpu.memory_space<hbm>>)
        tpu.yield
      }) : () -> ()
    } else {
    }
    return
  }
}

#map = affine_map<(d0, d1) -> (0, 0)>
#map1 = affine_map<(d0, d1) -> (0, 0, 0)>
module attributes {stable_mosaic.version = 14 : i64} {
  func.func @k(%arg0: i32, %arg1: i32, %arg2: memref<10000x128xi32, #tpu.memory_space<hbm>>, %arg3: memref<10000x128xi32, #tpu.memory_space<hbm>>, %arg4: memref<32x125x80xi32, #tpu.memory_space<hbm>>, %arg5: memref<32x125x80xi32, #tpu.memory_space<hbm>>, %arg6: memref<320000x128xi32, #tpu.memory_space<hbm>>, %arg7: memref<320000x128xi32, #tpu.memory_space<hbm>>, %arg8: memref<125x80xi32, #tpu.memory_space<vmem>>, %arg9: memref<125x80xi32, #tpu.memory_space<vmem>>, %arg10: memref<80x128xi32, #tpu.memory_space<vmem>>, %arg11: memref<80x128xi32, #tpu.memory_space<vmem>>, %arg12: memref<80x128xi32, #tpu.memory_space<vmem>>, %arg13: memref<80x128xi32, #tpu.memory_space<vmem>>, %arg14: memref<!tpu.dma_semaphore, #tpu.memory_space<semaphore_mem>>, %arg15: memref<!tpu.dma_semaphore, #tpu.memory_space<semaphore_mem>>, %arg16: memref<!tpu.dma_semaphore, #tpu.memory_space<semaphore_mem>>, %arg17: memref<!tpu.dma_semaphore, #tpu.memory_space<semaphore_mem>>) attributes {dimension_semantics = [#tpu.dimension_semantics<core_parallel>, #tpu.dimension_semantics<subcore_parallel>], iteration_bounds = array<i64: 2, 16>, scalar_prefetch = 0 : i64, scratch_operands = 10 : i64, tpu.core_type = #tpu.core_type<sc_vector_subcore>, window_params = [{transform_indices = #map}, {transform_indices = #map}, {transform_indices = #map1}, {transform_indices = #map1}, {transform_indices = #map}, {transform_indices = #map}]} {
    %mul3A = arith.constant 16 : i32
    %mul3A_0 = arith.muli %arg0, %mul3A : i32
    %add3A = arith.addi %mul3A_0, %arg1 : i32
    %mul3A_1 = arith.constant 10000 : i32
    %mul3A_2 = arith.muli %add3A, %mul3A_1 : i32
    "tpu.region"() ({
      %run_scoped3A = tpu.sem_alloc : memref<!tpu.dma_semaphore, #tpu.memory_space<semaphore_mem>>
      %dma_start3A_36 = arith.constant 0 : i32
      %dma_start3A_37 = arith.constant 0 : i32
      %dma_start3A_38 = tpu.memref_slice %arg4[%add3A, %dma_start3A_36, %dma_start3A_37] : memref<32x125x80xi32, #tpu.memory_space<hbm>> -> memref<1x125x80xi32, #tpu.memory_space<hbm>>
      %dma_start3A_39 = tpu.memref_squeeze %dma_start3A_38 : memref<1x125x80xi32, #tpu.memory_space<hbm>> -> memref<125x80xi32, #tpu.memory_space<hbm>>
      %dma_start3A_40 = arith.constant 0 : i32
      %dma_start3A_41 = arith.constant 0 : i32
      %dma_start3A_42 = tpu.memref_slice %arg4[%add3A, %dma_start3A_40, %dma_start3A_41] : memref<32x125x80xi32, #tpu.memory_space<hbm>> -> memref<1x125x80xi32, #tpu.memory_space<hbm>>
      %dma_start3A_43 = tpu.memref_squeeze %dma_start3A_42 : memref<1x125x80xi32, #tpu.memory_space<hbm>> -> memref<125x80xi32, #tpu.memory_space<hbm>>
      tpu.enqueue_dma source(%dma_start3A_43 : memref<125x80xi32, #tpu.memory_space<hbm>>) target(%arg8 : memref<125x80xi32, #tpu.memory_space<vmem>>) target_semaphore(%run_scoped3A : memref<!tpu.dma_semaphore, #tpu.memory_space<semaphore_mem>>)
      %dma_wait3A_44 = arith.constant 0 : i32
      %dma_wait3A_45 = arith.constant 0 : i32
      %dma_wait3A_46 = tpu.memref_slice %arg4[%add3A, %dma_wait3A_44, %dma_wait3A_45] : memref<32x125x80xi32, #tpu.memory_space<hbm>> -> memref<1x125x80xi32, #tpu.memory_space<hbm>>
      %dma_wait3A_47 = tpu.memref_squeeze %dma_wait3A_46 : memref<1x125x80xi32, #tpu.memory_space<hbm>> -> memref<125x80xi32, #tpu.memory_space<hbm>>
      %dma_wait3A_48 = arith.constant 0 : i32
      %dma_wait3A_49 = arith.constant 0 : i32
      %dma_wait3A_50 = tpu.memref_slice %arg4[%add3A, %dma_wait3A_48, %dma_wait3A_49] : memref<32x125x80xi32, #tpu.memory_space<hbm>> -> memref<1x125x80xi32, #tpu.memory_space<hbm>>
      %dma_wait3A_51 = tpu.memref_squeeze %dma_wait3A_50 : memref<1x125x80xi32, #tpu.memory_space<hbm>> -> memref<125x80xi32, #tpu.memory_space<hbm>>
      tpu.wait_dma2 semaphore(%run_scoped3A : memref<!tpu.dma_semaphore, #tpu.memory_space<semaphore_mem>>) src(%dma_wait3A_51 : memref<125x80xi32, #tpu.memory_space<hbm>>) dst(%arg8 : memref<125x80xi32, #tpu.memory_space<vmem>>)
      tpu.yield
    }) : () -> ()
    "tpu.region"() ({
      %run_scoped3A = tpu.sem_alloc : memref<!tpu.dma_semaphore, #tpu.memory_space<semaphore_mem>>
      %dma_start3A_36 = arith.constant 0 : i32
      %dma_start3A_37 = arith.constant 0 : i32
      %dma_start3A_38 = tpu.memref_slice %arg5[%add3A, %dma_start3A_36, %dma_start3A_37] : memref<32x125x80xi32, #tpu.memory_space<hbm>> -> memref<1x125x80xi32, #tpu.memory_space<hbm>>
      %dma_start3A_39 = tpu.memref_squeeze %dma_start3A_38 : memref<1x125x80xi32, #tpu.memory_space<hbm>> -> memref<125x80xi32, #tpu.memory_space<hbm>>
      %dma_start3A_40 = arith.constant 0 : i32
      %dma_start3A_41 = arith.constant 0 : i32
      %dma_start3A_42 = tpu.memref_slice %arg5[%add3A, %dma_start3A_40, %dma_start3A_41] : memref<32x125x80xi32, #tpu.memory_space<hbm>> -> memref<1x125x80xi32, #tpu.memory_space<hbm>>
      %dma_start3A_43 = tpu.memref_squeeze %dma_start3A_42 : memref<1x125x80xi32, #tpu.memory_space<hbm>> -> memref<125x80xi32, #tpu.memory_space<hbm>>
      tpu.enqueue_dma source(%dma_start3A_43 : memref<125x80xi32, #tpu.memory_space<hbm>>) target(%arg9 : memref<125x80xi32, #tpu.memory_space<vmem>>) target_semaphore(%run_scoped3A : memref<!tpu.dma_semaphore, #tpu.memory_space<semaphore_mem>>)
      %dma_wait3A_44 = arith.constant 0 : i32
      %dma_wait3A_45 = arith.constant 0 : i32
      %dma_wait3A_46 = tpu.memref_slice %arg5[%add3A, %dma_wait3A_44, %dma_wait3A_45] : memref<32x125x80xi32, #tpu.memory_space<hbm>> -> memref<1x125x80xi32, #tpu.memory_space<hbm>>
      %dma_wait3A_47 = tpu.memref_squeeze %dma_wait3A_46 : memref<1x125x80xi32, #tpu.memory_space<hbm>> -> memref<125x80xi32, #tpu.memory_space<hbm>>
      %dma_wait3A_48 = arith.constant 0 : i32
      %dma_wait3A_49 = arith.constant 0 : i32
      %dma_wait3A_50 = tpu.memref_slice %arg5[%add3A, %dma_wait3A_48, %dma_wait3A_49] : memref<32x125x80xi32, #tpu.memory_space<hbm>> -> memref<1x125x80xi32, #tpu.memory_space<hbm>>
      %dma_wait3A_51 = tpu.memref_squeeze %dma_wait3A_50 : memref<1x125x80xi32, #tpu.memory_space<hbm>> -> memref<125x80xi32, #tpu.memory_space<hbm>>
      tpu.wait_dma2 semaphore(%run_scoped3A : memref<!tpu.dma_semaphore, #tpu.memory_space<semaphore_mem>>) src(%dma_wait3A_51 : memref<125x80xi32, #tpu.memory_space<hbm>>) dst(%arg9 : memref<125x80xi32, #tpu.memory_space<vmem>>)
      tpu.yield
    }) : () -> ()
    %dma_start3A = arith.constant 0 : i32
    %dma_start3A_3 = arith.constant 0 : i32
    %dma_start3A_4 = tpu.memref_slice %arg8[%dma_start3A, %dma_start3A_3] : memref<125x80xi32, #tpu.memory_space<vmem>> -> memref<1x80xi32, #tpu.memory_space<vmem>>
    %dma_start3A_5 = tpu.memref_squeeze %dma_start3A_4 : memref<1x80xi32, #tpu.memory_space<vmem>> -> memref<80xi32, #tpu.memory_space<vmem>>
    %dma_start3A_6 = arith.constant 0 : i32
    %dma_start3A_7 = arith.constant 0 : i32
    %dma_start3A_8 = tpu.memref_slice %arg2[%dma_start3A_6, %dma_start3A_7] : memref<10000x128xi32, #tpu.memory_space<hbm>> -> memref<10000x128xi32, #tpu.memory_space<hbm>>
    tpu.enqueue_indirect_dma source(%dma_start3A_8 : memref<10000x128xi32, #tpu.memory_space<hbm>>) target(%arg10 : memref<80x128xi32, #tpu.memory_space<vmem>>) offsets(%dma_start3A_5 : memref<80xi32, #tpu.memory_space<vmem>>) semaphore(%arg14 : memref<!tpu.dma_semaphore, #tpu.memory_space<semaphore_mem>>)
    %dma_start3A_9 = arith.constant 0 : i32
    %dma_start3A_10 = arith.constant 0 : i32
    %dma_start3A_11 = tpu.memref_slice %arg9[%dma_start3A_9, %dma_start3A_10] : memref<125x80xi32, #tpu.memory_space<vmem>> -> memref<1x80xi32, #tpu.memory_space<vmem>>
    %dma_start3A_12 = tpu.memref_squeeze %dma_start3A_11 : memref<1x80xi32, #tpu.memory_space<vmem>> -> memref<80xi32, #tpu.memory_space<vmem>>
    %dma_start3A_13 = arith.constant 0 : i32
    %dma_start3A_14 = arith.constant 0 : i32
    %dma_start3A_15 = tpu.memref_slice %arg3[%dma_start3A_13, %dma_start3A_14] : memref<10000x128xi32, #tpu.memory_space<hbm>> -> memref<10000x128xi32, #tpu.memory_space<hbm>>
    tpu.enqueue_indirect_dma source(%dma_start3A_15 : memref<10000x128xi32, #tpu.memory_space<hbm>>) target(%arg11 : memref<80x128xi32, #tpu.memory_space<vmem>>) offsets(%dma_start3A_12 : memref<80xi32, #tpu.memory_space<vmem>>) semaphore(%arg15 : memref<!tpu.dma_semaphore, #tpu.memory_space<semaphore_mem>>)
    %scan3A = arith.constant 0 : i32
    %scan3A_16 = arith.constant 0 : i32
    %scan3A_17 = arith.constant 62 : i32
    %scan3A_18 = arith.addi %scan3A_16, %scan3A_17 : i32
    %scan3A_19 = arith.constant 1 : i32
    scf.for %scan3A_36 = %scan3A_16 to %scan3A_18 step %scan3A_19  : i32 {
      %mul3A_37 = arith.constant 2 : i32
      %mul3A_38 = arith.muli %mul3A_37, %scan3A_36 : i32
      %add3A_39 = arith.constant 1 : i32
      %add3A_40 = arith.addi %mul3A_38, %add3A_39 : i32
      %dma_start3A_41 = arith.constant 0 : i32
      %dma_start3A_42 = tpu.memref_slice %arg8[%add3A_40, %dma_start3A_41] : memref<125x80xi32, #tpu.memory_space<vmem>> -> memref<1x80xi32, #tpu.memory_space<vmem>>
      %dma_start3A_43 = tpu.memref_squeeze %dma_start3A_42 : memref<1x80xi32, #tpu.memory_space<vmem>> -> memref<80xi32, #tpu.memory_space<vmem>>
      %dma_start3A_44 = arith.constant 0 : i32
      %dma_start3A_45 = arith.constant 0 : i32
      %dma_start3A_46 = tpu.memref_slice %arg2[%dma_start3A_44, %dma_start3A_45] : memref<10000x128xi32, #tpu.memory_space<hbm>> -> memref<10000x128xi32, #tpu.memory_space<hbm>>
      tpu.enqueue_indirect_dma source(%dma_start3A_46 : memref<10000x128xi32, #tpu.memory_space<hbm>>) target(%arg12 : memref<80x128xi32, #tpu.memory_space<vmem>>) offsets(%dma_start3A_43 : memref<80xi32, #tpu.memory_space<vmem>>) semaphore(%arg16 : memref<!tpu.dma_semaphore, #tpu.memory_space<semaphore_mem>>)
      %dma_start3A_47 = arith.constant 0 : i32
      %dma_start3A_48 = tpu.memref_slice %arg9[%add3A_40, %dma_start3A_47] : memref<125x80xi32, #tpu.memory_space<vmem>> -> memref<1x80xi32, #tpu.memory_space<vmem>>
      %dma_start3A_49 = tpu.memref_squeeze %dma_start3A_48 : memref<1x80xi32, #tpu.memory_space<vmem>> -> memref<80xi32, #tpu.memory_space<vmem>>
      %dma_start3A_50 = arith.constant 0 : i32
      %dma_start3A_51 = arith.constant 0 : i32
      %dma_start3A_52 = tpu.memref_slice %arg3[%dma_start3A_50, %dma_start3A_51] : memref<10000x128xi32, #tpu.memory_space<hbm>> -> memref<10000x128xi32, #tpu.memory_space<hbm>>
      tpu.enqueue_indirect_dma source(%dma_start3A_52 : memref<10000x128xi32, #tpu.memory_space<hbm>>) target(%arg13 : memref<80x128xi32, #tpu.memory_space<vmem>>) offsets(%dma_start3A_49 : memref<80xi32, #tpu.memory_space<vmem>>) semaphore(%arg17 : memref<!tpu.dma_semaphore, #tpu.memory_space<semaphore_mem>>)
      %mul3A_53 = arith.constant 2 : i32
      %mul3A_54 = arith.muli %mul3A_53, %scan3A_36 : i32
      %mul3A_55 = arith.constant 80 : i32
      %mul3A_56 = arith.muli %mul3A_54, %mul3A_55 : i32
      %add3A_57 = arith.addi %mul3A_2, %mul3A_56 : i32
      %dma_wait3A_58 = arith.constant 0 : i32
      %dma_wait3A_59 = tpu.memref_slice %arg8[%mul3A_54, %dma_wait3A_58] : memref<125x80xi32, #tpu.memory_space<vmem>> -> memref<1x80xi32, #tpu.memory_space<vmem>>
      %dma_wait3A_60 = tpu.memref_squeeze %dma_wait3A_59 : memref<1x80xi32, #tpu.memory_space<vmem>> -> memref<80xi32, #tpu.memory_space<vmem>>
      %dma_wait3A_61 = arith.constant 0 : i32
      %dma_wait3A_62 = arith.constant 0 : i32
      %dma_wait3A_63 = tpu.memref_slice %arg2[%dma_wait3A_61, %dma_wait3A_62] : memref<10000x128xi32, #tpu.memory_space<hbm>> -> memref<10000x128xi32, #tpu.memory_space<hbm>>
      tpu.wait_indirect_dma semaphore(%arg14 : memref<!tpu.dma_semaphore, #tpu.memory_space<semaphore_mem>>) src(%dma_wait3A_63 : memref<10000x128xi32, #tpu.memory_space<hbm>>) dst(%arg10 : memref<80x128xi32, #tpu.memory_space<vmem>>)
      "tpu.region"() ({
        %run_scoped3A = tpu.sem_alloc : memref<!tpu.dma_semaphore, #tpu.memory_space<semaphore_mem>>
        %dma_start3A_105 = arith.constant 0 : i32
        %dma_start3A_106 = tpu.memref_slice %arg6[%add3A_57, %dma_start3A_105] : memref<320000x128xi32, #tpu.memory_space<hbm>> -> memref<80x128xi32, #tpu.memory_space<hbm>>
        %dma_start3A_107 = arith.constant 0 : i32
        %dma_start3A_108 = tpu.memref_slice %arg6[%add3A_57, %dma_start3A_107] : memref<320000x128xi32, #tpu.memory_space<hbm>> -> memref<80x128xi32, #tpu.memory_space<hbm>>
        tpu.enqueue_dma source(%arg10 : memref<80x128xi32, #tpu.memory_space<vmem>>) target(%dma_start3A_108 : memref<80x128xi32, #tpu.memory_space<hbm>>) target_semaphore(%run_scoped3A : memref<!tpu.dma_semaphore, #tpu.memory_space<semaphore_mem>>)
        %dma_wait3A_109 = arith.constant 0 : i32
        %dma_wait3A_110 = tpu.memref_slice %arg6[%add3A_57, %dma_wait3A_109] : memref<320000x128xi32, #tpu.memory_space<hbm>> -> memref<80x128xi32, #tpu.memory_space<hbm>>
        %dma_wait3A_111 = arith.constant 0 : i32
        %dma_wait3A_112 = tpu.memref_slice %arg6[%add3A_57, %dma_wait3A_111] : memref<320000x128xi32, #tpu.memory_space<hbm>> -> memref<80x128xi32, #tpu.memory_space<hbm>>
        tpu.wait_dma2 semaphore(%run_scoped3A : memref<!tpu.dma_semaphore, #tpu.memory_space<semaphore_mem>>) src(%arg10 : memref<80x128xi32, #tpu.memory_space<vmem>>) dst(%dma_wait3A_112 : memref<80x128xi32, #tpu.memory_space<hbm>>)
        tpu.yield
      }) : () -> ()
      %dma_wait3A_64 = arith.constant 0 : i32
      %dma_wait3A_65 = tpu.memref_slice %arg9[%mul3A_54, %dma_wait3A_64] : memref<125x80xi32, #tpu.memory_space<vmem>> -> memref<1x80xi32, #tpu.memory_space<vmem>>
      %dma_wait3A_66 = tpu.memref_squeeze %dma_wait3A_65 : memref<1x80xi32, #tpu.memory_space<vmem>> -> memref<80xi32, #tpu.memory_space<vmem>>
      %dma_wait3A_67 = arith.constant 0 : i32
      %dma_wait3A_68 = arith.constant 0 : i32
      %dma_wait3A_69 = tpu.memref_slice %arg3[%dma_wait3A_67, %dma_wait3A_68] : memref<10000x128xi32, #tpu.memory_space<hbm>> -> memref<10000x128xi32, #tpu.memory_space<hbm>>
      tpu.wait_indirect_dma semaphore(%arg15 : memref<!tpu.dma_semaphore, #tpu.memory_space<semaphore_mem>>) src(%dma_wait3A_69 : memref<10000x128xi32, #tpu.memory_space<hbm>>) dst(%arg11 : memref<80x128xi32, #tpu.memory_space<vmem>>)
      "tpu.region"() ({
        %run_scoped3A = tpu.sem_alloc : memref<!tpu.dma_semaphore, #tpu.memory_space<semaphore_mem>>
        %dma_start3A_105 = arith.constant 0 : i32
        %dma_start3A_106 = tpu.memref_slice %arg7[%add3A_57, %dma_start3A_105] : memref<320000x128xi32, #tpu.memory_space<hbm>> -> memref<80x128xi32, #tpu.memory_space<hbm>>
        %dma_start3A_107 = arith.constant 0 : i32
        %dma_start3A_108 = tpu.memref_slice %arg7[%add3A_57, %dma_start3A_107] : memref<320000x128xi32, #tpu.memory_space<hbm>> -> memref<80x128xi32, #tpu.memory_space<hbm>>
        tpu.enqueue_dma source(%arg11 : memref<80x128xi32, #tpu.memory_space<vmem>>) target(%dma_start3A_108 : memref<80x128xi32, #tpu.memory_space<hbm>>) target_semaphore(%run_scoped3A : memref<!tpu.dma_semaphore, #tpu.memory_space<semaphore_mem>>)
        %dma_wait3A_109 = arith.constant 0 : i32
        %dma_wait3A_110 = tpu.memref_slice %arg7[%add3A_57, %dma_wait3A_109] : memref<320000x128xi32, #tpu.memory_space<hbm>> -> memref<80x128xi32, #tpu.memory_space<hbm>>
        %dma_wait3A_111 = arith.constant 0 : i32
        %dma_wait3A_112 = tpu.memref_slice %arg7[%add3A_57, %dma_wait3A_111] : memref<320000x128xi32, #tpu.memory_space<hbm>> -> memref<80x128xi32, #tpu.memory_space<hbm>>
        tpu.wait_dma2 semaphore(%run_scoped3A : memref<!tpu.dma_semaphore, #tpu.memory_space<semaphore_mem>>) src(%arg11 : memref<80x128xi32, #tpu.memory_space<vmem>>) dst(%dma_wait3A_112 : memref<80x128xi32, #tpu.memory_space<hbm>>)
        tpu.yield
      }) : () -> ()
      %mul3A_70 = arith.constant 2 : i32
      %mul3A_71 = arith.muli %mul3A_70, %scan3A_36 : i32
      %add3A_72 = arith.constant 2 : i32
      %add3A_73 = arith.addi %mul3A_71, %add3A_72 : i32
      %dma_start3A_74 = arith.constant 0 : i32
      %dma_start3A_75 = tpu.memref_slice %arg8[%add3A_73, %dma_start3A_74] : memref<125x80xi32, #tpu.memory_space<vmem>> -> memref<1x80xi32, #tpu.memory_space<vmem>>
      %dma_start3A_76 = tpu.memref_squeeze %dma_start3A_75 : memref<1x80xi32, #tpu.memory_space<vmem>> -> memref<80xi32, #tpu.memory_space<vmem>>
      %dma_start3A_77 = arith.constant 0 : i32
      %dma_start3A_78 = arith.constant 0 : i32
      %dma_start3A_79 = tpu.memref_slice %arg2[%dma_start3A_77, %dma_start3A_78] : memref<10000x128xi32, #tpu.memory_space<hbm>> -> memref<10000x128xi32, #tpu.memory_space<hbm>>
      tpu.enqueue_indirect_dma source(%dma_start3A_79 : memref<10000x128xi32, #tpu.memory_space<hbm>>) target(%arg10 : memref<80x128xi32, #tpu.memory_space<vmem>>) offsets(%dma_start3A_76 : memref<80xi32, #tpu.memory_space<vmem>>) semaphore(%arg14 : memref<!tpu.dma_semaphore, #tpu.memory_space<semaphore_mem>>)
      %dma_start3A_80 = arith.constant 0 : i32
      %dma_start3A_81 = tpu.memref_slice %arg9[%add3A_73, %dma_start3A_80] : memref<125x80xi32, #tpu.memory_space<vmem>> -> memref<1x80xi32, #tpu.memory_space<vmem>>
      %dma_start3A_82 = tpu.memref_squeeze %dma_start3A_81 : memref<1x80xi32, #tpu.memory_space<vmem>> -> memref<80xi32, #tpu.memory_space<vmem>>
      %dma_start3A_83 = arith.constant 0 : i32
      %dma_start3A_84 = arith.constant 0 : i32
      %dma_start3A_85 = tpu.memref_slice %arg3[%dma_start3A_83, %dma_start3A_84] : memref<10000x128xi32, #tpu.memory_space<hbm>> -> memref<10000x128xi32, #tpu.memory_space<hbm>>
      tpu.enqueue_indirect_dma source(%dma_start3A_85 : memref<10000x128xi32, #tpu.memory_space<hbm>>) target(%arg11 : memref<80x128xi32, #tpu.memory_space<vmem>>) offsets(%dma_start3A_82 : memref<80xi32, #tpu.memory_space<vmem>>) semaphore(%arg15 : memref<!tpu.dma_semaphore, #tpu.memory_space<semaphore_mem>>)
      %mul3A_86 = arith.constant 2 : i32
      %mul3A_87 = arith.muli %mul3A_86, %scan3A_36 : i32
      %add3A_88 = arith.constant 1 : i32
      %add3A_89 = arith.addi %mul3A_87, %add3A_88 : i32
      %mul3A_90 = arith.constant 80 : i32
      %mul3A_91 = arith.muli %add3A_89, %mul3A_90 : i32
      %add3A_92 = arith.addi %mul3A_2, %mul3A_91 : i32
      %dma_wait3A_93 = arith.constant 0 : i32
      %dma_wait3A_94 = tpu.memref_slice %arg8[%add3A_89, %dma_wait3A_93] : memref<125x80xi32, #tpu.memory_space<vmem>> -> memref<1x80xi32, #tpu.memory_space<vmem>>
      %dma_wait3A_95 = tpu.memref_squeeze %dma_wait3A_94 : memref<1x80xi32, #tpu.memory_space<vmem>> -> memref<80xi32, #tpu.memory_space<vmem>>
      %dma_wait3A_96 = arith.constant 0 : i32
      %dma_wait3A_97 = arith.constant 0 : i32
      %dma_wait3A_98 = tpu.memref_slice %arg2[%dma_wait3A_96, %dma_wait3A_97] : memref<10000x128xi32, #tpu.memory_space<hbm>> -> memref<10000x128xi32, #tpu.memory_space<hbm>>
      tpu.wait_indirect_dma semaphore(%arg16 : memref<!tpu.dma_semaphore, #tpu.memory_space<semaphore_mem>>) src(%dma_wait3A_98 : memref<10000x128xi32, #tpu.memory_space<hbm>>) dst(%arg12 : memref<80x128xi32, #tpu.memory_space<vmem>>)
      "tpu.region"() ({
        %run_scoped3A = tpu.sem_alloc : memref<!tpu.dma_semaphore, #tpu.memory_space<semaphore_mem>>
        %dma_start3A_105 = arith.constant 0 : i32
        %dma_start3A_106 = tpu.memref_slice %arg6[%add3A_92, %dma_start3A_105] : memref<320000x128xi32, #tpu.memory_space<hbm>> -> memref<80x128xi32, #tpu.memory_space<hbm>>
        %dma_start3A_107 = arith.constant 0 : i32
        %dma_start3A_108 = tpu.memref_slice %arg6[%add3A_92, %dma_start3A_107] : memref<320000x128xi32, #tpu.memory_space<hbm>> -> memref<80x128xi32, #tpu.memory_space<hbm>>
        tpu.enqueue_dma source(%arg12 : memref<80x128xi32, #tpu.memory_space<vmem>>) target(%dma_start3A_108 : memref<80x128xi32, #tpu.memory_space<hbm>>) target_semaphore(%run_scoped3A : memref<!tpu.dma_semaphore, #tpu.memory_space<semaphore_mem>>)
        %dma_wait3A_109 = arith.constant 0 : i32
        %dma_wait3A_110 = tpu.memref_slice %arg6[%add3A_92, %dma_wait3A_109] : memref<320000x128xi32, #tpu.memory_space<hbm>> -> memref<80x128xi32, #tpu.memory_space<hbm>>
        %dma_wait3A_111 = arith.constant 0 : i32
        %dma_wait3A_112 = tpu.memref_slice %arg6[%add3A_92, %dma_wait3A_111] : memref<320000x128xi32, #tpu.memory_space<hbm>> -> memref<80x128xi32, #tpu.memory_space<hbm>>
        tpu.wait_dma2 semaphore(%run_scoped3A : memref<!tpu.dma_semaphore, #tpu.memory_space<semaphore_mem>>) src(%arg12 : memref<80x128xi32, #tpu.memory_space<vmem>>) dst(%dma_wait3A_112 : memref<80x128xi32, #tpu.memory_space<hbm>>)
        tpu.yield
      }) : () -> ()
      %dma_wait3A_99 = arith.constant 0 : i32
      %dma_wait3A_100 = tpu.memref_slice %arg9[%add3A_89, %dma_wait3A_99] : memref<125x80xi32, #tpu.memory_space<vmem>> -> memref<1x80xi32, #tpu.memory_space<vmem>>
      %dma_wait3A_101 = tpu.memref_squeeze %dma_wait3A_100 : memref<1x80xi32, #tpu.memory_space<vmem>> -> memref<80xi32, #tpu.memory_space<vmem>>
      %dma_wait3A_102 = arith.constant 0 : i32
      %dma_wait3A_103 = arith.constant 0 : i32
      %dma_wait3A_104 = tpu.memref_slice %arg3[%dma_wait3A_102, %dma_wait3A_103] : memref<10000x128xi32, #tpu.memory_space<hbm>> -> memref<10000x128xi32, #tpu.memory_space<hbm>>
      tpu.wait_indirect_dma semaphore(%arg17 : memref<!tpu.dma_semaphore, #tpu.memory_space<semaphore_mem>>) src(%dma_wait3A_104 : memref<10000x128xi32, #tpu.memory_space<hbm>>) dst(%arg13 : memref<80x128xi32, #tpu.memory_space<vmem>>)
      "tpu.region"() ({
        %run_scoped3A = tpu.sem_alloc : memref<!tpu.dma_semaphore, #tpu.memory_space<semaphore_mem>>
        %dma_start3A_105 = arith.constant 0 : i32
        %dma_start3A_106 = tpu.memref_slice %arg7[%add3A_92, %dma_start3A_105] : memref<320000x128xi32, #tpu.memory_space<hbm>> -> memref<80x128xi32, #tpu.memory_space<hbm>>
        %dma_start3A_107 = arith.constant 0 : i32
        %dma_start3A_108 = tpu.memref_slice %arg7[%add3A_92, %dma_start3A_107] : memref<320000x128xi32, #tpu.memory_space<hbm>> -> memref<80x128xi32, #tpu.memory_space<hbm>>
        tpu.enqueue_dma source(%arg13 : memref<80x128xi32, #tpu.memory_space<vmem>>) target(%dma_start3A_108 : memref<80x128xi32, #tpu.memory_space<hbm>>) target_semaphore(%run_scoped3A : memref<!tpu.dma_semaphore, #tpu.memory_space<semaphore_mem>>)
        %dma_wait3A_109 = arith.constant 0 : i32
        %dma_wait3A_110 = tpu.memref_slice %arg7[%add3A_92, %dma_wait3A_109] : memref<320000x128xi32, #tpu.memory_space<hbm>> -> memref<80x128xi32, #tpu.memory_space<hbm>>
        %dma_wait3A_111 = arith.constant 0 : i32
        %dma_wait3A_112 = tpu.memref_slice %arg7[%add3A_92, %dma_wait3A_111] : memref<320000x128xi32, #tpu.memory_space<hbm>> -> memref<80x128xi32, #tpu.memory_space<hbm>>
        tpu.wait_dma2 semaphore(%run_scoped3A : memref<!tpu.dma_semaphore, #tpu.memory_space<semaphore_mem>>) src(%arg13 : memref<80x128xi32, #tpu.memory_space<vmem>>) dst(%dma_wait3A_112 : memref<80x128xi32, #tpu.memory_space<hbm>>)
        tpu.yield
      }) : () -> ()
    }
    %scan3A_20 = arith.constant 62 : i32
    %add3A_21 = arith.constant 9920 : i32
    %add3A_22 = arith.addi %mul3A_2, %add3A_21 : i32
    %dma_wait3A = arith.constant 124 : i32
    %dma_wait3A_23 = arith.constant 0 : i32
    %dma_wait3A_24 = tpu.memref_slice %arg8[%dma_wait3A, %dma_wait3A_23] : memref<125x80xi32, #tpu.memory_space<vmem>> -> memref<1x80xi32, #tpu.memory_space<vmem>>
    %dma_wait3A_25 = tpu.memref_squeeze %dma_wait3A_24 : memref<1x80xi32, #tpu.memory_space<vmem>> -> memref<80xi32, #tpu.memory_space<vmem>>
    %dma_wait3A_26 = arith.constant 0 : i32
    %dma_wait3A_27 = arith.constant 0 : i32
    %dma_wait3A_28 = tpu.memref_slice %arg2[%dma_wait3A_26, %dma_wait3A_27] : memref<10000x128xi32, #tpu.memory_space<hbm>> -> memref<10000x128xi32, #tpu.memory_space<hbm>>
    tpu.wait_indirect_dma semaphore(%arg14 : memref<!tpu.dma_semaphore, #tpu.memory_space<semaphore_mem>>) src(%dma_wait3A_28 : memref<10000x128xi32, #tpu.memory_space<hbm>>) dst(%arg10 : memref<80x128xi32, #tpu.memory_space<vmem>>)
    "tpu.region"() ({
      %run_scoped3A = tpu.sem_alloc : memref<!tpu.dma_semaphore, #tpu.memory_space<semaphore_mem>>
      %dma_start3A_36 = arith.constant 0 : i32
      %dma_start3A_37 = tpu.memref_slice %arg6[%add3A_22, %dma_start3A_36] : memref<320000x128xi32, #tpu.memory_space<hbm>> -> memref<80x128xi32, #tpu.memory_space<hbm>>
      %dma_start3A_38 = arith.constant 0 : i32
      %dma_start3A_39 = tpu.memref_slice %arg6[%add3A_22, %dma_start3A_38] : memref<320000x128xi32, #tpu.memory_space<hbm>> -> memref<80x128xi32, #tpu.memory_space<hbm>>
      tpu.enqueue_dma source(%arg10 : memref<80x128xi32, #tpu.memory_space<vmem>>) target(%dma_start3A_39 : memref<80x128xi32, #tpu.memory_space<hbm>>) target_semaphore(%run_scoped3A : memref<!tpu.dma_semaphore, #tpu.memory_space<semaphore_mem>>)
      %dma_wait3A_40 = arith.constant 0 : i32
      %dma_wait3A_41 = tpu.memref_slice %arg6[%add3A_22, %dma_wait3A_40] : memref<320000x128xi32, #tpu.memory_space<hbm>> -> memref<80x128xi32, #tpu.memory_space<hbm>>
      %dma_wait3A_42 = arith.constant 0 : i32
      %dma_wait3A_43 = tpu.memref_slice %arg6[%add3A_22, %dma_wait3A_42] : memref<320000x128xi32, #tpu.memory_space<hbm>> -> memref<80x128xi32, #tpu.memory_space<hbm>>
      tpu.wait_dma2 semaphore(%run_scoped3A : memref<!tpu.dma_semaphore, #tpu.memory_space<semaphore_mem>>) src(%arg10 : memref<80x128xi32, #tpu.memory_space<vmem>>) dst(%dma_wait3A_43 : memref<80x128xi32, #tpu.memory_space<hbm>>)
      tpu.yield
    }) : () -> ()
    %dma_wait3A_29 = arith.constant 124 : i32
    %dma_wait3A_30 = arith.constant 0 : i32
    %dma_wait3A_31 = tpu.memref_slice %arg9[%dma_wait3A_29, %dma_wait3A_30] : memref<125x80xi32, #tpu.memory_space<vmem>> -> memref<1x80xi32, #tpu.memory_space<vmem>>
    %dma_wait3A_32 = tpu.memref_squeeze %dma_wait3A_31 : memref<1x80xi32, #tpu.memory_space<vmem>> -> memref<80xi32, #tpu.memory_space<vmem>>
    %dma_wait3A_33 = arith.constant 0 : i32
    %dma_wait3A_34 = arith.constant 0 : i32
    %dma_wait3A_35 = tpu.memref_slice %arg3[%dma_wait3A_33, %dma_wait3A_34] : memref<10000x128xi32, #tpu.memory_space<hbm>> -> memref<10000x128xi32, #tpu.memory_space<hbm>>
    tpu.wait_indirect_dma semaphore(%arg15 : memref<!tpu.dma_semaphore, #tpu.memory_space<semaphore_mem>>) src(%dma_wait3A_35 : memref<10000x128xi32, #tpu.memory_space<hbm>>) dst(%arg11 : memref<80x128xi32, #tpu.memory_space<vmem>>)
    "tpu.region"() ({
      %run_scoped3A = tpu.sem_alloc : memref<!tpu.dma_semaphore, #tpu.memory_space<semaphore_mem>>
      %dma_start3A_36 = arith.constant 0 : i32
      %dma_start3A_37 = tpu.memref_slice %arg7[%add3A_22, %dma_start3A_36] : memref<320000x128xi32, #tpu.memory_space<hbm>> -> memref<80x128xi32, #tpu.memory_space<hbm>>
      %dma_start3A_38 = arith.constant 0 : i32
      %dma_start3A_39 = tpu.memref_slice %arg7[%add3A_22, %dma_start3A_38] : memref<320000x128xi32, #tpu.memory_space<hbm>> -> memref<80x128xi32, #tpu.memory_space<hbm>>
      tpu.enqueue_dma source(%arg11 : memref<80x128xi32, #tpu.memory_space<vmem>>) target(%dma_start3A_39 : memref<80x128xi32, #tpu.memory_space<hbm>>) target_semaphore(%run_scoped3A : memref<!tpu.dma_semaphore, #tpu.memory_space<semaphore_mem>>)
      %dma_wait3A_40 = arith.constant 0 : i32
      %dma_wait3A_41 = tpu.memref_slice %arg7[%add3A_22, %dma_wait3A_40] : memref<320000x128xi32, #tpu.memory_space<hbm>> -> memref<80x128xi32, #tpu.memory_space<hbm>>
      %dma_wait3A_42 = arith.constant 0 : i32
      %dma_wait3A_43 = tpu.memref_slice %arg7[%add3A_22, %dma_wait3A_42] : memref<320000x128xi32, #tpu.memory_space<hbm>> -> memref<80x128xi32, #tpu.memory_space<hbm>>
      tpu.wait_dma2 semaphore(%run_scoped3A : memref<!tpu.dma_semaphore, #tpu.memory_space<semaphore_mem>>) src(%arg11 : memref<80x128xi32, #tpu.memory_space<vmem>>) dst(%dma_wait3A_43 : memref<80x128xi32, #tpu.memory_space<hbm>>)
      tpu.yield
    }) : () -> ()
    return
  }
}

#map = affine_map<(d0, d1) -> (0, 0)>
#map1 = affine_map<(d0, d1) -> (0, 0, 0)>
module attributes {stable_mosaic.version = 14 : i64} {
  func.func @k(%arg0: i32, %arg1: i32, %arg2: memref<320000x128xf32, #tpu.memory_space<hbm>>, %arg3: memref<32x125x80xi32, #tpu.memory_space<hbm>>, %arg4: memref<2x10000x128xf32, #tpu.memory_space<hbm>>, %arg5: memref<125x80xi32, #tpu.memory_space<vmem>>, %arg6: memref<80x128xf32, #tpu.memory_space<vmem>>, %arg7: memref<80x128xf32, #tpu.memory_space<vmem>>, %arg8: memref<25x128xf32, #tpu.memory_space<vmem>>, %arg9: memref<10000x128xf32, #tpu.memory_space<vmem_shared>>, %arg10: memref<!tpu.dma_semaphore, #tpu.memory_space<semaphore_mem>>, %arg11: memref<!tpu.dma_semaphore, #tpu.memory_space<semaphore_mem>>) attributes {dimension_semantics = [#tpu.dimension_semantics<core_parallel>, #tpu.dimension_semantics<subcore_parallel>], iteration_bounds = array<i64: 2, 16>, scalar_prefetch = 0 : i64, scratch_operands = 7 : i64, tpu.core_type = #tpu.core_type<sc_vector_subcore>, window_params = [{transform_indices = #map}, {transform_indices = #map1}, {transform_indices = #map1}]} {
    %mul3A = arith.constant 16 : i32
    %mul3A_0 = arith.muli %arg0, %mul3A : i32
    %add3A = arith.addi %mul3A_0, %arg1 : i32
    "tpu.region"() ({
      %run_scoped3A_39 = tpu.sem_alloc : memref<!tpu.dma_semaphore, #tpu.memory_space<semaphore_mem>>
      %dma_start3A_40 = arith.constant 0 : i32
      %dma_start3A_41 = arith.constant 0 : i32
      %dma_start3A_42 = tpu.memref_slice %arg3[%add3A, %dma_start3A_40, %dma_start3A_41] : memref<32x125x80xi32, #tpu.memory_space<hbm>> -> memref<1x125x80xi32, #tpu.memory_space<hbm>>
      %dma_start3A_43 = tpu.memref_squeeze %dma_start3A_42 : memref<1x125x80xi32, #tpu.memory_space<hbm>> -> memref<125x80xi32, #tpu.memory_space<hbm>>
      %dma_start3A_44 = arith.constant 0 : i32
      %dma_start3A_45 = arith.constant 0 : i32
      %dma_start3A_46 = tpu.memref_slice %arg3[%add3A, %dma_start3A_44, %dma_start3A_45] : memref<32x125x80xi32, #tpu.memory_space<hbm>> -> memref<1x125x80xi32, #tpu.memory_space<hbm>>
      %dma_start3A_47 = tpu.memref_squeeze %dma_start3A_46 : memref<1x125x80xi32, #tpu.memory_space<hbm>> -> memref<125x80xi32, #tpu.memory_space<hbm>>
      tpu.enqueue_dma source(%dma_start3A_47 : memref<125x80xi32, #tpu.memory_space<hbm>>) target(%arg5 : memref<125x80xi32, #tpu.memory_space<vmem>>) target_semaphore(%run_scoped3A_39 : memref<!tpu.dma_semaphore, #tpu.memory_space<semaphore_mem>>)
      %dma_wait3A_48 = arith.constant 0 : i32
      %dma_wait3A_49 = arith.constant 0 : i32
      %dma_wait3A_50 = tpu.memref_slice %arg3[%add3A, %dma_wait3A_48, %dma_wait3A_49] : memref<32x125x80xi32, #tpu.memory_space<hbm>> -> memref<1x125x80xi32, #tpu.memory_space<hbm>>
      %dma_wait3A_51 = tpu.memref_squeeze %dma_wait3A_50 : memref<1x125x80xi32, #tpu.memory_space<hbm>> -> memref<125x80xi32, #tpu.memory_space<hbm>>
      %dma_wait3A_52 = arith.constant 0 : i32
      %dma_wait3A_53 = arith.constant 0 : i32
      %dma_wait3A_54 = tpu.memref_slice %arg3[%add3A, %dma_wait3A_52, %dma_wait3A_53] : memref<32x125x80xi32, #tpu.memory_space<hbm>> -> memref<1x125x80xi32, #tpu.memory_space<hbm>>
      %dma_wait3A_55 = tpu.memref_squeeze %dma_wait3A_54 : memref<1x125x80xi32, #tpu.memory_space<hbm>> -> memref<125x80xi32, #tpu.memory_space<hbm>>
      tpu.wait_dma2 semaphore(%run_scoped3A_39 : memref<!tpu.dma_semaphore, #tpu.memory_space<semaphore_mem>>) src(%dma_wait3A_55 : memref<125x80xi32, #tpu.memory_space<hbm>>) dst(%arg5 : memref<125x80xi32, #tpu.memory_space<vmem>>)
      tpu.yield
    }) : () -> ()
    %scan3A = arith.constant 0 : i32
    %scan3A_1 = arith.constant 0 : i32
    %scan3A_2 = arith.constant 25 : i32
    %scan3A_3 = arith.addi %scan3A_1, %scan3A_2 : i32
    %scan3A_4 = arith.constant 1 : i32
    scf.for %scan3A_39 = %scan3A_1 to %scan3A_3 step %scan3A_4  : i32 {
      %broadcast_in_dim3A = arith.constant 0.000000e+00 : f32
      %broadcast_in_dim3A_40 = vector.broadcast %broadcast_in_dim3A : f32 to vector<16xf32>
      %swap3A = arith.index_cast %scan3A_39 : i32 to index
      %swap3A_41 = arith.constant 0 : index
      %swap3A_42 = tpu.vector_load %arg8[%swap3A, %swap3A_41] {strides = array<i32>} : memref<25x128xf32, #tpu.memory_space<vmem>>, vector<1x16xf32>,
      %swap3A_43 = vector.shape_cast %swap3A_42 : vector<1x16xf32> to vector<16xf32>
      %swap3A_44 = vector.shape_cast %broadcast_in_dim3A_40 : vector<16xf32> to vector<1x16xf32>
      tpu.vector_store %arg8[%swap3A, %swap3A_41], %swap3A_44 {strides = array<i32>} : memref<25x128xf32, #tpu.memory_space<vmem>>, vector<1x16xf32>,
      %broadcast_in_dim3A_45 = arith.constant 0.000000e+00 : f32
      %broadcast_in_dim3A_46 = vector.broadcast %broadcast_in_dim3A_45 : f32 to vector<16xf32>
      %swap3A_47 = arith.index_cast %scan3A_39 : i32 to index
      %swap3A_48 = arith.constant 16 : index
      %swap3A_49 = tpu.vector_load %arg8[%swap3A_47, %swap3A_48] {strides = array<i32>} : memref<25x128xf32, #tpu.memory_space<vmem>>, vector<1x16xf32>,
      %swap3A_50 = vector.shape_cast %swap3A_49 : vector<1x16xf32> to vector<16xf32>
      %swap3A_51 = vector.shape_cast %broadcast_in_dim3A_46 : vector<16xf32> to vector<1x16xf32>
      tpu.vector_store %arg8[%swap3A_47, %swap3A_48], %swap3A_51 {strides = array<i32>} : memref<25x128xf32, #tpu.memory_space<vmem>>, vector<1x16xf32>,
      %broadcast_in_dim3A_52 = arith.constant 0.000000e+00 : f32
      %broadcast_in_dim3A_53 = vector.broadcast %broadcast_in_dim3A_52 : f32 to vector<16xf32>
      %swap3A_54 = arith.index_cast %scan3A_39 : i32 to index
      %swap3A_55 = arith.constant 32 : index
      %swap3A_56 = tpu.vector_load %arg8[%swap3A_54, %swap3A_55] {strides = array<i32>} : memref<25x128xf32, #tpu.memory_space<vmem>>, vector<1x16xf32>,
      %swap3A_57 = vector.shape_cast %swap3A_56 : vector<1x16xf32> to vector<16xf32>
      %swap3A_58 = vector.shape_cast %broadcast_in_dim3A_53 : vector<16xf32> to vector<1x16xf32>
      tpu.vector_store %arg8[%swap3A_54, %swap3A_55], %swap3A_58 {strides = array<i32>} : memref<25x128xf32, #tpu.memory_space<vmem>>, vector<1x16xf32>,
      %broadcast_in_dim3A_59 = arith.constant 0.000000e+00 : f32
      %broadcast_in_dim3A_60 = vector.broadcast %broadcast_in_dim3A_59 : f32 to vector<16xf32>
      %swap3A_61 = arith.index_cast %scan3A_39 : i32 to index
      %swap3A_62 = arith.constant 48 : index
      %swap3A_63 = tpu.vector_load %arg8[%swap3A_61, %swap3A_62] {strides = array<i32>} : memref<25x128xf32, #tpu.memory_space<vmem>>, vector<1x16xf32>,
      %swap3A_64 = vector.shape_cast %swap3A_63 : vector<1x16xf32> to vector<16xf32>
      %swap3A_65 = vector.shape_cast %broadcast_in_dim3A_60 : vector<16xf32> to vector<1x16xf32>
      tpu.vector_store %arg8[%swap3A_61, %swap3A_62], %swap3A_65 {strides = array<i32>} : memref<25x128xf32, #tpu.memory_space<vmem>>, vector<1x16xf32>,
      %broadcast_in_dim3A_66 = arith.constant 0.000000e+00 : f32
      %broadcast_in_dim3A_67 = vector.broadcast %broadcast_in_dim3A_66 : f32 to vector<16xf32>
      %swap3A_68 = arith.index_cast %scan3A_39 : i32 to index
      %swap3A_69 = arith.constant 64 : index
      %swap3A_70 = tpu.vector_load %arg8[%swap3A_68, %swap3A_69] {strides = array<i32>} : memref<25x128xf32, #tpu.memory_space<vmem>>, vector<1x16xf32>,
      %swap3A_71 = vector.shape_cast %swap3A_70 : vector<1x16xf32> to vector<16xf32>
      %swap3A_72 = vector.shape_cast %broadcast_in_dim3A_67 : vector<16xf32> to vector<1x16xf32>
      tpu.vector_store %arg8[%swap3A_68, %swap3A_69], %swap3A_72 {strides = array<i32>} : memref<25x128xf32, #tpu.memory_space<vmem>>, vector<1x16xf32>,
      %broadcast_in_dim3A_73 = arith.constant 0.000000e+00 : f32
      %broadcast_in_dim3A_74 = vector.broadcast %broadcast_in_dim3A_73 : f32 to vector<16xf32>
      %swap3A_75 = arith.index_cast %scan3A_39 : i32 to index
      %swap3A_76 = arith.constant 80 : index
      %swap3A_77 = tpu.vector_load %arg8[%swap3A_75, %swap3A_76] {strides = array<i32>} : memref<25x128xf32, #tpu.memory_space<vmem>>, vector<1x16xf32>,
      %swap3A_78 = vector.shape_cast %swap3A_77 : vector<1x16xf32> to vector<16xf32>
      %swap3A_79 = vector.shape_cast %broadcast_in_dim3A_74 : vector<16xf32> to vector<1x16xf32>
      tpu.vector_store %arg8[%swap3A_75, %swap3A_76], %swap3A_79 {strides = array<i32>} : memref<25x128xf32, #tpu.memory_space<vmem>>, vector<1x16xf32>,
      %broadcast_in_dim3A_80 = arith.constant 0.000000e+00 : f32
      %broadcast_in_dim3A_81 = vector.broadcast %broadcast_in_dim3A_80 : f32 to vector<16xf32>
      %swap3A_82 = arith.index_cast %scan3A_39 : i32 to index
      %swap3A_83 = arith.constant 96 : index
      %swap3A_84 = tpu.vector_load %arg8[%swap3A_82, %swap3A_83] {strides = array<i32>} : memref<25x128xf32, #tpu.memory_space<vmem>>, vector<1x16xf32>,
      %swap3A_85 = vector.shape_cast %swap3A_84 : vector<1x16xf32> to vector<16xf32>
      %swap3A_86 = vector.shape_cast %broadcast_in_dim3A_81 : vector<16xf32> to vector<1x16xf32>
      tpu.vector_store %arg8[%swap3A_82, %swap3A_83], %swap3A_86 {strides = array<i32>} : memref<25x128xf32, #tpu.memory_space<vmem>>, vector<1x16xf32>,
      %broadcast_in_dim3A_87 = arith.constant 0.000000e+00 : f32
      %broadcast_in_dim3A_88 = vector.broadcast %broadcast_in_dim3A_87 : f32 to vector<16xf32>
      %swap3A_89 = arith.index_cast %scan3A_39 : i32 to index
      %swap3A_90 = arith.constant 112 : index
      %swap3A_91 = tpu.vector_load %arg8[%swap3A_89, %swap3A_90] {strides = array<i32>} : memref<25x128xf32, #tpu.memory_space<vmem>>, vector<1x16xf32>,
      %swap3A_92 = vector.shape_cast %swap3A_91 : vector<1x16xf32> to vector<16xf32>
      %swap3A_93 = vector.shape_cast %broadcast_in_dim3A_88 : vector<16xf32> to vector<1x16xf32>
      tpu.vector_store %arg8[%swap3A_89, %swap3A_90], %swap3A_93 {strides = array<i32>} : memref<25x128xf32, #tpu.memory_space<vmem>>, vector<1x16xf32>,
    }
    %scan3A_5 = arith.constant 25 : i32
    %scan3A_6 = arith.constant 0 : i32
    %scan3A_7 = arith.constant 0 : i32
    %scan3A_8 = arith.constant 25 : i32
    %scan3A_9 = arith.addi %scan3A_7, %scan3A_8 : i32
    %scan3A_10 = arith.constant 1 : i32
    scf.for %scan3A_39 = %scan3A_7 to %scan3A_9 step %scan3A_10  : i32 {
      %mul3A_40 = arith.constant 625 : i32
      %mul3A_41 = arith.muli %arg1, %mul3A_40 : i32
      %mul3A_42 = arith.constant 25 : i32
      %mul3A_43 = arith.muli %scan3A_39, %mul3A_42 : i32
      %add3A_44 = arith.addi %mul3A_41, %mul3A_43 : i32
      "tpu.region"() ({
        %run_scoped3A_45 = tpu.sem_alloc : memref<!tpu.dma_semaphore, #tpu.memory_space<semaphore_mem>>
        %dma_start3A_46 = arith.constant 0 : i32
        %dma_start3A_47 = tpu.memref_slice %arg9[%add3A_44, %dma_start3A_46] : memref<10000x128xf32, #tpu.memory_space<vmem_shared>> -> memref<25x128xf32, #tpu.memory_space<vmem_shared>>
        %dma_start3A_48 = arith.constant 0 : i32
        %dma_start3A_49 = tpu.memref_slice %arg9[%add3A_44, %dma_start3A_48] : memref<10000x128xf32, #tpu.memory_space<vmem_shared>> -> memref<25x128xf32, #tpu.memory_space<vmem_shared>>
        tpu.enqueue_dma source(%arg8 : memref<25x128xf32, #tpu.memory_space<vmem>>) target(%dma_start3A_49 : memref<25x128xf32, #tpu.memory_space<vmem_shared>>) target_semaphore(%run_scoped3A_45 : memref<!tpu.dma_semaphore, #tpu.memory_space<semaphore_mem>>)
        %dma_wait3A_50 = arith.constant 0 : i32
        %dma_wait3A_51 = tpu.memref_slice %arg9[%add3A_44, %dma_wait3A_50] : memref<10000x128xf32, #tpu.memory_space<vmem_shared>> -> memref<25x128xf32, #tpu.memory_space<vmem_shared>>
        %dma_wait3A_52 = arith.constant 0 : i32
        %dma_wait3A_53 = tpu.memref_slice %arg9[%add3A_44, %dma_wait3A_52] : memref<10000x128xf32, #tpu.memory_space<vmem_shared>> -> memref<25x128xf32, #tpu.memory_space<vmem_shared>>
        tpu.wait_dma2 semaphore(%run_scoped3A_45 : memref<!tpu.dma_semaphore, #tpu.memory_space<semaphore_mem>>) src(%arg8 : memref<25x128xf32, #tpu.memory_space<vmem>>) dst(%dma_wait3A_53 : memref<25x128xf32, #tpu.memory_space<vmem_shared>>)
        tpu.yield
      }) : () -> ()
    }
    %scan3A_11 = arith.constant 25 : i32
    %barrier3A = arith.constant 0 : index
    tpu.barrier barrier_id(%barrier3A)
    %mul3A_12 = arith.constant 10000 : i32
    %mul3A_13 = arith.muli %add3A, %mul3A_12 : i32
    %add3A_14 = arith.constant 0 : i32
    %add3A_15 = arith.addi %mul3A_13, %add3A_14 : i32
    %dma_start3A = arith.constant 0 : i32
    %dma_start3A_16 = tpu.memref_slice %arg2[%add3A_15, %dma_start3A] : memref<320000x128xf32, #tpu.memory_space<hbm>> -> memref<80x128xf32, #tpu.memory_space<hbm>>
    %dma_start3A_17 = arith.constant 0 : i32
    %dma_start3A_18 = tpu.memref_slice %arg2[%add3A_15, %dma_start3A_17] : memref<320000x128xf32, #tpu.memory_space<hbm>> -> memref<80x128xf32, #tpu.memory_space<hbm>>
    tpu.enqueue_dma source(%dma_start3A_18 : memref<80x128xf32, #tpu.memory_space<hbm>>) target(%arg6 : memref<80x128xf32, #tpu.memory_space<vmem>>) target_semaphore(%arg10 : memref<!tpu.dma_semaphore, #tpu.memory_space<semaphore_mem>>)
    %scan3A_19 = arith.constant 0 : i32
    %scan3A_20 = arith.constant 0 : i32
    %scan3A_21 = arith.constant 62 : i32
    %scan3A_22 = arith.addi %scan3A_20, %scan3A_21 : i32
    %scan3A_23 = arith.constant 1 : i32
    scf.for %scan3A_39 = %scan3A_20 to %scan3A_22 step %scan3A_23  : i32 {
      %mul3A_40 = arith.constant 2 : i32
      %mul3A_41 = arith.muli %mul3A_40, %scan3A_39 : i32
      %add3A_42 = arith.constant 1 : i32
      %add3A_43 = arith.addi %mul3A_41, %add3A_42 : i32
      %mul3A_44 = arith.constant 10000 : i32
      %mul3A_45 = arith.muli %add3A, %mul3A_44 : i32
      %mul3A_46 = arith.constant 80 : i32
      %mul3A_47 = arith.muli %add3A_43, %mul3A_46 : i32
      %add3A_48 = arith.addi %mul3A_45, %mul3A_47 : i32
      %dma_start3A_49 = arith.constant 0 : i32
      %dma_start3A_50 = tpu.memref_slice %arg2[%add3A_48, %dma_start3A_49] : memref<320000x128xf32, #tpu.memory_space<hbm>> -> memref<80x128xf32, #tpu.memory_space<hbm>>
      %dma_start3A_51 = arith.constant 0 : i32
      %dma_start3A_52 = tpu.memref_slice %arg2[%add3A_48, %dma_start3A_51] : memref<320000x128xf32, #tpu.memory_space<hbm>> -> memref<80x128xf32, #tpu.memory_space<hbm>>
      tpu.enqueue_dma source(%dma_start3A_52 : memref<80x128xf32, #tpu.memory_space<hbm>>) target(%arg7 : memref<80x128xf32, #tpu.memory_space<vmem>>) target_semaphore(%arg11 : memref<!tpu.dma_semaphore, #tpu.memory_space<semaphore_mem>>)
      %mul3A_53 = arith.constant 2 : i32
      %mul3A_54 = arith.muli %mul3A_53, %scan3A_39 : i32
      %mul3A_55 = arith.constant 10000 : i32
      %mul3A_56 = arith.muli %add3A, %mul3A_55 : i32
      %mul3A_57 = arith.constant 80 : i32
      %mul3A_58 = arith.muli %mul3A_54, %mul3A_57 : i32
      %add3A_59 = arith.addi %mul3A_56, %mul3A_58 : i32
      %dma_wait3A_60 = arith.constant 0 : i32
      %dma_wait3A_61 = tpu.memref_slice %arg2[%add3A_59, %dma_wait3A_60] : memref<320000x128xf32, #tpu.memory_space<hbm>> -> memref<80x128xf32, #tpu.memory_space<hbm>>
      %dma_wait3A_62 = arith.constant 0 : i32
      %dma_wait3A_63 = tpu.memref_slice %arg2[%add3A_59, %dma_wait3A_62] : memref<320000x128xf32, #tpu.memory_space<hbm>> -> memref<80x128xf32, #tpu.memory_space<hbm>>
      tpu.wait_dma2 semaphore(%arg10 : memref<!tpu.dma_semaphore, #tpu.memory_space<semaphore_mem>>) src(%dma_wait3A_63 : memref<80x128xf32, #tpu.memory_space<hbm>>) dst(%arg6 : memref<80x128xf32, #tpu.memory_space<vmem>>)
      "tpu.region"() ({
        %run_scoped3A_90 = tpu.sem_alloc : memref<!tpu.dma_semaphore, #tpu.memory_space<semaphore_mem>>
        %dma_start3A_91 = arith.constant 0 : i32
        %dma_start3A_92 = tpu.memref_slice %arg5[%mul3A_54, %dma_start3A_91] : memref<125x80xi32, #tpu.memory_space<vmem>> -> memref<1x80xi32, #tpu.memory_space<vmem>>
        %dma_start3A_93 = tpu.memref_squeeze %dma_start3A_92 : memref<1x80xi32, #tpu.memory_space<vmem>> -> memref<80xi32, #tpu.memory_space<vmem>>
        %dma_start3A_94 = arith.constant 0 : i32
        %dma_start3A_95 = arith.constant 0 : i32
        %dma_start3A_96 = tpu.memref_slice %arg9[%dma_start3A_94, %dma_start3A_95] : memref<10000x128xf32, #tpu.memory_space<vmem_shared>> -> memref<10000x128xf32, #tpu.memory_space<vmem_shared>>
        tpu.enqueue_indirect_dma source(%arg6 : memref<80x128xf32, #tpu.memory_space<vmem>>) target(%dma_start3A_96 : memref<10000x128xf32, #tpu.memory_space<vmem_shared>>) offsets(%dma_start3A_93 : memref<80xi32, #tpu.memory_space<vmem>>) semaphore(%run_scoped3A_90 : memref<!tpu.dma_semaphore, #tpu.memory_space<semaphore_mem>>) {add = true}
        %dma_wait3A_97 = arith.constant 0 : i32
        %dma_wait3A_98 = tpu.memref_slice %arg5[%mul3A_54, %dma_wait3A_97] : memref<125x80xi32, #tpu.memory_space<vmem>> -> memref<1x80xi32, #tpu.memory_space<vmem>>
        %dma_wait3A_99 = tpu.memref_squeeze %dma_wait3A_98 : memref<1x80xi32, #tpu.memory_space<vmem>> -> memref<80xi32, #tpu.memory_space<vmem>>
        %dma_wait3A_100 = arith.constant 0 : i32
        %dma_wait3A_101 = arith.constant 0 : i32
        %dma_wait3A_102 = tpu.memref_slice %arg9[%dma_wait3A_100, %dma_wait3A_101] : memref<10000x128xf32, #tpu.memory_space<vmem_shared>> -> memref<10000x128xf32, #tpu.memory_space<vmem_shared>>
        tpu.wait_indirect_dma semaphore(%run_scoped3A_90 : memref<!tpu.dma_semaphore, #tpu.memory_space<semaphore_mem>>) src(%arg6 : memref<80x128xf32, #tpu.memory_space<vmem>>) dst(%dma_wait3A_102 : memref<10000x128xf32, #tpu.memory_space<vmem_shared>>)
        tpu.yield
      }) : () -> ()
      %mul3A_64 = arith.constant 2 : i32
      %mul3A_65 = arith.muli %mul3A_64, %scan3A_39 : i32
      %add3A_66 = arith.constant 2 : i32
      %add3A_67 = arith.addi %mul3A_65, %add3A_66 : i32
      %mul3A_68 = arith.constant 10000 : i32
      %mul3A_69 = arith.muli %add3A, %mul3A_68 : i32
      %mul3A_70 = arith.constant 80 : i32
      %mul3A_71 = arith.muli %add3A_67, %mul3A_70 : i32
      %add3A_72 = arith.addi %mul3A_69, %mul3A_71 : i32
      %dma_start3A_73 = arith.constant 0 : i32
      %dma_start3A_74 = tpu.memref_slice %arg2[%add3A_72, %dma_start3A_73] : memref<320000x128xf32, #tpu.memory_space<hbm>> -> memref<80x128xf32, #tpu.memory_space<hbm>>
      %dma_start3A_75 = arith.constant 0 : i32
      %dma_start3A_76 = tpu.memref_slice %arg2[%add3A_72, %dma_start3A_75] : memref<320000x128xf32, #tpu.memory_space<hbm>> -> memref<80x128xf32, #tpu.memory_space<hbm>>
      tpu.enqueue_dma source(%dma_start3A_76 : memref<80x128xf32, #tpu.memory_space<hbm>>) target(%arg6 : memref<80x128xf32, #tpu.memory_space<vmem>>) target_semaphore(%arg10 : memref<!tpu.dma_semaphore, #tpu.memory_space<semaphore_mem>>)
      %mul3A_77 = arith.constant 2 : i32
      %mul3A_78 = arith.muli %mul3A_77, %scan3A_39 : i32
      %add3A_79 = arith.constant 1 : i32
      %add3A_80 = arith.addi %mul3A_78, %add3A_79 : i32
      %mul3A_81 = arith.constant 10000 : i32
      %mul3A_82 = arith.muli %add3A, %mul3A_81 : i32
      %mul3A_83 = arith.constant 80 : i32
      %mul3A_84 = arith.muli %add3A_80, %mul3A_83 : i32
      %add3A_85 = arith.addi %mul3A_82, %mul3A_84 : i32
      %dma_wait3A_86 = arith.constant 0 : i32
      %dma_wait3A_87 = tpu.memref_slice %arg2[%add3A_85, %dma_wait3A_86] : memref<320000x128xf32, #tpu.memory_space<hbm>> -> memref<80x128xf32, #tpu.memory_space<hbm>>
      %dma_wait3A_88 = arith.constant 0 : i32
      %dma_wait3A_89 = tpu.memref_slice %arg2[%add3A_85, %dma_wait3A_88] : memref<320000x128xf32, #tpu.memory_space<hbm>> -> memref<80x128xf32, #tpu.memory_space<hbm>>
      tpu.wait_dma2 semaphore(%arg11 : memref<!tpu.dma_semaphore, #tpu.memory_space<semaphore_mem>>) src(%dma_wait3A_89 : memref<80x128xf32, #tpu.memory_space<hbm>>) dst(%arg7 : memref<80x128xf32, #tpu.memory_space<vmem>>)
      "tpu.region"() ({
        %run_scoped3A_90 = tpu.sem_alloc : memref<!tpu.dma_semaphore, #tpu.memory_space<semaphore_mem>>
        %dma_start3A_91 = arith.constant 0 : i32
        %dma_start3A_92 = tpu.memref_slice %arg5[%add3A_80, %dma_start3A_91] : memref<125x80xi32, #tpu.memory_space<vmem>> -> memref<1x80xi32, #tpu.memory_space<vmem>>
        %dma_start3A_93 = tpu.memref_squeeze %dma_start3A_92 : memref<1x80xi32, #tpu.memory_space<vmem>> -> memref<80xi32, #tpu.memory_space<vmem>>
        %dma_start3A_94 = arith.constant 0 : i32
        %dma_start3A_95 = arith.constant 0 : i32
        %dma_start3A_96 = tpu.memref_slice %arg9[%dma_start3A_94, %dma_start3A_95] : memref<10000x128xf32, #tpu.memory_space<vmem_shared>> -> memref<10000x128xf32, #tpu.memory_space<vmem_shared>>
        tpu.enqueue_indirect_dma source(%arg7 : memref<80x128xf32, #tpu.memory_space<vmem>>) target(%dma_start3A_96 : memref<10000x128xf32, #tpu.memory_space<vmem_shared>>) offsets(%dma_start3A_93 : memref<80xi32, #tpu.memory_space<vmem>>) semaphore(%run_scoped3A_90 : memref<!tpu.dma_semaphore, #tpu.memory_space<semaphore_mem>>) {add = true}
        %dma_wait3A_97 = arith.constant 0 : i32
        %dma_wait3A_98 = tpu.memref_slice %arg5[%add3A_80, %dma_wait3A_97] : memref<125x80xi32, #tpu.memory_space<vmem>> -> memref<1x80xi32, #tpu.memory_space<vmem>>
        %dma_wait3A_99 = tpu.memref_squeeze %dma_wait3A_98 : memref<1x80xi32, #tpu.memory_space<vmem>> -> memref<80xi32, #tpu.memory_space<vmem>>
        %dma_wait3A_100 = arith.constant 0 : i32
        %dma_wait3A_101 = arith.constant 0 : i32
        %dma_wait3A_102 = tpu.memref_slice %arg9[%dma_wait3A_100, %dma_wait3A_101] : memref<10000x128xf32, #tpu.memory_space<vmem_shared>> -> memref<10000x128xf32, #tpu.memory_space<vmem_shared>>
        tpu.wait_indirect_dma semaphore(%run_scoped3A_90 : memref<!tpu.dma_semaphore, #tpu.memory_space<semaphore_mem>>) src(%arg7 : memref<80x128xf32, #tpu.memory_space<vmem>>) dst(%dma_wait3A_102 : memref<10000x128xf32, #tpu.memory_space<vmem_shared>>)
        tpu.yield
      }) : () -> ()
    }
    %scan3A_24 = arith.constant 62 : i32
    %mul3A_25 = arith.constant 10000 : i32
    %mul3A_26 = arith.muli %add3A, %mul3A_25 : i32
    %add3A_27 = arith.constant 9920 : i32
    %add3A_28 = arith.addi %mul3A_26, %add3A_27 : i32
    %dma_wait3A = arith.constant 0 : i32
    %dma_wait3A_29 = tpu.memref_slice %arg2[%add3A_28, %dma_wait3A] : memref<320000x128xf32, #tpu.memory_space<hbm>> -> memref<80x128xf32, #tpu.memory_space<hbm>>
    %dma_wait3A_30 = arith.constant 0 : i32
    %dma_wait3A_31 = tpu.memref_slice %arg2[%add3A_28, %dma_wait3A_30] : memref<320000x128xf32, #tpu.memory_space<hbm>> -> memref<80x128xf32, #tpu.memory_space<hbm>>
    tpu.wait_dma2 semaphore(%arg10 : memref<!tpu.dma_semaphore, #tpu.memory_space<semaphore_mem>>) src(%dma_wait3A_31 : memref<80x128xf32, #tpu.memory_space<hbm>>) dst(%arg6 : memref<80x128xf32, #tpu.memory_space<vmem>>)
    %run_scoped3A = arith.constant 124 : i32
    "tpu.region"() ({
      %run_scoped3A_39 = tpu.sem_alloc : memref<!tpu.dma_semaphore, #tpu.memory_space<semaphore_mem>>
      %dma_start3A_40 = arith.constant 0 : i32
      %dma_start3A_41 = tpu.memref_slice %arg5[%run_scoped3A, %dma_start3A_40] : memref<125x80xi32, #tpu.memory_space<vmem>> -> memref<1x80xi32, #tpu.memory_space<vmem>>
      %dma_start3A_42 = tpu.memref_squeeze %dma_start3A_41 : memref<1x80xi32, #tpu.memory_space<vmem>> -> memref<80xi32, #tpu.memory_space<vmem>>
      %dma_start3A_43 = arith.constant 0 : i32
      %dma_start3A_44 = arith.constant 0 : i32
      %dma_start3A_45 = tpu.memref_slice %arg9[%dma_start3A_43, %dma_start3A_44] : memref<10000x128xf32, #tpu.memory_space<vmem_shared>> -> memref<10000x128xf32, #tpu.memory_space<vmem_shared>>
      tpu.enqueue_indirect_dma source(%arg6 : memref<80x128xf32, #tpu.memory_space<vmem>>) target(%dma_start3A_45 : memref<10000x128xf32, #tpu.memory_space<vmem_shared>>) offsets(%dma_start3A_42 : memref<80xi32, #tpu.memory_space<vmem>>) semaphore(%run_scoped3A_39 : memref<!tpu.dma_semaphore, #tpu.memory_space<semaphore_mem>>) {add = true}
      %dma_wait3A_46 = arith.constant 0 : i32
      %dma_wait3A_47 = tpu.memref_slice %arg5[%run_scoped3A, %dma_wait3A_46] : memref<125x80xi32, #tpu.memory_space<vmem>> -> memref<1x80xi32, #tpu.memory_space<vmem>>
      %dma_wait3A_48 = tpu.memref_squeeze %dma_wait3A_47 : memref<1x80xi32, #tpu.memory_space<vmem>> -> memref<80xi32, #tpu.memory_space<vmem>>
      %dma_wait3A_49 = arith.constant 0 : i32
      %dma_wait3A_50 = arith.constant 0 : i32
      %dma_wait3A_51 = tpu.memref_slice %arg9[%dma_wait3A_49, %dma_wait3A_50] : memref<10000x128xf32, #tpu.memory_space<vmem_shared>> -> memref<10000x128xf32, #tpu.memory_space<vmem_shared>>
      tpu.wait_indirect_dma semaphore(%run_scoped3A_39 : memref<!tpu.dma_semaphore, #tpu.memory_space<semaphore_mem>>) src(%arg6 : memref<80x128xf32, #tpu.memory_space<vmem>>) dst(%dma_wait3A_51 : memref<10000x128xf32, #tpu.memory_space<vmem_shared>>)
      tpu.yield
    }) : () -> ()
    %barrier3A_32 = arith.constant 0 : index
    tpu.barrier barrier_id(%barrier3A_32)
    %lt3A = arith.constant 15 : i32
    %lt3A_33 = arith.cmpi slt, %arg1, %lt3A : i32
    %convert_element_type3A = arith.extui %lt3A_33 : i1 to i32
    %cond3A = arith.constant 0 : i32
    %cond3A_34 = arith.cmpi ne, %convert_element_type3A, %cond3A : i32
    scf.if %cond3A_34 {
      %mul3A_39 = arith.constant 624 : i32
      %mul3A_40 = arith.muli %arg1, %mul3A_39 : i32
      %mul3A_41 = arith.constant 624 : i32
      %mul3A_42 = arith.muli %arg1, %mul3A_41 : i32
      "tpu.region"() ({
        %run_scoped3A_43 = tpu.sem_alloc : memref<!tpu.dma_semaphore, #tpu.memory_space<semaphore_mem>>
        %dma_start3A_44 = arith.constant 0 : i32
        %dma_start3A_45 = tpu.memref_slice %arg4[%arg0, %mul3A_42, %dma_start3A_44] : memref<2x10000x128xf32, #tpu.memory_space<hbm>> -> memref<1x624x128xf32, #tpu.memory_space<hbm>>
        %dma_start3A_46 = tpu.memref_squeeze %dma_start3A_45 : memref<1x624x128xf32, #tpu.memory_space<hbm>> -> memref<624x128xf32, #tpu.memory_space<hbm>>
        %dma_start3A_47 = arith.constant 0 : i32
        %dma_start3A_48 = tpu.memref_slice %arg9[%mul3A_40, %dma_start3A_47] : memref<10000x128xf32, #tpu.memory_space<vmem_shared>> -> memref<624x128xf32, #tpu.memory_space<vmem_shared>>
        tpu.enqueue_dma source(%dma_start3A_48 : memref<624x128xf32, #tpu.memory_space<vmem_shared>>) target(%dma_start3A_46 : memref<624x128xf32, #tpu.memory_space<hbm>>) target_semaphore(%run_scoped3A_43 : memref<!tpu.dma_semaphore, #tpu.memory_space<semaphore_mem>>)
        %dma_wait3A_49 = arith.constant 0 : i32
        %dma_wait3A_50 = tpu.memref_slice %arg4[%arg0, %mul3A_42, %dma_wait3A_49] : memref<2x10000x128xf32, #tpu.memory_space<hbm>> -> memref<1x624x128xf32, #tpu.memory_space<hbm>>
        %dma_wait3A_51 = tpu.memref_squeeze %dma_wait3A_50 : memref<1x624x128xf32, #tpu.memory_space<hbm>> -> memref<624x128xf32, #tpu.memory_space<hbm>>
        %dma_wait3A_52 = arith.constant 0 : i32
        %dma_wait3A_53 = tpu.memref_slice %arg9[%mul3A_40, %dma_wait3A_52] : memref<10000x128xf32, #tpu.memory_space<vmem_shared>> -> memref<624x128xf32, #tpu.memory_space<vmem_shared>>
        tpu.wait_dma2 semaphore(%run_scoped3A_43 : memref<!tpu.dma_semaphore, #tpu.memory_space<semaphore_mem>>) src(%dma_wait3A_53 : memref<624x128xf32, #tpu.memory_space<vmem_shared>>) dst(%dma_wait3A_51 : memref<624x128xf32, #tpu.memory_space<hbm>>)
        tpu.yield
      }) : () -> ()
    } else {
    }
    %eq3A = arith.constant 15 : i32
    %eq3A_35 = arith.cmpi eq, %arg1, %eq3A : i32
    %convert_element_type3A_36 = arith.extui %eq3A_35 : i1 to i32
    %cond3A_37 = arith.constant 0 : i32
    %cond3A_38 = arith.cmpi ne, %convert_element_type3A_36, %cond3A_37 : i32
    scf.if %cond3A_38 {
      "tpu.region"() ({
        %run_scoped3A_39 = tpu.sem_alloc : memref<!tpu.dma_semaphore, #tpu.memory_space<semaphore_mem>>
        %dma_start3A_40 = arith.constant 9360 : i32
        %dma_start3A_41 = arith.constant 0 : i32
        %dma_start3A_42 = tpu.memref_slice %arg4[%arg0, %dma_start3A_40, %dma_start3A_41] : memref<2x10000x128xf32, #tpu.memory_space<hbm>> -> memref<1x640x128xf32, #tpu.memory_space<hbm>>
        %dma_start3A_43 = tpu.memref_squeeze %dma_start3A_42 : memref<1x640x128xf32, #tpu.memory_space<hbm>> -> memref<640x128xf32, #tpu.memory_space<hbm>>
        %dma_start3A_44 = arith.constant 9360 : i32
        %dma_start3A_45 = arith.constant 0 : i32
        %dma_start3A_46 = tpu.memref_slice %arg9[%dma_start3A_44, %dma_start3A_45] : memref<10000x128xf32, #tpu.memory_space<vmem_shared>> -> memref<640x128xf32, #tpu.memory_space<vmem_shared>>
        tpu.enqueue_dma source(%dma_start3A_46 : memref<640x128xf32, #tpu.memory_space<vmem_shared>>) target(%dma_start3A_43 : memref<640x128xf32, #tpu.memory_space<hbm>>) target_semaphore(%run_scoped3A_39 : memref<!tpu.dma_semaphore, #tpu.memory_space<semaphore_mem>>)
        %dma_wait3A_47 = arith.constant 9360 : i32
        %dma_wait3A_48 = arith.constant 0 : i32
        %dma_wait3A_49 = tpu.memref_slice %arg4[%arg0, %dma_wait3A_47, %dma_wait3A_48] : memref<2x10000x128xf32, #tpu.memory_space<hbm>> -> memref<1x640x128xf32, #tpu.memory_space<hbm>>
        %dma_wait3A_50 = tpu.memref_squeeze %dma_wait3A_49 : memref<1x640x128xf32, #tpu.memory_space<hbm>> -> memref<640x128xf32, #tpu.memory_space<hbm>>
        %dma_wait3A_51 = arith.constant 9360 : i32
        %dma_wait3A_52 = arith.constant 0 : i32
        %dma_wait3A_53 = tpu.memref_slice %arg9[%dma_wait3A_51, %dma_wait3A_52] : memref<10000x128xf32, #tpu.memory_space<vmem_shared>> -> memref<640x128xf32, #tpu.memory_space<vmem_shared>>
        tpu.wait_dma2 semaphore(%run_scoped3A_39 : memref<!tpu.dma_semaphore, #tpu.memory_space<semaphore_mem>>) src(%dma_wait3A_53 : memref<640x128xf32, #tpu.memory_space<vmem_shared>>) dst(%dma_wait3A_50 : memref<640x128xf32, #tpu.memory_space<hbm>>)
        tpu.yield
      }) : () -> ()
    } else {
    }
    return
  }
}

#map = affine_map<(d0, d1) -> (0, 0)>
#map1 = affine_map<(d0, d1) -> (0, 0, 0)>
module attributes {stable_mosaic.version = 14 : i64} {
  func.func @k(%arg0: i32, %arg1: i32, %arg2: memref<10000x128xi32, #tpu.memory_space<hbm>>, %arg3: memref<10000x128xi32, #tpu.memory_space<hbm>>, %arg4: memref<32x125x80xi32, #tpu.memory_space<hbm>>, %arg5: memref<32x125x80xi32, #tpu.memory_space<hbm>>, %arg6: memref<320000x128xi32, #tpu.memory_space<hbm>>, %arg7: memref<320000x128xi32, #tpu.memory_space<hbm>>, %arg8: memref<125x80xi32, #tpu.memory_space<vmem>>, %arg9: memref<125x80xi32, #tpu.memory_space<vmem>>, %arg10: memref<80x128xi32, #tpu.memory_space<vmem>>, %arg11: memref<80x128xi32, #tpu.memory_space<vmem>>, %arg12: memref<80x128xi32, #tpu.memory_space<vmem>>, %arg13: memref<80x128xi32, #tpu.memory_space<vmem>>, %arg14: memref<!tpu.dma_semaphore, #tpu.memory_space<semaphore_mem>>, %arg15: memref<!tpu.dma_semaphore, #tpu.memory_space<semaphore_mem>>, %arg16: memref<!tpu.dma_semaphore, #tpu.memory_space<semaphore_mem>>, %arg17: memref<!tpu.dma_semaphore, #tpu.memory_space<semaphore_mem>>) attributes {dimension_semantics = [#tpu.dimension_semantics<core_parallel>, #tpu.dimension_semantics<subcore_parallel>], iteration_bounds = array<i64: 2, 16>, scalar_prefetch = 0 : i64, scratch_operands = 10 : i64, tpu.core_type = #tpu.core_type<sc_vector_subcore>, window_params = [{transform_indices = #map}, {transform_indices = #map}, {transform_indices = #map1}, {transform_indices = #map1}, {transform_indices = #map}, {transform_indices = #map}]} {
    %mul3A = arith.constant 16 : i32
    %mul3A_0 = arith.muli %arg0, %mul3A : i32
    %add3A = arith.addi %mul3A_0, %arg1 : i32
    %mul3A_1 = arith.constant 10000 : i32
    %mul3A_2 = arith.muli %add3A, %mul3A_1 : i32
    "tpu.region"() ({
      %run_scoped3A = tpu.sem_alloc : memref<!tpu.dma_semaphore, #tpu.memory_space<semaphore_mem>>
      %dma_start3A_36 = arith.constant 0 : i32
      %dma_start3A_37 = arith.constant 0 : i32
      %dma_start3A_38 = tpu.memref_slice %arg4[%add3A, %dma_start3A_36, %dma_start3A_37] : memref<32x125x80xi32, #tpu.memory_space<hbm>> -> memref<1x125x80xi32, #tpu.memory_space<hbm>>
      %dma_start3A_39 = tpu.memref_squeeze %dma_start3A_38 : memref<1x125x80xi32, #tpu.memory_space<hbm>> -> memref<125x80xi32, #tpu.memory_space<hbm>>
      %dma_start3A_40 = arith.constant 0 : i32
      %dma_start3A_41 = arith.constant 0 : i32
      %dma_start3A_42 = tpu.memref_slice %arg4[%add3A, %dma_start3A_40, %dma_start3A_41] : memref<32x125x80xi32, #tpu.memory_space<hbm>> -> memref<1x125x80xi32, #tpu.memory_space<hbm>>
      %dma_start3A_43 = tpu.memref_squeeze %dma_start3A_42 : memref<1x125x80xi32, #tpu.memory_space<hbm>> -> memref<125x80xi32, #tpu.memory_space<hbm>>
      tpu.enqueue_dma source(%dma_start3A_43 : memref<125x80xi32, #tpu.memory_space<hbm>>) target(%arg8 : memref<125x80xi32, #tpu.memory_space<vmem>>) target_semaphore(%run_scoped3A : memref<!tpu.dma_semaphore, #tpu.memory_space<semaphore_mem>>)
      %dma_wait3A_44 = arith.constant 0 : i32
      %dma_wait3A_45 = arith.constant 0 : i32
      %dma_wait3A_46 = tpu.memref_slice %arg4[%add3A, %dma_wait3A_44, %dma_wait3A_45] : memref<32x125x80xi32, #tpu.memory_space<hbm>> -> memref<1x125x80xi32, #tpu.memory_space<hbm>>
      %dma_wait3A_47 = tpu.memref_squeeze %dma_wait3A_46 : memref<1x125x80xi32, #tpu.memory_space<hbm>> -> memref<125x80xi32, #tpu.memory_space<hbm>>
      %dma_wait3A_48 = arith.constant 0 : i32
      %dma_wait3A_49 = arith.constant 0 : i32
      %dma_wait3A_50 = tpu.memref_slice %arg4[%add3A, %dma_wait3A_48, %dma_wait3A_49] : memref<32x125x80xi32, #tpu.memory_space<hbm>> -> memref<1x125x80xi32, #tpu.memory_space<hbm>>
      %dma_wait3A_51 = tpu.memref_squeeze %dma_wait3A_50 : memref<1x125x80xi32, #tpu.memory_space<hbm>> -> memref<125x80xi32, #tpu.memory_space<hbm>>
      tpu.wait_dma2 semaphore(%run_scoped3A : memref<!tpu.dma_semaphore, #tpu.memory_space<semaphore_mem>>) src(%dma_wait3A_51 : memref<125x80xi32, #tpu.memory_space<hbm>>) dst(%arg8 : memref<125x80xi32, #tpu.memory_space<vmem>>)
      tpu.yield
    }) : () -> ()
    "tpu.region"() ({
      %run_scoped3A = tpu.sem_alloc : memref<!tpu.dma_semaphore, #tpu.memory_space<semaphore_mem>>
      %dma_start3A_36 = arith.constant 0 : i32
      %dma_start3A_37 = arith.constant 0 : i32
      %dma_start3A_38 = tpu.memref_slice %arg5[%add3A, %dma_start3A_36, %dma_start3A_37] : memref<32x125x80xi32, #tpu.memory_space<hbm>> -> memref<1x125x80xi32, #tpu.memory_space<hbm>>
      %dma_start3A_39 = tpu.memref_squeeze %dma_start3A_38 : memref<1x125x80xi32, #tpu.memory_space<hbm>> -> memref<125x80xi32, #tpu.memory_space<hbm>>
      %dma_start3A_40 = arith.constant 0 : i32
      %dma_start3A_41 = arith.constant 0 : i32
      %dma_start3A_42 = tpu.memref_slice %arg5[%add3A, %dma_start3A_40, %dma_start3A_41] : memref<32x125x80xi32, #tpu.memory_space<hbm>> -> memref<1x125x80xi32, #tpu.memory_space<hbm>>
      %dma_start3A_43 = tpu.memref_squeeze %dma_start3A_42 : memref<1x125x80xi32, #tpu.memory_space<hbm>> -> memref<125x80xi32, #tpu.memory_space<hbm>>
      tpu.enqueue_dma source(%dma_start3A_43 : memref<125x80xi32, #tpu.memory_space<hbm>>) target(%arg9 : memref<125x80xi32, #tpu.memory_space<vmem>>) target_semaphore(%run_scoped3A : memref<!tpu.dma_semaphore, #tpu.memory_space<semaphore_mem>>)
      %dma_wait3A_44 = arith.constant 0 : i32
      %dma_wait3A_45 = arith.constant 0 : i32
      %dma_wait3A_46 = tpu.memref_slice %arg5[%add3A, %dma_wait3A_44, %dma_wait3A_45] : memref<32x125x80xi32, #tpu.memory_space<hbm>> -> memref<1x125x80xi32, #tpu.memory_space<hbm>>
      %dma_wait3A_47 = tpu.memref_squeeze %dma_wait3A_46 : memref<1x125x80xi32, #tpu.memory_space<hbm>> -> memref<125x80xi32, #tpu.memory_space<hbm>>
      %dma_wait3A_48 = arith.constant 0 : i32
      %dma_wait3A_49 = arith.constant 0 : i32
      %dma_wait3A_50 = tpu.memref_slice %arg5[%add3A, %dma_wait3A_48, %dma_wait3A_49] : memref<32x125x80xi32, #tpu.memory_space<hbm>> -> memref<1x125x80xi32, #tpu.memory_space<hbm>>
      %dma_wait3A_51 = tpu.memref_squeeze %dma_wait3A_50 : memref<1x125x80xi32, #tpu.memory_space<hbm>> -> memref<125x80xi32, #tpu.memory_space<hbm>>
      tpu.wait_dma2 semaphore(%run_scoped3A : memref<!tpu.dma_semaphore, #tpu.memory_space<semaphore_mem>>) src(%dma_wait3A_51 : memref<125x80xi32, #tpu.memory_space<hbm>>) dst(%arg9 : memref<125x80xi32, #tpu.memory_space<vmem>>)
      tpu.yield
    }) : () -> ()
    %dma_start3A = arith.constant 0 : i32
    %dma_start3A_3 = arith.constant 0 : i32
    %dma_start3A_4 = tpu.memref_slice %arg8[%dma_start3A, %dma_start3A_3] : memref<125x80xi32, #tpu.memory_space<vmem>> -> memref<1x80xi32, #tpu.memory_space<vmem>>
    %dma_start3A_5 = tpu.memref_squeeze %dma_start3A_4 : memref<1x80xi32, #tpu.memory_space<vmem>> -> memref<80xi32, #tpu.memory_space<vmem>>
    %dma_start3A_6 = arith.constant 0 : i32
    %dma_start3A_7 = arith.constant 0 : i32
    %dma_start3A_8 = tpu.memref_slice %arg2[%dma_start3A_6, %dma_start3A_7] : memref<10000x128xi32, #tpu.memory_space<hbm>> -> memref<10000x128xi32, #tpu.memory_space<hbm>>
    tpu.enqueue_indirect_dma source(%dma_start3A_8 : memref<10000x128xi32, #tpu.memory_space<hbm>>) target(%arg10 : memref<80x128xi32, #tpu.memory_space<vmem>>) offsets(%dma_start3A_5 : memref<80xi32, #tpu.memory_space<vmem>>) semaphore(%arg14 : memref<!tpu.dma_semaphore, #tpu.memory_space<semaphore_mem>>)
    %dma_start3A_9 = arith.constant 0 : i32
    %dma_start3A_10 = arith.constant 0 : i32
    %dma_start3A_11 = tpu.memref_slice %arg9[%dma_start3A_9, %dma_start3A_10] : memref<125x80xi32, #tpu.memory_space<vmem>> -> memref<1x80xi32, #tpu.memory_space<vmem>>
    %dma_start3A_12 = tpu.memref_squeeze %dma_start3A_11 : memref<1x80xi32, #tpu.memory_space<vmem>> -> memref<80xi32, #tpu.memory_space<vmem>>
    %dma_start3A_13 = arith.constant 0 : i32
    %dma_start3A_14 = arith.constant 0 : i32
    %dma_start3A_15 = tpu.memref_slice %arg3[%dma_start3A_13, %dma_start3A_14] : memref<10000x128xi32, #tpu.memory_space<hbm>> -> memref<10000x128xi32, #tpu.memory_space<hbm>>
    tpu.enqueue_indirect_dma source(%dma_start3A_15 : memref<10000x128xi32, #tpu.memory_space<hbm>>) target(%arg11 : memref<80x128xi32, #tpu.memory_space<vmem>>) offsets(%dma_start3A_12 : memref<80xi32, #tpu.memory_space<vmem>>) semaphore(%arg15 : memref<!tpu.dma_semaphore, #tpu.memory_space<semaphore_mem>>)
    %scan3A = arith.constant 0 : i32
    %scan3A_16 = arith.constant 0 : i32
    %scan3A_17 = arith.constant 62 : i32
    %scan3A_18 = arith.addi %scan3A_16, %scan3A_17 : i32
    %scan3A_19 = arith.constant 1 : i32
    scf.for %scan3A_36 = %scan3A_16 to %scan3A_18 step %scan3A_19  : i32 {
      %mul3A_37 = arith.constant 2 : i32
      %mul3A_38 = arith.muli %mul3A_37, %scan3A_36 : i32
      %add3A_39 = arith.constant 1 : i32
      %add3A_40 = arith.addi %mul3A_38, %add3A_39 : i32
      %dma_start3A_41 = arith.constant 0 : i32
      %dma_start3A_42 = tpu.memref_slice %arg8[%add3A_40, %dma_start3A_41] : memref<125x80xi32, #tpu.memory_space<vmem>> -> memref<1x80xi32, #tpu.memory_space<vmem>>
      %dma_start3A_43 = tpu.memref_squeeze %dma_start3A_42 : memref<1x80xi32, #tpu.memory_space<vmem>> -> memref<80xi32, #tpu.memory_space<vmem>>
      %dma_start3A_44 = arith.constant 0 : i32
      %dma_start3A_45 = arith.constant 0 : i32
      %dma_start3A_46 = tpu.memref_slice %arg2[%dma_start3A_44, %dma_start3A_45] : memref<10000x128xi32, #tpu.memory_space<hbm>> -> memref<10000x128xi32, #tpu.memory_space<hbm>>
      tpu.enqueue_indirect_dma source(%dma_start3A_46 : memref<10000x128xi32, #tpu.memory_space<hbm>>) target(%arg12 : memref<80x128xi32, #tpu.memory_space<vmem>>) offsets(%dma_start3A_43 : memref<80xi32, #tpu.memory_space<vmem>>) semaphore(%arg16 : memref<!tpu.dma_semaphore, #tpu.memory_space<semaphore_mem>>)
      %dma_start3A_47 = arith.constant 0 : i32
      %dma_start3A_48 = tpu.memref_slice %arg9[%add3A_40, %dma_start3A_47] : memref<125x80xi32, #tpu.memory_space<vmem>> -> memref<1x80xi32, #tpu.memory_space<vmem>>
      %dma_start3A_49 = tpu.memref_squeeze %dma_start3A_48 : memref<1x80xi32, #tpu.memory_space<vmem>> -> memref<80xi32, #tpu.memory_space<vmem>>
      %dma_start3A_50 = arith.constant 0 : i32
      %dma_start3A_51 = arith.constant 0 : i32
      %dma_start3A_52 = tpu.memref_slice %arg3[%dma_start3A_50, %dma_start3A_51] : memref<10000x128xi32, #tpu.memory_space<hbm>> -> memref<10000x128xi32, #tpu.memory_space<hbm>>
      tpu.enqueue_indirect_dma source(%dma_start3A_52 : memref<10000x128xi32, #tpu.memory_space<hbm>>) target(%arg13 : memref<80x128xi32, #tpu.memory_space<vmem>>) offsets(%dma_start3A_49 : memref<80xi32, #tpu.memory_space<vmem>>) semaphore(%arg17 : memref<!tpu.dma_semaphore, #tpu.memory_space<semaphore_mem>>)
      %mul3A_53 = arith.constant 2 : i32
      %mul3A_54 = arith.muli %mul3A_53, %scan3A_36 : i32
      %mul3A_55 = arith.constant 80 : i32
      %mul3A_56 = arith.muli %mul3A_54, %mul3A_55 : i32
      %add3A_57 = arith.addi %mul3A_2, %mul3A_56 : i32
      %dma_wait3A_58 = arith.constant 0 : i32
      %dma_wait3A_59 = tpu.memref_slice %arg8[%mul3A_54, %dma_wait3A_58] : memref<125x80xi32, #tpu.memory_space<vmem>> -> memref<1x80xi32, #tpu.memory_space<vmem>>
      %dma_wait3A_60 = tpu.memref_squeeze %dma_wait3A_59 : memref<1x80xi32, #tpu.memory_space<vmem>> -> memref<80xi32, #tpu.memory_space<vmem>>
      %dma_wait3A_61 = arith.constant 0 : i32
      %dma_wait3A_62 = arith.constant 0 : i32
      %dma_wait3A_63 = tpu.memref_slice %arg2[%dma_wait3A_61, %dma_wait3A_62] : memref<10000x128xi32, #tpu.memory_space<hbm>> -> memref<10000x128xi32, #tpu.memory_space<hbm>>
      tpu.wait_indirect_dma semaphore(%arg14 : memref<!tpu.dma_semaphore, #tpu.memory_space<semaphore_mem>>) src(%dma_wait3A_63 : memref<10000x128xi32, #tpu.memory_space<hbm>>) dst(%arg10 : memref<80x128xi32, #tpu.memory_space<vmem>>)
      "tpu.region"() ({
        %run_scoped3A = tpu.sem_alloc : memref<!tpu.dma_semaphore, #tpu.memory_space<semaphore_mem>>
        %dma_start3A_105 = arith.constant 0 : i32
        %dma_start3A_106 = tpu.memref_slice %arg6[%add3A_57, %dma_start3A_105] : memref<320000x128xi32, #tpu.memory_space<hbm>> -> memref<80x128xi32, #tpu.memory_space<hbm>>
        %dma_start3A_107 = arith.constant 0 : i32
        %dma_start3A_108 = tpu.memref_slice %arg6[%add3A_57, %dma_start3A_107] : memref<320000x128xi32, #tpu.memory_space<hbm>> -> memref<80x128xi32, #tpu.memory_space<hbm>>
        tpu.enqueue_dma source(%arg10 : memref<80x128xi32, #tpu.memory_space<vmem>>) target(%dma_start3A_108 : memref<80x128xi32, #tpu.memory_space<hbm>>) target_semaphore(%run_scoped3A : memref<!tpu.dma_semaphore, #tpu.memory_space<semaphore_mem>>)
        %dma_wait3A_109 = arith.constant 0 : i32
        %dma_wait3A_110 = tpu.memref_slice %arg6[%add3A_57, %dma_wait3A_109] : memref<320000x128xi32, #tpu.memory_space<hbm>> -> memref<80x128xi32, #tpu.memory_space<hbm>>
        %dma_wait3A_111 = arith.constant 0 : i32
        %dma_wait3A_112 = tpu.memref_slice %arg6[%add3A_57, %dma_wait3A_111] : memref<320000x128xi32, #tpu.memory_space<hbm>> -> memref<80x128xi32, #tpu.memory_space<hbm>>
        tpu.wait_dma2 semaphore(%run_scoped3A : memref<!tpu.dma_semaphore, #tpu.memory_space<semaphore_mem>>) src(%arg10 : memref<80x128xi32, #tpu.memory_space<vmem>>) dst(%dma_wait3A_112 : memref<80x128xi32, #tpu.memory_space<hbm>>)
        tpu.yield
      }) : () -> ()
      %dma_wait3A_64 = arith.constant 0 : i32
      %dma_wait3A_65 = tpu.memref_slice %arg9[%mul3A_54, %dma_wait3A_64] : memref<125x80xi32, #tpu.memory_space<vmem>> -> memref<1x80xi32, #tpu.memory_space<vmem>>
      %dma_wait3A_66 = tpu.memref_squeeze %dma_wait3A_65 : memref<1x80xi32, #tpu.memory_space<vmem>> -> memref<80xi32, #tpu.memory_space<vmem>>
      %dma_wait3A_67 = arith.constant 0 : i32
      %dma_wait3A_68 = arith.constant 0 : i32
      %dma_wait3A_69 = tpu.memref_slice %arg3[%dma_wait3A_67, %dma_wait3A_68] : memref<10000x128xi32, #tpu.memory_space<hbm>> -> memref<10000x128xi32, #tpu.memory_space<hbm>>
      tpu.wait_indirect_dma semaphore(%arg15 : memref<!tpu.dma_semaphore, #tpu.memory_space<semaphore_mem>>) src(%dma_wait3A_69 : memref<10000x128xi32, #tpu.memory_space<hbm>>) dst(%arg11 : memref<80x128xi32, #tpu.memory_space<vmem>>)
      "tpu.region"() ({
        %run_scoped3A = tpu.sem_alloc : memref<!tpu.dma_semaphore, #tpu.memory_space<semaphore_mem>>
        %dma_start3A_105 = arith.constant 0 : i32
        %dma_start3A_106 = tpu.memref_slice %arg7[%add3A_57, %dma_start3A_105] : memref<320000x128xi32, #tpu.memory_space<hbm>> -> memref<80x128xi32, #tpu.memory_space<hbm>>
        %dma_start3A_107 = arith.constant 0 : i32
        %dma_start3A_108 = tpu.memref_slice %arg7[%add3A_57, %dma_start3A_107] : memref<320000x128xi32, #tpu.memory_space<hbm>> -> memref<80x128xi32, #tpu.memory_space<hbm>>
        tpu.enqueue_dma source(%arg11 : memref<80x128xi32, #tpu.memory_space<vmem>>) target(%dma_start3A_108 : memref<80x128xi32, #tpu.memory_space<hbm>>) target_semaphore(%run_scoped3A : memref<!tpu.dma_semaphore, #tpu.memory_space<semaphore_mem>>)
        %dma_wait3A_109 = arith.constant 0 : i32
        %dma_wait3A_110 = tpu.memref_slice %arg7[%add3A_57, %dma_wait3A_109] : memref<320000x128xi32, #tpu.memory_space<hbm>> -> memref<80x128xi32, #tpu.memory_space<hbm>>
        %dma_wait3A_111 = arith.constant 0 : i32
        %dma_wait3A_112 = tpu.memref_slice %arg7[%add3A_57, %dma_wait3A_111] : memref<320000x128xi32, #tpu.memory_space<hbm>> -> memref<80x128xi32, #tpu.memory_space<hbm>>
        tpu.wait_dma2 semaphore(%run_scoped3A : memref<!tpu.dma_semaphore, #tpu.memory_space<semaphore_mem>>) src(%arg11 : memref<80x128xi32, #tpu.memory_space<vmem>>) dst(%dma_wait3A_112 : memref<80x128xi32, #tpu.memory_space<hbm>>)
        tpu.yield
      }) : () -> ()
      %mul3A_70 = arith.constant 2 : i32
      %mul3A_71 = arith.muli %mul3A_70, %scan3A_36 : i32
      %add3A_72 = arith.constant 2 : i32
      %add3A_73 = arith.addi %mul3A_71, %add3A_72 : i32
      %dma_start3A_74 = arith.constant 0 : i32
      %dma_start3A_75 = tpu.memref_slice %arg8[%add3A_73, %dma_start3A_74] : memref<125x80xi32, #tpu.memory_space<vmem>> -> memref<1x80xi32, #tpu.memory_space<vmem>>
      %dma_start3A_76 = tpu.memref_squeeze %dma_start3A_75 : memref<1x80xi32, #tpu.memory_space<vmem>> -> memref<80xi32, #tpu.memory_space<vmem>>
      %dma_start3A_77 = arith.constant 0 : i32
      %dma_start3A_78 = arith.constant 0 : i32
      %dma_start3A_79 = tpu.memref_slice %arg2[%dma_start3A_77, %dma_start3A_78] : memref<10000x128xi32, #tpu.memory_space<hbm>> -> memref<10000x128xi32, #tpu.memory_space<hbm>>
      tpu.enqueue_indirect_dma source(%dma_start3A_79 : memref<10000x128xi32, #tpu.memory_space<hbm>>) target(%arg10 : memref<80x128xi32, #tpu.memory_space<vmem>>) offsets(%dma_start3A_76 : memref<80xi32, #tpu.memory_space<vmem>>) semaphore(%arg14 : memref<!tpu.dma_semaphore, #tpu.memory_space<semaphore_mem>>)
      %dma_start3A_80 = arith.constant 0 : i32
      %dma_start3A_81 = tpu.memref_slice %arg9[%add3A_73, %dma_start3A_80] : memref<125x80xi32, #tpu.memory_space<vmem>> -> memref<1x80xi32, #tpu.memory_space<vmem>>
      %dma_start3A_82 = tpu.memref_squeeze %dma_start3A_81 : memref<1x80xi32, #tpu.memory_space<vmem>> -> memref<80xi32, #tpu.memory_space<vmem>>
      %dma_start3A_83 = arith.constant 0 : i32
      %dma_start3A_84 = arith.constant 0 : i32
      %dma_start3A_85 = tpu.memref_slice %arg3[%dma_start3A_83, %dma_start3A_84] : memref<10000x128xi32, #tpu.memory_space<hbm>> -> memref<10000x128xi32, #tpu.memory_space<hbm>>
      tpu.enqueue_indirect_dma source(%dma_start3A_85 : memref<10000x128xi32, #tpu.memory_space<hbm>>) target(%arg11 : memref<80x128xi32, #tpu.memory_space<vmem>>) offsets(%dma_start3A_82 : memref<80xi32, #tpu.memory_space<vmem>>) semaphore(%arg15 : memref<!tpu.dma_semaphore, #tpu.memory_space<semaphore_mem>>)
      %mul3A_86 = arith.constant 2 : i32
      %mul3A_87 = arith.muli %mul3A_86, %scan3A_36 : i32
      %add3A_88 = arith.constant 1 : i32
      %add3A_89 = arith.addi %mul3A_87, %add3A_88 : i32
      %mul3A_90 = arith.constant 80 : i32
      %mul3A_91 = arith.muli %add3A_89, %mul3A_90 : i32
      %add3A_92 = arith.addi %mul3A_2, %mul3A_91 : i32
      %dma_wait3A_93 = arith.constant 0 : i32
      %dma_wait3A_94 = tpu.memref_slice %arg8[%add3A_89, %dma_wait3A_93] : memref<125x80xi32, #tpu.memory_space<vmem>> -> memref<1x80xi32, #tpu.memory_space<vmem>>
      %dma_wait3A_95 = tpu.memref_squeeze %dma_wait3A_94 : memref<1x80xi32, #tpu.memory_space<vmem>> -> memref<80xi32, #tpu.memory_space<vmem>>
      %dma_wait3A_96 = arith.constant 0 : i32
      %dma_wait3A_97 = arith.constant 0 : i32
      %dma_wait3A_98 = tpu.memref_slice %arg2[%dma_wait3A_96, %dma_wait3A_97] : memref<10000x128xi32, #tpu.memory_space<hbm>> -> memref<10000x128xi32, #tpu.memory_space<hbm>>
      tpu.wait_indirect_dma semaphore(%arg16 : memref<!tpu.dma_semaphore, #tpu.memory_space<semaphore_mem>>) src(%dma_wait3A_98 : memref<10000x128xi32, #tpu.memory_space<hbm>>) dst(%arg12 : memref<80x128xi32, #tpu.memory_space<vmem>>)
      "tpu.region"() ({
        %run_scoped3A = tpu.sem_alloc : memref<!tpu.dma_semaphore, #tpu.memory_space<semaphore_mem>>
        %dma_start3A_105 = arith.constant 0 : i32
        %dma_start3A_106 = tpu.memref_slice %arg6[%add3A_92, %dma_start3A_105] : memref<320000x128xi32, #tpu.memory_space<hbm>> -> memref<80x128xi32, #tpu.memory_space<hbm>>
        %dma_start3A_107 = arith.constant 0 : i32
        %dma_start3A_108 = tpu.memref_slice %arg6[%add3A_92, %dma_start3A_107] : memref<320000x128xi32, #tpu.memory_space<hbm>> -> memref<80x128xi32, #tpu.memory_space<hbm>>
        tpu.enqueue_dma source(%arg12 : memref<80x128xi32, #tpu.memory_space<vmem>>) target(%dma_start3A_108 : memref<80x128xi32, #tpu.memory_space<hbm>>) target_semaphore(%run_scoped3A : memref<!tpu.dma_semaphore, #tpu.memory_space<semaphore_mem>>)
        %dma_wait3A_109 = arith.constant 0 : i32
        %dma_wait3A_110 = tpu.memref_slice %arg6[%add3A_92, %dma_wait3A_109] : memref<320000x128xi32, #tpu.memory_space<hbm>> -> memref<80x128xi32, #tpu.memory_space<hbm>>
        %dma_wait3A_111 = arith.constant 0 : i32
        %dma_wait3A_112 = tpu.memref_slice %arg6[%add3A_92, %dma_wait3A_111] : memref<320000x128xi32, #tpu.memory_space<hbm>> -> memref<80x128xi32, #tpu.memory_space<hbm>>
        tpu.wait_dma2 semaphore(%run_scoped3A : memref<!tpu.dma_semaphore, #tpu.memory_space<semaphore_mem>>) src(%arg12 : memref<80x128xi32, #tpu.memory_space<vmem>>) dst(%dma_wait3A_112 : memref<80x128xi32, #tpu.memory_space<hbm>>)
        tpu.yield
      }) : () -> ()
      %dma_wait3A_99 = arith.constant 0 : i32
      %dma_wait3A_100 = tpu.memref_slice %arg9[%add3A_89, %dma_wait3A_99] : memref<125x80xi32, #tpu.memory_space<vmem>> -> memref<1x80xi32, #tpu.memory_space<vmem>>
      %dma_wait3A_101 = tpu.memref_squeeze %dma_wait3A_100 : memref<1x80xi32, #tpu.memory_space<vmem>> -> memref<80xi32, #tpu.memory_space<vmem>>
      %dma_wait3A_102 = arith.constant 0 : i32
      %dma_wait3A_103 = arith.constant 0 : i32
      %dma_wait3A_104 = tpu.memref_slice %arg3[%dma_wait3A_102, %dma_wait3A_103] : memref<10000x128xi32, #tpu.memory_space<hbm>> -> memref<10000x128xi32, #tpu.memory_space<hbm>>
      tpu.wait_indirect_dma semaphore(%arg17 : memref<!tpu.dma_semaphore, #tpu.memory_space<semaphore_mem>>) src(%dma_wait3A_104 : memref<10000x128xi32, #tpu.memory_space<hbm>>) dst(%arg13 : memref<80x128xi32, #tpu.memory_space<vmem>>)
      "tpu.region"() ({
        %run_scoped3A = tpu.sem_alloc : memref<!tpu.dma_semaphore, #tpu.memory_space<semaphore_mem>>
        %dma_start3A_105 = arith.constant 0 : i32
        %dma_start3A_106 = tpu.memref_slice %arg7[%add3A_92, %dma_start3A_105] : memref<320000x128xi32, #tpu.memory_space<hbm>> -> memref<80x128xi32, #tpu.memory_space<hbm>>
        %dma_start3A_107 = arith.constant 0 : i32
        %dma_start3A_108 = tpu.memref_slice %arg7[%add3A_92, %dma_start3A_107] : memref<320000x128xi32, #tpu.memory_space<hbm>> -> memref<80x128xi32, #tpu.memory_space<hbm>>
        tpu.enqueue_dma source(%arg13 : memref<80x128xi32, #tpu.memory_space<vmem>>) target(%dma_start3A_108 : memref<80x128xi32, #tpu.memory_space<hbm>>) target_semaphore(%run_scoped3A : memref<!tpu.dma_semaphore, #tpu.memory_space<semaphore_mem>>)
        %dma_wait3A_109 = arith.constant 0 : i32
        %dma_wait3A_110 = tpu.memref_slice %arg7[%add3A_92, %dma_wait3A_109] : memref<320000x128xi32, #tpu.memory_space<hbm>> -> memref<80x128xi32, #tpu.memory_space<hbm>>
        %dma_wait3A_111 = arith.constant 0 : i32
        %dma_wait3A_112 = tpu.memref_slice %arg7[%add3A_92, %dma_wait3A_111] : memref<320000x128xi32, #tpu.memory_space<hbm>> -> memref<80x128xi32, #tpu.memory_space<hbm>>
        tpu.wait_dma2 semaphore(%run_scoped3A : memref<!tpu.dma_semaphore, #tpu.memory_space<semaphore_mem>>) src(%arg13 : memref<80x128xi32, #tpu.memory_space<vmem>>) dst(%dma_wait3A_112 : memref<80x128xi32, #tpu.memory_space<hbm>>)
        tpu.yield
      }) : () -> ()
    }
    %scan3A_20 = arith.constant 62 : i32
    %add3A_21 = arith.constant 9920 : i32
    %add3A_22 = arith.addi %mul3A_2, %add3A_21 : i32
    %dma_wait3A = arith.constant 124 : i32
    %dma_wait3A_23 = arith.constant 0 : i32
    %dma_wait3A_24 = tpu.memref_slice %arg8[%dma_wait3A, %dma_wait3A_23] : memref<125x80xi32, #tpu.memory_space<vmem>> -> memref<1x80xi32, #tpu.memory_space<vmem>>
    %dma_wait3A_25 = tpu.memref_squeeze %dma_wait3A_24 : memref<1x80xi32, #tpu.memory_space<vmem>> -> memref<80xi32, #tpu.memory_space<vmem>>
    %dma_wait3A_26 = arith.constant 0 : i32
    %dma_wait3A_27 = arith.constant 0 : i32
    %dma_wait3A_28 = tpu.memref_slice %arg2[%dma_wait3A_26, %dma_wait3A_27] : memref<10000x128xi32, #tpu.memory_space<hbm>> -> memref<10000x128xi32, #tpu.memory_space<hbm>>
    tpu.wait_indirect_dma semaphore(%arg14 : memref<!tpu.dma_semaphore, #tpu.memory_space<semaphore_mem>>) src(%dma_wait3A_28 : memref<10000x128xi32, #tpu.memory_space<hbm>>) dst(%arg10 : memref<80x128xi32, #tpu.memory_space<vmem>>)
    "tpu.region"() ({
      %run_scoped3A = tpu.sem_alloc : memref<!tpu.dma_semaphore, #tpu.memory_space<semaphore_mem>>
      %dma_start3A_36 = arith.constant 0 : i32
      %dma_start3A_37 = tpu.memref_slice %arg6[%add3A_22, %dma_start3A_36] : memref<320000x128xi32, #tpu.memory_space<hbm>> -> memref<80x128xi32, #tpu.memory_space<hbm>>
      %dma_start3A_38 = arith.constant 0 : i32
      %dma_start3A_39 = tpu.memref_slice %arg6[%add3A_22, %dma_start3A_38] : memref<320000x128xi32, #tpu.memory_space<hbm>> -> memref<80x128xi32, #tpu.memory_space<hbm>>
      tpu.enqueue_dma source(%arg10 : memref<80x128xi32, #tpu.memory_space<vmem>>) target(%dma_start3A_39 : memref<80x128xi32, #tpu.memory_space<hbm>>) target_semaphore(%run_scoped3A : memref<!tpu.dma_semaphore, #tpu.memory_space<semaphore_mem>>)
      %dma_wait3A_40 = arith.constant 0 : i32
      %dma_wait3A_41 = tpu.memref_slice %arg6[%add3A_22, %dma_wait3A_40] : memref<320000x128xi32, #tpu.memory_space<hbm>> -> memref<80x128xi32, #tpu.memory_space<hbm>>
      %dma_wait3A_42 = arith.constant 0 : i32
      %dma_wait3A_43 = tpu.memref_slice %arg6[%add3A_22, %dma_wait3A_42] : memref<320000x128xi32, #tpu.memory_space<hbm>> -> memref<80x128xi32, #tpu.memory_space<hbm>>
      tpu.wait_dma2 semaphore(%run_scoped3A : memref<!tpu.dma_semaphore, #tpu.memory_space<semaphore_mem>>) src(%arg10 : memref<80x128xi32, #tpu.memory_space<vmem>>) dst(%dma_wait3A_43 : memref<80x128xi32, #tpu.memory_space<hbm>>)
      tpu.yield
    }) : () -> ()
    %dma_wait3A_29 = arith.constant 124 : i32
    %dma_wait3A_30 = arith.constant 0 : i32
    %dma_wait3A_31 = tpu.memref_slice %arg9[%dma_wait3A_29, %dma_wait3A_30] : memref<125x80xi32, #tpu.memory_space<vmem>> -> memref<1x80xi32, #tpu.memory_space<vmem>>
    %dma_wait3A_32 = tpu.memref_squeeze %dma_wait3A_31 : memref<1x80xi32, #tpu.memory_space<vmem>> -> memref<80xi32, #tpu.memory_space<vmem>>
    %dma_wait3A_33 = arith.constant 0 : i32
    %dma_wait3A_34 = arith.constant 0 : i32
    %dma_wait3A_35 = tpu.memref_slice %arg3[%dma_wait3A_33, %dma_wait3A_34] : memref<10000x128xi32, #tpu.memory_space<hbm>> -> memref<10000x128xi32, #tpu.memory_space<hbm>>
    tpu.wait_indirect_dma semaphore(%arg15 : memref<!tpu.dma_semaphore, #tpu.memory_space<semaphore_mem>>) src(%dma_wait3A_35 : memref<10000x128xi32, #tpu.memory_space<hbm>>) dst(%arg11 : memref<80x128xi32, #tpu.memory_space<vmem>>)
    "tpu.region"() ({
      %run_scoped3A = tpu.sem_alloc : memref<!tpu.dma_semaphore, #tpu.memory_space<semaphore_mem>>
      %dma_start3A_36 = arith.constant 0 : i32
      %dma_start3A_37 = tpu.memref_slice %arg7[%add3A_22, %dma_start3A_36] : memref<320000x128xi32, #tpu.memory_space<hbm>> -> memref<80x128xi32, #tpu.memory_space<hbm>>
      %dma_start3A_38 = arith.constant 0 : i32
      %dma_start3A_39 = tpu.memref_slice %arg7[%add3A_22, %dma_start3A_38] : memref<320000x128xi32, #tpu.memory_space<hbm>> -> memref<80x128xi32, #tpu.memory_space<hbm>>
      tpu.enqueue_dma source(%arg11 : memref<80x128xi32, #tpu.memory_space<vmem>>) target(%dma_start3A_39 : memref<80x128xi32, #tpu.memory_space<hbm>>) target_semaphore(%run_scoped3A : memref<!tpu.dma_semaphore, #tpu.memory_space<semaphore_mem>>)
      %dma_wait3A_40 = arith.constant 0 : i32
      %dma_wait3A_41 = tpu.memref_slice %arg7[%add3A_22, %dma_wait3A_40] : memref<320000x128xi32, #tpu.memory_space<hbm>> -> memref<80x128xi32, #tpu.memory_space<hbm>>
      %dma_wait3A_42 = arith.constant 0 : i32
      %dma_wait3A_43 = tpu.memref_slice %arg7[%add3A_22, %dma_wait3A_42] : memref<320000x128xi32, #tpu.memory_space<hbm>> -> memref<80x128xi32, #tpu.memory_space<hbm>>
      tpu.wait_dma2 semaphore(%run_scoped3A : memref<!tpu.dma_semaphore, #tpu.memory_space<semaphore_mem>>) src(%arg11 : memref<80x128xi32, #tpu.memory_space<vmem>>) dst(%dma_wait3A_43 : memref<80x128xi32, #tpu.memory_space<hbm>>)
      tpu.yield
    }) : () -> ()
    return
  }
}

#map = affine_map<(d0, d1) -> (0, 0)>
#map1 = affine_map<(d0, d1) -> (0, 0, 0)>
module attributes {stable_mosaic.version = 14 : i64} {
  func.func @k(%arg0: i32, %arg1: i32, %arg2: memref<10000x128xi32, #tpu.memory_space<hbm>>, %arg3: memref<10000x128xi32, #tpu.memory_space<hbm>>, %arg4: memref<32x125x80xi32, #tpu.memory_space<hbm>>, %arg5: memref<32x125x80xi32, #tpu.memory_space<hbm>>, %arg6: memref<320000x128xi32, #tpu.memory_space<hbm>>, %arg7: memref<320000x128xi32, #tpu.memory_space<hbm>>, %arg8: memref<125x80xi32, #tpu.memory_space<vmem>>, %arg9: memref<125x80xi32, #tpu.memory_space<vmem>>, %arg10: memref<80x128xi32, #tpu.memory_space<vmem>>, %arg11: memref<80x128xi32, #tpu.memory_space<vmem>>, %arg12: memref<80x128xi32, #tpu.memory_space<vmem>>, %arg13: memref<80x128xi32, #tpu.memory_space<vmem>>, %arg14: memref<!tpu.dma_semaphore, #tpu.memory_space<semaphore_mem>>, %arg15: memref<!tpu.dma_semaphore, #tpu.memory_space<semaphore_mem>>, %arg16: memref<!tpu.dma_semaphore, #tpu.memory_space<semaphore_mem>>, %arg17: memref<!tpu.dma_semaphore, #tpu.memory_space<semaphore_mem>>) attributes {dimension_semantics = [#tpu.dimension_semantics<core_parallel>, #tpu.dimension_semantics<subcore_parallel>], iteration_bounds = array<i64: 2, 16>, scalar_prefetch = 0 : i64, scratch_operands = 10 : i64, tpu.core_type = #tpu.core_type<sc_vector_subcore>, window_params = [{transform_indices = #map}, {transform_indices = #map}, {transform_indices = #map1}, {transform_indices = #map1}, {transform_indices = #map}, {transform_indices = #map}]} {
    %mul3A = arith.constant 16 : i32
    %mul3A_0 = arith.muli %arg0, %mul3A : i32
    %add3A = arith.addi %mul3A_0, %arg1 : i32
    %mul3A_1 = arith.constant 10000 : i32
    %mul3A_2 = arith.muli %add3A, %mul3A_1 : i32
    "tpu.region"() ({
      %run_scoped3A = tpu.sem_alloc : memref<!tpu.dma_semaphore, #tpu.memory_space<semaphore_mem>>
      %dma_start3A_36 = arith.constant 0 : i32
      %dma_start3A_37 = arith.constant 0 : i32
      %dma_start3A_38 = tpu.memref_slice %arg4[%add3A, %dma_start3A_36, %dma_start3A_37] : memref<32x125x80xi32, #tpu.memory_space<hbm>> -> memref<1x125x80xi32, #tpu.memory_space<hbm>>
      %dma_start3A_39 = tpu.memref_squeeze %dma_start3A_38 : memref<1x125x80xi32, #tpu.memory_space<hbm>> -> memref<125x80xi32, #tpu.memory_space<hbm>>
      %dma_start3A_40 = arith.constant 0 : i32
      %dma_start3A_41 = arith.constant 0 : i32
      %dma_start3A_42 = tpu.memref_slice %arg4[%add3A, %dma_start3A_40, %dma_start3A_41] : memref<32x125x80xi32, #tpu.memory_space<hbm>> -> memref<1x125x80xi32, #tpu.memory_space<hbm>>
      %dma_start3A_43 = tpu.memref_squeeze %dma_start3A_42 : memref<1x125x80xi32, #tpu.memory_space<hbm>> -> memref<125x80xi32, #tpu.memory_space<hbm>>
      tpu.enqueue_dma source(%dma_start3A_43 : memref<125x80xi32, #tpu.memory_space<hbm>>) target(%arg8 : memref<125x80xi32, #tpu.memory_space<vmem>>) target_semaphore(%run_scoped3A : memref<!tpu.dma_semaphore, #tpu.memory_space<semaphore_mem>>)
      %dma_wait3A_44 = arith.constant 0 : i32
      %dma_wait3A_45 = arith.constant 0 : i32
      %dma_wait3A_46 = tpu.memref_slice %arg4[%add3A, %dma_wait3A_44, %dma_wait3A_45] : memref<32x125x80xi32, #tpu.memory_space<hbm>> -> memref<1x125x80xi32, #tpu.memory_space<hbm>>
      %dma_wait3A_47 = tpu.memref_squeeze %dma_wait3A_46 : memref<1x125x80xi32, #tpu.memory_space<hbm>> -> memref<125x80xi32, #tpu.memory_space<hbm>>
      %dma_wait3A_48 = arith.constant 0 : i32
      %dma_wait3A_49 = arith.constant 0 : i32
      %dma_wait3A_50 = tpu.memref_slice %arg4[%add3A, %dma_wait3A_48, %dma_wait3A_49] : memref<32x125x80xi32, #tpu.memory_space<hbm>> -> memref<1x125x80xi32, #tpu.memory_space<hbm>>
      %dma_wait3A_51 = tpu.memref_squeeze %dma_wait3A_50 : memref<1x125x80xi32, #tpu.memory_space<hbm>> -> memref<125x80xi32, #tpu.memory_space<hbm>>
      tpu.wait_dma2 semaphore(%run_scoped3A : memref<!tpu.dma_semaphore, #tpu.memory_space<semaphore_mem>>) src(%dma_wait3A_51 : memref<125x80xi32, #tpu.memory_space<hbm>>) dst(%arg8 : memref<125x80xi32, #tpu.memory_space<vmem>>)
      tpu.yield
    }) : () -> ()
    "tpu.region"() ({
      %run_scoped3A = tpu.sem_alloc : memref<!tpu.dma_semaphore, #tpu.memory_space<semaphore_mem>>
      %dma_start3A_36 = arith.constant 0 : i32
      %dma_start3A_37 = arith.constant 0 : i32
      %dma_start3A_38 = tpu.memref_slice %arg5[%add3A, %dma_start3A_36, %dma_start3A_37] : memref<32x125x80xi32, #tpu.memory_space<hbm>> -> memref<1x125x80xi32, #tpu.memory_space<hbm>>
      %dma_start3A_39 = tpu.memref_squeeze %dma_start3A_38 : memref<1x125x80xi32, #tpu.memory_space<hbm>> -> memref<125x80xi32, #tpu.memory_space<hbm>>
      %dma_start3A_40 = arith.constant 0 : i32
      %dma_start3A_41 = arith.constant 0 : i32
      %dma_start3A_42 = tpu.memref_slice %arg5[%add3A, %dma_start3A_40, %dma_start3A_41] : memref<32x125x80xi32, #tpu.memory_space<hbm>> -> memref<1x125x80xi32, #tpu.memory_space<hbm>>
      %dma_start3A_43 = tpu.memref_squeeze %dma_start3A_42 : memref<1x125x80xi32, #tpu.memory_space<hbm>> -> memref<125x80xi32, #tpu.memory_space<hbm>>
      tpu.enqueue_dma source(%dma_start3A_43 : memref<125x80xi32, #tpu.memory_space<hbm>>) target(%arg9 : memref<125x80xi32, #tpu.memory_space<vmem>>) target_semaphore(%run_scoped3A : memref<!tpu.dma_semaphore, #tpu.memory_space<semaphore_mem>>)
      %dma_wait3A_44 = arith.constant 0 : i32
      %dma_wait3A_45 = arith.constant 0 : i32
      %dma_wait3A_46 = tpu.memref_slice %arg5[%add3A, %dma_wait3A_44, %dma_wait3A_45] : memref<32x125x80xi32, #tpu.memory_space<hbm>> -> memref<1x125x80xi32, #tpu.memory_space<hbm>>
      %dma_wait3A_47 = tpu.memref_squeeze %dma_wait3A_46 : memref<1x125x80xi32, #tpu.memory_space<hbm>> -> memref<125x80xi32, #tpu.memory_space<hbm>>
      %dma_wait3A_48 = arith.constant 0 : i32
      %dma_wait3A_49 = arith.constant 0 : i32
      %dma_wait3A_50 = tpu.memref_slice %arg5[%add3A, %dma_wait3A_48, %dma_wait3A_49] : memref<32x125x80xi32, #tpu.memory_space<hbm>> -> memref<1x125x80xi32, #tpu.memory_space<hbm>>
      %dma_wait3A_51 = tpu.memref_squeeze %dma_wait3A_50 : memref<1x125x80xi32, #tpu.memory_space<hbm>> -> memref<125x80xi32, #tpu.memory_space<hbm>>
      tpu.wait_dma2 semaphore(%run_scoped3A : memref<!tpu.dma_semaphore, #tpu.memory_space<semaphore_mem>>) src(%dma_wait3A_51 : memref<125x80xi32, #tpu.memory_space<hbm>>) dst(%arg9 : memref<125x80xi32, #tpu.memory_space<vmem>>)
      tpu.yield
    }) : () -> ()
    %dma_start3A = arith.constant 0 : i32
    %dma_start3A_3 = arith.constant 0 : i32
    %dma_start3A_4 = tpu.memref_slice %arg8[%dma_start3A, %dma_start3A_3] : memref<125x80xi32, #tpu.memory_space<vmem>> -> memref<1x80xi32, #tpu.memory_space<vmem>>
    %dma_start3A_5 = tpu.memref_squeeze %dma_start3A_4 : memref<1x80xi32, #tpu.memory_space<vmem>> -> memref<80xi32, #tpu.memory_space<vmem>>
    %dma_start3A_6 = arith.constant 0 : i32
    %dma_start3A_7 = arith.constant 0 : i32
    %dma_start3A_8 = tpu.memref_slice %arg2[%dma_start3A_6, %dma_start3A_7] : memref<10000x128xi32, #tpu.memory_space<hbm>> -> memref<10000x128xi32, #tpu.memory_space<hbm>>
    tpu.enqueue_indirect_dma source(%dma_start3A_8 : memref<10000x128xi32, #tpu.memory_space<hbm>>) target(%arg10 : memref<80x128xi32, #tpu.memory_space<vmem>>) offsets(%dma_start3A_5 : memref<80xi32, #tpu.memory_space<vmem>>) semaphore(%arg14 : memref<!tpu.dma_semaphore, #tpu.memory_space<semaphore_mem>>)
    %dma_start3A_9 = arith.constant 0 : i32
    %dma_start3A_10 = arith.constant 0 : i32
    %dma_start3A_11 = tpu.memref_slice %arg9[%dma_start3A_9, %dma_start3A_10] : memref<125x80xi32, #tpu.memory_space<vmem>> -> memref<1x80xi32, #tpu.memory_space<vmem>>
    %dma_start3A_12 = tpu.memref_squeeze %dma_start3A_11 : memref<1x80xi32, #tpu.memory_space<vmem>> -> memref<80xi32, #tpu.memory_space<vmem>>
    %dma_start3A_13 = arith.constant 0 : i32
    %dma_start3A_14 = arith.constant 0 : i32
    %dma_start3A_15 = tpu.memref_slice %arg3[%dma_start3A_13, %dma_start3A_14] : memref<10000x128xi32, #tpu.memory_space<hbm>> -> memref<10000x128xi32, #tpu.memory_space<hbm>>
    tpu.enqueue_indirect_dma source(%dma_start3A_15 : memref<10000x128xi32, #tpu.memory_space<hbm>>) target(%arg11 : memref<80x128xi32, #tpu.memory_space<vmem>>) offsets(%dma_start3A_12 : memref<80xi32, #tpu.memory_space<vmem>>) semaphore(%arg15 : memref<!tpu.dma_semaphore, #tpu.memory_space<semaphore_mem>>)
    %scan3A = arith.constant 0 : i32
    %scan3A_16 = arith.constant 0 : i32
    %scan3A_17 = arith.constant 62 : i32
    %scan3A_18 = arith.addi %scan3A_16, %scan3A_17 : i32
    %scan3A_19 = arith.constant 1 : i32
    scf.for %scan3A_36 = %scan3A_16 to %scan3A_18 step %scan3A_19  : i32 {
      %mul3A_37 = arith.constant 2 : i32
      %mul3A_38 = arith.muli %mul3A_37, %scan3A_36 : i32
      %add3A_39 = arith.constant 1 : i32
      %add3A_40 = arith.addi %mul3A_38, %add3A_39 : i32
      %dma_start3A_41 = arith.constant 0 : i32
      %dma_start3A_42 = tpu.memref_slice %arg8[%add3A_40, %dma_start3A_41] : memref<125x80xi32, #tpu.memory_space<vmem>> -> memref<1x80xi32, #tpu.memory_space<vmem>>
      %dma_start3A_43 = tpu.memref_squeeze %dma_start3A_42 : memref<1x80xi32, #tpu.memory_space<vmem>> -> memref<80xi32, #tpu.memory_space<vmem>>
      %dma_start3A_44 = arith.constant 0 : i32
      %dma_start3A_45 = arith.constant 0 : i32
      %dma_start3A_46 = tpu.memref_slice %arg2[%dma_start3A_44, %dma_start3A_45] : memref<10000x128xi32, #tpu.memory_space<hbm>> -> memref<10000x128xi32, #tpu.memory_space<hbm>>
      tpu.enqueue_indirect_dma source(%dma_start3A_46 : memref<10000x128xi32, #tpu.memory_space<hbm>>) target(%arg12 : memref<80x128xi32, #tpu.memory_space<vmem>>) offsets(%dma_start3A_43 : memref<80xi32, #tpu.memory_space<vmem>>) semaphore(%arg16 : memref<!tpu.dma_semaphore, #tpu.memory_space<semaphore_mem>>)
      %dma_start3A_47 = arith.constant 0 : i32
      %dma_start3A_48 = tpu.memref_slice %arg9[%add3A_40, %dma_start3A_47] : memref<125x80xi32, #tpu.memory_space<vmem>> -> memref<1x80xi32, #tpu.memory_space<vmem>>
      %dma_start3A_49 = tpu.memref_squeeze %dma_start3A_48 : memref<1x80xi32, #tpu.memory_space<vmem>> -> memref<80xi32, #tpu.memory_space<vmem>>
      %dma_start3A_50 = arith.constant 0 : i32
      %dma_start3A_51 = arith.constant 0 : i32
      %dma_start3A_52 = tpu.memref_slice %arg3[%dma_start3A_50, %dma_start3A_51] : memref<10000x128xi32, #tpu.memory_space<hbm>> -> memref<10000x128xi32, #tpu.memory_space<hbm>>
      tpu.enqueue_indirect_dma source(%dma_start3A_52 : memref<10000x128xi32, #tpu.memory_space<hbm>>) target(%arg13 : memref<80x128xi32, #tpu.memory_space<vmem>>) offsets(%dma_start3A_49 : memref<80xi32, #tpu.memory_space<vmem>>) semaphore(%arg17 : memref<!tpu.dma_semaphore, #tpu.memory_space<semaphore_mem>>)
      %mul3A_53 = arith.constant 2 : i32
      %mul3A_54 = arith.muli %mul3A_53, %scan3A_36 : i32
      %mul3A_55 = arith.constant 80 : i32
      %mul3A_56 = arith.muli %mul3A_54, %mul3A_55 : i32
      %add3A_57 = arith.addi %mul3A_2, %mul3A_56 : i32
      %dma_wait3A_58 = arith.constant 0 : i32
      %dma_wait3A_59 = tpu.memref_slice %arg8[%mul3A_54, %dma_wait3A_58] : memref<125x80xi32, #tpu.memory_space<vmem>> -> memref<1x80xi32, #tpu.memory_space<vmem>>
      %dma_wait3A_60 = tpu.memref_squeeze %dma_wait3A_59 : memref<1x80xi32, #tpu.memory_space<vmem>> -> memref<80xi32, #tpu.memory_space<vmem>>
      %dma_wait3A_61 = arith.constant 0 : i32
      %dma_wait3A_62 = arith.constant 0 : i32
      %dma_wait3A_63 = tpu.memref_slice %arg2[%dma_wait3A_61, %dma_wait3A_62] : memref<10000x128xi32, #tpu.memory_space<hbm>> -> memref<10000x128xi32, #tpu.memory_space<hbm>>
      tpu.wait_indirect_dma semaphore(%arg14 : memref<!tpu.dma_semaphore, #tpu.memory_space<semaphore_mem>>) src(%dma_wait3A_63 : memref<10000x128xi32, #tpu.memory_space<hbm>>) dst(%arg10 : memref<80x128xi32, #tpu.memory_space<vmem>>)
      "tpu.region"() ({
        %run_scoped3A = tpu.sem_alloc : memref<!tpu.dma_semaphore, #tpu.memory_space<semaphore_mem>>
        %dma_start3A_105 = arith.constant 0 : i32
        %dma_start3A_106 = tpu.memref_slice %arg6[%add3A_57, %dma_start3A_105] : memref<320000x128xi32, #tpu.memory_space<hbm>> -> memref<80x128xi32, #tpu.memory_space<hbm>>
        %dma_start3A_107 = arith.constant 0 : i32
        %dma_start3A_108 = tpu.memref_slice %arg6[%add3A_57, %dma_start3A_107] : memref<320000x128xi32, #tpu.memory_space<hbm>> -> memref<80x128xi32, #tpu.memory_space<hbm>>
        tpu.enqueue_dma source(%arg10 : memref<80x128xi32, #tpu.memory_space<vmem>>) target(%dma_start3A_108 : memref<80x128xi32, #tpu.memory_space<hbm>>) target_semaphore(%run_scoped3A : memref<!tpu.dma_semaphore, #tpu.memory_space<semaphore_mem>>)
        %dma_wait3A_109 = arith.constant 0 : i32
        %dma_wait3A_110 = tpu.memref_slice %arg6[%add3A_57, %dma_wait3A_109] : memref<320000x128xi32, #tpu.memory_space<hbm>> -> memref<80x128xi32, #tpu.memory_space<hbm>>
        %dma_wait3A_111 = arith.constant 0 : i32
        %dma_wait3A_112 = tpu.memref_slice %arg6[%add3A_57, %dma_wait3A_111] : memref<320000x128xi32, #tpu.memory_space<hbm>> -> memref<80x128xi32, #tpu.memory_space<hbm>>
        tpu.wait_dma2 semaphore(%run_scoped3A : memref<!tpu.dma_semaphore, #tpu.memory_space<semaphore_mem>>) src(%arg10 : memref<80x128xi32, #tpu.memory_space<vmem>>) dst(%dma_wait3A_112 : memref<80x128xi32, #tpu.memory_space<hbm>>)
        tpu.yield
      }) : () -> ()
      %dma_wait3A_64 = arith.constant 0 : i32
      %dma_wait3A_65 = tpu.memref_slice %arg9[%mul3A_54, %dma_wait3A_64] : memref<125x80xi32, #tpu.memory_space<vmem>> -> memref<1x80xi32, #tpu.memory_space<vmem>>
      %dma_wait3A_66 = tpu.memref_squeeze %dma_wait3A_65 : memref<1x80xi32, #tpu.memory_space<vmem>> -> memref<80xi32, #tpu.memory_space<vmem>>
      %dma_wait3A_67 = arith.constant 0 : i32
      %dma_wait3A_68 = arith.constant 0 : i32
      %dma_wait3A_69 = tpu.memref_slice %arg3[%dma_wait3A_67, %dma_wait3A_68] : memref<10000x128xi32, #tpu.memory_space<hbm>> -> memref<10000x128xi32, #tpu.memory_space<hbm>>
      tpu.wait_indirect_dma semaphore(%arg15 : memref<!tpu.dma_semaphore, #tpu.memory_space<semaphore_mem>>) src(%dma_wait3A_69 : memref<10000x128xi32, #tpu.memory_space<hbm>>) dst(%arg11 : memref<80x128xi32, #tpu.memory_space<vmem>>)
      "tpu.region"() ({
        %run_scoped3A = tpu.sem_alloc : memref<!tpu.dma_semaphore, #tpu.memory_space<semaphore_mem>>
        %dma_start3A_105 = arith.constant 0 : i32
        %dma_start3A_106 = tpu.memref_slice %arg7[%add3A_57, %dma_start3A_105] : memref<320000x128xi32, #tpu.memory_space<hbm>> -> memref<80x128xi32, #tpu.memory_space<hbm>>
        %dma_start3A_107 = arith.constant 0 : i32
        %dma_start3A_108 = tpu.memref_slice %arg7[%add3A_57, %dma_start3A_107] : memref<320000x128xi32, #tpu.memory_space<hbm>> -> memref<80x128xi32, #tpu.memory_space<hbm>>
        tpu.enqueue_dma source(%arg11 : memref<80x128xi32, #tpu.memory_space<vmem>>) target(%dma_start3A_108 : memref<80x128xi32, #tpu.memory_space<hbm>>) target_semaphore(%run_scoped3A : memref<!tpu.dma_semaphore, #tpu.memory_space<semaphore_mem>>)
        %dma_wait3A_109 = arith.constant 0 : i32
        %dma_wait3A_110 = tpu.memref_slice %arg7[%add3A_57, %dma_wait3A_109] : memref<320000x128xi32, #tpu.memory_space<hbm>> -> memref<80x128xi32, #tpu.memory_space<hbm>>
        %dma_wait3A_111 = arith.constant 0 : i32
        %dma_wait3A_112 = tpu.memref_slice %arg7[%add3A_57, %dma_wait3A_111] : memref<320000x128xi32, #tpu.memory_space<hbm>> -> memref<80x128xi32, #tpu.memory_space<hbm>>
        tpu.wait_dma2 semaphore(%run_scoped3A : memref<!tpu.dma_semaphore, #tpu.memory_space<semaphore_mem>>) src(%arg11 : memref<80x128xi32, #tpu.memory_space<vmem>>) dst(%dma_wait3A_112 : memref<80x128xi32, #tpu.memory_space<hbm>>)
        tpu.yield
      }) : () -> ()
      %mul3A_70 = arith.constant 2 : i32
      %mul3A_71 = arith.muli %mul3A_70, %scan3A_36 : i32
      %add3A_72 = arith.constant 2 : i32
      %add3A_73 = arith.addi %mul3A_71, %add3A_72 : i32
      %dma_start3A_74 = arith.constant 0 : i32
      %dma_start3A_75 = tpu.memref_slice %arg8[%add3A_73, %dma_start3A_74] : memref<125x80xi32, #tpu.memory_space<vmem>> -> memref<1x80xi32, #tpu.memory_space<vmem>>
      %dma_start3A_76 = tpu.memref_squeeze %dma_start3A_75 : memref<1x80xi32, #tpu.memory_space<vmem>> -> memref<80xi32, #tpu.memory_space<vmem>>
      %dma_start3A_77 = arith.constant 0 : i32
      %dma_start3A_78 = arith.constant 0 : i32
      %dma_start3A_79 = tpu.memref_slice %arg2[%dma_start3A_77, %dma_start3A_78] : memref<10000x128xi32, #tpu.memory_space<hbm>> -> memref<10000x128xi32, #tpu.memory_space<hbm>>
      tpu.enqueue_indirect_dma source(%dma_start3A_79 : memref<10000x128xi32, #tpu.memory_space<hbm>>) target(%arg10 : memref<80x128xi32, #tpu.memory_space<vmem>>) offsets(%dma_start3A_76 : memref<80xi32, #tpu.memory_space<vmem>>) semaphore(%arg14 : memref<!tpu.dma_semaphore, #tpu.memory_space<semaphore_mem>>)
      %dma_start3A_80 = arith.constant 0 : i32
      %dma_start3A_81 = tpu.memref_slice %arg9[%add3A_73, %dma_start3A_80] : memref<125x80xi32, #tpu.memory_space<vmem>> -> memref<1x80xi32, #tpu.memory_space<vmem>>
      %dma_start3A_82 = tpu.memref_squeeze %dma_start3A_81 : memref<1x80xi32, #tpu.memory_space<vmem>> -> memref<80xi32, #tpu.memory_space<vmem>>
      %dma_start3A_83 = arith.constant 0 : i32
      %dma_start3A_84 = arith.constant 0 : i32
      %dma_start3A_85 = tpu.memref_slice %arg3[%dma_start3A_83, %dma_start3A_84] : memref<10000x128xi32, #tpu.memory_space<hbm>> -> memref<10000x128xi32, #tpu.memory_space<hbm>>
      tpu.enqueue_indirect_dma source(%dma_start3A_85 : memref<10000x128xi32, #tpu.memory_space<hbm>>) target(%arg11 : memref<80x128xi32, #tpu.memory_space<vmem>>) offsets(%dma_start3A_82 : memref<80xi32, #tpu.memory_space<vmem>>) semaphore(%arg15 : memref<!tpu.dma_semaphore, #tpu.memory_space<semaphore_mem>>)
      %mul3A_86 = arith.constant 2 : i32
      %mul3A_87 = arith.muli %mul3A_86, %scan3A_36 : i32
      %add3A_88 = arith.constant 1 : i32
      %add3A_89 = arith.addi %mul3A_87, %add3A_88 : i32
      %mul3A_90 = arith.constant 80 : i32
      %mul3A_91 = arith.muli %add3A_89, %mul3A_90 : i32
      %add3A_92 = arith.addi %mul3A_2, %mul3A_91 : i32
      %dma_wait3A_93 = arith.constant 0 : i32
      %dma_wait3A_94 = tpu.memref_slice %arg8[%add3A_89, %dma_wait3A_93] : memref<125x80xi32, #tpu.memory_space<vmem>> -> memref<1x80xi32, #tpu.memory_space<vmem>>
      %dma_wait3A_95 = tpu.memref_squeeze %dma_wait3A_94 : memref<1x80xi32, #tpu.memory_space<vmem>> -> memref<80xi32, #tpu.memory_space<vmem>>
      %dma_wait3A_96 = arith.constant 0 : i32
      %dma_wait3A_97 = arith.constant 0 : i32
      %dma_wait3A_98 = tpu.memref_slice %arg2[%dma_wait3A_96, %dma_wait3A_97] : memref<10000x128xi32, #tpu.memory_space<hbm>> -> memref<10000x128xi32, #tpu.memory_space<hbm>>
      tpu.wait_indirect_dma semaphore(%arg16 : memref<!tpu.dma_semaphore, #tpu.memory_space<semaphore_mem>>) src(%dma_wait3A_98 : memref<10000x128xi32, #tpu.memory_space<hbm>>) dst(%arg12 : memref<80x128xi32, #tpu.memory_space<vmem>>)
      "tpu.region"() ({
        %run_scoped3A = tpu.sem_alloc : memref<!tpu.dma_semaphore, #tpu.memory_space<semaphore_mem>>
        %dma_start3A_105 = arith.constant 0 : i32
        %dma_start3A_106 = tpu.memref_slice %arg6[%add3A_92, %dma_start3A_105] : memref<320000x128xi32, #tpu.memory_space<hbm>> -> memref<80x128xi32, #tpu.memory_space<hbm>>
        %dma_start3A_107 = arith.constant 0 : i32
        %dma_start3A_108 = tpu.memref_slice %arg6[%add3A_92, %dma_start3A_107] : memref<320000x128xi32, #tpu.memory_space<hbm>> -> memref<80x128xi32, #tpu.memory_space<hbm>>
        tpu.enqueue_dma source(%arg12 : memref<80x128xi32, #tpu.memory_space<vmem>>) target(%dma_start3A_108 : memref<80x128xi32, #tpu.memory_space<hbm>>) target_semaphore(%run_scoped3A : memref<!tpu.dma_semaphore, #tpu.memory_space<semaphore_mem>>)
        %dma_wait3A_109 = arith.constant 0 : i32
        %dma_wait3A_110 = tpu.memref_slice %arg6[%add3A_92, %dma_wait3A_109] : memref<320000x128xi32, #tpu.memory_space<hbm>> -> memref<80x128xi32, #tpu.memory_space<hbm>>
        %dma_wait3A_111 = arith.constant 0 : i32
        %dma_wait3A_112 = tpu.memref_slice %arg6[%add3A_92, %dma_wait3A_111] : memref<320000x128xi32, #tpu.memory_space<hbm>> -> memref<80x128xi32, #tpu.memory_space<hbm>>
        tpu.wait_dma2 semaphore(%run_scoped3A : memref<!tpu.dma_semaphore, #tpu.memory_space<semaphore_mem>>) src(%arg12 : memref<80x128xi32, #tpu.memory_space<vmem>>) dst(%dma_wait3A_112 : memref<80x128xi32, #tpu.memory_space<hbm>>)
        tpu.yield
      }) : () -> ()
      %dma_wait3A_99 = arith.constant 0 : i32
      %dma_wait3A_100 = tpu.memref_slice %arg9[%add3A_89, %dma_wait3A_99] : memref<125x80xi32, #tpu.memory_space<vmem>> -> memref<1x80xi32, #tpu.memory_space<vmem>>
      %dma_wait3A_101 = tpu.memref_squeeze %dma_wait3A_100 : memref<1x80xi32, #tpu.memory_space<vmem>> -> memref<80xi32, #tpu.memory_space<vmem>>
      %dma_wait3A_102 = arith.constant 0 : i32
      %dma_wait3A_103 = arith.constant 0 : i32
      %dma_wait3A_104 = tpu.memref_slice %arg3[%dma_wait3A_102, %dma_wait3A_103] : memref<10000x128xi32, #tpu.memory_space<hbm>> -> memref<10000x128xi32, #tpu.memory_space<hbm>>
      tpu.wait_indirect_dma semaphore(%arg17 : memref<!tpu.dma_semaphore, #tpu.memory_space<semaphore_mem>>) src(%dma_wait3A_104 : memref<10000x128xi32, #tpu.memory_space<hbm>>) dst(%arg13 : memref<80x128xi32, #tpu.memory_space<vmem>>)
      "tpu.region"() ({
        %run_scoped3A = tpu.sem_alloc : memref<!tpu.dma_semaphore, #tpu.memory_space<semaphore_mem>>
        %dma_start3A_105 = arith.constant 0 : i32
        %dma_start3A_106 = tpu.memref_slice %arg7[%add3A_92, %dma_start3A_105] : memref<320000x128xi32, #tpu.memory_space<hbm>> -> memref<80x128xi32, #tpu.memory_space<hbm>>
        %dma_start3A_107 = arith.constant 0 : i32
        %dma_start3A_108 = tpu.memref_slice %arg7[%add3A_92, %dma_start3A_107] : memref<320000x128xi32, #tpu.memory_space<hbm>> -> memref<80x128xi32, #tpu.memory_space<hbm>>
        tpu.enqueue_dma source(%arg13 : memref<80x128xi32, #tpu.memory_space<vmem>>) target(%dma_start3A_108 : memref<80x128xi32, #tpu.memory_space<hbm>>) target_semaphore(%run_scoped3A : memref<!tpu.dma_semaphore, #tpu.memory_space<semaphore_mem>>)
        %dma_wait3A_109 = arith.constant 0 : i32
        %dma_wait3A_110 = tpu.memref_slice %arg7[%add3A_92, %dma_wait3A_109] : memref<320000x128xi32, #tpu.memory_space<hbm>> -> memref<80x128xi32, #tpu.memory_space<hbm>>
        %dma_wait3A_111 = arith.constant 0 : i32
        %dma_wait3A_112 = tpu.memref_slice %arg7[%add3A_92, %dma_wait3A_111] : memref<320000x128xi32, #tpu.memory_space<hbm>> -> memref<80x128xi32, #tpu.memory_space<hbm>>
        tpu.wait_dma2 semaphore(%run_scoped3A : memref<!tpu.dma_semaphore, #tpu.memory_space<semaphore_mem>>) src(%arg13 : memref<80x128xi32, #tpu.memory_space<vmem>>) dst(%dma_wait3A_112 : memref<80x128xi32, #tpu.memory_space<hbm>>)
        tpu.yield
      }) : () -> ()
    }
    %scan3A_20 = arith.constant 62 : i32
    %add3A_21 = arith.constant 9920 : i32
    %add3A_22 = arith.addi %mul3A_2, %add3A_21 : i32
    %dma_wait3A = arith.constant 124 : i32
    %dma_wait3A_23 = arith.constant 0 : i32
    %dma_wait3A_24 = tpu.memref_slice %arg8[%dma_wait3A, %dma_wait3A_23] : memref<125x80xi32, #tpu.memory_space<vmem>> -> memref<1x80xi32, #tpu.memory_space<vmem>>
    %dma_wait3A_25 = tpu.memref_squeeze %dma_wait3A_24 : memref<1x80xi32, #tpu.memory_space<vmem>> -> memref<80xi32, #tpu.memory_space<vmem>>
    %dma_wait3A_26 = arith.constant 0 : i32
    %dma_wait3A_27 = arith.constant 0 : i32
    %dma_wait3A_28 = tpu.memref_slice %arg2[%dma_wait3A_26, %dma_wait3A_27] : memref<10000x128xi32, #tpu.memory_space<hbm>> -> memref<10000x128xi32, #tpu.memory_space<hbm>>
    tpu.wait_indirect_dma semaphore(%arg14 : memref<!tpu.dma_semaphore, #tpu.memory_space<semaphore_mem>>) src(%dma_wait3A_28 : memref<10000x128xi32, #tpu.memory_space<hbm>>) dst(%arg10 : memref<80x128xi32, #tpu.memory_space<vmem>>)
    "tpu.region"() ({
      %run_scoped3A = tpu.sem_alloc : memref<!tpu.dma_semaphore, #tpu.memory_space<semaphore_mem>>
      %dma_start3A_36 = arith.constant 0 : i32
      %dma_start3A_37 = tpu.memref_slice %arg6[%add3A_22, %dma_start3A_36] : memref<320000x128xi32, #tpu.memory_space<hbm>> -> memref<80x128xi32, #tpu.memory_space<hbm>>
      %dma_start3A_38 = arith.constant 0 : i32
      %dma_start3A_39 = tpu.memref_slice %arg6[%add3A_22, %dma_start3A_38] : memref<320000x128xi32, #tpu.memory_space<hbm>> -> memref<80x128xi32, #tpu.memory_space<hbm>>
      tpu.enqueue_dma source(%arg10 : memref<80x128xi32, #tpu.memory_space<vmem>>) target(%dma_start3A_39 : memref<80x128xi32, #tpu.memory_space<hbm>>) target_semaphore(%run_scoped3A : memref<!tpu.dma_semaphore, #tpu.memory_space<semaphore_mem>>)
      %dma_wait3A_40 = arith.constant 0 : i32
      %dma_wait3A_41 = tpu.memref_slice %arg6[%add3A_22, %dma_wait3A_40] : memref<320000x128xi32, #tpu.memory_space<hbm>> -> memref<80x128xi32, #tpu.memory_space<hbm>>
      %dma_wait3A_42 = arith.constant 0 : i32
      %dma_wait3A_43 = tpu.memref_slice %arg6[%add3A_22, %dma_wait3A_42] : memref<320000x128xi32, #tpu.memory_space<hbm>> -> memref<80x128xi32, #tpu.memory_space<hbm>>
      tpu.wait_dma2 semaphore(%run_scoped3A : memref<!tpu.dma_semaphore, #tpu.memory_space<semaphore_mem>>) src(%arg10 : memref<80x128xi32, #tpu.memory_space<vmem>>) dst(%dma_wait3A_43 : memref<80x128xi32, #tpu.memory_space<hbm>>)
      tpu.yield
    }) : () -> ()
    %dma_wait3A_29 = arith.constant 124 : i32
    %dma_wait3A_30 = arith.constant 0 : i32
    %dma_wait3A_31 = tpu.memref_slice %arg9[%dma_wait3A_29, %dma_wait3A_30] : memref<125x80xi32, #tpu.memory_space<vmem>> -> memref<1x80xi32, #tpu.memory_space<vmem>>
    %dma_wait3A_32 = tpu.memref_squeeze %dma_wait3A_31 : memref<1x80xi32, #tpu.memory_space<vmem>> -> memref<80xi32, #tpu.memory_space<vmem>>
    %dma_wait3A_33 = arith.constant 0 : i32
    %dma_wait3A_34 = arith.constant 0 : i32
    %dma_wait3A_35 = tpu.memref_slice %arg3[%dma_wait3A_33, %dma_wait3A_34] : memref<10000x128xi32, #tpu.memory_space<hbm>> -> memref<10000x128xi32, #tpu.memory_space<hbm>>
    tpu.wait_indirect_dma semaphore(%arg15 : memref<!tpu.dma_semaphore, #tpu.memory_space<semaphore_mem>>) src(%dma_wait3A_35 : memref<10000x128xi32, #tpu.memory_space<hbm>>) dst(%arg11 : memref<80x128xi32, #tpu.memory_space<vmem>>)
    "tpu.region"() ({
      %run_scoped3A = tpu.sem_alloc : memref<!tpu.dma_semaphore, #tpu.memory_space<semaphore_mem>>
      %dma_start3A_36 = arith.constant 0 : i32
      %dma_start3A_37 = tpu.memref_slice %arg7[%add3A_22, %dma_start3A_36] : memref<320000x128xi32, #tpu.memory_space<hbm>> -> memref<80x128xi32, #tpu.memory_space<hbm>>
      %dma_start3A_38 = arith.constant 0 : i32
      %dma_start3A_39 = tpu.memref_slice %arg7[%add3A_22, %dma_start3A_38] : memref<320000x128xi32, #tpu.memory_space<hbm>> -> memref<80x128xi32, #tpu.memory_space<hbm>>
      tpu.enqueue_dma source(%arg11 : memref<80x128xi32, #tpu.memory_space<vmem>>) target(%dma_start3A_39 : memref<80x128xi32, #tpu.memory_space<hbm>>) target_semaphore(%run_scoped3A : memref<!tpu.dma_semaphore, #tpu.memory_space<semaphore_mem>>)
      %dma_wait3A_40 = arith.constant 0 : i32
      %dma_wait3A_41 = tpu.memref_slice %arg7[%add3A_22, %dma_wait3A_40] : memref<320000x128xi32, #tpu.memory_space<hbm>> -> memref<80x128xi32, #tpu.memory_space<hbm>>
      %dma_wait3A_42 = arith.constant 0 : i32
      %dma_wait3A_43 = tpu.memref_slice %arg7[%add3A_22, %dma_wait3A_42] : memref<320000x128xi32, #tpu.memory_space<hbm>> -> memref<80x128xi32, #tpu.memory_space<hbm>>
      tpu.wait_dma2 semaphore(%run_scoped3A : memref<!tpu.dma_semaphore, #tpu.memory_space<semaphore_mem>>) src(%arg11 : memref<80x128xi32, #tpu.memory_space<vmem>>) dst(%dma_wait3A_43 : memref<80x128xi32, #tpu.memory_space<hbm>>)
      tpu.yield
    }) : () -> ()
    return
  }
}

#map = affine_map<(d0, d1) -> (0, 0)>
#map1 = affine_map<(d0, d1) -> (0, 0, 0)>
module attributes {stable_mosaic.version = 14 : i64} {
  func.func @k(%arg0: i32, %arg1: i32, %arg2: memref<320000x128xf32, #tpu.memory_space<hbm>>, %arg3: memref<32x125x80xi32, #tpu.memory_space<hbm>>, %arg4: memref<2x10000x128xf32, #tpu.memory_space<hbm>>, %arg5: memref<125x80xi32, #tpu.memory_space<vmem>>, %arg6: memref<80x128xf32, #tpu.memory_space<vmem>>, %arg7: memref<80x128xf32, #tpu.memory_space<vmem>>, %arg8: memref<25x128xf32, #tpu.memory_space<vmem>>, %arg9: memref<10000x128xf32, #tpu.memory_space<vmem_shared>>, %arg10: memref<!tpu.dma_semaphore, #tpu.memory_space<semaphore_mem>>, %arg11: memref<!tpu.dma_semaphore, #tpu.memory_space<semaphore_mem>>) attributes {dimension_semantics = [#tpu.dimension_semantics<core_parallel>, #tpu.dimension_semantics<subcore_parallel>], iteration_bounds = array<i64: 2, 16>, scalar_prefetch = 0 : i64, scratch_operands = 7 : i64, tpu.core_type = #tpu.core_type<sc_vector_subcore>, window_params = [{transform_indices = #map}, {transform_indices = #map1}, {transform_indices = #map1}]} {
    %mul3A = arith.constant 16 : i32
    %mul3A_0 = arith.muli %arg0, %mul3A : i32
    %add3A = arith.addi %mul3A_0, %arg1 : i32
    "tpu.region"() ({
      %run_scoped3A_39 = tpu.sem_alloc : memref<!tpu.dma_semaphore, #tpu.memory_space<semaphore_mem>>
      %dma_start3A_40 = arith.constant 0 : i32
      %dma_start3A_41 = arith.constant 0 : i32
      %dma_start3A_42 = tpu.memref_slice %arg3[%add3A, %dma_start3A_40, %dma_start3A_41] : memref<32x125x80xi32, #tpu.memory_space<hbm>> -> memref<1x125x80xi32, #tpu.memory_space<hbm>>
      %dma_start3A_43 = tpu.memref_squeeze %dma_start3A_42 : memref<1x125x80xi32, #tpu.memory_space<hbm>> -> memref<125x80xi32, #tpu.memory_space<hbm>>
      %dma_start3A_44 = arith.constant 0 : i32
      %dma_start3A_45 = arith.constant 0 : i32
      %dma_start3A_46 = tpu.memref_slice %arg3[%add3A, %dma_start3A_44, %dma_start3A_45] : memref<32x125x80xi32, #tpu.memory_space<hbm>> -> memref<1x125x80xi32, #tpu.memory_space<hbm>>
      %dma_start3A_47 = tpu.memref_squeeze %dma_start3A_46 : memref<1x125x80xi32, #tpu.memory_space<hbm>> -> memref<125x80xi32, #tpu.memory_space<hbm>>
      tpu.enqueue_dma source(%dma_start3A_47 : memref<125x80xi32, #tpu.memory_space<hbm>>) target(%arg5 : memref<125x80xi32, #tpu.memory_space<vmem>>) target_semaphore(%run_scoped3A_39 : memref<!tpu.dma_semaphore, #tpu.memory_space<semaphore_mem>>)
      %dma_wait3A_48 = arith.constant 0 : i32
      %dma_wait3A_49 = arith.constant 0 : i32
      %dma_wait3A_50 = tpu.memref_slice %arg3[%add3A, %dma_wait3A_48, %dma_wait3A_49] : memref<32x125x80xi32, #tpu.memory_space<hbm>> -> memref<1x125x80xi32, #tpu.memory_space<hbm>>
      %dma_wait3A_51 = tpu.memref_squeeze %dma_wait3A_50 : memref<1x125x80xi32, #tpu.memory_space<hbm>> -> memref<125x80xi32, #tpu.memory_space<hbm>>
      %dma_wait3A_52 = arith.constant 0 : i32
      %dma_wait3A_53 = arith.constant 0 : i32
      %dma_wait3A_54 = tpu.memref_slice %arg3[%add3A, %dma_wait3A_52, %dma_wait3A_53] : memref<32x125x80xi32, #tpu.memory_space<hbm>> -> memref<1x125x80xi32, #tpu.memory_space<hbm>>
      %dma_wait3A_55 = tpu.memref_squeeze %dma_wait3A_54 : memref<1x125x80xi32, #tpu.memory_space<hbm>> -> memref<125x80xi32, #tpu.memory_space<hbm>>
      tpu.wait_dma2 semaphore(%run_scoped3A_39 : memref<!tpu.dma_semaphore, #tpu.memory_space<semaphore_mem>>) src(%dma_wait3A_55 : memref<125x80xi32, #tpu.memory_space<hbm>>) dst(%arg5 : memref<125x80xi32, #tpu.memory_space<vmem>>)
      tpu.yield
    }) : () -> ()
    %scan3A = arith.constant 0 : i32
    %scan3A_1 = arith.constant 0 : i32
    %scan3A_2 = arith.constant 25 : i32
    %scan3A_3 = arith.addi %scan3A_1, %scan3A_2 : i32
    %scan3A_4 = arith.constant 1 : i32
    scf.for %scan3A_39 = %scan3A_1 to %scan3A_3 step %scan3A_4  : i32 {
      %broadcast_in_dim3A = arith.constant 0.000000e+00 : f32
      %broadcast_in_dim3A_40 = vector.broadcast %broadcast_in_dim3A : f32 to vector<16xf32>
      %swap3A = arith.index_cast %scan3A_39 : i32 to index
      %swap3A_41 = arith.constant 0 : index
      %swap3A_42 = tpu.vector_load %arg8[%swap3A, %swap3A_41] {strides = array<i32>} : memref<25x128xf32, #tpu.memory_space<vmem>>, vector<1x16xf32>,
      %swap3A_43 = vector.shape_cast %swap3A_42 : vector<1x16xf32> to vector<16xf32>
      %swap3A_44 = vector.shape_cast %broadcast_in_dim3A_40 : vector<16xf32> to vector<1x16xf32>
      tpu.vector_store %arg8[%swap3A, %swap3A_41], %swap3A_44 {strides = array<i32>} : memref<25x128xf32, #tpu.memory_space<vmem>>, vector<1x16xf32>,
      %broadcast_in_dim3A_45 = arith.constant 0.000000e+00 : f32
      %broadcast_in_dim3A_46 = vector.broadcast %broadcast_in_dim3A_45 : f32 to vector<16xf32>
      %swap3A_47 = arith.index_cast %scan3A_39 : i32 to index
      %swap3A_48 = arith.constant 16 : index
      %swap3A_49 = tpu.vector_load %arg8[%swap3A_47, %swap3A_48] {strides = array<i32>} : memref<25x128xf32, #tpu.memory_space<vmem>>, vector<1x16xf32>,
      %swap3A_50 = vector.shape_cast %swap3A_49 : vector<1x16xf32> to vector<16xf32>
      %swap3A_51 = vector.shape_cast %broadcast_in_dim3A_46 : vector<16xf32> to vector<1x16xf32>
      tpu.vector_store %arg8[%swap3A_47, %swap3A_48], %swap3A_51 {strides = array<i32>} : memref<25x128xf32, #tpu.memory_space<vmem>>, vector<1x16xf32>,
      %broadcast_in_dim3A_52 = arith.constant 0.000000e+00 : f32
      %broadcast_in_dim3A_53 = vector.broadcast %broadcast_in_dim3A_52 : f32 to vector<16xf32>
      %swap3A_54 = arith.index_cast %scan3A_39 : i32 to index
      %swap3A_55 = arith.constant 32 : index
      %swap3A_56 = tpu.vector_load %arg8[%swap3A_54, %swap3A_55] {strides = array<i32>} : memref<25x128xf32, #tpu.memory_space<vmem>>, vector<1x16xf32>,
      %swap3A_57 = vector.shape_cast %swap3A_56 : vector<1x16xf32> to vector<16xf32>
      %swap3A_58 = vector.shape_cast %broadcast_in_dim3A_53 : vector<16xf32> to vector<1x16xf32>
      tpu.vector_store %arg8[%swap3A_54, %swap3A_55], %swap3A_58 {strides = array<i32>} : memref<25x128xf32, #tpu.memory_space<vmem>>, vector<1x16xf32>,
      %broadcast_in_dim3A_59 = arith.constant 0.000000e+00 : f32
      %broadcast_in_dim3A_60 = vector.broadcast %broadcast_in_dim3A_59 : f32 to vector<16xf32>
      %swap3A_61 = arith.index_cast %scan3A_39 : i32 to index
      %swap3A_62 = arith.constant 48 : index
      %swap3A_63 = tpu.vector_load %arg8[%swap3A_61, %swap3A_62] {strides = array<i32>} : memref<25x128xf32, #tpu.memory_space<vmem>>, vector<1x16xf32>,
      %swap3A_64 = vector.shape_cast %swap3A_63 : vector<1x16xf32> to vector<16xf32>
      %swap3A_65 = vector.shape_cast %broadcast_in_dim3A_60 : vector<16xf32> to vector<1x16xf32>
      tpu.vector_store %arg8[%swap3A_61, %swap3A_62], %swap3A_65 {strides = array<i32>} : memref<25x128xf32, #tpu.memory_space<vmem>>, vector<1x16xf32>,
      %broadcast_in_dim3A_66 = arith.constant 0.000000e+00 : f32
      %broadcast_in_dim3A_67 = vector.broadcast %broadcast_in_dim3A_66 : f32 to vector<16xf32>
      %swap3A_68 = arith.index_cast %scan3A_39 : i32 to index
      %swap3A_69 = arith.constant 64 : index
      %swap3A_70 = tpu.vector_load %arg8[%swap3A_68, %swap3A_69] {strides = array<i32>} : memref<25x128xf32, #tpu.memory_space<vmem>>, vector<1x16xf32>,
      %swap3A_71 = vector.shape_cast %swap3A_70 : vector<1x16xf32> to vector<16xf32>
      %swap3A_72 = vector.shape_cast %broadcast_in_dim3A_67 : vector<16xf32> to vector<1x16xf32>
      tpu.vector_store %arg8[%swap3A_68, %swap3A_69], %swap3A_72 {strides = array<i32>} : memref<25x128xf32, #tpu.memory_space<vmem>>, vector<1x16xf32>,
      %broadcast_in_dim3A_73 = arith.constant 0.000000e+00 : f32
      %broadcast_in_dim3A_74 = vector.broadcast %broadcast_in_dim3A_73 : f32 to vector<16xf32>
      %swap3A_75 = arith.index_cast %scan3A_39 : i32 to index
      %swap3A_76 = arith.constant 80 : index
      %swap3A_77 = tpu.vector_load %arg8[%swap3A_75, %swap3A_76] {strides = array<i32>} : memref<25x128xf32, #tpu.memory_space<vmem>>, vector<1x16xf32>,
      %swap3A_78 = vector.shape_cast %swap3A_77 : vector<1x16xf32> to vector<16xf32>
      %swap3A_79 = vector.shape_cast %broadcast_in_dim3A_74 : vector<16xf32> to vector<1x16xf32>
      tpu.vector_store %arg8[%swap3A_75, %swap3A_76], %swap3A_79 {strides = array<i32>} : memref<25x128xf32, #tpu.memory_space<vmem>>, vector<1x16xf32>,
      %broadcast_in_dim3A_80 = arith.constant 0.000000e+00 : f32
      %broadcast_in_dim3A_81 = vector.broadcast %broadcast_in_dim3A_80 : f32 to vector<16xf32>
      %swap3A_82 = arith.index_cast %scan3A_39 : i32 to index
      %swap3A_83 = arith.constant 96 : index
      %swap3A_84 = tpu.vector_load %arg8[%swap3A_82, %swap3A_83] {strides = array<i32>} : memref<25x128xf32, #tpu.memory_space<vmem>>, vector<1x16xf32>,
      %swap3A_85 = vector.shape_cast %swap3A_84 : vector<1x16xf32> to vector<16xf32>
      %swap3A_86 = vector.shape_cast %broadcast_in_dim3A_81 : vector<16xf32> to vector<1x16xf32>
      tpu.vector_store %arg8[%swap3A_82, %swap3A_83], %swap3A_86 {strides = array<i32>} : memref<25x128xf32, #tpu.memory_space<vmem>>, vector<1x16xf32>,
      %broadcast_in_dim3A_87 = arith.constant 0.000000e+00 : f32
      %broadcast_in_dim3A_88 = vector.broadcast %broadcast_in_dim3A_87 : f32 to vector<16xf32>
      %swap3A_89 = arith.index_cast %scan3A_39 : i32 to index
      %swap3A_90 = arith.constant 112 : index
      %swap3A_91 = tpu.vector_load %arg8[%swap3A_89, %swap3A_90] {strides = array<i32>} : memref<25x128xf32, #tpu.memory_space<vmem>>, vector<1x16xf32>,
      %swap3A_92 = vector.shape_cast %swap3A_91 : vector<1x16xf32> to vector<16xf32>
      %swap3A_93 = vector.shape_cast %broadcast_in_dim3A_88 : vector<16xf32> to vector<1x16xf32>
      tpu.vector_store %arg8[%swap3A_89, %swap3A_90], %swap3A_93 {strides = array<i32>} : memref<25x128xf32, #tpu.memory_space<vmem>>, vector<1x16xf32>,
    }
    %scan3A_5 = arith.constant 25 : i32
    %scan3A_6 = arith.constant 0 : i32
    %scan3A_7 = arith.constant 0 : i32
    %scan3A_8 = arith.constant 25 : i32
    %scan3A_9 = arith.addi %scan3A_7, %scan3A_8 : i32
    %scan3A_10 = arith.constant 1 : i32
    scf.for %scan3A_39 = %scan3A_7 to %scan3A_9 step %scan3A_10  : i32 {
      %mul3A_40 = arith.constant 625 : i32
      %mul3A_41 = arith.muli %arg1, %mul3A_40 : i32
      %mul3A_42 = arith.constant 25 : i32
      %mul3A_43 = arith.muli %scan3A_39, %mul3A_42 : i32
      %add3A_44 = arith.addi %mul3A_41, %mul3A_43 : i32
      "tpu.region"() ({
        %run_scoped3A_45 = tpu.sem_alloc : memref<!tpu.dma_semaphore, #tpu.memory_space<semaphore_mem>>
        %dma_start3A_46 = arith.constant 0 : i32
        %dma_start3A_47 = tpu.memref_slice %arg9[%add3A_44, %dma_start3A_46] : memref<10000x128xf32, #tpu.memory_space<vmem_shared>> -> memref<25x128xf32, #tpu.memory_space<vmem_shared>>
        %dma_start3A_48 = arith.constant 0 : i32
        %dma_start3A_49 = tpu.memref_slice %arg9[%add3A_44, %dma_start3A_48] : memref<10000x128xf32, #tpu.memory_space<vmem_shared>> -> memref<25x128xf32, #tpu.memory_space<vmem_shared>>
        tpu.enqueue_dma source(%arg8 : memref<25x128xf32, #tpu.memory_space<vmem>>) target(%dma_start3A_49 : memref<25x128xf32, #tpu.memory_space<vmem_shared>>) target_semaphore(%run_scoped3A_45 : memref<!tpu.dma_semaphore, #tpu.memory_space<semaphore_mem>>)
        %dma_wait3A_50 = arith.constant 0 : i32
        %dma_wait3A_51 = tpu.memref_slice %arg9[%add3A_44, %dma_wait3A_50] : memref<10000x128xf32, #tpu.memory_space<vmem_shared>> -> memref<25x128xf32, #tpu.memory_space<vmem_shared>>
        %dma_wait3A_52 = arith.constant 0 : i32
        %dma_wait3A_53 = tpu.memref_slice %arg9[%add3A_44, %dma_wait3A_52] : memref<10000x128xf32, #tpu.memory_space<vmem_shared>> -> memref<25x128xf32, #tpu.memory_space<vmem_shared>>
        tpu.wait_dma2 semaphore(%run_scoped3A_45 : memref<!tpu.dma_semaphore, #tpu.memory_space<semaphore_mem>>) src(%arg8 : memref<25x128xf32, #tpu.memory_space<vmem>>) dst(%dma_wait3A_53 : memref<25x128xf32, #tpu.memory_space<vmem_shared>>)
        tpu.yield
      }) : () -> ()
    }
    %scan3A_11 = arith.constant 25 : i32
    %barrier3A = arith.constant 0 : index
    tpu.barrier barrier_id(%barrier3A)
    %mul3A_12 = arith.constant 10000 : i32
    %mul3A_13 = arith.muli %add3A, %mul3A_12 : i32
    %add3A_14 = arith.constant 0 : i32
    %add3A_15 = arith.addi %mul3A_13, %add3A_14 : i32
    %dma_start3A = arith.constant 0 : i32
    %dma_start3A_16 = tpu.memref_slice %arg2[%add3A_15, %dma_start3A] : memref<320000x128xf32, #tpu.memory_space<hbm>> -> memref<80x128xf32, #tpu.memory_space<hbm>>
    %dma_start3A_17 = arith.constant 0 : i32
    %dma_start3A_18 = tpu.memref_slice %arg2[%add3A_15, %dma_start3A_17] : memref<320000x128xf32, #tpu.memory_space<hbm>> -> memref<80x128xf32, #tpu.memory_space<hbm>>
    tpu.enqueue_dma source(%dma_start3A_18 : memref<80x128xf32, #tpu.memory_space<hbm>>) target(%arg6 : memref<80x128xf32, #tpu.memory_space<vmem>>) target_semaphore(%arg10 : memref<!tpu.dma_semaphore, #tpu.memory_space<semaphore_mem>>)
    %scan3A_19 = arith.constant 0 : i32
    %scan3A_20 = arith.constant 0 : i32
    %scan3A_21 = arith.constant 62 : i32
    %scan3A_22 = arith.addi %scan3A_20, %scan3A_21 : i32
    %scan3A_23 = arith.constant 1 : i32
    scf.for %scan3A_39 = %scan3A_20 to %scan3A_22 step %scan3A_23  : i32 {
      %mul3A_40 = arith.constant 2 : i32
      %mul3A_41 = arith.muli %mul3A_40, %scan3A_39 : i32
      %add3A_42 = arith.constant 1 : i32
      %add3A_43 = arith.addi %mul3A_41, %add3A_42 : i32
      %mul3A_44 = arith.constant 10000 : i32
      %mul3A_45 = arith.muli %add3A, %mul3A_44 : i32
      %mul3A_46 = arith.constant 80 : i32
      %mul3A_47 = arith.muli %add3A_43, %mul3A_46 : i32
      %add3A_48 = arith.addi %mul3A_45, %mul3A_47 : i32
      %dma_start3A_49 = arith.constant 0 : i32
      %dma_start3A_50 = tpu.memref_slice %arg2[%add3A_48, %dma_start3A_49] : memref<320000x128xf32, #tpu.memory_space<hbm>> -> memref<80x128xf32, #tpu.memory_space<hbm>>
      %dma_start3A_51 = arith.constant 0 : i32
      %dma_start3A_52 = tpu.memref_slice %arg2[%add3A_48, %dma_start3A_51] : memref<320000x128xf32, #tpu.memory_space<hbm>> -> memref<80x128xf32, #tpu.memory_space<hbm>>
      tpu.enqueue_dma source(%dma_start3A_52 : memref<80x128xf32, #tpu.memory_space<hbm>>) target(%arg7 : memref<80x128xf32, #tpu.memory_space<vmem>>) target_semaphore(%arg11 : memref<!tpu.dma_semaphore, #tpu.memory_space<semaphore_mem>>)
      %mul3A_53 = arith.constant 2 : i32
      %mul3A_54 = arith.muli %mul3A_53, %scan3A_39 : i32
      %mul3A_55 = arith.constant 10000 : i32
      %mul3A_56 = arith.muli %add3A, %mul3A_55 : i32
      %mul3A_57 = arith.constant 80 : i32
      %mul3A_58 = arith.muli %mul3A_54, %mul3A_57 : i32
      %add3A_59 = arith.addi %mul3A_56, %mul3A_58 : i32
      %dma_wait3A_60 = arith.constant 0 : i32
      %dma_wait3A_61 = tpu.memref_slice %arg2[%add3A_59, %dma_wait3A_60] : memref<320000x128xf32, #tpu.memory_space<hbm>> -> memref<80x128xf32, #tpu.memory_space<hbm>>
      %dma_wait3A_62 = arith.constant 0 : i32
      %dma_wait3A_63 = tpu.memref_slice %arg2[%add3A_59, %dma_wait3A_62] : memref<320000x128xf32, #tpu.memory_space<hbm>> -> memref<80x128xf32, #tpu.memory_space<hbm>>
      tpu.wait_dma2 semaphore(%arg10 : memref<!tpu.dma_semaphore, #tpu.memory_space<semaphore_mem>>) src(%dma_wait3A_63 : memref<80x128xf32, #tpu.memory_space<hbm>>) dst(%arg6 : memref<80x128xf32, #tpu.memory_space<vmem>>)
      "tpu.region"() ({
        %run_scoped3A_90 = tpu.sem_alloc : memref<!tpu.dma_semaphore, #tpu.memory_space<semaphore_mem>>
        %dma_start3A_91 = arith.constant 0 : i32
        %dma_start3A_92 = tpu.memref_slice %arg5[%mul3A_54, %dma_start3A_91] : memref<125x80xi32, #tpu.memory_space<vmem>> -> memref<1x80xi32, #tpu.memory_space<vmem>>
        %dma_start3A_93 = tpu.memref_squeeze %dma_start3A_92 : memref<1x80xi32, #tpu.memory_space<vmem>> -> memref<80xi32, #tpu.memory_space<vmem>>
        %dma_start3A_94 = arith.constant 0 : i32
        %dma_start3A_95 = arith.constant 0 : i32
        %dma_start3A_96 = tpu.memref_slice %arg9[%dma_start3A_94, %dma_start3A_95] : memref<10000x128xf32, #tpu.memory_space<vmem_shared>> -> memref<10000x128xf32, #tpu.memory_space<vmem_shared>>
        tpu.enqueue_indirect_dma source(%arg6 : memref<80x128xf32, #tpu.memory_space<vmem>>) target(%dma_start3A_96 : memref<10000x128xf32, #tpu.memory_space<vmem_shared>>) offsets(%dma_start3A_93 : memref<80xi32, #tpu.memory_space<vmem>>) semaphore(%run_scoped3A_90 : memref<!tpu.dma_semaphore, #tpu.memory_space<semaphore_mem>>) {add = true}
        %dma_wait3A_97 = arith.constant 0 : i32
        %dma_wait3A_98 = tpu.memref_slice %arg5[%mul3A_54, %dma_wait3A_97] : memref<125x80xi32, #tpu.memory_space<vmem>> -> memref<1x80xi32, #tpu.memory_space<vmem>>
        %dma_wait3A_99 = tpu.memref_squeeze %dma_wait3A_98 : memref<1x80xi32, #tpu.memory_space<vmem>> -> memref<80xi32, #tpu.memory_space<vmem>>
        %dma_wait3A_100 = arith.constant 0 : i32
        %dma_wait3A_101 = arith.constant 0 : i32
        %dma_wait3A_102 = tpu.memref_slice %arg9[%dma_wait3A_100, %dma_wait3A_101] : memref<10000x128xf32, #tpu.memory_space<vmem_shared>> -> memref<10000x128xf32, #tpu.memory_space<vmem_shared>>
        tpu.wait_indirect_dma semaphore(%run_scoped3A_90 : memref<!tpu.dma_semaphore, #tpu.memory_space<semaphore_mem>>) src(%arg6 : memref<80x128xf32, #tpu.memory_space<vmem>>) dst(%dma_wait3A_102 : memref<10000x128xf32, #tpu.memory_space<vmem_shared>>)
        tpu.yield
      }) : () -> ()
      %mul3A_64 = arith.constant 2 : i32
      %mul3A_65 = arith.muli %mul3A_64, %scan3A_39 : i32
      %add3A_66 = arith.constant 2 : i32
      %add3A_67 = arith.addi %mul3A_65, %add3A_66 : i32
      %mul3A_68 = arith.constant 10000 : i32
      %mul3A_69 = arith.muli %add3A, %mul3A_68 : i32
      %mul3A_70 = arith.constant 80 : i32
      %mul3A_71 = arith.muli %add3A_67, %mul3A_70 : i32
      %add3A_72 = arith.addi %mul3A_69, %mul3A_71 : i32
      %dma_start3A_73 = arith.constant 0 : i32
      %dma_start3A_74 = tpu.memref_slice %arg2[%add3A_72, %dma_start3A_73] : memref<320000x128xf32, #tpu.memory_space<hbm>> -> memref<80x128xf32, #tpu.memory_space<hbm>>
      %dma_start3A_75 = arith.constant 0 : i32
      %dma_start3A_76 = tpu.memref_slice %arg2[%add3A_72, %dma_start3A_75] : memref<320000x128xf32, #tpu.memory_space<hbm>> -> memref<80x128xf32, #tpu.memory_space<hbm>>
      tpu.enqueue_dma source(%dma_start3A_76 : memref<80x128xf32, #tpu.memory_space<hbm>>) target(%arg6 : memref<80x128xf32, #tpu.memory_space<vmem>>) target_semaphore(%arg10 : memref<!tpu.dma_semaphore, #tpu.memory_space<semaphore_mem>>)
      %mul3A_77 = arith.constant 2 : i32
      %mul3A_78 = arith.muli %mul3A_77, %scan3A_39 : i32
      %add3A_79 = arith.constant 1 : i32
      %add3A_80 = arith.addi %mul3A_78, %add3A_79 : i32
      %mul3A_81 = arith.constant 10000 : i32
      %mul3A_82 = arith.muli %add3A, %mul3A_81 : i32
      %mul3A_83 = arith.constant 80 : i32
      %mul3A_84 = arith.muli %add3A_80, %mul3A_83 : i32
      %add3A_85 = arith.addi %mul3A_82, %mul3A_84 : i32
      %dma_wait3A_86 = arith.constant 0 : i32
      %dma_wait3A_87 = tpu.memref_slice %arg2[%add3A_85, %dma_wait3A_86] : memref<320000x128xf32, #tpu.memory_space<hbm>> -> memref<80x128xf32, #tpu.memory_space<hbm>>
      %dma_wait3A_88 = arith.constant 0 : i32
      %dma_wait3A_89 = tpu.memref_slice %arg2[%add3A_85, %dma_wait3A_88] : memref<320000x128xf32, #tpu.memory_space<hbm>> -> memref<80x128xf32, #tpu.memory_space<hbm>>
      tpu.wait_dma2 semaphore(%arg11 : memref<!tpu.dma_semaphore, #tpu.memory_space<semaphore_mem>>) src(%dma_wait3A_89 : memref<80x128xf32, #tpu.memory_space<hbm>>) dst(%arg7 : memref<80x128xf32, #tpu.memory_space<vmem>>)
      "tpu.region"() ({
        %run_scoped3A_90 = tpu.sem_alloc : memref<!tpu.dma_semaphore, #tpu.memory_space<semaphore_mem>>
        %dma_start3A_91 = arith.constant 0 : i32
        %dma_start3A_92 = tpu.memref_slice %arg5[%add3A_80, %dma_start3A_91] : memref<125x80xi32, #tpu.memory_space<vmem>> -> memref<1x80xi32, #tpu.memory_space<vmem>>
        %dma_start3A_93 = tpu.memref_squeeze %dma_start3A_92 : memref<1x80xi32, #tpu.memory_space<vmem>> -> memref<80xi32, #tpu.memory_space<vmem>>
        %dma_start3A_94 = arith.constant 0 : i32
        %dma_start3A_95 = arith.constant 0 : i32
        %dma_start3A_96 = tpu.memref_slice %arg9[%dma_start3A_94, %dma_start3A_95] : memref<10000x128xf32, #tpu.memory_space<vmem_shared>> -> memref<10000x128xf32, #tpu.memory_space<vmem_shared>>
        tpu.enqueue_indirect_dma source(%arg7 : memref<80x128xf32, #tpu.memory_space<vmem>>) target(%dma_start3A_96 : memref<10000x128xf32, #tpu.memory_space<vmem_shared>>) offsets(%dma_start3A_93 : memref<80xi32, #tpu.memory_space<vmem>>) semaphore(%run_scoped3A_90 : memref<!tpu.dma_semaphore, #tpu.memory_space<semaphore_mem>>) {add = true}
        %dma_wait3A_97 = arith.constant 0 : i32
        %dma_wait3A_98 = tpu.memref_slice %arg5[%add3A_80, %dma_wait3A_97] : memref<125x80xi32, #tpu.memory_space<vmem>> -> memref<1x80xi32, #tpu.memory_space<vmem>>
        %dma_wait3A_99 = tpu.memref_squeeze %dma_wait3A_98 : memref<1x80xi32, #tpu.memory_space<vmem>> -> memref<80xi32, #tpu.memory_space<vmem>>
        %dma_wait3A_100 = arith.constant 0 : i32
        %dma_wait3A_101 = arith.constant 0 : i32
        %dma_wait3A_102 = tpu.memref_slice %arg9[%dma_wait3A_100, %dma_wait3A_101] : memref<10000x128xf32, #tpu.memory_space<vmem_shared>> -> memref<10000x128xf32, #tpu.memory_space<vmem_shared>>
        tpu.wait_indirect_dma semaphore(%run_scoped3A_90 : memref<!tpu.dma_semaphore, #tpu.memory_space<semaphore_mem>>) src(%arg7 : memref<80x128xf32, #tpu.memory_space<vmem>>) dst(%dma_wait3A_102 : memref<10000x128xf32, #tpu.memory_space<vmem_shared>>)
        tpu.yield
      }) : () -> ()
    }
    %scan3A_24 = arith.constant 62 : i32
    %mul3A_25 = arith.constant 10000 : i32
    %mul3A_26 = arith.muli %add3A, %mul3A_25 : i32
    %add3A_27 = arith.constant 9920 : i32
    %add3A_28 = arith.addi %mul3A_26, %add3A_27 : i32
    %dma_wait3A = arith.constant 0 : i32
    %dma_wait3A_29 = tpu.memref_slice %arg2[%add3A_28, %dma_wait3A] : memref<320000x128xf32, #tpu.memory_space<hbm>> -> memref<80x128xf32, #tpu.memory_space<hbm>>
    %dma_wait3A_30 = arith.constant 0 : i32
    %dma_wait3A_31 = tpu.memref_slice %arg2[%add3A_28, %dma_wait3A_30] : memref<320000x128xf32, #tpu.memory_space<hbm>> -> memref<80x128xf32, #tpu.memory_space<hbm>>
    tpu.wait_dma2 semaphore(%arg10 : memref<!tpu.dma_semaphore, #tpu.memory_space<semaphore_mem>>) src(%dma_wait3A_31 : memref<80x128xf32, #tpu.memory_space<hbm>>) dst(%arg6 : memref<80x128xf32, #tpu.memory_space<vmem>>)
    %run_scoped3A = arith.constant 124 : i32
    "tpu.region"() ({
      %run_scoped3A_39 = tpu.sem_alloc : memref<!tpu.dma_semaphore, #tpu.memory_space<semaphore_mem>>
      %dma_start3A_40 = arith.constant 0 : i32
      %dma_start3A_41 = tpu.memref_slice %arg5[%run_scoped3A, %dma_start3A_40] : memref<125x80xi32, #tpu.memory_space<vmem>> -> memref<1x80xi32, #tpu.memory_space<vmem>>
      %dma_start3A_42 = tpu.memref_squeeze %dma_start3A_41 : memref<1x80xi32, #tpu.memory_space<vmem>> -> memref<80xi32, #tpu.memory_space<vmem>>
      %dma_start3A_43 = arith.constant 0 : i32
      %dma_start3A_44 = arith.constant 0 : i32
      %dma_start3A_45 = tpu.memref_slice %arg9[%dma_start3A_43, %dma_start3A_44] : memref<10000x128xf32, #tpu.memory_space<vmem_shared>> -> memref<10000x128xf32, #tpu.memory_space<vmem_shared>>
      tpu.enqueue_indirect_dma source(%arg6 : memref<80x128xf32, #tpu.memory_space<vmem>>) target(%dma_start3A_45 : memref<10000x128xf32, #tpu.memory_space<vmem_shared>>) offsets(%dma_start3A_42 : memref<80xi32, #tpu.memory_space<vmem>>) semaphore(%run_scoped3A_39 : memref<!tpu.dma_semaphore, #tpu.memory_space<semaphore_mem>>) {add = true}
      %dma_wait3A_46 = arith.constant 0 : i32
      %dma_wait3A_47 = tpu.memref_slice %arg5[%run_scoped3A, %dma_wait3A_46] : memref<125x80xi32, #tpu.memory_space<vmem>> -> memref<1x80xi32, #tpu.memory_space<vmem>>
      %dma_wait3A_48 = tpu.memref_squeeze %dma_wait3A_47 : memref<1x80xi32, #tpu.memory_space<vmem>> -> memref<80xi32, #tpu.memory_space<vmem>>
      %dma_wait3A_49 = arith.constant 0 : i32
      %dma_wait3A_50 = arith.constant 0 : i32
      %dma_wait3A_51 = tpu.memref_slice %arg9[%dma_wait3A_49, %dma_wait3A_50] : memref<10000x128xf32, #tpu.memory_space<vmem_shared>> -> memref<10000x128xf32, #tpu.memory_space<vmem_shared>>
      tpu.wait_indirect_dma semaphore(%run_scoped3A_39 : memref<!tpu.dma_semaphore, #tpu.memory_space<semaphore_mem>>) src(%arg6 : memref<80x128xf32, #tpu.memory_space<vmem>>) dst(%dma_wait3A_51 : memref<10000x128xf32, #tpu.memory_space<vmem_shared>>)
      tpu.yield
    }) : () -> ()
    %barrier3A_32 = arith.constant 0 : index
    tpu.barrier barrier_id(%barrier3A_32)
    %lt3A = arith.constant 15 : i32
    %lt3A_33 = arith.cmpi slt, %arg1, %lt3A : i32
    %convert_element_type3A = arith.extui %lt3A_33 : i1 to i32
    %cond3A = arith.constant 0 : i32
    %cond3A_34 = arith.cmpi ne, %convert_element_type3A, %cond3A : i32
    scf.if %cond3A_34 {
      %mul3A_39 = arith.constant 624 : i32
      %mul3A_40 = arith.muli %arg1, %mul3A_39 : i32
      %mul3A_41 = arith.constant 624 : i32
      %mul3A_42 = arith.muli %arg1, %mul3A_41 : i32
      "tpu.region"() ({
        %run_scoped3A_43 = tpu.sem_alloc : memref<!tpu.dma_semaphore, #tpu.memory_space<semaphore_mem>>
        %dma_start3A_44 = arith.constant 0 : i32
        %dma_start3A_45 = tpu.memref_slice %arg4[%arg0, %mul3A_42, %dma_start3A_44] : memref<2x10000x128xf32, #tpu.memory_space<hbm>> -> memref<1x624x128xf32, #tpu.memory_space<hbm>>
        %dma_start3A_46 = tpu.memref_squeeze %dma_start3A_45 : memref<1x624x128xf32, #tpu.memory_space<hbm>> -> memref<624x128xf32, #tpu.memory_space<hbm>>
        %dma_start3A_47 = arith.constant 0 : i32
        %dma_start3A_48 = tpu.memref_slice %arg9[%mul3A_40, %dma_start3A_47] : memref<10000x128xf32, #tpu.memory_space<vmem_shared>> -> memref<624x128xf32, #tpu.memory_space<vmem_shared>>
        tpu.enqueue_dma source(%dma_start3A_48 : memref<624x128xf32, #tpu.memory_space<vmem_shared>>) target(%dma_start3A_46 : memref<624x128xf32, #tpu.memory_space<hbm>>) target_semaphore(%run_scoped3A_43 : memref<!tpu.dma_semaphore, #tpu.memory_space<semaphore_mem>>)
        %dma_wait3A_49 = arith.constant 0 : i32
        %dma_wait3A_50 = tpu.memref_slice %arg4[%arg0, %mul3A_42, %dma_wait3A_49] : memref<2x10000x128xf32, #tpu.memory_space<hbm>> -> memref<1x624x128xf32, #tpu.memory_space<hbm>>
        %dma_wait3A_51 = tpu.memref_squeeze %dma_wait3A_50 : memref<1x624x128xf32, #tpu.memory_space<hbm>> -> memref<624x128xf32, #tpu.memory_space<hbm>>
        %dma_wait3A_52 = arith.constant 0 : i32
        %dma_wait3A_53 = tpu.memref_slice %arg9[%mul3A_40, %dma_wait3A_52] : memref<10000x128xf32, #tpu.memory_space<vmem_shared>> -> memref<624x128xf32, #tpu.memory_space<vmem_shared>>
        tpu.wait_dma2 semaphore(%run_scoped3A_43 : memref<!tpu.dma_semaphore, #tpu.memory_space<semaphore_mem>>) src(%dma_wait3A_53 : memref<624x128xf32, #tpu.memory_space<vmem_shared>>) dst(%dma_wait3A_51 : memref<624x128xf32, #tpu.memory_space<hbm>>)
        tpu.yield
      }) : () -> ()
    } else {
    }
    %eq3A = arith.constant 15 : i32
    %eq3A_35 = arith.cmpi eq, %arg1, %eq3A : i32
    %convert_element_type3A_36 = arith.extui %eq3A_35 : i1 to i32
    %cond3A_37 = arith.constant 0 : i32
    %cond3A_38 = arith.cmpi ne, %convert_element_type3A_36, %cond3A_37 : i32
    scf.if %cond3A_38 {
      "tpu.region"() ({
        %run_scoped3A_39 = tpu.sem_alloc : memref<!tpu.dma_semaphore, #tpu.memory_space<semaphore_mem>>
        %dma_start3A_40 = arith.constant 9360 : i32
        %dma_start3A_41 = arith.constant 0 : i32
        %dma_start3A_42 = tpu.memref_slice %arg4[%arg0, %dma_start3A_40, %dma_start3A_41] : memref<2x10000x128xf32, #tpu.memory_space<hbm>> -> memref<1x640x128xf32, #tpu.memory_space<hbm>>
        %dma_start3A_43 = tpu.memref_squeeze %dma_start3A_42 : memref<1x640x128xf32, #tpu.memory_space<hbm>> -> memref<640x128xf32, #tpu.memory_space<hbm>>
        %dma_start3A_44 = arith.constant 9360 : i32
        %dma_start3A_45 = arith.constant 0 : i32
        %dma_start3A_46 = tpu.memref_slice %arg9[%dma_start3A_44, %dma_start3A_45] : memref<10000x128xf32, #tpu.memory_space<vmem_shared>> -> memref<640x128xf32, #tpu.memory_space<vmem_shared>>
        tpu.enqueue_dma source(%dma_start3A_46 : memref<640x128xf32, #tpu.memory_space<vmem_shared>>) target(%dma_start3A_43 : memref<640x128xf32, #tpu.memory_space<hbm>>) target_semaphore(%run_scoped3A_39 : memref<!tpu.dma_semaphore, #tpu.memory_space<semaphore_mem>>)
        %dma_wait3A_47 = arith.constant 9360 : i32
        %dma_wait3A_48 = arith.constant 0 : i32
        %dma_wait3A_49 = tpu.memref_slice %arg4[%arg0, %dma_wait3A_47, %dma_wait3A_48] : memref<2x10000x128xf32, #tpu.memory_space<hbm>> -> memref<1x640x128xf32, #tpu.memory_space<hbm>>
        %dma_wait3A_50 = tpu.memref_squeeze %dma_wait3A_49 : memref<1x640x128xf32, #tpu.memory_space<hbm>> -> memref<640x128xf32, #tpu.memory_space<hbm>>
        %dma_wait3A_51 = arith.constant 9360 : i32
        %dma_wait3A_52 = arith.constant 0 : i32
        %dma_wait3A_53 = tpu.memref_slice %arg9[%dma_wait3A_51, %dma_wait3A_52] : memref<10000x128xf32, #tpu.memory_space<vmem_shared>> -> memref<640x128xf32, #tpu.memory_space<vmem_shared>>
        tpu.wait_dma2 semaphore(%run_scoped3A_39 : memref<!tpu.dma_semaphore, #tpu.memory_space<semaphore_mem>>) src(%dma_wait3A_53 : memref<640x128xf32, #tpu.memory_space<vmem_shared>>) dst(%dma_wait3A_50 : memref<640x128xf32, #tpu.memory_space<hbm>>)
        tpu.yield
      }) : () -> ()
    } else {
    }
    return
  }
}

module attributes {stable_mosaic.version = 14 : i64} {
  func.func @_embed_body(%arg0: i32, %arg1: memref<2000x1xi32, #tpu.memory_space<vmem>>, %arg2: memref<128x200xf32, #tpu.memory_space<vmem>>, %arg3: memref<200x128xf32, #tpu.memory_space<vmem>>, %arg4: memref<1x128xf32, #tpu.memory_space<vmem>>, %arg5: memref<128x256xf32, #tpu.memory_space<vmem>>, %arg6: memref<1x256xf32, #tpu.memory_space<vmem>>, %arg7: memref<128x256xf32, #tpu.memory_space<vmem>>, %arg8: memref<1x256xf32, #tpu.memory_space<vmem>>, %arg9: memref<2000x128xf32, #tpu.memory_space<vmem>>, %arg10: memref<2000x128xi32, #tpu.memory_space<vmem>>, %arg11: memref<2000x128xi32, #tpu.memory_space<vmem>>) attributes {dimension_semantics = [#tpu.dimension_semantics<arbitrary>], iteration_bounds = array<i64: 5>, scalar_prefetch = 0 : i64, scratch_operands = 0 : i64, tpu.core_type = #tpu.core_type<tc>, window_params = [{transform_indices = @transform_0, window_bounds = array<i64: 2000, 1>}, {pipeline_mode = #tpu.pipeline_mode<synchronous>, transform_indices = @transform_1, window_bounds = array<i64: 128, 200>}, {pipeline_mode = #tpu.pipeline_mode<synchronous>, transform_indices = @transform_2, window_bounds = array<i64: 200, 128>}, {pipeline_mode = #tpu.pipeline_mode<synchronous>, transform_indices = @transform_3, window_bounds = array<i64: 1, 128>}, {pipeline_mode = #tpu.pipeline_mode<synchronous>, transform_indices = @transform_4, window_bounds = array<i64: 128, 256>}, {pipeline_mode = #tpu.pipeline_mode<synchronous>, transform_indices = @transform_5, window_bounds = array<i64: 1, 256>}, {pipeline_mode = #tpu.pipeline_mode<synchronous>, transform_indices = @transform_6, window_bounds = array<i64: 128, 256>}, {pipeline_mode = #tpu.pipeline_mode<synchronous>, transform_indices = @transform_7, window_bounds = array<i64: 1, 256>}, {transform_indices = @transform_8, window_bounds = array<i64: 2000, 128>}, {transform_indices = @transform_9, window_bounds = array<i64: 2000, 128>}, {transform_indices = @transform_10, window_bounds = array<i64: 2000, 128>}]} {
    %get3A = arith.constant 0 : index
    %get3A_0 = arith.constant 0 : index
    %get3A_1 = vector.load %arg1[%get3A, %get3A_0] : memref<2000x1xi32, #tpu.memory_space<vmem>>, vector<2000x1xi32>
    %iota3A = tpu.iota {dimensions = array<i32: 1>} : vector<2000x128xi32>
    %eq3A = vector.broadcast %get3A_1 : vector<2000x1xi32> to vector<2000x128xi32>
    %eq3A_2 = arith.cmpi eq, %iota3A, %eq3A : vector<2000x128xi32>
    %convert_element_type3A = arith.extui %eq3A_2 : vector<2000x128xi1> to vector<2000x128xi32>
    %convert_element_type3A_3 = arith.sitofp %convert_element_type3A : vector<2000x128xi32> to vector<2000x128xf32>
    %get3A_4 = arith.constant 0 : index
    %get3A_5 = arith.constant 0 : index
    %get3A_6 = vector.load %arg2[%get3A_4, %get3A_5] : memref<128x200xf32, #tpu.memory_space<vmem>>, vector<128x200xf32>
    %dot_general3A = arith.constant dense<0.000000e+00> : vector<2000x200xf32>
    %dot_general3A_7 = tpu.matmul %convert_element_type3A_3, %get3A_6, %dot_general3A {dimension_numbers = #tpu.dot_dimension_numbers<[1], [0], [0], [1], [0, 0, 1, 1], [], []>, transpose_lhs_hint = false} : vector<2000x128xf32>, vector<128x200xf32>, vector<2000x200xf32> -> vector<2000x200xf32>
    %get3A_8 = arith.constant 0 : index
    %get3A_9 = arith.constant 0 : index
    %get3A_10 = vector.load %arg3[%get3A_8, %get3A_9] : memref<200x128xf32, #tpu.memory_space<vmem>>, vector<200x128xf32>
    %dot_general3A_11 = arith.constant dense<0.000000e+00> : vector<2000x128xf32>
    %dot_general3A_12 = tpu.matmul %dot_general3A_7, %get3A_10, %dot_general3A_11 {dimension_numbers = #tpu.dot_dimension_numbers<[1], [0], [0], [1], [0, 0, 1, 1], [], []>, transpose_lhs_hint = false} : vector<2000x200xf32>, vector<200x128xf32>, vector<2000x128xf32> -> vector<2000x128xf32>
    %get3A_13 = arith.constant 0 : index
    %get3A_14 = arith.constant 0 : index
    %get3A_15 = vector.load %arg4[%get3A_13, %get3A_14] : memref<1x128xf32, #tpu.memory_space<vmem>>, vector<1x128xf32>
    %add3A = vector.broadcast %get3A_15 : vector<1x128xf32> to vector<2000x128xf32>
    %add3A_16 = arith.addf %dot_general3A_12, %add3A : vector<2000x128xf32>
    %swap3A = arith.constant 0 : index
    %swap3A_17 = arith.constant 0 : index
    %swap3A_18 = vector.load %arg9[%swap3A, %swap3A_17] : memref<2000x128xf32, #tpu.memory_space<vmem>>, vector<2000x128xf32>
    tpu.vector_store %arg9[%swap3A, %swap3A_17], %add3A_16 {strides = array<i32>} : memref<2000x128xf32, #tpu.memory_space<vmem>>, vector<2000x128xf32>,
    %get3A_19 = arith.constant 0 : index
    %get3A_20 = arith.constant 0 : index
    %get3A_21 = vector.load %arg5[%get3A_19, %get3A_20] : memref<128x256xf32, #tpu.memory_space<vmem>>, vector<128x256xf32>
    %dot_general3A_22 = arith.constant dense<0.000000e+00> : vector<2000x256xf32>
    %dot_general3A_23 = tpu.matmul %add3A_16, %get3A_21, %dot_general3A_22 {dimension_numbers = #tpu.dot_dimension_numbers<[1], [0], [0], [1], [0, 0, 1, 1], [], []>, transpose_lhs_hint = false} : vector<2000x128xf32>, vector<128x256xf32>, vector<2000x256xf32> -> vector<2000x256xf32>
    %get3A_24 = arith.constant 0 : index
    %get3A_25 = arith.constant 0 : index
    %get3A_26 = vector.load %arg6[%get3A_24, %get3A_25] : memref<1x256xf32, #tpu.memory_space<vmem>>, vector<1x256xf32>
    %add3A_27 = vector.broadcast %get3A_26 : vector<1x256xf32> to vector<2000x256xf32>
    %add3A_28 = arith.addf %dot_general3A_23, %add3A_27 : vector<2000x256xf32>
    %slice3A = vector.extract_strided_slice %add3A_28 {offsets = [0, 0], sizes = [2000, 128], strides = [1, 1]} : vector<2000x256xf32> to vector<2000x128xf32>
    %bitcast_convert_type3A = tpu.bitcast %slice3A : vector<2000x128xf32> -> vector<2000x128xi32>
    %slice3A_29 = vector.extract_strided_slice %add3A_28 {offsets = [0, 128], sizes = [2000, 128], strides = [1, 1]} : vector<2000x256xf32> to vector<2000x128xf32>
    %bitcast_convert_type3A_30 = tpu.bitcast %slice3A_29 : vector<2000x128xf32> -> vector<2000x128xi32>
    %add3A_31 = arith.constant 32767 : i32
    %add3A_32 = vector.broadcast %add3A_31 : i32 to vector<2000x128xi32>
    %add3A_33 = arith.addi %bitcast_convert_type3A, %add3A_32 : vector<2000x128xi32>
    %shift_right_arithmetic3A = arith.constant 16 : i32
    %shift_right_arithmetic3A_34 = vector.broadcast %shift_right_arithmetic3A : i32 to vector<2000x128xi32>
    %shift_right_arithmetic3A_35 = arith.shrsi %bitcast_convert_type3A, %shift_right_arithmetic3A_34 : vector<2000x128xi32>
    %and3A = arith.constant 1 : i32
    %and3A_36 = vector.broadcast %and3A : i32 to vector<2000x128xi32>
    %and3A_37 = arith.andi %shift_right_arithmetic3A_35, %and3A_36 : vector<2000x128xi32>
    %add3A_38 = arith.addi %add3A_33, %and3A_37 : vector<2000x128xi32>
    %shift_right_arithmetic3A_39 = arith.constant 16 : i32
    %shift_right_arithmetic3A_40 = vector.broadcast %shift_right_arithmetic3A_39 : i32 to vector<2000x128xi32>
    %shift_right_arithmetic3A_41 = arith.shrsi %add3A_38, %shift_right_arithmetic3A_40 : vector<2000x128xi32>
    %and3A_42 = arith.constant 65535 : i32
    %and3A_43 = vector.broadcast %and3A_42 : i32 to vector<2000x128xi32>
    %and3A_44 = arith.andi %shift_right_arithmetic3A_41, %and3A_43 : vector<2000x128xi32>
    %add3A_45 = arith.constant 32767 : i32
    %add3A_46 = vector.broadcast %add3A_45 : i32 to vector<2000x128xi32>
    %add3A_47 = arith.addi %bitcast_convert_type3A_30, %add3A_46 : vector<2000x128xi32>
    %shift_right_arithmetic3A_48 = arith.constant 16 : i32
    %shift_right_arithmetic3A_49 = vector.broadcast %shift_right_arithmetic3A_48 : i32 to vector<2000x128xi32>
    %shift_right_arithmetic3A_50 = arith.shrsi %bitcast_convert_type3A_30, %shift_right_arithmetic3A_49 : vector<2000x128xi32>
    %and3A_51 = arith.constant 1 : i32
    %and3A_52 = vector.broadcast %and3A_51 : i32 to vector<2000x128xi32>
    %and3A_53 = arith.andi %shift_right_arithmetic3A_50, %and3A_52 : vector<2000x128xi32>
    %add3A_54 = arith.addi %add3A_47, %and3A_53 : vector<2000x128xi32>
    %and3A_55 = arith.constant -65536 : i32
    %and3A_56 = vector.broadcast %and3A_55 : i32 to vector<2000x128xi32>
    %and3A_57 = arith.andi %add3A_54, %and3A_56 : vector<2000x128xi32>
    %or3A = arith.ori %and3A_44, %and3A_57 : vector<2000x128xi32>
    %swap3A_58 = arith.constant 0 : index
    %swap3A_59 = arith.constant 0 : index
    %swap3A_60 = vector.load %arg10[%swap3A_58, %swap3A_59] : memref<2000x128xi32, #tpu.memory_space<vmem>>, vector<2000x128xi32>
    tpu.vector_store %arg10[%swap3A_58, %swap3A_59], %or3A {strides = array<i32>} : memref<2000x128xi32, #tpu.memory_space<vmem>>, vector<2000x128xi32>,
    %get3A_61 = arith.constant 0 : index
    %get3A_62 = arith.constant 0 : index
    %get3A_63 = vector.load %arg7[%get3A_61, %get3A_62] : memref<128x256xf32, #tpu.memory_space<vmem>>, vector<128x256xf32>
    %dot_general3A_64 = arith.constant dense<0.000000e+00> : vector<2000x256xf32>
    %dot_general3A_65 = tpu.matmul %add3A_16, %get3A_63, %dot_general3A_64 {dimension_numbers = #tpu.dot_dimension_numbers<[1], [0], [0], [1], [0, 0, 1, 1], [], []>, transpose_lhs_hint = false} : vector<2000x128xf32>, vector<128x256xf32>, vector<2000x256xf32> -> vector<2000x256xf32>
    %get3A_66 = arith.constant 0 : index
    %get3A_67 = arith.constant 0 : index
    %get3A_68 = vector.load %arg8[%get3A_66, %get3A_67] : memref<1x256xf32, #tpu.memory_space<vmem>>, vector<1x256xf32>
    %add3A_69 = vector.broadcast %get3A_68 : vector<1x256xf32> to vector<2000x256xf32>
    %add3A_70 = arith.addf %dot_general3A_65, %add3A_69 : vector<2000x256xf32>
    %slice3A_71 = vector.extract_strided_slice %add3A_70 {offsets = [0, 0], sizes = [2000, 128], strides = [1, 1]} : vector<2000x256xf32> to vector<2000x128xf32>
    %bitcast_convert_type3A_72 = tpu.bitcast %slice3A_71 : vector<2000x128xf32> -> vector<2000x128xi32>
    %slice3A_73 = vector.extract_strided_slice %add3A_70 {offsets = [0, 128], sizes = [2000, 128], strides = [1, 1]} : vector<2000x256xf32> to vector<2000x128xf32>
    %bitcast_convert_type3A_74 = tpu.bitcast %slice3A_73 : vector<2000x128xf32> -> vector<2000x128xi32>
    %add3A_75 = arith.constant 32767 : i32
    %add3A_76 = vector.broadcast %add3A_75 : i32 to vector<2000x128xi32>
    %add3A_77 = arith.addi %bitcast_convert_type3A_72, %add3A_76 : vector<2000x128xi32>
    %shift_right_arithmetic3A_78 = arith.constant 16 : i32
    %shift_right_arithmetic3A_79 = vector.broadcast %shift_right_arithmetic3A_78 : i32 to vector<2000x128xi32>
    %shift_right_arithmetic3A_80 = arith.shrsi %bitcast_convert_type3A_72, %shift_right_arithmetic3A_79 : vector<2000x128xi32>
    %and3A_81 = arith.constant 1 : i32
    %and3A_82 = vector.broadcast %and3A_81 : i32 to vector<2000x128xi32>
    %and3A_83 = arith.andi %shift_right_arithmetic3A_80, %and3A_82 : vector<2000x128xi32>
    %add3A_84 = arith.addi %add3A_77, %and3A_83 : vector<2000x128xi32>
    %shift_right_arithmetic3A_85 = arith.constant 16 : i32
    %shift_right_arithmetic3A_86 = vector.broadcast %shift_right_arithmetic3A_85 : i32 to vector<2000x128xi32>
    %shift_right_arithmetic3A_87 = arith.shrsi %add3A_84, %shift_right_arithmetic3A_86 : vector<2000x128xi32>
    %and3A_88 = arith.constant 65535 : i32
    %and3A_89 = vector.broadcast %and3A_88 : i32 to vector<2000x128xi32>
    %and3A_90 = arith.andi %shift_right_arithmetic3A_87, %and3A_89 : vector<2000x128xi32>
    %add3A_91 = arith.constant 32767 : i32
    %add3A_92 = vector.broadcast %add3A_91 : i32 to vector<2000x128xi32>
    %add3A_93 = arith.addi %bitcast_convert_type3A_74, %add3A_92 : vector<2000x128xi32>
    %shift_right_arithmetic3A_94 = arith.constant 16 : i32
    %shift_right_arithmetic3A_95 = vector.broadcast %shift_right_arithmetic3A_94 : i32 to vector<2000x128xi32>
    %shift_right_arithmetic3A_96 = arith.shrsi %bitcast_convert_type3A_74, %shift_right_arithmetic3A_95 : vector<2000x128xi32>
    %and3A_97 = arith.constant 1 : i32
    %and3A_98 = vector.broadcast %and3A_97 : i32 to vector<2000x128xi32>
    %and3A_99 = arith.andi %shift_right_arithmetic3A_96, %and3A_98 : vector<2000x128xi32>
    %add3A_100 = arith.addi %add3A_93, %and3A_99 : vector<2000x128xi32>
    %and3A_101 = arith.constant -65536 : i32
    %and3A_102 = vector.broadcast %and3A_101 : i32 to vector<2000x128xi32>
    %and3A_103 = arith.andi %add3A_100, %and3A_102 : vector<2000x128xi32>
    %or3A_104 = arith.ori %and3A_90, %and3A_103 : vector<2000x128xi32>
    %swap3A_105 = arith.constant 0 : index
    %swap3A_106 = arith.constant 0 : index
    %swap3A_107 = vector.load %arg11[%swap3A_105, %swap3A_106] : memref<2000x128xi32, #tpu.memory_space<vmem>>, vector<2000x128xi32>
    tpu.vector_store %arg11[%swap3A_105, %swap3A_106], %or3A_104 {strides = array<i32>} : memref<2000x128xi32, #tpu.memory_space<vmem>>, vector<2000x128xi32>,
    return
  }
  func.func @transform_0(%arg0: i32) -> (i32, i32) {
    %c0_i32 = arith.constant 0 : i32
    %c0_i32_0 = arith.constant 0 : i32
    return %arg0, %c0_i32 : i32, i32
  }
  func.func @transform_1(%arg0: i32) -> (i32, i32) {
    %c0_i32 = arith.constant 0 : i32
    %c0_i32_0 = arith.constant 0 : i32
    %c0_i32_1 = arith.constant 0 : i32
    return %c0_i32, %c0_i32_0 : i32, i32
  }
  func.func @transform_2(%arg0: i32) -> (i32, i32) {
    %c0_i32 = arith.constant 0 : i32
    %c0_i32_0 = arith.constant 0 : i32
    %c0_i32_1 = arith.constant 0 : i32
    return %c0_i32, %c0_i32_0 : i32, i32
  }
  func.func @transform_3(%arg0: i32) -> (i32, i32) {
    %c0_i32 = arith.constant 0 : i32
    %c0_i32_0 = arith.constant 0 : i32
    %c0_i32_1 = arith.constant 0 : i32
    return %c0_i32, %c0_i32_0 : i32, i32
  }
  func.func @transform_4(%arg0: i32) -> (i32, i32) {
    %c0_i32 = arith.constant 0 : i32
    %c0_i32_0 = arith.constant 0 : i32
    %c0_i32_1 = arith.constant 0 : i32
    return %c0_i32, %c0_i32_0 : i32, i32
  }
  func.func @transform_5(%arg0: i32) -> (i32, i32) {
    %c0_i32 = arith.constant 0 : i32
    %c0_i32_0 = arith.constant 0 : i32
    %c0_i32_1 = arith.constant 0 : i32
    return %c0_i32, %c0_i32_0 : i32, i32
  }
  func.func @transform_6(%arg0: i32) -> (i32, i32) {
    %c0_i32 = arith.constant 0 : i32
    %c0_i32_0 = arith.constant 0 : i32
    %c0_i32_1 = arith.constant 0 : i32
    return %c0_i32, %c0_i32_0 : i32, i32
  }
  func.func @transform_7(%arg0: i32) -> (i32, i32) {
    %c0_i32 = arith.constant 0 : i32
    %c0_i32_0 = arith.constant 0 : i32
    %c0_i32_1 = arith.constant 0 : i32
    return %c0_i32, %c0_i32_0 : i32, i32
  }
  func.func @transform_8(%arg0: i32) -> (i32, i32) {
    %c0_i32 = arith.constant 0 : i32
    %c0_i32_0 = arith.constant 0 : i32
    return %arg0, %c0_i32 : i32, i32
  }
  func.func @transform_9(%arg0: i32) -> (i32, i32) {
    %c0_i32 = arith.constant 0 : i32
    %c0_i32_0 = arith.constant 0 : i32
    return %arg0, %c0_i32 : i32, i32
  }
  func.func @transform_10(%arg0: i32) -> (i32, i32) {
    %c0_i32 = arith.constant 0 : i32
    %c0_i32_0 = arith.constant 0 : i32
    return %arg0, %c0_i32 : i32, i32
  }
}

module attributes {stable_mosaic.version = 14 : i64} {
  func.func @_bondlen_body(%arg0: i32, %arg1: memref<4000x3xf32, #tpu.memory_space<vmem>>, %arg2: memref<4000x1xf32, #tpu.memory_space<vmem>>) attributes {dimension_semantics = [#tpu.dimension_semantics<arbitrary>], iteration_bounds = array<i64: 80>, scalar_prefetch = 0 : i64, scratch_operands = 0 : i64, tpu.core_type = #tpu.core_type<tc>, window_params = [{transform_indices = @transform_0, window_bounds = array<i64: 4000, 3>}, {transform_indices = @transform_1, window_bounds = array<i64: 4000, 1>}]} {
    %get3A = arith.constant 0 : index
    %get3A_0 = arith.constant 0 : index
    %get3A_1 = vector.load %arg1[%get3A, %get3A_0] : memref<4000x3xf32, #tpu.memory_space<vmem>>, vector<4000x3xf32>
    %mul3A = arith.mulf %get3A_1, %get3A_1 : vector<4000x3xf32>
    %reduce_sum3A = arith.constant dense<0.000000e+00> : vector<4000xf32>
    %reduce_sum3A_2 = vector.multi_reduction <add>, %mul3A, %reduce_sum3A [1] : vector<4000x3xf32> to vector<4000xf32>
    %broadcast_in_dim3A = vector.shape_cast %reduce_sum3A_2 : vector<4000xf32> to vector<4000x1xf32>
    %sqrt3A = math.sqrt %broadcast_in_dim3A : vector<4000x1xf32>
    %swap3A = arith.constant 0 : index
    %swap3A_3 = arith.constant 0 : index
    %swap3A_4 = vector.load %arg2[%swap3A, %swap3A_3] : memref<4000x1xf32, #tpu.memory_space<vmem>>, vector<4000x1xf32>
    tpu.vector_store %arg2[%swap3A, %swap3A_3], %sqrt3A {strides = array<i32>} : memref<4000x1xf32, #tpu.memory_space<vmem>>, vector<4000x1xf32>,
    return
  }
  func.func @transform_0(%arg0: i32) -> (i32, i32) {
    %c0_i32 = arith.constant 0 : i32
    %c0_i32_0 = arith.constant 0 : i32
    return %arg0, %c0_i32 : i32, i32
  }
  func.func @transform_1(%arg0: i32) -> (i32, i32) {
    %c0_i32 = arith.constant 0 : i32
    %c0_i32_0 = arith.constant 0 : i32
    return %arg0, %c0_i32 : i32, i32
  }
}

module attributes {stable_mosaic.version = 14 : i64} {
  func.func @_stats_body(%arg0: i32, %arg1: memref<4000x128xi32, #tpu.memory_space<vmem>>, %arg2: memref<4000x128xi32, #tpu.memory_space<vmem>>, %arg3: memref<4000x1xf32, #tpu.memory_space<vmem>>, %arg4: memref<40x256xf32, #tpu.memory_space<vmem>>, %arg5: memref<1x256xf32, #tpu.memory_space<vmem>>, %arg6: memref<8x256xf32, #tpu.memory_space<vmem>>, %arg7: memref<8x256xf32, #tpu.memory_space<vmem>>) attributes {dimension_semantics = [#tpu.dimension_semantics<arbitrary>], iteration_bounds = array<i64: 80>, scalar_prefetch = 0 : i64, scratch_operands = 0 : i64, tpu.core_type = #tpu.core_type<tc>, window_params = [{transform_indices = @transform_0, window_bounds = array<i64: 4000, 128>}, {transform_indices = @transform_1, window_bounds = array<i64: 4000, 128>}, {transform_indices = @transform_2, window_bounds = array<i64: 4000, 1>}, {pipeline_mode = #tpu.pipeline_mode<synchronous>, transform_indices = @transform_3, window_bounds = array<i64: 40, 256>}, {pipeline_mode = #tpu.pipeline_mode<synchronous>, transform_indices = @transform_4, window_bounds = array<i64: 1, 256>}, {pipeline_mode = #tpu.pipeline_mode<synchronous>, transform_indices = @transform_5, window_bounds = array<i64: 8, 256>}, {pipeline_mode = #tpu.pipeline_mode<synchronous>, transform_indices = @transform_6, window_bounds = array<i64: 8, 256>}]} {
    %get3A = arith.constant 0 : index
    %get3A_0 = arith.constant 0 : index
    %get3A_1 = vector.load %arg3[%get3A, %get3A_0] : memref<4000x1xf32, #tpu.memory_space<vmem>>, vector<4000x1xf32>
    %iota3A = tpu.iota {dimensions = array<i32: 1>} : vector<4000x40xi32>
    %convert_element_type3A = arith.sitofp %iota3A : vector<4000x40xi32> to vector<4000x40xf32>
    %mul3A = arith.constant 0.205128208 : f32
    %mul3A_2 = vector.broadcast %mul3A : f32 to vector<4000x40xf32>
    %mul3A_3 = arith.mulf %convert_element_type3A, %mul3A_2 : vector<4000x40xf32>
    %sub3A = vector.broadcast %get3A_1 : vector<4000x1xf32> to vector<4000x40xf32>
    %sub3A_4 = arith.subf %sub3A, %mul3A_3 : vector<4000x40xf32>
    %integer_pow3A = arith.mulf %sub3A_4, %sub3A_4 : vector<4000x40xf32>
    %mul3A_5 = arith.constant -23.765625 : f32
    %mul3A_6 = vector.broadcast %mul3A_5 : f32 to vector<4000x40xf32>
    %mul3A_7 = arith.mulf %mul3A_6, %integer_pow3A : vector<4000x40xf32>
    %exp3A = math.exp %mul3A_7 : vector<4000x40xf32>
    %get3A_8 = arith.constant 0 : index
    %get3A_9 = arith.constant 0 : index
    %get3A_10 = vector.load %arg4[%get3A_8, %get3A_9] : memref<40x256xf32, #tpu.memory_space<vmem>>, vector<40x256xf32>
    %dot_general3A = arith.constant dense<0.000000e+00> : vector<4000x256xf32>
    %dot_general3A_11 = tpu.matmul %exp3A, %get3A_10, %dot_general3A {dimension_numbers = #tpu.dot_dimension_numbers<[1], [0], [0], [1], [0, 0, 1, 1], [], []>, transpose_lhs_hint = false} : vector<4000x40xf32>, vector<40x256xf32>, vector<4000x256xf32> -> vector<4000x256xf32>
    %get3A_12 = arith.constant 0 : index
    %get3A_13 = arith.constant 0 : index
    %get3A_14 = vector.load %arg1[%get3A_12, %get3A_13] : memref<4000x128xi32, #tpu.memory_space<vmem>>, vector<4000x128xi32>
    %shift_left3A = arith.constant 16 : i32
    %shift_left3A_15 = vector.broadcast %shift_left3A : i32 to vector<4000x128xi32>
    %shift_left3A_16 = arith.shli %get3A_14, %shift_left3A_15 : vector<4000x128xi32>
    %bitcast_convert_type3A = tpu.bitcast %shift_left3A_16 : vector<4000x128xi32> -> vector<4000x128xf32>
    %and3A = arith.constant -65536 : i32
    %and3A_17 = vector.broadcast %and3A : i32 to vector<4000x128xi32>
    %and3A_18 = arith.andi %get3A_14, %and3A_17 : vector<4000x128xi32>
    %bitcast_convert_type3A_19 = tpu.bitcast %and3A_18 : vector<4000x128xi32> -> vector<4000x128xf32>
    %get3A_20 = arith.constant 0 : index
    %get3A_21 = arith.constant 0 : index
    %get3A_22 = vector.load %arg2[%get3A_20, %get3A_21] : memref<4000x128xi32, #tpu.memory_space<vmem>>, vector<4000x128xi32>
    %shift_left3A_23 = arith.constant 16 : i32
    %shift_left3A_24 = vector.broadcast %shift_left3A_23 : i32 to vector<4000x128xi32>
    %shift_left3A_25 = arith.shli %get3A_22, %shift_left3A_24 : vector<4000x128xi32>
    %bitcast_convert_type3A_26 = tpu.bitcast %shift_left3A_25 : vector<4000x128xi32> -> vector<4000x128xf32>
    %and3A_27 = arith.constant -65536 : i32
    %and3A_28 = vector.broadcast %and3A_27 : i32 to vector<4000x128xi32>
    %and3A_29 = arith.andi %get3A_22, %and3A_28 : vector<4000x128xi32>
    %bitcast_convert_type3A_30 = tpu.bitcast %and3A_29 : vector<4000x128xi32> -> vector<4000x128xf32>
    %add3A = arith.addf %bitcast_convert_type3A, %bitcast_convert_type3A_26 : vector<4000x128xf32>
    %slice3A = vector.extract_strided_slice %dot_general3A_11 {offsets = [0, 0], sizes = [4000, 128], strides = [1, 1]} : vector<4000x256xf32> to vector<4000x128xf32>
    %add3A_31 = arith.addf %add3A, %slice3A : vector<4000x128xf32>
    %get3A_32 = arith.constant 0 : index
    %get3A_33 = arith.constant 0 : index
    %get3A_34 = vector.load %arg5[%get3A_32, %get3A_33] : memref<1x256xf32, #tpu.memory_space<vmem>>, vector<1x128xf32>
    %add3A_35 = vector.broadcast %get3A_34 : vector<1x128xf32> to vector<4000x128xf32>
    %add3A_36 = arith.addf %add3A_31, %add3A_35 : vector<4000x128xf32>
    %add3A_37 = arith.addf %bitcast_convert_type3A_19, %bitcast_convert_type3A_30 : vector<4000x128xf32>
    %slice3A_38 = vector.extract_strided_slice %dot_general3A_11 {offsets = [0, 128], sizes = [4000, 128], strides = [1, 1]} : vector<4000x256xf32> to vector<4000x128xf32>
    %add3A_39 = arith.addf %add3A_37, %slice3A_38 : vector<4000x128xf32>
    %get3A_40 = arith.constant 0 : index
    %get3A_41 = arith.constant 128 : index
    %get3A_42 = vector.load %arg5[%get3A_40, %get3A_41] : memref<1x256xf32, #tpu.memory_space<vmem>>, vector<1x128xf32>
    %add3A_43 = vector.broadcast %get3A_42 : vector<1x128xf32> to vector<4000x128xf32>
    %add3A_44 = arith.addf %add3A_39, %add3A_43 : vector<4000x128xf32>
    %concatenate3A = tpu.concatenate %add3A_36, %add3A_44 in 1 : vector<4000x128xf32>, vector<4000x128xf32> -> vector<4000x256xf32>
    %reduce_sum3A = arith.constant dense<0.000000e+00> : vector<256xf32>
    %reduce_sum3A_45 = vector.multi_reduction <add>, %concatenate3A, %reduce_sum3A [0] : vector<4000x256xf32> to vector<256xf32>
    %broadcast_in_dim3A = vector.shape_cast %reduce_sum3A_45 : vector<256xf32> to vector<1x256xf32>
    %jit3A = arith.constant 0 : i32
    %convert_element_type3A_46 = arith.sitofp %jit3A : i32 to f32
    %pad3A = vector.broadcast %convert_element_type3A_46 : f32 to vector<7x256xf32>
    %pad3A_47 = tpu.concatenate %broadcast_in_dim3A, %pad3A in 0 : vector<1x256xf32>, vector<7x256xf32> -> vector<8x256xf32>
    %mul3A_48 = arith.mulf %concatenate3A, %concatenate3A : vector<4000x256xf32>
    %reduce_sum3A_49 = arith.constant dense<0.000000e+00> : vector<256xf32>
    %reduce_sum3A_50 = vector.multi_reduction <add>, %mul3A_48, %reduce_sum3A_49 [0] : vector<4000x256xf32> to vector<256xf32>
    %broadcast_in_dim3A_51 = vector.shape_cast %reduce_sum3A_50 : vector<256xf32> to vector<1x256xf32>
    %jit3A_52 = arith.constant 0 : i32
    %convert_element_type3A_53 = arith.sitofp %jit3A_52 : i32 to f32
    %pad3A_54 = vector.broadcast %convert_element_type3A_53 : f32 to vector<7x256xf32>
    %pad3A_55 = tpu.concatenate %broadcast_in_dim3A_51, %pad3A_54 in 0 : vector<1x256xf32>, vector<7x256xf32> -> vector<8x256xf32>
    %eq3A = arith.constant 0 : i32
    %eq3A_56 = arith.cmpi eq, %arg0, %eq3A : i32
    %convert_element_type3A_57 = arith.extui %eq3A_56 : i1 to i32
    %cond3A = arith.constant 0 : i32
    %cond3A_58 = arith.cmpi ne, %convert_element_type3A_57, %cond3A : i32
    scf.if %cond3A_58 {
      %broadcast_in_dim3A_72 = arith.constant 0.000000e+00 : f32
      %broadcast_in_dim3A_73 = vector.broadcast %broadcast_in_dim3A_72 : f32 to vector<8x256xf32>
      %swap3A_74 = arith.constant 0 : index
      %swap3A_75 = arith.constant 0 : index
      %swap3A_76 = vector.load %arg6[%swap3A_74, %swap3A_75] : memref<8x256xf32, #tpu.memory_space<vmem>>, vector<8x256xf32>
      tpu.vector_store %arg6[%swap3A_74, %swap3A_75], %broadcast_in_dim3A_73 {strides = array<i32>} : memref<8x256xf32, #tpu.memory_space<vmem>>, vector<8x256xf32>,
      %broadcast_in_dim3A_77 = arith.constant 0.000000e+00 : f32
      %broadcast_in_dim3A_78 = vector.broadcast %broadcast_in_dim3A_77 : f32 to vector<8x256xf32>
      %swap3A_79 = arith.constant 0 : index
      %swap3A_80 = arith.constant 0 : index
      %swap3A_81 = vector.load %arg7[%swap3A_79, %swap3A_80] : memref<8x256xf32, #tpu.memory_space<vmem>>, vector<8x256xf32>
      tpu.vector_store %arg7[%swap3A_79, %swap3A_80], %broadcast_in_dim3A_78 {strides = array<i32>} : memref<8x256xf32, #tpu.memory_space<vmem>>, vector<8x256xf32>,
    } else {
    }
    %get3A_59 = arith.constant 0 : index
    %get3A_60 = arith.constant 0 : index
    %get3A_61 = vector.load %arg6[%get3A_59, %get3A_60] : memref<8x256xf32, #tpu.memory_space<vmem>>, vector<8x256xf32>
    %add3A_62 = arith.addf %get3A_61, %pad3A_47 : vector<8x256xf32>
    %swap3A = arith.constant 0 : index
    %swap3A_63 = arith.constant 0 : index
    %swap3A_64 = vector.load %arg6[%swap3A, %swap3A_63] : memref<8x256xf32, #tpu.memory_space<vmem>>, vector<8x256xf32>
    tpu.vector_store %arg6[%swap3A, %swap3A_63], %add3A_62 {strides = array<i32>} : memref<8x256xf32, #tpu.memory_space<vmem>>, vector<8x256xf32>,
    %get3A_65 = arith.constant 0 : index
    %get3A_66 = arith.constant 0 : index
    %get3A_67 = vector.load %arg7[%get3A_65, %get3A_66] : memref<8x256xf32, #tpu.memory_space<vmem>>, vector<8x256xf32>
    %add3A_68 = arith.addf %get3A_67, %pad3A_55 : vector<8x256xf32>
    %swap3A_69 = arith.constant 0 : index
    %swap3A_70 = arith.constant 0 : index
    %swap3A_71 = vector.load %arg7[%swap3A_69, %swap3A_70] : memref<8x256xf32, #tpu.memory_space<vmem>>, vector<8x256xf32>
    tpu.vector_store %arg7[%swap3A_69, %swap3A_70], %add3A_68 {strides = array<i32>} : memref<8x256xf32, #tpu.memory_space<vmem>>, vector<8x256xf32>,
    return
  }
  func.func @transform_0(%arg0: i32) -> (i32, i32) {
    %c0_i32 = arith.constant 0 : i32
    %c0_i32_0 = arith.constant 0 : i32
    return %arg0, %c0_i32 : i32, i32
  }
  func.func @transform_1(%arg0: i32) -> (i32, i32) {
    %c0_i32 = arith.constant 0 : i32
    %c0_i32_0 = arith.constant 0 : i32
    return %arg0, %c0_i32 : i32, i32
  }
  func.func @transform_2(%arg0: i32) -> (i32, i32) {
    %c0_i32 = arith.constant 0 : i32
    %c0_i32_0 = arith.constant 0 : i32
    return %arg0, %c0_i32 : i32, i32
  }
  func.func @transform_3(%arg0: i32) -> (i32, i32) {
    %c0_i32 = arith.constant 0 : i32
    %c0_i32_0 = arith.constant 0 : i32
    %c0_i32_1 = arith.constant 0 : i32
    return %c0_i32, %c0_i32_0 : i32, i32
  }
  func.func @transform_4(%arg0: i32) -> (i32, i32) {
    %c0_i32 = arith.constant 0 : i32
    %c0_i32_0 = arith.constant 0 : i32
    %c0_i32_1 = arith.constant 0 : i32
    return %c0_i32, %c0_i32_0 : i32, i32
  }
  func.func @transform_5(%arg0: i32) -> (i32, i32) {
    %c0_i32 = arith.constant 0 : i32
    %c0_i32_0 = arith.constant 0 : i32
    %c0_i32_1 = arith.constant 0 : i32
    return %c0_i32, %c0_i32_0 : i32, i32
  }
  func.func @transform_6(%arg0: i32) -> (i32, i32) {
    %c0_i32 = arith.constant 0 : i32
    %c0_i32_0 = arith.constant 0 : i32
    %c0_i32_1 = arith.constant 0 : i32
    return %c0_i32, %c0_i32_0 : i32, i32
  }
}

module attributes {stable_mosaic.version = 14 : i64} {
  func.func @_gate_body(%arg0: i32, %arg1: memref<4000x128xi32, #tpu.memory_space<vmem>>, %arg2: memref<4000x128xi32, #tpu.memory_space<vmem>>, %arg3: memref<4000x1xf32, #tpu.memory_space<vmem>>, %arg4: memref<40x256xf32, #tpu.memory_space<vmem>>, %arg5: memref<1x256xf32, #tpu.memory_space<vmem>>, %arg6: memref<8x256xf32, #tpu.memory_space<vmem>>, %arg7: memref<8x256xf32, #tpu.memory_space<vmem>>, %arg8: memref<1x256xf32, #tpu.memory_space<vmem>>, %arg9: memref<1x256xf32, #tpu.memory_space<vmem>>, %arg10: memref<4000x128xf32, #tpu.memory_space<vmem>>) attributes {dimension_semantics = [#tpu.dimension_semantics<arbitrary>], iteration_bounds = array<i64: 80>, scalar_prefetch = 0 : i64, scratch_operands = 0 : i64, tpu.core_type = #tpu.core_type<tc>, window_params = [{transform_indices = @transform_0, window_bounds = array<i64: 4000, 128>}, {transform_indices = @transform_1, window_bounds = array<i64: 4000, 128>}, {transform_indices = @transform_2, window_bounds = array<i64: 4000, 1>}, {pipeline_mode = #tpu.pipeline_mode<synchronous>, transform_indices = @transform_3, window_bounds = array<i64: 40, 256>}, {pipeline_mode = #tpu.pipeline_mode<synchronous>, transform_indices = @transform_4, window_bounds = array<i64: 1, 256>}, {pipeline_mode = #tpu.pipeline_mode<synchronous>, transform_indices = @transform_5, window_bounds = array<i64: 8, 256>}, {pipeline_mode = #tpu.pipeline_mode<synchronous>, transform_indices = @transform_6, window_bounds = array<i64: 8, 256>}, {pipeline_mode = #tpu.pipeline_mode<synchronous>, transform_indices = @transform_7, window_bounds = array<i64: 1, 256>}, {pipeline_mode = #tpu.pipeline_mode<synchronous>, transform_indices = @transform_8, window_bounds = array<i64: 1, 256>}, {transform_indices = @transform_9, window_bounds = array<i64: 4000, 128>}]} {
    %get3A = arith.constant 0 : index
    %get3A_0 = arith.constant 0 : index
    %get3A_1 = vector.load %arg3[%get3A, %get3A_0] : memref<4000x1xf32, #tpu.memory_space<vmem>>, vector<4000x1xf32>
    %iota3A = tpu.iota {dimensions = array<i32: 1>} : vector<4000x40xi32>
    %convert_element_type3A = arith.sitofp %iota3A : vector<4000x40xi32> to vector<4000x40xf32>
    %mul3A = arith.constant 0.205128208 : f32
    %mul3A_2 = vector.broadcast %mul3A : f32 to vector<4000x40xf32>
    %mul3A_3 = arith.mulf %convert_element_type3A, %mul3A_2 : vector<4000x40xf32>
    %sub3A = vector.broadcast %get3A_1 : vector<4000x1xf32> to vector<4000x40xf32>
    %sub3A_4 = arith.subf %sub3A, %mul3A_3 : vector<4000x40xf32>
    %integer_pow3A = arith.mulf %sub3A_4, %sub3A_4 : vector<4000x40xf32>
    %mul3A_5 = arith.constant -23.765625 : f32
    %mul3A_6 = vector.broadcast %mul3A_5 : f32 to vector<4000x40xf32>
    %mul3A_7 = arith.mulf %mul3A_6, %integer_pow3A : vector<4000x40xf32>
    %exp3A = math.exp %mul3A_7 : vector<4000x40xf32>
    %get3A_8 = arith.constant 0 : index
    %get3A_9 = arith.constant 0 : index
    %get3A_10 = vector.load %arg4[%get3A_8, %get3A_9] : memref<40x256xf32, #tpu.memory_space<vmem>>, vector<40x256xf32>
    %dot_general3A = arith.constant dense<0.000000e+00> : vector<4000x256xf32>
    %dot_general3A_11 = tpu.matmul %exp3A, %get3A_10, %dot_general3A {dimension_numbers = #tpu.dot_dimension_numbers<[1], [0], [0], [1], [0, 0, 1, 1], [], []>, transpose_lhs_hint = false} : vector<4000x40xf32>, vector<40x256xf32>, vector<4000x256xf32> -> vector<4000x256xf32>
    %get3A_12 = arith.constant 0 : index
    %get3A_13 = arith.constant 0 : index
    %get3A_14 = vector.load %arg1[%get3A_12, %get3A_13] : memref<4000x128xi32, #tpu.memory_space<vmem>>, vector<4000x128xi32>
    %shift_left3A = arith.constant 16 : i32
    %shift_left3A_15 = vector.broadcast %shift_left3A : i32 to vector<4000x128xi32>
    %shift_left3A_16 = arith.shli %get3A_14, %shift_left3A_15 : vector<4000x128xi32>
    %bitcast_convert_type3A = tpu.bitcast %shift_left3A_16 : vector<4000x128xi32> -> vector<4000x128xf32>
    %and3A = arith.constant -65536 : i32
    %and3A_17 = vector.broadcast %and3A : i32 to vector<4000x128xi32>
    %and3A_18 = arith.andi %get3A_14, %and3A_17 : vector<4000x128xi32>
    %bitcast_convert_type3A_19 = tpu.bitcast %and3A_18 : vector<4000x128xi32> -> vector<4000x128xf32>
    %get3A_20 = arith.constant 0 : index
    %get3A_21 = arith.constant 0 : index
    %get3A_22 = vector.load %arg2[%get3A_20, %get3A_21] : memref<4000x128xi32, #tpu.memory_space<vmem>>, vector<4000x128xi32>
    %shift_left3A_23 = arith.constant 16 : i32
    %shift_left3A_24 = vector.broadcast %shift_left3A_23 : i32 to vector<4000x128xi32>
    %shift_left3A_25 = arith.shli %get3A_22, %shift_left3A_24 : vector<4000x128xi32>
    %bitcast_convert_type3A_26 = tpu.bitcast %shift_left3A_25 : vector<4000x128xi32> -> vector<4000x128xf32>
    %and3A_27 = arith.constant -65536 : i32
    %and3A_28 = vector.broadcast %and3A_27 : i32 to vector<4000x128xi32>
    %and3A_29 = arith.andi %get3A_22, %and3A_28 : vector<4000x128xi32>
    %bitcast_convert_type3A_30 = tpu.bitcast %and3A_29 : vector<4000x128xi32> -> vector<4000x128xf32>
    %add3A = arith.addf %bitcast_convert_type3A, %bitcast_convert_type3A_26 : vector<4000x128xf32>
    %slice3A = vector.extract_strided_slice %dot_general3A_11 {offsets = [0, 0], sizes = [4000, 128], strides = [1, 1]} : vector<4000x256xf32> to vector<4000x128xf32>
    %add3A_31 = arith.addf %add3A, %slice3A : vector<4000x128xf32>
    %get3A_32 = arith.constant 0 : index
    %get3A_33 = arith.constant 0 : index
    %get3A_34 = vector.load %arg5[%get3A_32, %get3A_33] : memref<1x256xf32, #tpu.memory_space<vmem>>, vector<1x128xf32>
    %add3A_35 = vector.broadcast %get3A_34 : vector<1x128xf32> to vector<4000x128xf32>
    %add3A_36 = arith.addf %add3A_31, %add3A_35 : vector<4000x128xf32>
    %add3A_37 = arith.addf %bitcast_convert_type3A_19, %bitcast_convert_type3A_30 : vector<4000x128xf32>
    %slice3A_38 = vector.extract_strided_slice %dot_general3A_11 {offsets = [0, 128], sizes = [4000, 128], strides = [1, 1]} : vector<4000x256xf32> to vector<4000x128xf32>
    %add3A_39 = arith.addf %add3A_37, %slice3A_38 : vector<4000x128xf32>
    %get3A_40 = arith.constant 0 : index
    %get3A_41 = arith.constant 128 : index
    %get3A_42 = vector.load %arg5[%get3A_40, %get3A_41] : memref<1x256xf32, #tpu.memory_space<vmem>>, vector<1x128xf32>
    %add3A_43 = vector.broadcast %get3A_42 : vector<1x128xf32> to vector<4000x128xf32>
    %add3A_44 = arith.addf %add3A_39, %add3A_43 : vector<4000x128xf32>
    %get3A_45 = arith.constant 0 : index
    %get3A_46 = arith.constant 0 : index
    %get3A_47 = vector.load %arg6[%get3A_45, %get3A_46] : memref<8x256xf32, #tpu.memory_space<vmem>>, vector<1x256xf32>
    %mul3A_48 = arith.constant 3.125000e-06 : f32
    %mul3A_49 = vector.broadcast %mul3A_48 : f32 to vector<1x256xf32>
    %mul3A_50 = arith.mulf %get3A_47, %mul3A_49 : vector<1x256xf32>
    %get3A_51 = arith.constant 0 : index
    %get3A_52 = arith.constant 0 : index
    %get3A_53 = vector.load %arg7[%get3A_51, %get3A_52] : memref<8x256xf32, #tpu.memory_space<vmem>>, vector<1x256xf32>
    %mul3A_54 = arith.constant 3.125000e-06 : f32
    %mul3A_55 = vector.broadcast %mul3A_54 : f32 to vector<1x256xf32>
    %mul3A_56 = arith.mulf %get3A_53, %mul3A_55 : vector<1x256xf32>
    %mul3A_57 = arith.mulf %mul3A_50, %mul3A_50 : vector<1x256xf32>
    %sub3A_58 = arith.subf %mul3A_56, %mul3A_57 : vector<1x256xf32>
    %add3A_59 = arith.constant 9.99999974E-6 : f32
    %add3A_60 = vector.broadcast %add3A_59 : f32 to vector<1x256xf32>
    %add3A_61 = arith.addf %sub3A_58, %add3A_60 : vector<1x256xf32>
    %rsqrt3A = math.rsqrt %add3A_61 : vector<1x256xf32>
    %get3A_62 = arith.constant 0 : index
    %get3A_63 = arith.constant 0 : index
    %get3A_64 = vector.load %arg8[%get3A_62, %get3A_63] : memref<1x256xf32, #tpu.memory_space<vmem>>, vector<1x256xf32>
    %mul3A_65 = arith.mulf %get3A_64, %rsqrt3A : vector<1x256xf32>
    %get3A_66 = arith.constant 0 : index
    %get3A_67 = arith.constant 0 : index
    %get3A_68 = vector.load %arg9[%get3A_66, %get3A_67] : memref<1x256xf32, #tpu.memory_space<vmem>>, vector<1x256xf32>
    %mul3A_69 = arith.mulf %mul3A_50, %mul3A_65 : vector<1x256xf32>
    %sub3A_70 = arith.subf %get3A_68, %mul3A_69 : vector<1x256xf32>
    %slice3A_71 = vector.extract_strided_slice %mul3A_65 {offsets = [0, 0], sizes = [1, 128], strides = [1, 1]} : vector<1x256xf32> to vector<1x128xf32>
    %mul3A_72 = vector.broadcast %slice3A_71 : vector<1x128xf32> to vector<4000x128xf32>
    %mul3A_73 = arith.mulf %add3A_36, %mul3A_72 : vector<4000x128xf32>
    %slice3A_74 = vector.extract_strided_slice %sub3A_70 {offsets = [0, 0], sizes = [1, 128], strides = [1, 1]} : vector<1x256xf32> to vector<1x128xf32>
    %add3A_75 = vector.broadcast %slice3A_74 : vector<1x128xf32> to vector<4000x128xf32>
    %add3A_76 = arith.addf %mul3A_73, %add3A_75 : vector<4000x128xf32>
    %slice3A_77 = vector.extract_strided_slice %mul3A_65 {offsets = [0, 128], sizes = [1, 128], strides = [1, 1]} : vector<1x256xf32> to vector<1x128xf32>
    %mul3A_78 = vector.broadcast %slice3A_77 : vector<1x128xf32> to vector<4000x128xf32>
    %mul3A_79 = arith.mulf %add3A_44, %mul3A_78 : vector<4000x128xf32>
    %slice3A_80 = vector.extract_strided_slice %sub3A_70 {offsets = [0, 128], sizes = [1, 128], strides = [1, 1]} : vector<1x256xf32> to vector<1x128xf32>
    %add3A_81 = vector.broadcast %slice3A_80 : vector<1x128xf32> to vector<4000x128xf32>
    %add3A_82 = arith.addf %mul3A_79, %add3A_81 : vector<4000x128xf32>
    %logistic3A = arith.negf %add3A_76 : vector<4000x128xf32>
    %logistic3A_83 = math.exp %logistic3A : vector<4000x128xf32>
    %logistic3A_84 = arith.constant 1.000000e+00 : f32
    %logistic3A_85 = vector.broadcast %logistic3A_84 : f32 to vector<4000x128xf32>
    %logistic3A_86 = arith.addf %logistic3A_85, %logistic3A_83 : vector<4000x128xf32>
    %logistic3A_87 = arith.divf %logistic3A_85, %logistic3A_86 : vector<4000x128xf32>
    %custom_jvp_call3A = arith.constant 0.000000e+00 : f32
    %max3A = vector.broadcast %custom_jvp_call3A : f32 to vector<4000x128xf32>
    %max3A_88 = arith.maximumf %add3A_82, %max3A : vector<4000x128xf32>
    %sub3A_89 = vector.broadcast %custom_jvp_call3A : f32 to vector<4000x128xf32>
    %sub3A_90 = arith.subf %add3A_82, %sub3A_89 : vector<4000x128xf32>
    %ne3A = arith.cmpf one, %sub3A_90, %sub3A_90 : vector<4000x128xf32>
    %add3A_91 = vector.broadcast %custom_jvp_call3A : f32 to vector<4000x128xf32>
    %add3A_92 = arith.addf %add3A_82, %add3A_91 : vector<4000x128xf32>
    %abs3A = math.absf %sub3A_90 : vector<4000x128xf32>
    %neg3A = arith.constant 0.000000e+00 : f32
    %neg3A_93 = vector.broadcast %neg3A : f32 to vector<4000x128xf32>
    %neg3A_94 = arith.subf %neg3A_93, %abs3A : vector<4000x128xf32>
    %exp3A_95 = math.exp %neg3A_94 : vector<4000x128xf32>
    %log1p3A = math.log1p %exp3A_95 : vector<4000x128xf32>
    %add3A_96 = arith.addf %max3A_88, %log1p3A : vector<4000x128xf32>
    %select_n3A = arith.select %ne3A, %add3A_92, %add3A_96 : vector<4000x128xi1>, vector<4000x128xf32>
    %mul3A_97 = arith.mulf %logistic3A_87, %select_n3A : vector<4000x128xf32>
    %swap3A = arith.constant 0 : index
    %swap3A_98 = arith.constant 0 : index
    %swap3A_99 = vector.load %arg10[%swap3A, %swap3A_98] : memref<4000x128xf32, #tpu.memory_space<vmem>>, vector<4000x128xf32>
    tpu.vector_store %arg10[%swap3A, %swap3A_98], %mul3A_97 {strides = array<i32>} : memref<4000x128xf32, #tpu.memory_space<vmem>>, vector<4000x128xf32>,
    return
  }
  func.func @transform_0(%arg0: i32) -> (i32, i32) {
    %c0_i32 = arith.constant 0 : i32
    %c0_i32_0 = arith.constant 0 : i32
    return %arg0, %c0_i32 : i32, i32
  }
  func.func @transform_1(%arg0: i32) -> (i32, i32) {
    %c0_i32 = arith.constant 0 : i32
    %c0_i32_0 = arith.constant 0 : i32
    return %arg0, %c0_i32 : i32, i32
  }
  func.func @transform_2(%arg0: i32) -> (i32, i32) {
    %c0_i32 = arith.constant 0 : i32
    %c0_i32_0 = arith.constant 0 : i32
    return %arg0, %c0_i32 : i32, i32
  }
  func.func @transform_3(%arg0: i32) -> (i32, i32) {
    %c0_i32 = arith.constant 0 : i32
    %c0_i32_0 = arith.constant 0 : i32
    %c0_i32_1 = arith.constant 0 : i32
    return %c0_i32, %c0_i32_0 : i32, i32
  }
  func.func @transform_4(%arg0: i32) -> (i32, i32) {
    %c0_i32 = arith.constant 0 : i32
    %c0_i32_0 = arith.constant 0 : i32
    %c0_i32_1 = arith.constant 0 : i32
    return %c0_i32, %c0_i32_0 : i32, i32
  }
  func.func @transform_5(%arg0: i32) -> (i32, i32) {
    %c0_i32 = arith.constant 0 : i32
    %c0_i32_0 = arith.constant 0 : i32
    %c0_i32_1 = arith.constant 0 : i32
    return %c0_i32, %c0_i32_0 : i32, i32
  }
  func.func @transform_6(%arg0: i32) -> (i32, i32) {
    %c0_i32 = arith.constant 0 : i32
    %c0_i32_0 = arith.constant 0 : i32
    %c0_i32_1 = arith.constant 0 : i32
    return %c0_i32, %c0_i32_0 : i32, i32
  }
  func.func @transform_7(%arg0: i32) -> (i32, i32) {
    %c0_i32 = arith.constant 0 : i32
    %c0_i32_0 = arith.constant 0 : i32
    %c0_i32_1 = arith.constant 0 : i32
    return %c0_i32, %c0_i32_0 : i32, i32
  }
  func.func @transform_8(%arg0: i32) -> (i32, i32) {
    %c0_i32 = arith.constant 0 : i32
    %c0_i32_0 = arith.constant 0 : i32
    %c0_i32_1 = arith.constant 0 : i32
    return %c0_i32, %c0_i32_0 : i32, i32
  }
  func.func @transform_9(%arg0: i32) -> (i32, i32) {
    %c0_i32 = arith.constant 0 : i32
    %c0_i32_0 = arith.constant 0 : i32
    return %arg0, %c0_i32 : i32, i32
  }
}

module attributes {stable_mosaic.version = 14 : i64} {
  func.func @_node_body(%arg0: memref<10000x128xf32, #tpu.memory_space<vmem>>, %arg1: memref<2x10000x128xf32, #tpu.memory_space<vmem>>, %arg2: memref<1x128xf32, #tpu.memory_space<vmem>>, %arg3: memref<1x128xf32, #tpu.memory_space<vmem>>, %arg4: memref<128x256xf32, #tpu.memory_space<vmem>>, %arg5: memref<1x256xf32, #tpu.memory_space<vmem>>, %arg6: memref<128x256xf32, #tpu.memory_space<vmem>>, %arg7: memref<1x256xf32, #tpu.memory_space<vmem>>, %arg8: memref<10000x128xf32, #tpu.memory_space<vmem>>, %arg9: memref<10000x128xi32, #tpu.memory_space<vmem>>, %arg10: memref<10000x128xi32, #tpu.memory_space<vmem>>) attributes {dimension_semantics = [], scalar_prefetch = 0 : i64, scratch_operands = 0 : i64, tpu.core_type = #tpu.core_type<tc>} {
    %get3A = arith.constant 0 : index
    %get3A_0 = arith.constant 0 : index
    %get3A_1 = arith.constant 0 : index
    %get3A_2 = vector.load %arg1[%get3A, %get3A_0, %get3A_1] : memref<2x10000x128xf32, #tpu.memory_space<vmem>>, vector<1x10000x128xf32>
    %get3A_3 = vector.shape_cast %get3A_2 : vector<1x10000x128xf32> to vector<10000x128xf32>
    %get3A_4 = arith.constant 1 : index
    %get3A_5 = arith.constant 0 : index
    %get3A_6 = arith.constant 0 : index
    %get3A_7 = vector.load %arg1[%get3A_4, %get3A_5, %get3A_6] : memref<2x10000x128xf32, #tpu.memory_space<vmem>>, vector<1x10000x128xf32>
    %get3A_8 = vector.shape_cast %get3A_7 : vector<1x10000x128xf32> to vector<10000x128xf32>
    %add3A = arith.addf %get3A_3, %get3A_8 : vector<10000x128xf32>
    %reduce_sum3A = arith.constant dense<0.000000e+00> : vector<128xf32>
    %reduce_sum3A_9 = vector.multi_reduction <add>, %add3A, %reduce_sum3A [0] : vector<10000x128xf32> to vector<128xf32>
    %broadcast_in_dim3A = vector.shape_cast %reduce_sum3A_9 : vector<128xf32> to vector<1x128xf32>
    %div3A = arith.constant 1.000000e+04 : f32
    %div3A_10 = vector.broadcast %div3A : f32 to vector<1x128xf32>
    %div3A_11 = arith.divf %broadcast_in_dim3A, %div3A_10 : vector<1x128xf32>
    %sub3A = vector.broadcast %div3A_11 : vector<1x128xf32> to vector<10000x128xf32>
    %sub3A_12 = arith.subf %add3A, %sub3A : vector<10000x128xf32>
    %mul3A = arith.mulf %sub3A_12, %sub3A_12 : vector<10000x128xf32>
    %reduce_sum3A_13 = arith.constant dense<0.000000e+00> : vector<128xf32>
    %reduce_sum3A_14 = vector.multi_reduction <add>, %mul3A, %reduce_sum3A_13 [0] : vector<10000x128xf32> to vector<128xf32>
    %broadcast_in_dim3A_15 = vector.shape_cast %reduce_sum3A_14 : vector<128xf32> to vector<1x128xf32>
    %div3A_16 = arith.constant 1.000000e+04 : f32
    %div3A_17 = vector.broadcast %div3A_16 : f32 to vector<1x128xf32>
    %div3A_18 = arith.divf %broadcast_in_dim3A_15, %div3A_17 : vector<1x128xf32>
    %add3A_19 = arith.constant 9.99999974E-6 : f32
    %add3A_20 = vector.broadcast %add3A_19 : f32 to vector<1x128xf32>
    %add3A_21 = arith.addf %div3A_18, %add3A_20 : vector<1x128xf32>
    %rsqrt3A = math.rsqrt %add3A_21 : vector<1x128xf32>
    %mul3A_22 = vector.broadcast %rsqrt3A : vector<1x128xf32> to vector<10000x128xf32>
    %mul3A_23 = arith.mulf %sub3A_12, %mul3A_22 : vector<10000x128xf32>
    %get3A_24 = arith.constant 0 : index
    %get3A_25 = arith.constant 0 : index
    %get3A_26 = vector.load %arg2[%get3A_24, %get3A_25] : memref<1x128xf32, #tpu.memory_space<vmem>>, vector<1x128xf32>
    %mul3A_27 = vector.broadcast %get3A_26 : vector<1x128xf32> to vector<10000x128xf32>
    %mul3A_28 = arith.mulf %mul3A_23, %mul3A_27 : vector<10000x128xf32>
    %get3A_29 = arith.constant 0 : index
    %get3A_30 = arith.constant 0 : index
    %get3A_31 = vector.load %arg3[%get3A_29, %get3A_30] : memref<1x128xf32, #tpu.memory_space<vmem>>, vector<1x128xf32>
    %add3A_32 = vector.broadcast %get3A_31 : vector<1x128xf32> to vector<10000x128xf32>
    %add3A_33 = arith.addf %mul3A_28, %add3A_32 : vector<10000x128xf32>
    %get3A_34 = arith.constant 0 : index
    %get3A_35 = arith.constant 0 : index
    %get3A_36 = vector.load %arg0[%get3A_34, %get3A_35] : memref<10000x128xf32, #tpu.memory_space<vmem>>, vector<10000x128xf32>
    %add3A_37 = arith.addf %get3A_36, %add3A_33 : vector<10000x128xf32>
    %custom_jvp_call3A = arith.constant 0.000000e+00 : f32
    %max3A = vector.broadcast %custom_jvp_call3A : f32 to vector<10000x128xf32>
    %max3A_38 = arith.maximumf %add3A_37, %max3A : vector<10000x128xf32>
    %sub3A_39 = vector.broadcast %custom_jvp_call3A : f32 to vector<10000x128xf32>
    %sub3A_40 = arith.subf %add3A_37, %sub3A_39 : vector<10000x128xf32>
    %ne3A = arith.cmpf one, %sub3A_40, %sub3A_40 : vector<10000x128xf32>
    %add3A_41 = vector.broadcast %custom_jvp_call3A : f32 to vector<10000x128xf32>
    %add3A_42 = arith.addf %add3A_37, %add3A_41 : vector<10000x128xf32>
    %abs3A = math.absf %sub3A_40 : vector<10000x128xf32>
    %neg3A = arith.constant 0.000000e+00 : f32
    %neg3A_43 = vector.broadcast %neg3A : f32 to vector<10000x128xf32>
    %neg3A_44 = arith.subf %neg3A_43, %abs3A : vector<10000x128xf32>
    %exp3A = math.exp %neg3A_44 : vector<10000x128xf32>
    %log1p3A = math.log1p %exp3A : vector<10000x128xf32>
    %add3A_45 = arith.addf %max3A_38, %log1p3A : vector<10000x128xf32>
    %select_n3A = arith.select %ne3A, %add3A_42, %add3A_45 : vector<10000x128xi1>, vector<10000x128xf32>
    %swap3A = arith.constant 0 : index
    %swap3A_46 = arith.constant 0 : index
    %swap3A_47 = vector.load %arg8[%swap3A, %swap3A_46] : memref<10000x128xf32, #tpu.memory_space<vmem>>, vector<10000x128xf32>
    tpu.vector_store %arg8[%swap3A, %swap3A_46], %select_n3A {strides = array<i32>} : memref<10000x128xf32, #tpu.memory_space<vmem>>, vector<10000x128xf32>,
    %get3A_48 = arith.constant 0 : index
    %get3A_49 = arith.constant 0 : index
    %get3A_50 = vector.load %arg4[%get3A_48, %get3A_49] : memref<128x256xf32, #tpu.memory_space<vmem>>, vector<128x256xf32>
    %dot_general3A = arith.constant dense<0.000000e+00> : vector<10000x256xf32>
    %dot_general3A_51 = tpu.matmul %select_n3A, %get3A_50, %dot_general3A {dimension_numbers = #tpu.dot_dimension_numbers<[1], [0], [0], [1], [0, 0, 1, 1], [], []>, transpose_lhs_hint = false} : vector<10000x128xf32>, vector<128x256xf32>, vector<10000x256xf32> -> vector<10000x256xf32>
    %get3A_52 = arith.constant 0 : index
    %get3A_53 = arith.constant 0 : index
    %get3A_54 = vector.load %arg5[%get3A_52, %get3A_53] : memref<1x256xf32, #tpu.memory_space<vmem>>, vector<1x256xf32>
    %add3A_55 = vector.broadcast %get3A_54 : vector<1x256xf32> to vector<10000x256xf32>
    %add3A_56 = arith.addf %dot_general3A_51, %add3A_55 : vector<10000x256xf32>
    %slice3A = vector.extract_strided_slice %add3A_56 {offsets = [0, 0], sizes = [10000, 128], strides = [1, 1]} : vector<10000x256xf32> to vector<10000x128xf32>
    %bitcast_convert_type3A = tpu.bitcast %slice3A : vector<10000x128xf32> -> vector<10000x128xi32>
    %slice3A_57 = vector.extract_strided_slice %add3A_56 {offsets = [0, 128], sizes = [10000, 128], strides = [1, 1]} : vector<10000x256xf32> to vector<10000x128xf32>
    %bitcast_convert_type3A_58 = tpu.bitcast %slice3A_57 : vector<10000x128xf32> -> vector<10000x128xi32>
    %add3A_59 = arith.constant 32767 : i32
    %add3A_60 = vector.broadcast %add3A_59 : i32 to vector<10000x128xi32>
    %add3A_61 = arith.addi %bitcast_convert_type3A, %add3A_60 : vector<10000x128xi32>
    %shift_right_arithmetic3A = arith.constant 16 : i32
    %shift_right_arithmetic3A_62 = vector.broadcast %shift_right_arithmetic3A : i32 to vector<10000x128xi32>
    %shift_right_arithmetic3A_63 = arith.shrsi %bitcast_convert_type3A, %shift_right_arithmetic3A_62 : vector<10000x128xi32>
    %and3A = arith.constant 1 : i32
    %and3A_64 = vector.broadcast %and3A : i32 to vector<10000x128xi32>
    %and3A_65 = arith.andi %shift_right_arithmetic3A_63, %and3A_64 : vector<10000x128xi32>
    %add3A_66 = arith.addi %add3A_61, %and3A_65 : vector<10000x128xi32>
    %shift_right_arithmetic3A_67 = arith.constant 16 : i32
    %shift_right_arithmetic3A_68 = vector.broadcast %shift_right_arithmetic3A_67 : i32 to vector<10000x128xi32>
    %shift_right_arithmetic3A_69 = arith.shrsi %add3A_66, %shift_right_arithmetic3A_68 : vector<10000x128xi32>
    %and3A_70 = arith.constant 65535 : i32
    %and3A_71 = vector.broadcast %and3A_70 : i32 to vector<10000x128xi32>
    %and3A_72 = arith.andi %shift_right_arithmetic3A_69, %and3A_71 : vector<10000x128xi32>
    %add3A_73 = arith.constant 32767 : i32
    %add3A_74 = vector.broadcast %add3A_73 : i32 to vector<10000x128xi32>
    %add3A_75 = arith.addi %bitcast_convert_type3A_58, %add3A_74 : vector<10000x128xi32>
    %shift_right_arithmetic3A_76 = arith.constant 16 : i32
    %shift_right_arithmetic3A_77 = vector.broadcast %shift_right_arithmetic3A_76 : i32 to vector<10000x128xi32>
    %shift_right_arithmetic3A_78 = arith.shrsi %bitcast_convert_type3A_58, %shift_right_arithmetic3A_77 : vector<10000x128xi32>
    %and3A_79 = arith.constant 1 : i32
    %and3A_80 = vector.broadcast %and3A_79 : i32 to vector<10000x128xi32>
    %and3A_81 = arith.andi %shift_right_arithmetic3A_78, %and3A_80 : vector<10000x128xi32>
    %add3A_82 = arith.addi %add3A_75, %and3A_81 : vector<10000x128xi32>
    %and3A_83 = arith.constant -65536 : i32
    %and3A_84 = vector.broadcast %and3A_83 : i32 to vector<10000x128xi32>
    %and3A_85 = arith.andi %add3A_82, %and3A_84 : vector<10000x128xi32>
    %or3A = arith.ori %and3A_72, %and3A_85 : vector<10000x128xi32>
    %swap3A_86 = arith.constant 0 : index
    %swap3A_87 = arith.constant 0 : index
    %swap3A_88 = vector.load %arg9[%swap3A_86, %swap3A_87] : memref<10000x128xi32, #tpu.memory_space<vmem>>, vector<10000x128xi32>
    tpu.vector_store %arg9[%swap3A_86, %swap3A_87], %or3A {strides = array<i32>} : memref<10000x128xi32, #tpu.memory_space<vmem>>, vector<10000x128xi32>,
    %get3A_89 = arith.constant 0 : index
    %get3A_90 = arith.constant 0 : index
    %get3A_91 = vector.load %arg6[%get3A_89, %get3A_90] : memref<128x256xf32, #tpu.memory_space<vmem>>, vector<128x256xf32>
    %dot_general3A_92 = arith.constant dense<0.000000e+00> : vector<10000x256xf32>
    %dot_general3A_93 = tpu.matmul %select_n3A, %get3A_91, %dot_general3A_92 {dimension_numbers = #tpu.dot_dimension_numbers<[1], [0], [0], [1], [0, 0, 1, 1], [], []>, transpose_lhs_hint = false} : vector<10000x128xf32>, vector<128x256xf32>, vector<10000x256xf32> -> vector<10000x256xf32>
    %get3A_94 = arith.constant 0 : index
    %get3A_95 = arith.constant 0 : index
    %get3A_96 = vector.load %arg7[%get3A_94, %get3A_95] : memref<1x256xf32, #tpu.memory_space<vmem>>, vector<1x256xf32>
    %add3A_97 = vector.broadcast %get3A_96 : vector<1x256xf32> to vector<10000x256xf32>
    %add3A_98 = arith.addf %dot_general3A_93, %add3A_97 : vector<10000x256xf32>
    %slice3A_99 = vector.extract_strided_slice %add3A_98 {offsets = [0, 0], sizes = [10000, 128], strides = [1, 1]} : vector<10000x256xf32> to vector<10000x128xf32>
    %bitcast_convert_type3A_100 = tpu.bitcast %slice3A_99 : vector<10000x128xf32> -> vector<10000x128xi32>
    %slice3A_101 = vector.extract_strided_slice %add3A_98 {offsets = [0, 128], sizes = [10000, 128], strides = [1, 1]} : vector<10000x256xf32> to vector<10000x128xf32>
    %bitcast_convert_type3A_102 = tpu.bitcast %slice3A_101 : vector<10000x128xf32> -> vector<10000x128xi32>
    %add3A_103 = arith.constant 32767 : i32
    %add3A_104 = vector.broadcast %add3A_103 : i32 to vector<10000x128xi32>
    %add3A_105 = arith.addi %bitcast_convert_type3A_100, %add3A_104 : vector<10000x128xi32>
    %shift_right_arithmetic3A_106 = arith.constant 16 : i32
    %shift_right_arithmetic3A_107 = vector.broadcast %shift_right_arithmetic3A_106 : i32 to vector<10000x128xi32>
    %shift_right_arithmetic3A_108 = arith.shrsi %bitcast_convert_type3A_100, %shift_right_arithmetic3A_107 : vector<10000x128xi32>
    %and3A_109 = arith.constant 1 : i32
    %and3A_110 = vector.broadcast %and3A_109 : i32 to vector<10000x128xi32>
    %and3A_111 = arith.andi %shift_right_arithmetic3A_108, %and3A_110 : vector<10000x128xi32>
    %add3A_112 = arith.addi %add3A_105, %and3A_111 : vector<10000x128xi32>
    %shift_right_arithmetic3A_113 = arith.constant 16 : i32
    %shift_right_arithmetic3A_114 = vector.broadcast %shift_right_arithmetic3A_113 : i32 to vector<10000x128xi32>
    %shift_right_arithmetic3A_115 = arith.shrsi %add3A_112, %shift_right_arithmetic3A_114 : vector<10000x128xi32>
    %and3A_116 = arith.constant 65535 : i32
    %and3A_117 = vector.broadcast %and3A_116 : i32 to vector<10000x128xi32>
    %and3A_118 = arith.andi %shift_right_arithmetic3A_115, %and3A_117 : vector<10000x128xi32>
    %add3A_119 = arith.constant 32767 : i32
    %add3A_120 = vector.broadcast %add3A_119 : i32 to vector<10000x128xi32>
    %add3A_121 = arith.addi %bitcast_convert_type3A_102, %add3A_120 : vector<10000x128xi32>
    %shift_right_arithmetic3A_122 = arith.constant 16 : i32
    %shift_right_arithmetic3A_123 = vector.broadcast %shift_right_arithmetic3A_122 : i32 to vector<10000x128xi32>
    %shift_right_arithmetic3A_124 = arith.shrsi %bitcast_convert_type3A_102, %shift_right_arithmetic3A_123 : vector<10000x128xi32>
    %and3A_125 = arith.constant 1 : i32
    %and3A_126 = vector.broadcast %and3A_125 : i32 to vector<10000x128xi32>
    %and3A_127 = arith.andi %shift_right_arithmetic3A_124, %and3A_126 : vector<10000x128xi32>
    %add3A_128 = arith.addi %add3A_121, %and3A_127 : vector<10000x128xi32>
    %and3A_129 = arith.constant -65536 : i32
    %and3A_130 = vector.broadcast %and3A_129 : i32 to vector<10000x128xi32>
    %and3A_131 = arith.andi %add3A_128, %and3A_130 : vector<10000x128xi32>
    %or3A_132 = arith.ori %and3A_118, %and3A_131 : vector<10000x128xi32>
    %swap3A_133 = arith.constant 0 : index
    %swap3A_134 = arith.constant 0 : index
    %swap3A_135 = vector.load %arg10[%swap3A_133, %swap3A_134] : memref<10000x128xi32, #tpu.memory_space<vmem>>, vector<10000x128xi32>
    tpu.vector_store %arg10[%swap3A_133, %swap3A_134], %or3A_132 {strides = array<i32>} : memref<10000x128xi32, #tpu.memory_space<vmem>>, vector<10000x128xi32>,
    return
  }
}

module attributes {stable_mosaic.version = 14 : i64} {
  func.func @_final_body(%arg0: memref<10000x128xf32, #tpu.memory_space<vmem>>, %arg1: memref<2x10000x128xf32, #tpu.memory_space<vmem>>, %arg2: memref<1x128xf32, #tpu.memory_space<vmem>>, %arg3: memref<1x128xf32, #tpu.memory_space<vmem>>, %arg4: memref<128x1xf32, #tpu.memory_space<vmem>>, %arg5: memref<1x1xf32, #tpu.memory_space<vmem>>, %arg6: memref<1x1xf32, #tpu.memory_space<vmem>>) attributes {dimension_semantics = [], scalar_prefetch = 0 : i64, scratch_operands = 0 : i64, tpu.core_type = #tpu.core_type<tc>} {
    %get3A = arith.constant 0 : index
    %get3A_0 = arith.constant 0 : index
    %get3A_1 = arith.constant 0 : index
    %get3A_2 = vector.load %arg1[%get3A, %get3A_0, %get3A_1] : memref<2x10000x128xf32, #tpu.memory_space<vmem>>, vector<1x10000x128xf32>
    %get3A_3 = vector.shape_cast %get3A_2 : vector<1x10000x128xf32> to vector<10000x128xf32>
    %get3A_4 = arith.constant 1 : index
    %get3A_5 = arith.constant 0 : index
    %get3A_6 = arith.constant 0 : index
    %get3A_7 = vector.load %arg1[%get3A_4, %get3A_5, %get3A_6] : memref<2x10000x128xf32, #tpu.memory_space<vmem>>, vector<1x10000x128xf32>
    %get3A_8 = vector.shape_cast %get3A_7 : vector<1x10000x128xf32> to vector<10000x128xf32>
    %add3A = arith.addf %get3A_3, %get3A_8 : vector<10000x128xf32>
    %reduce_sum3A = arith.constant dense<0.000000e+00> : vector<128xf32>
    %reduce_sum3A_9 = vector.multi_reduction <add>, %add3A, %reduce_sum3A [0] : vector<10000x128xf32> to vector<128xf32>
    %broadcast_in_dim3A = vector.shape_cast %reduce_sum3A_9 : vector<128xf32> to vector<1x128xf32>
    %div3A = arith.constant 1.000000e+04 : f32
    %div3A_10 = vector.broadcast %div3A : f32 to vector<1x128xf32>
    %div3A_11 = arith.divf %broadcast_in_dim3A, %div3A_10 : vector<1x128xf32>
    %sub3A = vector.broadcast %div3A_11 : vector<1x128xf32> to vector<10000x128xf32>
    %sub3A_12 = arith.subf %add3A, %sub3A : vector<10000x128xf32>
    %mul3A = arith.mulf %sub3A_12, %sub3A_12 : vector<10000x128xf32>
    %reduce_sum3A_13 = arith.constant dense<0.000000e+00> : vector<128xf32>
    %reduce_sum3A_14 = vector.multi_reduction <add>, %mul3A, %reduce_sum3A_13 [0] : vector<10000x128xf32> to vector<128xf32>
    %broadcast_in_dim3A_15 = vector.shape_cast %reduce_sum3A_14 : vector<128xf32> to vector<1x128xf32>
    %div3A_16 = arith.constant 1.000000e+04 : f32
    %div3A_17 = vector.broadcast %div3A_16 : f32 to vector<1x128xf32>
    %div3A_18 = arith.divf %broadcast_in_dim3A_15, %div3A_17 : vector<1x128xf32>
    %add3A_19 = arith.constant 9.99999974E-6 : f32
    %add3A_20 = vector.broadcast %add3A_19 : f32 to vector<1x128xf32>
    %add3A_21 = arith.addf %div3A_18, %add3A_20 : vector<1x128xf32>
    %rsqrt3A = math.rsqrt %add3A_21 : vector<1x128xf32>
    %mul3A_22 = vector.broadcast %rsqrt3A : vector<1x128xf32> to vector<10000x128xf32>
    %mul3A_23 = arith.mulf %sub3A_12, %mul3A_22 : vector<10000x128xf32>
    %get3A_24 = arith.constant 0 : index
    %get3A_25 = arith.constant 0 : index
    %get3A_26 = vector.load %arg2[%get3A_24, %get3A_25] : memref<1x128xf32, #tpu.memory_space<vmem>>, vector<1x128xf32>
    %mul3A_27 = vector.broadcast %get3A_26 : vector<1x128xf32> to vector<10000x128xf32>
    %mul3A_28 = arith.mulf %mul3A_23, %mul3A_27 : vector<10000x128xf32>
    %get3A_29 = arith.constant 0 : index
    %get3A_30 = arith.constant 0 : index
    %get3A_31 = vector.load %arg3[%get3A_29, %get3A_30] : memref<1x128xf32, #tpu.memory_space<vmem>>, vector<1x128xf32>
    %add3A_32 = vector.broadcast %get3A_31 : vector<1x128xf32> to vector<10000x128xf32>
    %add3A_33 = arith.addf %mul3A_28, %add3A_32 : vector<10000x128xf32>
    %get3A_34 = arith.constant 0 : index
    %get3A_35 = arith.constant 0 : index
    %get3A_36 = vector.load %arg0[%get3A_34, %get3A_35] : memref<10000x128xf32, #tpu.memory_space<vmem>>, vector<10000x128xf32>
    %add3A_37 = arith.addf %get3A_36, %add3A_33 : vector<10000x128xf32>
    %custom_jvp_call3A = arith.constant 0.000000e+00 : f32
    %max3A = vector.broadcast %custom_jvp_call3A : f32 to vector<10000x128xf32>
    %max3A_38 = arith.maximumf %add3A_37, %max3A : vector<10000x128xf32>
    %sub3A_39 = vector.broadcast %custom_jvp_call3A : f32 to vector<10000x128xf32>
    %sub3A_40 = arith.subf %add3A_37, %sub3A_39 : vector<10000x128xf32>
    %ne3A = arith.cmpf one, %sub3A_40, %sub3A_40 : vector<10000x128xf32>
    %add3A_41 = vector.broadcast %custom_jvp_call3A : f32 to vector<10000x128xf32>
    %add3A_42 = arith.addf %add3A_37, %add3A_41 : vector<10000x128xf32>
    %abs3A = math.absf %sub3A_40 : vector<10000x128xf32>
    %neg3A = arith.constant 0.000000e+00 : f32
    %neg3A_43 = vector.broadcast %neg3A : f32 to vector<10000x128xf32>
    %neg3A_44 = arith.subf %neg3A_43, %abs3A : vector<10000x128xf32>
    %exp3A = math.exp %neg3A_44 : vector<10000x128xf32>
    %log1p3A = math.log1p %exp3A : vector<10000x128xf32>
    %add3A_45 = arith.addf %max3A_38, %log1p3A : vector<10000x128xf32>
    %select_n3A = arith.select %ne3A, %add3A_42, %add3A_45 : vector<10000x128xi1>, vector<10000x128xf32>
    %reduce_sum3A_46 = arith.constant dense<0.000000e+00> : vector<128xf32>
    %reduce_sum3A_47 = vector.multi_reduction <add>, %select_n3A, %reduce_sum3A_46 [0] : vector<10000x128xf32> to vector<128xf32>
    %broadcast_in_dim3A_48 = vector.shape_cast %reduce_sum3A_47 : vector<128xf32> to vector<1x128xf32>
    %div3A_49 = arith.constant 1.000000e+04 : f32
    %div3A_50 = vector.broadcast %div3A_49 : f32 to vector<1x128xf32>
    %div3A_51 = arith.divf %broadcast_in_dim3A_48, %div3A_50 : vector<1x128xf32>
    %get3A_52 = arith.constant 0 : index
    %get3A_53 = arith.constant 0 : index
    %get3A_54 = vector.load %arg4[%get3A_52, %get3A_53] : memref<128x1xf32, #tpu.memory_space<vmem>>, vector<128x1xf32>
    %dot_general3A = arith.constant dense<0.000000e+00> : vector<1x1xf32>
    %dot_general3A_55 = tpu.matmul %div3A_51, %get3A_54, %dot_general3A {dimension_numbers = #tpu.dot_dimension_numbers<[1], [0], [0], [1], [0, 0, 1, 1], [], []>, transpose_lhs_hint = false} : vector<1x128xf32>, vector<128x1xf32>, vector<1x1xf32> -> vector<1x1xf32>
    %get3A_56 = arith.constant 0 : index
    %get3A_57 = arith.constant 0 : index
    %get3A_58 = vector.load %arg5[%get3A_56, %get3A_57] : memref<1x1xf32, #tpu.memory_space<vmem>>, vector<1x1xf32>
    %add3A_59 = arith.addf %dot_general3A_55, %get3A_58 : vector<1x1xf32>
    %swap3A = arith.constant 0 : index
    %swap3A_60 = arith.constant 0 : index
    %swap3A_61 = vector.load %arg6[%swap3A, %swap3A_60] : memref<1x1xf32, #tpu.memory_space<vmem>>, vector<1x1xf32>
    tpu.vector_store %arg6[%swap3A, %swap3A_60], %add3A_59 {strides = array<i32>} : memref<1x1xf32, #tpu.memory_space<vmem>>, vector<1x1xf32>,
    return
  }
}

</mosaic_0001>

<sc_bundles>
// kernel: kernel.19.cloned.1.call-start
scs
__scs_entry_jumppad:
0x0: {  	(pc) =	sbr.rel $0x88, $3  }
0x1: {  	(tag) =	ssettag $0x0;
	lr =	simm.s32 $0x1  }
0x2: {  	[smem:$0x3F8F] =	sst lr;
	_ =	strace $0xD0000000  }
0x3: {  	_ = 	snop  }
0x4: {  	_ = 	snop  }
0x5: {  	_ = 	snop  }
0x6: {  	_ = 	snop  }
0x7: {  	_ = 	snop  }
__scs_overlays_trampoline_lowered:
0x8: {  	[smem:$0x3F9E] =	sst s0  }
0x9: {  	[smem:$0x3F9F] =	sst s1  }
0xa: {  	[smem:$0x3FA0] =	sst s2  }
0xb: {  	[smem:$0x3FA1] =	sst s3  }
0xc: {  	[smem:$0x3FA2] =	sst s4  }
0xd: {  	[smem:$0x3FA3] =	sst s5  }
0xe: {  	[smem:$0x3FA4] =	sst s6  }
0xf: {  	[smem:$0x3FA5] =	sst s7  }
0x10: {  	[smem:$0x3FA6] =	sst s8  }
0x11: {  	[smem:$0x3FA7] =	sst s9;
	s0 =	simm.s32 @!p0 $0x0  }
0x12: {  	s1 =	sld [smem:$0x3F8D];
	s0 =	simm.s32 @p0 $0x1  }
0x13: {  	[smem:$0x3FA8] =	sst s0;
	s0 =	simm.s32 @!p1 $0x0  }
0x14: {  	s2 =	sld [smem:$0x3F8C];
	s0 =	simm.s32 @p1 $0x1  }
0x15: {  	[smem:$0x3FA9] =	sst s0;
	s0 =	simm.s32 @!p2 $0x0  }
0x16: {  	s3 =	sld [smem:$0x3FDB];
	s0 =	simm.s32 @p2 $0x1  }
0x17: {  	s4 =	simm.s32 $0x1BF5;
	[smem:$0x3FAB] =	sst s0  }
0x18: {  	s0 =	sld [smem:$0x3F8E];
	_ =	swait.ge [sflag:s4], $0x0  }
0x19: {  	s7 =	sld [smem:$0x3F8F]  }
0x1a: {  	s8 =	sadd.s32 $0xFFFFE003, lr  }
0x1b: {  	s9 =	sadd.s32 $0xFFFFFEF7, lr;
	s5 =	simm.s32 $0xFFFFFFFF;
	p2 =	slt.u32 s8, $0xFFFFF086  }
0x1c: {  	p1 =	slt.u32 s9, $0xF7A;
	s5 =	simm.s32 @!p2 $0x0  }
0x1d: {  	s5 =	simm.s32 @p1 $0x1;
	p0 =	seq.s32 s7, s2  }
0x1e: {  	s7 =	smul.u32 @!p0 $0xF7A, s2;
	p2 =	seq.s32 @!p0 s5, $0x0  }
0x1f: {  	s9 =	smul.u32 $0xF7A, s1;
	s8 =	simm.s32 @!p0 $0x1BF5;
	p2 =	por !p2, p0  }
0x20: {  	[sflag:s8] =	ssyncset.s32 @!p0 $0xFFFFF086;
	s6 =	sadd.s32 @!p0 s3, s7;
	s7 =	simm.s32 @!p0 $0x108  }
0x21: {  	s3 =	sadd.s32 s3, s9;
	s6 =	sadd.s32 @!p0 $0x88, s6;
	s7 =	simm.s32 @p2 $0x1082  }
0x22: {  	[simem:s7], [sflag:s8] =	dma.local @!p0 [hbm:s6], $0xF7A  }
0x23: {  	s9 =	sor.u32 $0xD0000000, s2;
	s6 =	simm.s32 $0x108;
	_ =	swait.ge @!p0 [sflag:s8], $0x0  }
0x24: {  	s3 =	sadd.s32 $0x88, s3;
	s6 =	simm.s32 @!p1 $0x1082;
	[sflag:s4] =	ssyncset.s32 $0xFFFFF086  }
0x25: {  	[simem:s6], [sflag:s4] =	dma.local [hbm:s3], $0xF7A  }
0x26: {  	[smem:$0x3F8F] =	sst s1;
	(tag) =	ssettag s2;
	_ =	strace s9  }
0x27: {  	s1 =	sld [smem:$0x3F9F]  }
0x28: {  	s2 =	sld [smem:$0x3FA0]  }
0x29: {  	s4 =	sld [smem:$0x3FA2]  }
0x2a: {  	p0 =	seq.s32 s5, $0x0;
	s5 =	sld [smem:$0x3FA3]  }
0x2b: {  	s6 =	sld [smem:$0x3FA4]  }
0x2c: {  	s7 =	sld [smem:$0x3FA5]  }
0x2d: {  	s3 =	simm.s32 $0x108;
	s8 =	sld [smem:$0x3FA6]  }
0x2e: {  	s3 =	simm.s32 @!p0 $0x1082;
	s9 =	sld [smem:$0x3FA7]  }
0x2f: {  	lr =	sadd.s32 s0, s3;
	s0 =	sld [smem:$0x3F9E]  }
0x30: {  	s3 =	sld [smem:$0x3FA1]  }
0x31: {  	[smem:$0x3FAA] =	sst s10  }
0x32: {  	s10 =	sld [smem:$0x3FA8];
	_ =	sdelay $0x3  }
0x33: {  	p0 =	seq.s32 s10, $0x1;
	s10 =	sld [smem:$0x3FAA];
	_ =	sdelay $0x3  }
0x34: {  	[smem:$0x3FAA] =	sst s10  }
0x35: {  	s10 =	sld [smem:$0x3FA9];
	_ =	sdelay $0x3  }
0x36: {  	p1 =	seq.s32 s10, $0x1;
	s10 =	sld [smem:$0x3FAA];
	_ =	sdelay $0x3  }
0x37: {  	[smem:$0x3FAA] =	sst s10  }
0x38: {  	s10 =	sld [smem:$0x3FAB]  }
0x39: {  	_ = 	snop;
	(pc) =	sbr.ind lr, $3  }
0x3a: {  	_ = 	snop  }
0x3b: {  	_ = 	snop  }
0x3c: {  	p2 =	seq.s32 s10, $0x1;
	s10 =	sld [smem:$0x3FAA]  }
0x3d: {  	_ =	shalt  }
0x3e: {  	_ =	shalt  }
0x3f: {  	_ =	shalt  }
0x40: {  	_ =	shalt  }
0x41: {  	_ =	shalt  }
0x42: {  	_ =	shalt  }
0x43: {  	_ =	shalt  }
0x44: {  	_ =	shalt  }
0x45: {  	_ =	shalt  }
0x46: {  	_ =	shalt  }
0x47: {  	_ =	shalt  }
0x48: {  	_ =	shalt  }
0x49: {  	_ =	shalt  }
0x4a: {  	_ =	shalt  }
0x4b: {  	_ =	shalt  }
0x4c: {  	_ =	shalt  }
0x4d: {  	_ =	shalt  }
0x4e: {  	_ =	shalt  }
0x4f: {  	_ =	shalt  }
0x50: {  	_ =	shalt  }
0x51: {  	_ =	shalt  }
0x52: {  	_ =	shalt  }
0x53: {  	_ =	shalt  }
0x54: {  	_ =	shalt  }
0x55: {  	_ =	shalt  }
0x56: {  	_ =	shalt  }
0x57: {  	_ =	shalt  }
0x58: {  	_ =	shalt  }
0x59: {  	_ =	shalt  }
0x5a: {  	_ =	shalt  }
0x5b: {  	_ =	shalt  }
0x5c: {  	_ =	shalt  }
0x5d: {  	_ =	shalt  }
0x5e: {  	_ =	shalt  }
0x5f: {  	_ =	shalt  }
0x60: {  	_ =	shalt  }
0x61: {  	_ =	shalt  }
0x62: {  	_ =	shalt  }
0x63: {  	_ =	shalt  }
0x64: {  	_ =	shalt  }
0x65: {  	_ =	shalt  }
0x66: {  	_ =	shalt  }
0x67: {  	_ =	shalt  }
0x68: {  	_ =	shalt  }
0x69: {  	_ =	shalt  }
0x6a: {  	_ =	shalt  }
0x6b: {  	_ =	shalt  }
0x6c: {  	_ =	shalt  }
0x6d: {  	_ =	shalt  }
0x6e: {  	_ =	shalt  }
0x6f: {  	_ =	shalt  }
0x70: {  	_ =	shalt  }
0x71: {  	_ =	shalt  }
0x72: {  	_ =	shalt  }
0x73: {  	_ =	shalt  }
0x74: {  	_ =	shalt  }
0x75: {  	_ =	shalt  }
0x76: {  	_ =	shalt  }
0x77: {  	_ =	shalt  }
0x78: {  	_ =	shalt  }
0x79: {  	_ =	shalt  }
0x7a: {  	_ =	shalt  }
0x7b: {  	_ =	shalt  }
0x7c: {  	_ =	shalt  }
0x7d: {  	_ =	shalt  }
0x7e: {  	_ =	shalt  }
0x7f: {  	_ =	shalt  }
0x80: {  	_ =	shalt  }
0x81: {  	_ =	shalt  }
0x82: {  	_ =	shalt  }
0x83: {  	_ =	shalt  }
0x84: {  	_ =	shalt  }
0x85: {  	_ =	shalt  }
0x86: {  	_ =	shalt  }
0x87: {  	_ =	shalt  }
.Lfunc_end0:
.L_simem_size_0:
called_computation_lowered:
.L_overlay_start_0:
0x88: {  	s2 =	sld [smem:$0x3FD9]  }
0x89: {  	s3 =	sld [smem:$0x3FFE];
	_ =	sdelay $0x1  }
0x8a: {  	s1 =	srdreg.scid  }
0x8b: {  	s0 =	sand.u32 $0x1, s1  }
0x8c: {  	s16 =	sshll.u32 s0, $0xA;
	s2 =	sadd.s32 s3, s2  }
0x8d: {  	s2 =	sadd.s32 s2, s16  }
0x8e: {  	[smem:$0x3FB6] =	sst s2  }
0x8f: {  	_ = 	snop  }
0x90: {  	(tm) =	ssettm $0x1  }
0x91: {  	s17 =	sld [smem:$0x3FFB];
	_ =	sdelay $0x3  }
0x92: {  	_ =	strace s17  }
0x93: {  	s2 =	sld [smem:$0x3FFC];
	_ =	sdelay $0x3  }
0x94: {  	_ =	strace s2  }
0x95: {  	s2 =	sld [smem:$0x3FFD];
	_ =	sdelay $0x3  }
0x96: {  	_ =	strace s2  }
0x97: {  	_ =	strace $0x8FFFFFFF  }
0x98: {  	s18 =	sld [smem:$0x3FDB];
	_ =	sdelay $0x1  }
0x99: {  	s19 =	simm.s32 $_scs_section_size  }
0x9a: {  	s4 =	simm.s32 $_size__tile_overlayer_lowered;
	s5 =	simm.s32 $_tile_overlayer_lowered  }
0x9b: {  	s22 =	simm.s32 $0x1BFF;
	s21 =	sshll.u32 s5, $0x1;
	s2 =	sadd.s32 s19, s18  }
0x9c: {  	s6 =	simm.s32 $0x0;
	s20 =	sshll.u32 s4, $0x1;
	s4 =	sadd.s32 s21, s2  }
0x9d: {  	[timem:s6], [sflag:s22] =	dma.local [hbm:s4], s20  }
0x9e: {  	_ =	swait.ge [sflag:s22], s20  }
0x9f: {  	s3 =	ssub.s32 $0x0, s20;
	[sflag:s22] =	ssyncset.done $0x0  }
0xa0: {  	[sflag:s22] =	ssyncadd.s32 s3;
	_ =	sdelay $0x1  }
0xa1: {  	s23 =	simm.s32 $0x1B8B  }
0xa2: {  	_ =	swait.ge [sflag:s23], $0x1  }
0xa3: {  	[sflag:s23] =	ssyncset.done $0x0  }
0xa4: {  	s25 =	simm.s32 $0x1B8E;
	s24 =	sld [smem:$0x3FFE];
	[sflag:s23] =	ssyncadd.s32 $0xFFFFFFFF  }
0xa5: {  	s26 =	simm.s32 $execute0_lowered;
	[smem:$0x3FD2] =	sst s25  }
0xa6: {  	s4 =	sshll.u32 s26, $0x1;
	_ =	strace $0x80000046;
	[dreg:$0x1] =	wrdreg $0xFFFFFFFF  }
0xa7: {  	s28 =	simm.s32 $_size_execute0_lowered;
	s2 =	sadd.s32 s2, s4;
	[dreg:$0x0] =	wrdreg $0x0  }
0xa8: {  	s4 =	sshll.u32 s28, $0x1;
	[dreg:$0x2] =	wrdreg s2  }
0xa9: {  	[dreg:$0x3] =	wrdreg s4  }
0xaa: {  	[dreg:$0x4] =	wrdreg $0xC0  }
0xab: {  	_ =	task [dreg:s6], $0x5FFFF  }
0xac: {  	[dreg:$0x1] =	wrdreg $0xFFFFFFFF  }
0xad: {  	[dreg:$0x0] =	wrdreg $0x60  }
0xae: {  	[dreg:$0x2] =	wrdreg s24  }
0xaf: {  	[dreg:$0x3] =	wrdreg $0x9  }
0xb0: {  	_ =	task.clear_ibuf [dreg:s6], $0x4FFFF;
	_ =	strace $0x90000046  }
0xb1: {  	s29 =	simm.s32 $0x9;
	_ =	strace $0x80000048  }
0xb2: {  	_ =	swait.ge [sflag:s29], $0x1  }
0xb3: {  	[sflag:s29] =	ssyncadd.s32 $0xFFFFFFFF  }
0xb4: {  	_ =	strace $0x90000048  }
0xb5: {  	_ =	sfence  }
0xb6: {  	s30 =	sld [smem:$0x0];
	_ =	sdelay $0x2  }
0xb7: {  	s31 =	sshll.u32 s1, $0xD;
	s1 =	sshrl.u32 s1, $0x2  }
0xb8: {  	s3 =	sand.u32 $0x4000, s31;
	s1 =	sadd.s32 s1, s30  }
0xb9: {  	s0 =	sor.u32 s3, s0;
	s1 =	sshll.u32 s1, $0x11  }
0xba: {  	s0 =	sor.u32 s1, s0  }
0xbb: {  	s0 =	sadd.s32 $0x8F2B, s0  }
0xbc: {  	[sflag:s0] =	ssyncadd.remote.s32 $0x1  }
0xbd: {  	_ =	sfence.sel $0xFFFF  }
0xbe: {  	[dreg:$0x0] =	wrdreg $0xFFFFFFFF;
	(pc) =	sbr.abs _section_cstart, $3  }
0xbf: {  	[dreg:$0x1] =	wrdreg $0xFFFFFFFF  }
0xc0: {  	_ =	task.clear_ibuf [dreg:s6], $0x2FFFF;
	_ =	strace $0x9FFFFFFF  }
0xc1: {  	(tm) =	ssettm $0x7FFFFFFF  }
tec
execute0_lowered:
.L_overlay_start_1:
0x0: {  	(tag) =	ssettag $0x1  }
0x1: {  	s5 =	rddreg [dreg:$0x0]  }
0x2: {  	s0 =	rddreg [dreg:$0x1];
	s1 =	simm.s32 $0x0  }
0x3: {  	s2 =	srdreg.scid;
	s15 =	simm.s32 $0x8000;
	s16 =	simm.s32 $0xA800  }
0x4: {  	s17 =	simm.s32 $0xD000;
	s18 =	simm.s32 $0xF800;
	s19 =	simm.s32 $0x1  }
0x5: {  	s20 =	simm.s32 $0x2;
	s21 =	simm.s32 $0x3;
	s22 =	simm.s32 $0x4  }
0x6: {  	s23 =	simm.s32 $0x0;
	[smem:$0x7FF] =	sst s1;
	s6 =	sand.u32 $0x1, s2  }
0x7: {  	s2 =	stileid.u32;
	s3 =	sadd.s32 $0x2E400, s5;
	s4 =	sadd.s32 $0x55600, s5  }
0x8: {  	s10 =	sadd.s32 $0xA3A00, s5;
	s12 =	sadd.s32 $0x585A00, s5;
	s7 =	sshll.u32 s6, $0x4  }
0x9: {  	s9 =	ssub.s32 $0x2, s6;
	s13 =	smul.u32 $0x271000, s6;
	s7 =	sor.u32 s2, s7  }
0xa: {  	s11 =	sshrl.u32 s9, $0x1;
	s8 =	sshll.u32 s7, $0xB;
	s7 =	smul.u32 $0x138800, s7  }
0xb: {  	_ =	strace $0x80000047;
	s14 =	smul.u32 $0x27100, s2;
	s9 =	ssub.s32 s9, s11  }
0xc: {  	s31 =	sadd.s32 s13, s12;
	s8 =	sadd.s32 s8, s5;
	s7 =	sshrl.u32 s7, $0x3  }
0xd: {  	s9 =	smax.u32 s9, $0x1;
	s11 =	sadd.s32 s14, s31;
	s30 =	sadd.s32 $0x26C00, s7  }
0xe: {  	s5 =	sadd.s32 $0x9C00, s8;
	s6 =	sadd.s32 $0x19C00, s8;
	s7 =	sadd.s32 s10, s30  }
0xf: {  	s8 =	sadd.s32 s12, s30;
	s10 =	sadd.s32 s13, s10;
	s12 =	simm.s32 $0x5  }
0x10: {  	s13 =	simm.s32 $0x4000;
	s10 =	sadd.s32 s14, s10;
	s14 =	simm.s32 $0x50  }
.LBB2_1:
0x11: {  	[tilespmem:s1], [sflag:$0x5] =	stream.linear.gather [hbm4b:s5+s1], $0x3E80, $0x38;
	[tilespmem:$0x12000] =	vst v63  }
0x12: {  	_ =	swait.ge [sflag:s12], $0x3E80  }
0x13: {  	[sflag:s12] =	ssyncset.done $0x0  }
0x14: {  	[sflag:s12] =	ssyncadd.s32 $0xFFFFC180  }
0x15: {  	[tilespmem:s13], [sflag:$0x5] =	stream.linear.gather [hbm4b:s6+s1], $0x3E80, $0x38;
	[tilespmem:$0x12000] =	vst v63  }
0x16: {  	_ =	swait.ge [sflag:s12], $0x3E80  }
0x17: {  	[sflag:s12] =	ssyncset.done $0x0  }
0x18: {  	[sflag:s12] =	ssyncadd.s32 $0xFFFFC180  }
0x19: {  	[tilespmem:s15], [sflag:$0x1] =	stream.indirect.gather [hbm4b:s3+s14], $0x80, s1, s14, $0xb8;
	[tilespmem:$0x12000] =	vst v63  }
0x1a: {  	_ = 	snop  }
0x1b: {  	[tilespmem:s16], [sflag:$0x2] =	stream.indirect.gather [hbm4b:s4+s14], $0x80, s13, s14, $0xb8;
	[tilespmem:$0x12000] =	vst v63  }
0x1c: {  	s24 =	simm.s32 $0x80  }
0x1d: {  	[tilespmem:s17], [sflag:$0x3] =	stream.indirect.gather [hbm4b:s3+s14], $0x80, s24, s14, $0xb8;
	[tilespmem:$0x12000] =	vst v63  }
0x1e: {  	s25 =	simm.s32 $0x4080  }
0x1f: {  	[tilespmem:s18], [sflag:$0x4] =	stream.indirect.gather [hbm4b:s4+s14], $0x80, s25, s14, $0xb8;
	[tilespmem:$0x12000] =	vst v63  }
0x20: {  	_ =	swait.ge [sflag:s19], $0x2800  }
0x21: {  	[sflag:s19] =	ssyncset.done $0x0  }
0x22: {  	[sflag:s19] =	ssyncadd.s32 $0xFFFFD800  }
0x23: {  	[hbm4b:s10+s1] =	stream.linear.scatter [tilespmem:s15], [sflag:$0x5], $0x2800, $0x38;
	[tilespmem:$0x12000] =	vst v63  }
0x24: {  	_ =	swait.ge [sflag:s12], $0x2800  }
0x25: {  	[sflag:s12] =	ssyncset.done $0x0  }
0x26: {  	[sflag:s12] =	ssyncadd.s32 $0xFFFFD800  }
0x27: {  	_ =	swait.ge [sflag:s20], $0x2800  }
0x28: {  	[sflag:s20] =	ssyncset.done $0x0  }
0x29: {  	[sflag:s20] =	ssyncadd.s32 $0xFFFFD800  }
0x2a: {  	[hbm4b:s11+s1] =	stream.linear.scatter [tilespmem:s16], [sflag:$0x5], $0x2800, $0x38;
	[tilespmem:$0x12000] =	vst v63  }
0x2b: {  	_ =	swait.ge [sflag:s12], $0x2800  }
0x2c: {  	[sflag:s12] =	ssyncset.done $0x0  }
0x2d: {  	s26 =	simm.s32 $0x100;
	[sflag:s12] =	ssyncadd.s32 $0xFFFFD800  }
0x2e: {  	[tilespmem:s15], [sflag:$0x1] =	stream.indirect.gather [hbm4b:s3+s14], $0x80, s26, s14, $0xb8;
	[tilespmem:$0x12000] =	vst v63  }
0x2f: {  	s28 =	simm.s32 $0x4100  }
0x30: {  	[tilespmem:s16], [sflag:$0x2] =	stream.indirect.gather [hbm4b:s4+s14], $0x80, s28, s14, $0xb8;
	[tilespmem:$0x12000] =	vst v63  }
0x31: {  	_ =	swait.ge [sflag:s21], $0x2800  }
0x32: {  	[sflag:s21] =	ssyncset.done $0x0  }
0x33: {  	s29 =	sadd.s32 $0x500, s10;
	[sflag:s21] =	ssyncadd.s32 $0xFFFFD800  }
0x34: {  	[hbm4b:s29+s1] =	stream.linear.scatter [tilespmem:s17], [sflag:$0x5], $0x2800, $0x38;
	[tilespmem:$0x12000] =	vst v63  }
0x35: {  	_ =	swait.ge [sflag:s12], $0x2800  }
0x36: {  	[sflag:s12] =	ssyncset.done $0x0  }
0x37: {  	[sflag:s12] =	ssyncadd.s32 $0xFFFFD800  }
0x38: {  	_ =	swait.ge [sflag:s22], $0x2800  }
0x39: {  	[sflag:s22] =	ssyncset.done $0x0  }
0x3a: {  	s31 =	sadd.s32 $0x500, s11;
	[sflag:s22] =	ssyncadd.s32 $0xFFFFD800  }
0x3b: {  	[hbm4b:s31+s1] =	stream.linear.scatter [tilespmem:s18], [sflag:$0x5], $0x2800, $0x38;
	[tilespmem:$0x12000] =	vst v63  }
0x3c: {  	s30 =	simm.s32 $0x800;
	s24 =	sadd.s32 $0xA00, s11;
	_ =	swait.ge [sflag:s12], $0x2800  }
0x3d: {  	s25 =	sadd.s32 $0xA00, s10;
	s26 =	simm.s32 $0x100;
	[sflag:s12] =	ssyncset.done $0x0  }
.LBB2_2:
0x3e: {  	s31 =	sadd.s32 $0x80, s26  }
0x3f: {  	[sflag:s12] =	ssyncadd.s32 $0xFFFFD800;
	s29 =	smov.u32 s30;
	s28 =	sadd.s32 $0x400, s30  }
0x40: {  	[tilespmem:s17], [sflag:$0x3] =	stream.indirect.gather [hbm4b:s3+s14], $0x80, s31, s14, $0xb8;
	[tilespmem:$0x12000] =	vst v63  }
0x41: {  	p0 =	sne.s32 s30, $0xF400;
	s30 =	sadd.s32 $0x4080, s26  }
0x42: {  	[tilespmem:s18], [sflag:$0x4] =	stream.indirect.gather [hbm4b:s4+s14], $0x80, s30, s14, $0xb8;
	[tilespmem:$0x12000] =	vst v63  }
0x43: {  	_ =	swait.ge [sflag:s19], $0x2800  }
0x44: {  	[sflag:s19] =	ssyncset.done $0x0  }
0x45: {  	[sflag:s19] =	ssyncadd.s32 $0xFFFFD800  }
0x46: {  	[hbm4b:s25+s1] =	stream.linear.scatter [tilespmem:s15], [sflag:$0x5], $0x2800, $0x38;
	[tilespmem:$0x12000] =	vst v63  }
0x47: {  	_ =	swait.ge [sflag:s12], $0x2800  }
0x48: {  	[sflag:s12] =	ssyncset.done $0x0  }
0x49: {  	[sflag:s12] =	ssyncadd.s32 $0xFFFFD800  }
0x4a: {  	_ =	swait.ge [sflag:s20], $0x2800  }
0x4b: {  	[sflag:s20] =	ssyncset.done $0x0  }
0x4c: {  	[sflag:s20] =	ssyncadd.s32 $0xFFFFD800  }
0x4d: {  	[hbm4b:s24+s1] =	stream.linear.scatter [tilespmem:s16], [sflag:$0x5], $0x2800, $0x38;
	[tilespmem:$0x12000] =	vst v63  }
0x4e: {  	_ =	swait.ge [sflag:s12], $0x2800  }
0x4f: {  	[sflag:s12] =	ssyncset.done $0x0  }
0x50: {  	s30 =	sadd.s32 $0x100, s26;
	[sflag:s12] =	ssyncadd.s32 $0xFFFFD800  }
0x51: {  	[tilespmem:s15], [sflag:$0x1] =	stream.indirect.gather [hbm4b:s3+s14], $0x80, s30, s14, $0xb8;
	[tilespmem:$0x12000] =	vst v63  }
0x52: {  	s26 =	sadd.s32 $0x4100, s26  }
0x53: {  	[tilespmem:s16], [sflag:$0x2] =	stream.indirect.gather [hbm4b:s4+s14], $0x80, s26, s14, $0xb8;
	[tilespmem:$0x12000] =	vst v63  }
0x54: {  	_ =	swait.ge [sflag:s21], $0x2800  }
0x55: {  	[sflag:s21] =	ssyncset.done $0x0  }
0x56: {  	s26 =	sadd.s32 $0x500, s25;
	[sflag:s21] =	ssyncadd.s32 $0xFFFFD800  }
0x57: {  	[hbm4b:s26+s1] =	stream.linear.scatter [tilespmem:s17], [sflag:$0x5], $0x2800, $0x38;
	[tilespmem:$0x12000] =	vst v63  }
0x58: {  	_ =	swait.ge [sflag:s12], $0x2800  }
0x59: {  	[sflag:s12] =	ssyncset.done $0x0  }
0x5a: {  	[sflag:s12] =	ssyncadd.s32 $0xFFFFD800  }
0x5b: {  	_ =	swait.ge [sflag:s22], $0x2800  }
.Ltmp0:
0x5c: {  	[sflag:s22] =	ssyncset.done $0x0;
	(pc) =	sbr.rel @p0 .LBB2_2-.Ltmp0, $4  }
0x5d: {  	s26 =	sadd.s32 $0x500, s24;
	[sflag:s22] =	ssyncadd.s32 $0xFFFFD800  }
0x5e: {  	[hbm4b:s26+s1] =	stream.linear.scatter [tilespmem:s18], [sflag:$0x5], $0x2800, $0x38;
	[tilespmem:$0x12000] =	vst v63  }
0x5f: {  	s30 =	smov.u32 s28;
	s24 =	sadd.s32 $0xA00, s24;
	_ =	swait.ge [sflag:s12], $0x2800  }
0x60: {  	s25 =	sadd.s32 $0xA00, s25;
	s26 =	sshra.s32 s29, $0x2;
	[sflag:s12] =	ssyncset.done $0x0  }
0x61: {  	s28 =	sadd.s32 $0x80, s26;
	[sflag:s12] =	ssyncadd.s32 $0xFFFFD800  }
0x62: {  	[tilespmem:s17], [sflag:$0x3] =	stream.indirect.gather [hbm4b:s3+s14], $0x80, s28, s14, $0xb8;
	[tilespmem:$0x12000] =	vst v63  }
0x63: {  	s30 =	sadd.s32 $0x4080, s26  }
0x64: {  	[tilespmem:s18], [sflag:$0x4] =	stream.indirect.gather [hbm4b:s4+s14], $0x80, s30, s14, $0xb8;
	[tilespmem:$0x12000] =	vst v63  }
0x65: {  	_ =	swait.ge [sflag:s19], $0x2800  }
0x66: {  	[sflag:s19] =	ssyncset.done $0x0  }
0x67: {  	[sflag:s19] =	ssyncadd.s32 $0xFFFFD800  }
0x68: {  	[hbm4b:s25+s1] =	stream.linear.scatter [tilespmem:s15], [sflag:$0x5], $0x2800, $0x38;
	[tilespmem:$0x12000] =	vst v63  }
0x69: {  	_ =	swait.ge [sflag:s12], $0x2800  }
0x6a: {  	[sflag:s12] =	ssyncset.done $0x0  }
0x6b: {  	[sflag:s12] =	ssyncadd.s32 $0xFFFFD800  }
0x6c: {  	_ =	swait.ge [sflag:s20], $0x2800  }
0x6d: {  	[sflag:s20] =	ssyncset.done $0x0  }
0x6e: {  	[sflag:s20] =	ssyncadd.s32 $0xFFFFD800  }
0x6f: {  	[hbm4b:s24+s1] =	stream.linear.scatter [tilespmem:s16], [sflag:$0x5], $0x2800, $0x38;
	[tilespmem:$0x12000] =	vst v63  }
0x70: {  	_ =	swait.ge [sflag:s12], $0x2800  }
0x71: {  	[sflag:s12] =	ssyncset.done $0x0  }
0x72: {  	s31 =	sadd.s32 $0x100, s26;
	[sflag:s12] =	ssyncadd.s32 $0xFFFFD800  }
0x73: {  	[tilespmem:s15], [sflag:$0x1] =	stream.indirect.gather [hbm4b:s3+s14], $0x80, s31, s14, $0xb8;
	[tilespmem:$0x12000] =	vst v63  }
0x74: {  	s29 =	sadd.s32 $0x4100, s26  }
0x75: {  	[tilespmem:s16], [sflag:$0x2] =	stream.indirect.gather [hbm4b:s4+s14], $0x80, s29, s14, $0xb8;
	[tilespmem:$0x12000] =	vst v63  }
0x76: {  	_ =	swait.ge [sflag:s21], $0x2800  }
0x77: {  	[sflag:s21] =	ssyncset.done $0x0  }
0x78: {  	s30 =	sadd.s32 $0x500, s25;
	[sflag:s21] =	ssyncadd.s32 $0xFFFFD800  }
0x79: {  	[hbm4b:s30+s1] =	stream.linear.scatter [tilespmem:s17], [sflag:$0x5], $0x2800, $0x38;
	[tilespmem:$0x12000] =	vst v63  }
0x7a: {  	_ =	swait.ge [sflag:s12], $0x2800  }
0x7b: {  	[sflag:s12] =	ssyncset.done $0x0  }
0x7c: {  	[sflag:s12] =	ssyncadd.s32 $0xFFFFD800  }
0x7d: {  	_ =	swait.ge [sflag:s22], $0x2800  }
0x7e: {  	[sflag:s22] =	ssyncset.done $0x0  }
0x7f: {  	s31 =	sadd.s32 $0x500, s24;
	[sflag:s22] =	ssyncadd.s32 $0xFFFFD800  }
0x80: {  	[hbm4b:s31+s1] =	stream.linear.scatter [tilespmem:s18], [sflag:$0x5], $0x2800, $0x38;
	[tilespmem:$0x12000] =	vst v63  }
0x81: {  	_ =	swait.ge [sflag:s12], $0x2800  }
0x82: {  	[sflag:s12] =	ssyncset.done $0x0  }
0x83: {  	[sflag:s12] =	ssyncadd.s32 $0xFFFFD800  }
0x84: {  	_ =	swait.ge [sflag:s19], $0x2800  }
0x85: {  	[sflag:s19] =	ssyncset.done $0x0  }
0x86: {  	[sflag:s19] =	ssyncadd.s32 $0xFFFFD800  }
0x87: {  	[hbm4b:s7+s1] =	stream.linear.scatter [tilespmem:s15], [sflag:$0x5], $0x2800, $0x38;
	[tilespmem:$0x12000] =	vst v63  }
0x88: {  	_ =	swait.ge [sflag:s12], $0x2800  }
0x89: {  	[sflag:s12] =	ssyncset.done $0x0  }
0x8a: {  	[sflag:s12] =	ssyncadd.s32 $0xFFFFD800  }
0x8b: {  	s23 =	sadd.s32 $0x1, s23;
	_ =	swait.ge [sflag:s20], $0x2800  }
0x8c: {  	p0 =	sne.s32 s23, s9;
	[sflag:s20] =	ssyncset.done $0x0  }
.Ltmp1:
0x8d: {  	[sflag:s20] =	ssyncadd.s32 $0xFFFFD800;
	(pc) =	sbr.rel @p0 .LBB2_1-.Ltmp1, $4  }
0x8e: {  	[hbm4b:s8+s1] =	stream.linear.scatter [tilespmem:s16], [sflag:$0x5], $0x2800, $0x38;
	[tilespmem:$0x12000] =	vst v63  }
0x8f: {  	_ =	swait.ge [sflag:s12], $0x2800  }
0x90: {  	[sflag:s12] =	ssyncset.done $0x0  }
0x91: {  	[sflag:s12] =	ssyncadd.s32 $0xFFFFD800  }
0x92: {  	_ =	sfence.sel $0x180000  }
0x93: {  	[bflag:$0x0] =	sbarrier.arrive $0xFFFF  }
0x94: {  	p0 =	sne.s32 s2, $0x0;
	_ =	strace $0x90000047  }
0x95: {  	s0 =	sadd.s32 @!p0 $0x100000, s0;
	[bflag:$0x2] =	sbarrier.arrive $0xFFFF  }
0x96: {  	[sflag:s0] =	ssyncadd.tile.s32 @!p0 $0x1;
	_ =	shalt  }
.Lfunc_end2:
_tile_overlayer_lowered:
.L_overlay_start_2:
0x97: {  	(tag) =	ssettag $0x2  }
0x98: {  	s0 =	rddreg [dreg:$0x0];
	s2 =	stileid.u32  }
0x99: {  	s1 =	rddreg [dreg:$0x1];
	p0 =	sne.s32 s2, $0x0  }
0x9a: {  	s3 =	rddreg [dreg:$0x2];
	[bflag:$0x3] =	sbarrier.arrive $0xFFFF;
	s2 =	simm.s32 @!p0 $0x1C05  }
0x9b: {  	[timem:s3], [sflag:s2] =	dma.local @!p0 [hbm:s0], s1  }
0x9c: {  	s0 =	simm.s32 @!p0 $0x5  }
0x9d: {  	_ =	swait.ge @!p0 [sflag:s0], s1  }
0x9e: {  	s1 =	ssub.s32 @!p0 $0x0, s1;
	[sflag:s0] =	ssyncset.done @!p0 $0x0  }
0x9f: {  	[sflag:s0] =	ssyncadd.s32 @!p0 s1  }
0xa0: {  	[bflag:$0x3] =	sbarrier.arrive $0xFFFF  }
0xa1: {  	_ =	shalt  }

// kernel: kernel.22.cloned.1.call-start
scs
__scs_entry_jumppad:
0x0: {  	(pc) =	sbr.rel $0x88, $3  }
0x1: {  	(tag) =	ssettag $0x0;
	lr =	simm.s32 $0x1  }
0x2: {  	[smem:$0x3F8F] =	sst lr;
	_ =	strace $0xD0000000  }
0x3: {  	_ = 	snop  }
0x4: {  	_ = 	snop  }
0x5: {  	_ = 	snop  }
0x6: {  	_ = 	snop  }
0x7: {  	_ = 	snop  }
__scs_overlays_trampoline_lowered:
0x8: {  	[smem:$0x3F9E] =	sst s0  }
0x9: {  	[smem:$0x3F9F] =	sst s1  }
0xa: {  	[smem:$0x3FA0] =	sst s2  }
0xb: {  	[smem:$0x3FA1] =	sst s3  }
0xc: {  	[smem:$0x3FA2] =	sst s4  }
0xd: {  	[smem:$0x3FA3] =	sst s5  }
0xe: {  	[smem:$0x3FA4] =	sst s6  }
0xf: {  	[smem:$0x3FA5] =	sst s7  }
0x10: {  	[smem:$0x3FA6] =	sst s8  }
0x11: {  	[smem:$0x3FA7] =	sst s9;
	s0 =	simm.s32 @!p0 $0x0  }
0x12: {  	s1 =	sld [smem:$0x3F8D];
	s0 =	simm.s32 @p0 $0x1  }
0x13: {  	[smem:$0x3FA8] =	sst s0;
	s0 =	simm.s32 @!p1 $0x0  }
0x14: {  	s2 =	sld [smem:$0x3F8C];
	s0 =	simm.s32 @p1 $0x1  }
0x15: {  	[smem:$0x3FA9] =	sst s0;
	s0 =	simm.s32 @!p2 $0x0  }
0x16: {  	s3 =	sld [smem:$0x3FDB];
	s0 =	simm.s32 @p2 $0x1  }
0x17: {  	s4 =	simm.s32 $0x1BF5;
	[smem:$0x3FAB] =	sst s0  }
0x18: {  	s0 =	sld [smem:$0x3F8E];
	_ =	swait.ge [sflag:s4], $0x0  }
0x19: {  	s7 =	sld [smem:$0x3F8F]  }
0x1a: {  	s8 =	sadd.s32 $0xFFFFE003, lr  }
0x1b: {  	s9 =	sadd.s32 $0xFFFFFEF7, lr;
	s5 =	simm.s32 $0xFFFFFFFF;
	p2 =	slt.u32 s8, $0xFFFFF086  }
0x1c: {  	p1 =	slt.u32 s9, $0xF7A;
	s5 =	simm.s32 @!p2 $0x0  }
0x1d: {  	s5 =	simm.s32 @p1 $0x1;
	p0 =	seq.s32 s7, s2  }
0x1e: {  	s7 =	smul.u32 @!p0 $0xF7A, s2;
	p2 =	seq.s32 @!p0 s5, $0x0  }
0x1f: {  	s9 =	smul.u32 $0xF7A, s1;
	s8 =	simm.s32 @!p0 $0x1BF5;
	p2 =	por !p2, p0  }
0x20: {  	[sflag:s8] =	ssyncset.s32 @!p0 $0xFFFFF086;
	s6 =	sadd.s32 @!p0 s3, s7;
	s7 =	simm.s32 @!p0 $0x108  }
0x21: {  	s3 =	sadd.s32 s3, s9;
	s6 =	sadd.s32 @!p0 $0x88, s6;
	s7 =	simm.s32 @p2 $0x1082  }
0x22: {  	[simem:s7], [sflag:s8] =	dma.local @!p0 [hbm:s6], $0xF7A  }
0x23: {  	s9 =	sor.u32 $0xD0000000, s2;
	s6 =	simm.s32 $0x108;
	_ =	swait.ge @!p0 [sflag:s8], $0x0  }
0x24: {  	s3 =	sadd.s32 $0x88, s3;
	s6 =	simm.s32 @!p1 $0x1082;
	[sflag:s4] =	ssyncset.s32 $0xFFFFF086  }
0x25: {  	[simem:s6], [sflag:s4] =	dma.local [hbm:s3], $0xF7A  }
0x26: {  	[smem:$0x3F8F] =	sst s1;
	(tag) =	ssettag s2;
	_ =	strace s9  }
0x27: {  	s1 =	sld [smem:$0x3F9F]  }
0x28: {  	s2 =	sld [smem:$0x3FA0]  }
0x29: {  	s4 =	sld [smem:$0x3FA2]  }
0x2a: {  	p0 =	seq.s32 s5, $0x0;
	s5 =	sld [smem:$0x3FA3]  }
0x2b: {  	s6 =	sld [smem:$0x3FA4]  }
0x2c: {  	s7 =	sld [smem:$0x3FA5]  }
0x2d: {  	s3 =	simm.s32 $0x108;
	s8 =	sld [smem:$0x3FA6]  }
0x2e: {  	s3 =	simm.s32 @!p0 $0x1082;
	s9 =	sld [smem:$0x3FA7]  }
0x2f: {  	lr =	sadd.s32 s0, s3;
	s0 =	sld [smem:$0x3F9E]  }
0x30: {  	s3 =	sld [smem:$0x3FA1]  }
0x31: {  	[smem:$0x3FAA] =	sst s10  }
0x32: {  	s10 =	sld [smem:$0x3FA8];
	_ =	sdelay $0x3  }
0x33: {  	p0 =	seq.s32 s10, $0x1;
	s10 =	sld [smem:$0x3FAA];
	_ =	sdelay $0x3  }
0x34: {  	[smem:$0x3FAA] =	sst s10  }
0x35: {  	s10 =	sld [smem:$0x3FA9];
	_ =	sdelay $0x3  }
0x36: {  	p1 =	seq.s32 s10, $0x1;
	s10 =	sld [smem:$0x3FAA];
	_ =	sdelay $0x3  }
0x37: {  	[smem:$0x3FAA] =	sst s10  }
0x38: {  	s10 =	sld [smem:$0x3FAB]  }
0x39: {  	_ = 	snop;
	(pc) =	sbr.ind lr, $3  }
0x3a: {  	_ = 	snop  }
0x3b: {  	_ = 	snop  }
0x3c: {  	p2 =	seq.s32 s10, $0x1;
	s10 =	sld [smem:$0x3FAA]  }
0x3d: {  	_ =	shalt  }
0x3e: {  	_ =	shalt  }
0x3f: {  	_ =	shalt  }
0x40: {  	_ =	shalt  }
0x41: {  	_ =	shalt  }
0x42: {  	_ =	shalt  }
0x43: {  	_ =	shalt  }
0x44: {  	_ =	shalt  }
0x45: {  	_ =	shalt  }
0x46: {  	_ =	shalt  }
0x47: {  	_ =	shalt  }
0x48: {  	_ =	shalt  }
0x49: {  	_ =	shalt  }
0x4a: {  	_ =	shalt  }
0x4b: {  	_ =	shalt  }
0x4c: {  	_ =	shalt  }
0x4d: {  	_ =	shalt  }
0x4e: {  	_ =	shalt  }
0x4f: {  	_ =	shalt  }
0x50: {  	_ =	shalt  }
0x51: {  	_ =	shalt  }
0x52: {  	_ =	shalt  }
0x53: {  	_ =	shalt  }
0x54: {  	_ =	shalt  }
0x55: {  	_ =	shalt  }
0x56: {  	_ =	shalt  }
0x57: {  	_ =	shalt  }
0x58: {  	_ =	shalt  }
0x59: {  	_ =	shalt  }
0x5a: {  	_ =	shalt  }
0x5b: {  	_ =	shalt  }
0x5c: {  	_ =	shalt  }
0x5d: {  	_ =	shalt  }
0x5e: {  	_ =	shalt  }
0x5f: {  	_ =	shalt  }
0x60: {  	_ =	shalt  }
0x61: {  	_ =	shalt  }
0x62: {  	_ =	shalt  }
0x63: {  	_ =	shalt  }
0x64: {  	_ =	shalt  }
0x65: {  	_ =	shalt  }
0x66: {  	_ =	shalt  }
0x67: {  	_ =	shalt  }
0x68: {  	_ =	shalt  }
0x69: {  	_ =	shalt  }
0x6a: {  	_ =	shalt  }
0x6b: {  	_ =	shalt  }
0x6c: {  	_ =	shalt  }
0x6d: {  	_ =	shalt  }
0x6e: {  	_ =	shalt  }
0x6f: {  	_ =	shalt  }
0x70: {  	_ =	shalt  }
0x71: {  	_ =	shalt  }
0x72: {  	_ =	shalt  }
0x73: {  	_ =	shalt  }
0x74: {  	_ =	shalt  }
0x75: {  	_ =	shalt  }
0x76: {  	_ =	shalt  }
0x77: {  	_ =	shalt  }
0x78: {  	_ =	shalt  }
0x79: {  	_ =	shalt  }
0x7a: {  	_ =	shalt  }
0x7b: {  	_ =	shalt  }
0x7c: {  	_ =	shalt  }
0x7d: {  	_ =	shalt  }
0x7e: {  	_ =	shalt  }
0x7f: {  	_ =	shalt  }
0x80: {  	_ =	shalt  }
0x81: {  	_ =	shalt  }
0x82: {  	_ =	shalt  }
0x83: {  	_ =	shalt  }
0x84: {  	_ =	shalt  }
0x85: {  	_ =	shalt  }
0x86: {  	_ =	shalt  }
0x87: {  	_ =	shalt  }
.Lfunc_end0:
.L_simem_size_0:
called_computation.1_lowered:
.L_overlay_start_0:
0x88: {  	s2 =	sld [smem:$0x3FD9]  }
0x89: {  	s3 =	sld [smem:$0x3FFE];
	_ =	sdelay $0x1  }
0x8a: {  	s1 =	srdreg.scid  }
0x8b: {  	s0 =	sand.u32 $0x1, s1  }
0x8c: {  	s16 =	sshll.u32 s0, $0xA;
	s2 =	sadd.s32 s3, s2  }
0x8d: {  	s2 =	sadd.s32 s2, s16  }
0x8e: {  	[smem:$0x3FB6] =	sst s2  }
0x8f: {  	_ = 	snop  }
0x90: {  	(tm) =	ssettm $0x1  }
0x91: {  	s17 =	sld [smem:$0x3FFB];
	_ =	sdelay $0x3  }
0x92: {  	_ =	strace s17  }
0x93: {  	s2 =	sld [smem:$0x3FFC];
	_ =	sdelay $0x3  }
0x94: {  	_ =	strace s2  }
0x95: {  	s2 =	sld [smem:$0x3FFD];
	_ =	sdelay $0x3  }
0x96: {  	_ =	strace s2  }
0x97: {  	_ =	strace $0x8FFFFFFF  }
0x98: {  	s18 =	sld [smem:$0x3FDB];
	_ =	sdelay $0x1  }
0x99: {  	s19 =	simm.s32 $_scs_section_size  }
0x9a: {  	s4 =	simm.s32 $_size__tile_overlayer_lowered;
	s5 =	simm.s32 $_tile_overlayer_lowered  }
0x9b: {  	s22 =	simm.s32 $0x1BFF;
	s21 =	sshll.u32 s5, $0x1;
	s2 =	sadd.s32 s19, s18  }
0x9c: {  	s6 =	simm.s32 $0x0;
	s20 =	sshll.u32 s4, $0x1;
	s4 =	sadd.s32 s21, s2  }
0x9d: {  	[timem:s6], [sflag:s22] =	dma.local [hbm:s4], s20  }
0x9e: {  	_ =	swait.ge [sflag:s22], s20  }
0x9f: {  	s3 =	ssub.s32 $0x0, s20;
	[sflag:s22] =	ssyncset.done $0x0  }
0xa0: {  	[sflag:s22] =	ssyncadd.s32 s3;
	_ =	sdelay $0x1  }
0xa1: {  	s23 =	simm.s32 $0x1B8B  }
0xa2: {  	_ =	swait.ge [sflag:s23], $0x1  }
0xa3: {  	[sflag:s23] =	ssyncset.done $0x0  }
0xa4: {  	s25 =	simm.s32 $0x1B8E;
	s24 =	sld [smem:$0x3FFE];
	[sflag:s23] =	ssyncadd.s32 $0xFFFFFFFF  }
0xa5: {  	s26 =	simm.s32 $execute0_lowered;
	[smem:$0x3FD2] =	sst s25  }
0xa6: {  	s4 =	sshll.u32 s26, $0x1;
	_ =	strace $0x80000049;
	[dreg:$0x1] =	wrdreg $0xFFFFFFFF  }
0xa7: {  	s28 =	simm.s32 $_size_execute0_lowered;
	s2 =	sadd.s32 s2, s4;
	[dreg:$0x0] =	wrdreg $0x0  }
0xa8: {  	s4 =	sshll.u32 s28, $0x1;
	[dreg:$0x2] =	wrdreg s2  }
0xa9: {  	[dreg:$0x3] =	wrdreg s4  }
0xaa: {  	[dreg:$0x4] =	wrdreg $0xC0  }
0xab: {  	_ =	task [dreg:s6], $0x5FFFF  }
0xac: {  	[dreg:$0x1] =	wrdreg $0xFFFFFFFF  }
0xad: {  	[dreg:$0x0] =	wrdreg $0x60  }
0xae: {  	[dreg:$0x2] =	wrdreg s24  }
0xaf: {  	[dreg:$0x3] =	wrdreg $0xA0000  }
0xb0: {  	[dreg:$0x4] =	wrdreg $0x9  }
0xb1: {  	_ =	task.clear_ibuf [dreg:s6], $0x5FFFF;
	_ =	strace $0x90000049  }
0xb2: {  	s29 =	simm.s32 $0x9;
	_ =	strace $0x8000004B  }
0xb3: {  	_ =	swait.ge [sflag:s29], $0x1  }
0xb4: {  	[sflag:s29] =	ssyncadd.s32 $0xFFFFFFFF  }
0xb5: {  	_ =	strace $0x9000004B  }
0xb6: {  	_ =	sfence  }
0xb7: {  	s30 =	sld [smem:$0x0];
	_ =	sdelay $0x2  }
0xb8: {  	s31 =	sshll.u32 s1, $0xD;
	s1 =	sshrl.u32 s1, $0x2  }
0xb9: {  	s3 =	sand.u32 $0x4000, s31;
	s1 =	sadd.s32 s1, s30  }
0xba: {  	s0 =	sor.u32 s3, s0;
	s1 =	sshll.u32 s1, $0x11  }
0xbb: {  	s0 =	sor.u32 s1, s0  }
0xbc: {  	s0 =	sadd.s32 $0x8F2B, s0  }
0xbd: {  	[sflag:s0] =	ssyncadd.remote.s32 $0x1  }
0xbe: {  	_ =	sfence.sel $0xFFFF  }
0xbf: {  	[dreg:$0x0] =	wrdreg $0xFFFFFFFF;
	(pc) =	sbr.abs _section_cstart, $3  }
0xc0: {  	[dreg:$0x1] =	wrdreg $0xFFFFFFFF  }
0xc1: {  	_ =	task.clear_ibuf [dreg:s6], $0x2FFFF;
	_ =	strace $0x9FFFFFFF  }
0xc2: {  	(tm) =	ssettm $0x7FFFFFFF  }
0xc3: {  	_ =	shalt  }
tec
execute0_lowered:
.L_overlay_start_1:
0x0: {  	(tag) =	ssettag $0x1  }
0x1: {  	s4 =	rddreg [dreg:$0x0]  }
0x2: {  	s1 =	rddreg [dreg:$0x1];
	s2 =	srdreg.scid  }
0x3: {  	s0 =	rddreg [dreg:$0x2];
	s3 =	simm.s32 $0x0;
	s15 =	simm.s32 $0x1  }
0x4: {  	s16 =	simm.s32 $0x50;
	s17 =	simm.s32 $0x2;
	s7 =	sand.u32 $0x1, s2  }
0x5: {  	s18 =	simm.s32 $0x3E00;
	s2 =	stileid.u32;
	s10 =	smul.u32 $0x138800, s7  }
0x6: {  	s21 =	simm.s32 $0x0;
	[smem:$0x7FF] =	sst s3;
	s12 =	smul.u32 $0x13800, s2  }
0x7: {  	s8 =	sadd.s32 $0x142BA00, s4;
	s13 =	sadd.s32 $0x2E400, s4;
	s26 =	smul.u32 $0x4E000, s2  }
0x8: {  	s19 =	sadd.s32 $0x124800, s1;
	s5 =	sshll.u32 s7, $0x4;
	s28 =	smul.u32 $0x4E200, s2  }
0x9: {  	_ =	strace $0x8000004A;
	s9 =	ssub.s32 $0x2, s7;
	s14 =	smul.u32 $0x271000, s7  }
0xa: {  	s30 =	smul.u32 $0x27100, s2;
	p0 =	seq.s32 s2, $0xF;
	s5 =	sor.u32 s2, s5  }
0xb: {  	s11 =	sshrl.u32 s9, $0x1;
	s19 =	sshrl.u32 @p0 s19, $0x3;
	s6 =	sshll.u32 s5, $0xB  }
0xc: {  	s9 =	ssub.s32 s9, s11;
	s5 =	smul.u32 $0x27100, s5;
	s25 =	sadd.s32 s12, s10  }
0xd: {  	s10 =	sshrl.u32 s10, $0x3;
	s29 =	sshrl.u32 s26, $0x2;
	s31 =	sshrl.u32 s28, $0x2  }
0xe: {  	s12 =	simm.s32 $0x9000;
	s6 =	sadd.s32 s6, s4;
	s10 =	sadd.s32 s13, s10  }
0xf: {  	s20 =	sadd.s32 s29, s1;
	s4 =	sadd.s32 $0x19C00, s6;
	s5 =	sadd.s32 s8, s5  }
0x10: {  	s6 =	sshrl.u32 s25, $0x3;
	s7 =	sadd.s32 $0x24900, s10;
	s8 =	sadd.s32 s14, s8  }
0x11: {  	s14 =	simm.s32 $0x6800;
	s20 =	sshrl.u32 @!p0 s20, $0x3;
	s6 =	sadd.s32 s13, s6  }
0x12: {  	s11 =	sadd.s32 s30, s8;
	s8 =	smax.u32 s9, $0x1;
	s9 =	sadd.s32 s31, s1  }
0x13: {  	v0 =	vimm.f32 $0.0e+00;
	s13 =	simm.s32 $0x4000;
	s10 =	sadd.s32 $0xA00, s11;
	s11 =	simm.s32 $0x3  }
.LBB2_1:
0x14: {  	[tilespmem:s3], [sflag:$0x3] =	stream.linear.gather [hbm4b:s4+s3], $0x3E80, $0x38;
	[tilespmem:$0x1D880] =	vst v63  }
0x15: {  	_ =	swait.ge [sflag:s11], $0x3E80  }
0x16: {  	[sflag:s11] =	ssyncset.done $0x0  }
0x17: {  	s22 =	simm.s32 $0x0;
	s23 =	simm.s32 $0x200;
	[sflag:s11] =	ssyncadd.s32 $0xFFFFC180  }
.LBB2_2:
0x18: {  	p1 =	sne.s32 s23, $0x3000;
	[tilespmem:s22+$0x9070] =	vst v0  }
0x19: {  	[tilespmem:s22+$0x9000] =	vst v0  }
0x1a: {  	[tilespmem:s22+$0x9010] =	vst v0  }
.Ltmp0:
0x1b: {  	[tilespmem:s22+$0x9020] =	vst v0;
	(pc) =	sbr.rel @p1 .LBB2_2-.Ltmp0, $4  }
0x1c: {  	[tilespmem:s22+$0x9030] =	vst v0  }
0x1d: {  	[tilespmem:s22+$0x9040] =	vst v0  }
0x1e: {  	[tilespmem:s22+$0x9050] =	vst v0  }
0x1f: {  	[tilespmem:s22+$0x9060] =	vst v0;
	s22 =	sshra.s32 s23, $0x2;
	s23 =	sadd.s32 $0x200, s23  }
0x20: {  	[tilespmem:s22+$0x9070] =	vst v0  }
0x21: {  	[tilespmem:s22+$0x9000] =	vst v0  }
0x22: {  	[tilespmem:s22+$0x9010] =	vst v0  }
0x23: {  	[tilespmem:s22+$0x9020] =	vst v0  }
0x24: {  	[tilespmem:s22+$0x9030] =	vst v0  }
0x25: {  	[tilespmem:s22+$0x9040] =	vst v0  }
0x26: {  	[tilespmem:s22+$0x9050] =	vst v0  }
0x27: {  	[tilespmem:s22+$0x9060] =	vst v0;
	s31 =	sadd.s32 $0x0, s9  }
0x28: {  	[spmem:s31] =	stream.linear.scatter [tilespmem:s12], [sflag:$0x3], $0xC80, $0x38;
	[tilespmem:$0x1D880] =	vst v63  }
0x29: {  	s22 =	simm.s32 $0x3200;
	_ =	swait.ge [sflag:s11], $0xC80  }
.LBB2_4:
0x2a: {  	s23 =	sshra.s32 s22, $0x2;
	[sflag:s11] =	ssyncset.done $0x0;
	p1 =	sne.s32 s22, $0x4B000  }
.Ltmp1:
0x2b: {  	s23 =	sadd.s32 s23, s9;
	[sflag:s11] =	ssyncadd.s32 $0xFFFFF380;
	(pc) =	sbr.rel @p1 .LBB2_4-.Ltmp1, $3  }
0x2c: {  	[spmem:s23] =	stream.linear.scatter [tilespmem:s12], [sflag:$0x3], $0xC80, $0x38;
	[tilespmem:$0x1D880] =	vst v63  }
0x2d: {  	s22 =	sadd.s32 $0x3200, s22;
	_ =	sdelay $0x1  }
0x2e: {  	_ =	swait.ge [sflag:s11], $0xC80  }
0x2f: {  	[sflag:s11] =	ssyncset.done $0x0  }
0x30: {  	[sflag:s11] =	ssyncadd.s32 $0xFFFFF380  }
0x31: {  	s22 =	simm.s32 $0x0;
	[bflag:$0x0] =	sbarrier.arrive $0xFFFF  }
0x32: {  	[tilespmem:s13], [sflag:$0x1] =	stream.linear.gather [hbm4b:s5+s22], $0x2800, $0x38;
	[tilespmem:$0x1D880] =	vst v63  }
0x33: {  	s29 =	sadd.s32 $0xFFFFFB00, s10  }
0x34: {  	[tilespmem:s14], [sflag:$0x2] =	stream.linear.gather [hbm4b:s29+s3], $0x2800, $0x38;
	[tilespmem:$0x1D880] =	vst v63  }
0x35: {  	_ =	swait.ge [sflag:s15], $0x2800  }
0x36: {  	[sflag:s15] =	ssyncset.done $0x0  }
0x37: {  	s30 =	simm.s32 $0x0;
	[sflag:s15] =	ssyncadd.s32 $0xFFFFD800  }
0x38: {  	[spmem:s1] =	stream.indirect.scatter.add.f32 [tilespmem:s13], [sflag:$0x3], $0x80, s30, s16, $0xb8;
	[tilespmem:$0x1D880] =	vst v63  }
0x39: {  	_ =	swait.ge [sflag:s11], $0x2800  }
0x3a: {  	[sflag:s11] =	ssyncset.done $0x0  }
0x3b: {  	[sflag:s11] =	ssyncadd.s32 $0xFFFFD800  }
0x3c: {  	[tilespmem:s13], [sflag:$0x1] =	stream.linear.gather [hbm4b:s10+s3], $0x2800, $0x38;
	[tilespmem:$0x1D880] =	vst v63  }
0x3d: {  	_ =	swait.ge [sflag:s17], $0x2800  }
0x3e: {  	[sflag:s17] =	ssyncset.done $0x0  }
0x3f: {  	s31 =	simm.s32 $0x80;
	[sflag:s17] =	ssyncadd.s32 $0xFFFFD800  }
0x40: {  	[spmem:s1] =	stream.indirect.scatter.add.f32 [tilespmem:s14], [sflag:$0x3], $0x80, s31, s16, $0xb8;
	[tilespmem:$0x1D880] =	vst v63  }
0x41: {  	s23 =	simm.s32 $0x400;
	_ =	swait.ge [sflag:s11], $0x2800  }
0x42: {  	s24 =	simm.s32 $0x800;
	s22 =	sadd.s32 $0xA00, s10;
	[sflag:s11] =	ssyncset.done $0x0  }
.LBB2_6:
0x43: {  	p1 =	sne.s32 s24, $0xF400;
	s25 =	sadd.s32 $0xFFFFFB00, s22;
	[sflag:s11] =	ssyncadd.s32 $0xFFFFD800  }
0x44: {  	[tilespmem:s14], [sflag:$0x2] =	stream.linear.gather [hbm4b:s25+s3], $0x2800, $0x38;
	[tilespmem:$0x1D880] =	vst v63  }
0x45: {  	s25 =	smov.u32 s24;
	s24 =	sadd.s32 $0x400, s24;
	_ =	swait.ge [sflag:s15], $0x2800  }
0x46: {  	[sflag:s15] =	ssyncset.done $0x0  }
0x47: {  	s26 =	sshra.s32 s23, $0x2;
	s23 =	smov.u32 s25;
	[sflag:s15] =	ssyncadd.s32 $0xFFFFD800  }
0x48: {  	[spmem:s1] =	stream.indirect.scatter.add.f32 [tilespmem:s13], [sflag:$0x3], $0x80, s26, s16, $0xb8;
	[tilespmem:$0x1D880] =	vst v63  }
0x49: {  	_ =	swait.ge [sflag:s11], $0x2800  }
0x4a: {  	[sflag:s11] =	ssyncset.done $0x0  }
0x4b: {  	[sflag:s11] =	ssyncadd.s32 $0xFFFFD800  }
0x4c: {  	[tilespmem:s13], [sflag:$0x1] =	stream.linear.gather [hbm4b:s22+s3], $0x2800, $0x38;
	[tilespmem:$0x1D880] =	vst v63  }
0x4d: {  	_ =	swait.ge [sflag:s17], $0x2800  }
.Ltmp2:
0x4e: {  	[sflag:s17] =	ssyncset.done $0x0;
	(pc) =	sbr.rel @p1 .LBB2_6-.Ltmp2, $4  }
0x4f: {  	s25 =	sadd.s32 $0x80, s26;
	[sflag:s17] =	ssyncadd.s32 $0xFFFFD800  }
0x50: {  	[spmem:s1] =	stream.indirect.scatter.add.f32 [tilespmem:s14], [sflag:$0x3], $0x80, s25, s16, $0xb8;
	[tilespmem:$0x1D880] =	vst v63  }
0x51: {  	_ =	swait.ge [sflag:s11], $0x2800  }
0x52: {  	s22 =	sadd.s32 $0xA00, s22;
	[sflag:s11] =	ssyncset.done $0x0  }
0x53: {  	s24 =	sadd.s32 $0xFFFFFB00, s22;
	[sflag:s11] =	ssyncadd.s32 $0xFFFFD800  }
0x54: {  	[tilespmem:s14], [sflag:$0x2] =	stream.linear.gather [hbm4b:s24+s3], $0x2800, $0x38;
	[tilespmem:$0x1D880] =	vst v63  }
0x55: {  	_ =	swait.ge [sflag:s15], $0x2800  }
0x56: {  	[sflag:s15] =	ssyncset.done $0x0  }
0x57: {  	s23 =	sshra.s32 s23, $0x2;
	[sflag:s15] =	ssyncadd.s32 $0xFFFFD800  }
0x58: {  	[spmem:s1] =	stream.indirect.scatter.add.f32 [tilespmem:s13], [sflag:$0x3], $0x80, s23, s16, $0xb8;
	[tilespmem:$0x1D880] =	vst v63  }
0x59: {  	_ =	swait.ge [sflag:s11], $0x2800  }
0x5a: {  	[sflag:s11] =	ssyncset.done $0x0  }
0x5b: {  	[sflag:s11] =	ssyncadd.s32 $0xFFFFD800  }
0x5c: {  	[tilespmem:s13], [sflag:$0x1] =	stream.linear.gather [hbm4b:s22+s3], $0x2800, $0x38;
	[tilespmem:$0x1D880] =	vst v63  }
0x5d: {  	_ =	swait.ge [sflag:s17], $0x2800  }
0x5e: {  	[sflag:s17] =	ssyncset.done $0x0  }
0x5f: {  	s31 =	sadd.s32 $0x80, s23;
	[sflag:s17] =	ssyncadd.s32 $0xFFFFD800  }
0x60: {  	[spmem:s1] =	stream.indirect.scatter.add.f32 [tilespmem:s14], [sflag:$0x3], $0x80, s31, s16, $0xb8;
	[tilespmem:$0x1D880] =	vst v63  }
0x61: {  	_ =	swait.ge [sflag:s11], $0x2800  }
0x62: {  	[sflag:s11] =	ssyncset.done $0x0  }
0x63: {  	[sflag:s11] =	ssyncadd.s32 $0xFFFFD800  }
0x64: {  	_ =	swait.ge [sflag:s15], $0x2800  }
0x65: {  	[sflag:s15] =	ssyncset.done $0x0  }
0x66: {  	[sflag:s15] =	ssyncadd.s32 $0xFFFFD800  }
0x67: {  	[spmem:s1] =	stream.indirect.scatter.add.f32 [tilespmem:s13], [sflag:$0x3], $0x80, s18, s16, $0xb8;
	[tilespmem:$0x1D880] =	vst v63  }
0x68: {  	_ =	swait.ge [sflag:s11], $0x2800  }
0x69: {  	[sflag:s11] =	ssyncset.done $0x0  }
0x6a: {  	[sflag:s11] =	ssyncadd.s32 $0xFFFFD800  }
0x6b: {  	s22 =	simm.s32 @p0 $0x1FC3;
	[bflag:$0x0] =	sbarrier.arrive $0xFFFF  }
0x6c: {  	[hbm:s7], [sflag:s22] =	dma.local @p0 [spmem:s19], $0x2800  }
0x6d: {  	s22 =	simm.s32 @p0 $0x3  }
0x6e: {  	_ =	swait.ge @p0 [sflag:s22], $0x2800  }
0x6f: {  	s21 =	sadd.s32 $0x1, s21;
	s23 =	sshll.u32 @!p0 s2, $0x6;
	[sflag:s22] =	ssyncset.done @p0 $0x0  }
0x70: {  	p1 =	sne.s32 s21, s8;
	[sflag:s22] =	ssyncadd.s32 @p0 $0xFFFFD800;
	s22 =	sor.u32 @!p0 $0x1C03, s23  }
0x71: {  	[hbm:s6], [sflag:s22] =	dma.local @!p0 [spmem:s20], $0x2700  }
.Ltmp3:
0x72: {  	_ = 	snop;
	(pc) =	sbr.rel @p1 .LBB2_1-.Ltmp3, $4  }
0x73: {  	s22 =	simm.s32 @!p0 $0x3  }
0x74: {  	_ =	swait.ge @!p0 [sflag:s22], $0x2700  }
0x75: {  	[sflag:s22] =	ssyncset.done @!p0 $0x0  }
0x76: {  	[sflag:s22] =	ssyncadd.s32 @!p0 $0xFFFFD900  }
0x77: {  	_ =	sfence.sel $0x180000  }
0x78: {  	[bflag:$0x0] =	sbarrier.arrive $0xFFFF  }
0x79: {  	p0 =	sne.s32 s2, $0x0;
	_ =	strace $0x9000004A  }
0x7a: {  	s0 =	sadd.s32 @!p0 $0x100000, s0;
	[bflag:$0x2] =	sbarrier.arrive $0xFFFF  }
0x7b: {  	[sflag:s0] =	ssyncadd.tile.s32 @!p0 $0x1;
	_ =	shalt  }
.Lfunc_end2:
_tile_overlayer_lowered:
.L_overlay_start_2:
0x7c: {  	(tag) =	ssettag $0x2  }
0x7d: {  	s0 =	rddreg [dreg:$0x0];
	s2 =	stileid.u32  }
0x7e: {  	s1 =	rddreg [dreg:$0x1];
	p0 =	sne.s32 s2, $0x0  }
0x7f: {  	s3 =	rddreg [dreg:$0x2];
	[bflag:$0x3] =	sbarrier.arrive $0xFFFF;
	s2 =	simm.s32 @!p0 $0x1C03  }
0x80: {  	[timem:s3], [sflag:s2] =	dma.local @!p0 [hbm:s0], s1  }
0x81: {  	s0 =	simm.s32 @!p0 $0x3  }
0x82: {  	_ =	swait.ge @!p0 [sflag:s0], s1  }
0x83: {  	s1 =	ssub.s32 @!p0 $0x0, s1;
	[sflag:s0] =	ssyncset.done @!p0 $0x0  }
0x84: {  	[sflag:s0] =	ssyncadd.s32 @!p0 s1  }
0x85: {  	[bflag:$0x3] =	sbarrier.arrive $0xFFFF  }
0x86: {  	_ =	shalt  }

// kernel: kernel.25.cloned.1.call-start
scs
__scs_entry_jumppad:
0x0: {  	(pc) =	sbr.rel $0x88, $3  }
0x1: {  	(tag) =	ssettag $0x0;
	lr =	simm.s32 $0x1  }
0x2: {  	[smem:$0x3F8F] =	sst lr;
	_ =	strace $0xD0000000  }
0x3: {  	_ = 	snop  }
0x4: {  	_ = 	snop  }
0x5: {  	_ = 	snop  }
0x6: {  	_ = 	snop  }
0x7: {  	_ = 	snop  }
__scs_overlays_trampoline_lowered:
0x8: {  	[smem:$0x3F9E] =	sst s0  }
0x9: {  	[smem:$0x3F9F] =	sst s1  }
0xa: {  	[smem:$0x3FA0] =	sst s2  }
0xb: {  	[smem:$0x3FA1] =	sst s3  }
0xc: {  	[smem:$0x3FA2] =	sst s4  }
0xd: {  	[smem:$0x3FA3] =	sst s5  }
0xe: {  	[smem:$0x3FA4] =	sst s6  }
0xf: {  	[smem:$0x3FA5] =	sst s7  }
0x10: {  	[smem:$0x3FA6] =	sst s8  }
0x11: {  	[smem:$0x3FA7] =	sst s9;
	s0 =	simm.s32 @!p0 $0x0  }
0x12: {  	s1 =	sld [smem:$0x3F8D];
	s0 =	simm.s32 @p0 $0x1  }
0x13: {  	[smem:$0x3FA8] =	sst s0;
	s0 =	simm.s32 @!p1 $0x0  }
0x14: {  	s2 =	sld [smem:$0x3F8C];
	s0 =	simm.s32 @p1 $0x1  }
0x15: {  	[smem:$0x3FA9] =	sst s0;
	s0 =	simm.s32 @!p2 $0x0  }
0x16: {  	s3 =	sld [smem:$0x3FDB];
	s0 =	simm.s32 @p2 $0x1  }
0x17: {  	s4 =	simm.s32 $0x1BF5;
	[smem:$0x3FAB] =	sst s0  }
0x18: {  	s0 =	sld [smem:$0x3F8E];
	_ =	swait.ge [sflag:s4], $0x0  }
0x19: {  	s7 =	sld [smem:$0x3F8F]  }
0x1a: {  	s8 =	sadd.s32 $0xFFFFE003, lr  }
0x1b: {  	s9 =	sadd.s32 $0xFFFFFEF7, lr;
	s5 =	simm.s32 $0xFFFFFFFF;
	p2 =	slt.u32 s8, $0xFFFFF086  }
0x1c: {  	p1 =	slt.u32 s9, $0xF7A;
	s5 =	simm.s32 @!p2 $0x0  }
0x1d: {  	s5 =	simm.s32 @p1 $0x1;
	p0 =	seq.s32 s7, s2  }
0x1e: {  	s7 =	smul.u32 @!p0 $0xF7A, s2;
	p2 =	seq.s32 @!p0 s5, $0x0  }
0x1f: {  	s9 =	smul.u32 $0xF7A, s1;
	s8 =	simm.s32 @!p0 $0x1BF5;
	p2 =	por !p2, p0  }
0x20: {  	[sflag:s8] =	ssyncset.s32 @!p0 $0xFFFFF086;
	s6 =	sadd.s32 @!p0 s3, s7;
	s7 =	simm.s32 @!p0 $0x108  }
0x21: {  	s3 =	sadd.s32 s3, s9;
	s6 =	sadd.s32 @!p0 $0x88, s6;
	s7 =	simm.s32 @p2 $0x1082  }
0x22: {  	[simem:s7], [sflag:s8] =	dma.local @!p0 [hbm:s6], $0xF7A  }
0x23: {  	s9 =	sor.u32 $0xD0000000, s2;
	s6 =	simm.s32 $0x108;
	_ =	swait.ge @!p0 [sflag:s8], $0x0  }
0x24: {  	s3 =	sadd.s32 $0x88, s3;
	s6 =	simm.s32 @!p1 $0x1082;
	[sflag:s4] =	ssyncset.s32 $0xFFFFF086  }
0x25: {  	[simem:s6], [sflag:s4] =	dma.local [hbm:s3], $0xF7A  }
0x26: {  	[smem:$0x3F8F] =	sst s1;
	(tag) =	ssettag s2;
	_ =	strace s9  }
0x27: {  	s1 =	sld [smem:$0x3F9F]  }
0x28: {  	s2 =	sld [smem:$0x3FA0]  }
0x29: {  	s4 =	sld [smem:$0x3FA2]  }
0x2a: {  	p0 =	seq.s32 s5, $0x0;
	s5 =	sld [smem:$0x3FA3]  }
0x2b: {  	s6 =	sld [smem:$0x3FA4]  }
0x2c: {  	s7 =	sld [smem:$0x3FA5]  }
0x2d: {  	s3 =	simm.s32 $0x108;
	s8 =	sld [smem:$0x3FA6]  }
0x2e: {  	s3 =	simm.s32 @!p0 $0x1082;
	s9 =	sld [smem:$0x3FA7]  }
0x2f: {  	lr =	sadd.s32 s0, s3;
	s0 =	sld [smem:$0x3F9E]  }
0x30: {  	s3 =	sld [smem:$0x3FA1]  }
0x31: {  	[smem:$0x3FAA] =	sst s10  }
0x32: {  	s10 =	sld [smem:$0x3FA8];
	_ =	sdelay $0x3  }
0x33: {  	p0 =	seq.s32 s10, $0x1;
	s10 =	sld [smem:$0x3FAA];
	_ =	sdelay $0x3  }
0x34: {  	[smem:$0x3FAA] =	sst s10  }
0x35: {  	s10 =	sld [smem:$0x3FA9];
	_ =	sdelay $0x3  }
0x36: {  	p1 =	seq.s32 s10, $0x1;
	s10 =	sld [smem:$0x3FAA];
	_ =	sdelay $0x3  }
0x37: {  	[smem:$0x3FAA] =	sst s10  }
0x38: {  	s10 =	sld [smem:$0x3FAB]  }
0x39: {  	_ = 	snop;
	(pc) =	sbr.ind lr, $3  }
0x3a: {  	_ = 	snop  }
0x3b: {  	_ = 	snop  }
0x3c: {  	p2 =	seq.s32 s10, $0x1;
	s10 =	sld [smem:$0x3FAA]  }
0x3d: {  	_ =	shalt  }
0x3e: {  	_ =	shalt  }
0x3f: {  	_ =	shalt  }
0x40: {  	_ =	shalt  }
0x41: {  	_ =	shalt  }
0x42: {  	_ =	shalt  }
0x43: {  	_ =	shalt  }
0x44: {  	_ =	shalt  }
0x45: {  	_ =	shalt  }
0x46: {  	_ =	shalt  }
0x47: {  	_ =	shalt  }
0x48: {  	_ =	shalt  }
0x49: {  	_ =	shalt  }
0x4a: {  	_ =	shalt  }
0x4b: {  	_ =	shalt  }
0x4c: {  	_ =	shalt  }
0x4d: {  	_ =	shalt  }
0x4e: {  	_ =	shalt  }
0x4f: {  	_ =	shalt  }
0x50: {  	_ =	shalt  }
0x51: {  	_ =	shalt  }
0x52: {  	_ =	shalt  }
0x53: {  	_ =	shalt  }
0x54: {  	_ =	shalt  }
0x55: {  	_ =	shalt  }
0x56: {  	_ =	shalt  }
0x57: {  	_ =	shalt  }
0x58: {  	_ =	shalt  }
0x59: {  	_ =	shalt  }
0x5a: {  	_ =	shalt  }
0x5b: {  	_ =	shalt  }
0x5c: {  	_ =	shalt  }
0x5d: {  	_ =	shalt  }
0x5e: {  	_ =	shalt  }
0x5f: {  	_ =	shalt  }
0x60: {  	_ =	shalt  }
0x61: {  	_ =	shalt  }
0x62: {  	_ =	shalt  }
0x63: {  	_ =	shalt  }
0x64: {  	_ =	shalt  }
0x65: {  	_ =	shalt  }
0x66: {  	_ =	shalt  }
0x67: {  	_ =	shalt  }
0x68: {  	_ =	shalt  }
0x69: {  	_ =	shalt  }
0x6a: {  	_ =	shalt  }
0x6b: {  	_ =	shalt  }
0x6c: {  	_ =	shalt  }
0x6d: {  	_ =	shalt  }
0x6e: {  	_ =	shalt  }
0x6f: {  	_ =	shalt  }
0x70: {  	_ =	shalt  }
0x71: {  	_ =	shalt  }
0x72: {  	_ =	shalt  }
0x73: {  	_ =	shalt  }
0x74: {  	_ =	shalt  }
0x75: {  	_ =	shalt  }
0x76: {  	_ =	shalt  }
0x77: {  	_ =	shalt  }
0x78: {  	_ =	shalt  }
0x79: {  	_ =	shalt  }
0x7a: {  	_ =	shalt  }
0x7b: {  	_ =	shalt  }
0x7c: {  	_ =	shalt  }
0x7d: {  	_ =	shalt  }
0x7e: {  	_ =	shalt  }
0x7f: {  	_ =	shalt  }
0x80: {  	_ =	shalt  }
0x81: {  	_ =	shalt  }
0x82: {  	_ =	shalt  }
0x83: {  	_ =	shalt  }
0x84: {  	_ =	shalt  }
0x85: {  	_ =	shalt  }
0x86: {  	_ =	shalt  }
0x87: {  	_ =	shalt  }
.Lfunc_end0:
.L_simem_size_0:
called_computation.2_lowered:
.L_overlay_start_0:
0x88: {  	s2 =	sld [smem:$0x3FD9]  }
0x89: {  	s3 =	sld [smem:$0x3FFE];
	_ =	sdelay $0x1  }
0x8a: {  	s1 =	srdreg.scid  }
0x8b: {  	s0 =	sand.u32 $0x1, s1  }
0x8c: {  	s16 =	sshll.u32 s0, $0xA;
	s2 =	sadd.s32 s3, s2  }
0x8d: {  	s2 =	sadd.s32 s2, s16  }
0x8e: {  	[smem:$0x3FB6] =	sst s2  }
0x8f: {  	_ = 	snop  }
0x90: {  	(tm) =	ssettm $0x1  }
0x91: {  	s17 =	sld [smem:$0x3FFB];
	_ =	sdelay $0x3  }
0x92: {  	_ =	strace s17  }
0x93: {  	s2 =	sld [smem:$0x3FFC];
	_ =	sdelay $0x3  }
0x94: {  	_ =	strace s2  }
0x95: {  	s2 =	sld [smem:$0x3FFD];
	_ =	sdelay $0x3  }
0x96: {  	_ =	strace s2  }
0x97: {  	_ =	strace $0x8FFFFFFF  }
0x98: {  	s18 =	sld [smem:$0x3FDB];
	_ =	sdelay $0x1  }
0x99: {  	s19 =	simm.s32 $_scs_section_size  }
0x9a: {  	s4 =	simm.s32 $_size__tile_overlayer_lowered;
	s5 =	simm.s32 $_tile_overlayer_lowered  }
0x9b: {  	s22 =	simm.s32 $0x1BFF;
	s21 =	sshll.u32 s5, $0x1;
	s2 =	sadd.s32 s19, s18  }
0x9c: {  	s6 =	simm.s32 $0x0;
	s20 =	sshll.u32 s4, $0x1;
	s4 =	sadd.s32 s21, s2  }
0x9d: {  	[timem:s6], [sflag:s22] =	dma.local [hbm:s4], s20  }
0x9e: {  	_ =	swait.ge [sflag:s22], s20  }
0x9f: {  	s3 =	ssub.s32 $0x0, s20;
	[sflag:s22] =	ssyncset.done $0x0  }
0xa0: {  	[sflag:s22] =	ssyncadd.s32 s3;
	_ =	sdelay $0x1  }
0xa1: {  	s23 =	simm.s32 $0x1B8B  }
0xa2: {  	_ =	swait.ge [sflag:s23], $0x1  }
0xa3: {  	[sflag:s23] =	ssyncset.done $0x0  }
0xa4: {  	s25 =	simm.s32 $0x1B8E;
	s24 =	sld [smem:$0x3FFE];
	[sflag:s23] =	ssyncadd.s32 $0xFFFFFFFF  }
0xa5: {  	s26 =	simm.s32 $execute0_lowered;
	[smem:$0x3FD2] =	sst s25  }
0xa6: {  	s4 =	sshll.u32 s26, $0x1;
	_ =	strace $0x8000004C;
	[dreg:$0x1] =	wrdreg $0xFFFFFFFF  }
0xa7: {  	s28 =	simm.s32 $_size_execute0_lowered;
	s2 =	sadd.s32 s2, s4;
	[dreg:$0x0] =	wrdreg $0x0  }
0xa8: {  	s4 =	sshll.u32 s28, $0x1;
	[dreg:$0x2] =	wrdreg s2  }
0xa9: {  	[dreg:$0x3] =	wrdreg s4  }
0xaa: {  	[dreg:$0x4] =	wrdreg $0xC0  }
0xab: {  	_ =	task [dreg:s6], $0x5FFFF  }
0xac: {  	[dreg:$0x1] =	wrdreg $0xFFFFFFFF  }
0xad: {  	[dreg:$0x0] =	wrdreg $0x60  }
0xae: {  	[dreg:$0x2] =	wrdreg s24  }
0xaf: {  	[dreg:$0x3] =	wrdreg $0x9  }
0xb0: {  	_ =	task.clear_ibuf [dreg:s6], $0x4FFFF;
	_ =	strace $0x9000004C  }
0xb1: {  	s29 =	simm.s32 $0x9;
	_ =	strace $0x8000004E  }
0xb2: {  	_ =	swait.ge [sflag:s29], $0x1  }
0xb3: {  	[sflag:s29] =	ssyncadd.s32 $0xFFFFFFFF  }
0xb4: {  	_ =	strace $0x9000004E  }
0xb5: {  	_ =	sfence  }
0xb6: {  	s30 =	sld [smem:$0x0];
	_ =	sdelay $0x2  }
0xb7: {  	s31 =	sshll.u32 s1, $0xD;
	s1 =	sshrl.u32 s1, $0x2  }
0xb8: {  	s3 =	sand.u32 $0x4000, s31;
	s1 =	sadd.s32 s1, s30  }
0xb9: {  	s0 =	sor.u32 s3, s0;
	s1 =	sshll.u32 s1, $0x11  }
0xba: {  	s0 =	sor.u32 s1, s0  }
0xbb: {  	s0 =	sadd.s32 $0x8F2B, s0  }
0xbc: {  	[sflag:s0] =	ssyncadd.remote.s32 $0x1  }
0xbd: {  	_ =	sfence.sel $0xFFFF  }
0xbe: {  	[dreg:$0x0] =	wrdreg $0xFFFFFFFF;
	(pc) =	sbr.abs _section_cstart, $3  }
0xbf: {  	[dreg:$0x1] =	wrdreg $0xFFFFFFFF  }
0xc0: {  	_ =	task.clear_ibuf [dreg:s6], $0x2FFFF;
	_ =	strace $0x9FFFFFFF  }
0xc1: {  	(tm) =	ssettm $0x7FFFFFFF  }
tec
execute0_lowered:
.L_overlay_start_1:
0x0: {  	(tag) =	ssettag $0x1  }
0x1: {  	s5 =	rddreg [dreg:$0x0]  }
0x2: {  	s0 =	rddreg [dreg:$0x1];
	s1 =	simm.s32 $0x0  }
0x3: {  	s2 =	srdreg.scid;
	s15 =	simm.s32 $0x8000;
	s16 =	simm.s32 $0xA800  }
0x4: {  	s17 =	simm.s32 $0xD000;
	s18 =	simm.s32 $0xF800;
	s19 =	simm.s32 $0x1  }
0x5: {  	s20 =	simm.s32 $0x2;
	s21 =	simm.s32 $0x3;
	s22 =	simm.s32 $0x4  }
0x6: {  	s23 =	simm.s32 $0x0;
	[smem:$0x7FF] =	sst s1;
	s6 =	sand.u32 $0x1, s2  }
0x7: {  	s2 =	stileid.u32;
	s3 =	sadd.s32 $0x2E400, s5;
	s4 =	sadd.s32 $0xA69600, s5  }
0x8: {  	s10 =	sadd.s32 $0x7C800, s5;
	s12 =	sadd.s32 $0x55E800, s5;
	s7 =	sshll.u32 s6, $0x4  }
0x9: {  	s9 =	ssub.s32 $0x2, s6;
	s13 =	smul.u32 $0x271000, s6;
	s7 =	sor.u32 s2, s7  }
0xa: {  	s11 =	sshrl.u32 s9, $0x1;
	s8 =	sshll.u32 s7, $0xB;
	s7 =	smul.u32 $0x138800, s7  }
0xb: {  	_ =	strace $0x8000004D;
	s14 =	smul.u32 $0x27100, s2;
	s9 =	ssub.s32 s9, s11  }
0xc: {  	s31 =	sadd.s32 s13, s12;
	s8 =	sadd.s32 s8, s5;
	s7 =	sshrl.u32 s7, $0x3  }
0xd: {  	s9 =	smax.u32 s9, $0x1;
	s11 =	sadd.s32 s14, s31;
	s30 =	sadd.s32 $0x26C00, s7  }
0xe: {  	s5 =	sadd.s32 $0x9C00, s8;
	s6 =	sadd.s32 $0x19C00, s8;
	s7 =	sadd.s32 s10, s30  }
0xf: {  	s8 =	sadd.s32 s12, s30;
	s10 =	sadd.s32 s13, s10;
	s12 =	simm.s32 $0x5  }
0x10: {  	s13 =	simm.s32 $0x4000;
	s10 =	sadd.s32 s14, s10;
	s14 =	simm.s32 $0x50  }
.LBB2_1:
0x11: {  	[tilespmem:s1], [sflag:$0x5] =	stream.linear.gather [hbm4b:s5+s1], $0x3E80, $0x38;
	[tilespmem:$0x12000] =	vst v63  }
0x12: {  	_ =	swait.ge [sflag:s12], $0x3E80  }
0x13: {  	[sflag:s12] =	ssyncset.done $0x0  }
0x14: {  	[sflag:s12] =	ssyncadd.s32 $0xFFFFC180  }
0x15: {  	[tilespmem:s13], [sflag:$0x5] =	stream.linear.gather [hbm4b:s6+s1], $0x3E80, $0x38;
	[tilespmem:$0x12000] =	vst v63  }
0x16: {  	_ =	swait.ge [sflag:s12], $0x3E80  }
0x17: {  	[sflag:s12] =	ssyncset.done $0x0  }
0x18: {  	[sflag:s12] =	ssyncadd.s32 $0xFFFFC180  }
0x19: {  	[tilespmem:s15], [sflag:$0x1] =	stream.indirect.gather [hbm4b:s3+s14], $0x80, s1, s14, $0xb8;
	[tilespmem:$0x12000] =	vst v63  }
0x1a: {  	_ = 	snop  }
0x1b: {  	[tilespmem:s16], [sflag:$0x2] =	stream.indirect.gather [hbm4b:s4+s14], $0x80, s13, s14, $0xb8;
	[tilespmem:$0x12000] =	vst v63  }
0x1c: {  	s24 =	simm.s32 $0x80  }
0x1d: {  	[tilespmem:s17], [sflag:$0x3] =	stream.indirect.gather [hbm4b:s3+s14], $0x80, s24, s14, $0xb8;
	[tilespmem:$0x12000] =	vst v63  }
0x1e: {  	s25 =	simm.s32 $0x4080  }
0x1f: {  	[tilespmem:s18], [sflag:$0x4] =	stream.indirect.gather [hbm4b:s4+s14], $0x80, s25, s14, $0xb8;
	[tilespmem:$0x12000] =	vst v63  }
0x20: {  	_ =	swait.ge [sflag:s19], $0x2800  }
0x21: {  	[sflag:s19] =	ssyncset.done $0x0  }
0x22: {  	[sflag:s19] =	ssyncadd.s32 $0xFFFFD800  }
0x23: {  	[hbm4b:s10+s1] =	stream.linear.scatter [tilespmem:s15], [sflag:$0x5], $0x2800, $0x38;
	[tilespmem:$0x12000] =	vst v63  }
0x24: {  	_ =	swait.ge [sflag:s12], $0x2800  }
0x25: {  	[sflag:s12] =	ssyncset.done $0x0  }
0x26: {  	[sflag:s12] =	ssyncadd.s32 $0xFFFFD800  }
0x27: {  	_ =	swait.ge [sflag:s20], $0x2800  }
0x28: {  	[sflag:s20] =	ssyncset.done $0x0  }
0x29: {  	[sflag:s20] =	ssyncadd.s32 $0xFFFFD800  }
0x2a: {  	[hbm4b:s11+s1] =	stream.linear.scatter [tilespmem:s16], [sflag:$0x5], $0x2800, $0x38;
	[tilespmem:$0x12000] =	vst v63  }
0x2b: {  	_ =	swait.ge [sflag:s12], $0x2800  }
0x2c: {  	[sflag:s12] =	ssyncset.done $0x0  }
0x2d: {  	s26 =	simm.s32 $0x100;
	[sflag:s12] =	ssyncadd.s32 $0xFFFFD800  }
0x2e: {  	[tilespmem:s15], [sflag:$0x1] =	stream.indirect.gather [hbm4b:s3+s14], $0x80, s26, s14, $0xb8;
	[tilespmem:$0x12000] =	vst v63  }
0x2f: {  	s28 =	simm.s32 $0x4100  }
0x30: {  	[tilespmem:s16], [sflag:$0x2] =	stream.indirect.gather [hbm4b:s4+s14], $0x80, s28, s14, $0xb8;
	[tilespmem:$0x12000] =	vst v63  }
0x31: {  	_ =	swait.ge [sflag:s21], $0x2800  }
0x32: {  	[sflag:s21] =	ssyncset.done $0x0  }
0x33: {  	s29 =	sadd.s32 $0x500, s10;
	[sflag:s21] =	ssyncadd.s32 $0xFFFFD800  }
0x34: {  	[hbm4b:s29+s1] =	stream.linear.scatter [tilespmem:s17], [sflag:$0x5], $0x2800, $0x38;
	[tilespmem:$0x12000] =	vst v63  }
0x35: {  	_ =	swait.ge [sflag:s12], $0x2800  }
0x36: {  	[sflag:s12] =	ssyncset.done $0x0  }
0x37: {  	[sflag:s12] =	ssyncadd.s32 $0xFFFFD800  }
0x38: {  	_ =	swait.ge [sflag:s22], $0x2800  }
0x39: {  	[sflag:s22] =	ssyncset.done $0x0  }
0x3a: {  	s31 =	sadd.s32 $0x500, s11;
	[sflag:s22] =	ssyncadd.s32 $0xFFFFD800  }
0x3b: {  	[hbm4b:s31+s1] =	stream.linear.scatter [tilespmem:s18], [sflag:$0x5], $0x2800, $0x38;
	[tilespmem:$0x12000] =	vst v63  }
0x3c: {  	s30 =	simm.s32 $0x800;
	s24 =	sadd.s32 $0xA00, s11;
	_ =	swait.ge [sflag:s12], $0x2800  }
0x3d: {  	s25 =	sadd.s32 $0xA00, s10;
	s26 =	simm.s32 $0x100;
	[sflag:s12] =	ssyncset.done $0x0  }
.LBB2_2:
0x3e: {  	s31 =	sadd.s32 $0x80, s26  }
0x3f: {  	[sflag:s12] =	ssyncadd.s32 $0xFFFFD800;
	s29 =	smov.u32 s30;
	s28 =	sadd.s32 $0x400, s30  }
0x40: {  	[tilespmem:s17], [sflag:$0x3] =	stream.indirect.gather [hbm4b:s3+s14], $0x80, s31, s14, $0xb8;
	[tilespmem:$0x12000] =	vst v63  }
0x41: {  	p0 =	sne.s32 s30, $0xF400;
	s30 =	sadd.s32 $0x4080, s26  }
0x42: {  	[tilespmem:s18], [sflag:$0x4] =	stream.indirect.gather [hbm4b:s4+s14], $0x80, s30, s14, $0xb8;
	[tilespmem:$0x12000] =	vst v63  }
0x43: {  	_ =	swait.ge [sflag:s19], $0x2800  }
0x44: {  	[sflag:s19] =	ssyncset.done $0x0  }
0x45: {  	[sflag:s19] =	ssyncadd.s32 $0xFFFFD800  }
0x46: {  	[hbm4b:s25+s1] =	stream.linear.scatter [tilespmem:s15], [sflag:$0x5], $0x2800, $0x38;
	[tilespmem:$0x12000] =	vst v63  }
0x47: {  	_ =	swait.ge [sflag:s12], $0x2800  }
0x48: {  	[sflag:s12] =	ssyncset.done $0x0  }
0x49: {  	[sflag:s12] =	ssyncadd.s32 $0xFFFFD800  }
0x4a: {  	_ =	swait.ge [sflag:s20], $0x2800  }
0x4b: {  	[sflag:s20] =	ssyncset.done $0x0  }
0x4c: {  	[sflag:s20] =	ssyncadd.s32 $0xFFFFD800  }
0x4d: {  	[hbm4b:s24+s1] =	stream.linear.scatter [tilespmem:s16], [sflag:$0x5], $0x2800, $0x38;
	[tilespmem:$0x12000] =	vst v63  }
0x4e: {  	_ =	swait.ge [sflag:s12], $0x2800  }
0x4f: {  	[sflag:s12] =	ssyncset.done $0x0  }
0x50: {  	s30 =	sadd.s32 $0x100, s26;
	[sflag:s12] =	ssyncadd.s32 $0xFFFFD800  }
0x51: {  	[tilespmem:s15], [sflag:$0x1] =	stream.indirect.gather [hbm4b:s3+s14], $0x80, s30, s14, $0xb8;
	[tilespmem:$0x12000] =	vst v63  }
0x52: {  	s26 =	sadd.s32 $0x4100, s26  }
0x53: {  	[tilespmem:s16], [sflag:$0x2] =	stream.indirect.gather [hbm4b:s4+s14], $0x80, s26, s14, $0xb8;
	[tilespmem:$0x12000] =	vst v63  }
0x54: {  	_ =	swait.ge [sflag:s21], $0x2800  }
0x55: {  	[sflag:s21] =	ssyncset.done $0x0  }
0x56: {  	s26 =	sadd.s32 $0x500, s25;
	[sflag:s21] =	ssyncadd.s32 $0xFFFFD800  }
0x57: {  	[hbm4b:s26+s1] =	stream.linear.scatter [tilespmem:s17], [sflag:$0x5], $0x2800, $0x38;
	[tilespmem:$0x12000] =	vst v63  }
0x58: {  	_ =	swait.ge [sflag:s12], $0x2800  }
0x59: {  	[sflag:s12] =	ssyncset.done $0x0  }
0x5a: {  	[sflag:s12] =	ssyncadd.s32 $0xFFFFD800  }
0x5b: {  	_ =	swait.ge [sflag:s22], $0x2800  }
.Ltmp0:
0x5c: {  	[sflag:s22] =	ssyncset.done $0x0;
	(pc) =	sbr.rel @p0 .LBB2_2-.Ltmp0, $4  }
0x5d: {  	s26 =	sadd.s32 $0x500, s24;
	[sflag:s22] =	ssyncadd.s32 $0xFFFFD800  }
0x5e: {  	[hbm4b:s26+s1] =	stream.linear.scatter [tilespmem:s18], [sflag:$0x5], $0x2800, $0x38;
	[tilespmem:$0x12000] =	vst v63  }
0x5f: {  	s30 =	smov.u32 s28;
	s24 =	sadd.s32 $0xA00, s24;
	_ =	swait.ge [sflag:s12], $0x2800  }
0x60: {  	s25 =	sadd.s32 $0xA00, s25;
	s26 =	sshra.s32 s29, $0x2;
	[sflag:s12] =	ssyncset.done $0x0  }
0x61: {  	s28 =	sadd.s32 $0x80, s26;
	[sflag:s12] =	ssyncadd.s32 $0xFFFFD800  }
0x62: {  	[tilespmem:s17], [sflag:$0x3] =	stream.indirect.gather [hbm4b:s3+s14], $0x80, s28, s14, $0xb8;
	[tilespmem:$0x12000] =	vst v63  }
0x63: {  	s30 =	sadd.s32 $0x4080, s26  }
0x64: {  	[tilespmem:s18], [sflag:$0x4] =	stream.indirect.gather [hbm4b:s4+s14], $0x80, s30, s14, $0xb8;
	[tilespmem:$0x12000] =	vst v63  }
0x65: {  	_ =	swait.ge [sflag:s19], $0x2800  }
0x66: {  	[sflag:s19] =	ssyncset.done $0x0  }
0x67: {  	[sflag:s19] =	ssyncadd.s32 $0xFFFFD800  }
0x68: {  	[hbm4b:s25+s1] =	stream.linear.scatter [tilespmem:s15], [sflag:$0x5], $0x2800, $0x38;
	[tilespmem:$0x12000] =	vst v63  }
0x69: {  	_ =	swait.ge [sflag:s12], $0x2800  }
0x6a: {  	[sflag:s12] =	ssyncset.done $0x0  }
0x6b: {  	[sflag:s12] =	ssyncadd.s32 $0xFFFFD800  }
0x6c: {  	_ =	swait.ge [sflag:s20], $0x2800  }
0x6d: {  	[sflag:s20] =	ssyncset.done $0x0  }
0x6e: {  	[sflag:s20] =	ssyncadd.s32 $0xFFFFD800  }
0x6f: {  	[hbm4b:s24+s1] =	stream.linear.scatter [tilespmem:s16], [sflag:$0x5], $0x2800, $0x38;
	[tilespmem:$0x12000] =	vst v63  }
0x70: {  	_ =	swait.ge [sflag:s12], $0x2800  }
0x71: {  	[sflag:s12] =	ssyncset.done $0x0  }
0x72: {  	s31 =	sadd.s32 $0x100, s26;
	[sflag:s12] =	ssyncadd.s32 $0xFFFFD800  }
0x73: {  	[tilespmem:s15], [sflag:$0x1] =	stream.indirect.gather [hbm4b:s3+s14], $0x80, s31, s14, $0xb8;
	[tilespmem:$0x12000] =	vst v63  }
0x74: {  	s29 =	sadd.s32 $0x4100, s26  }
0x75: {  	[tilespmem:s16], [sflag:$0x2] =	stream.indirect.gather [hbm4b:s4+s14], $0x80, s29, s14, $0xb8;
	[tilespmem:$0x12000] =	vst v63  }
0x76: {  	_ =	swait.ge [sflag:s21], $0x2800  }
0x77: {  	[sflag:s21] =	ssyncset.done $0x0  }
0x78: {  	s30 =	sadd.s32 $0x500, s25;
	[sflag:s21] =	ssyncadd.s32 $0xFFFFD800  }
0x79: {  	[hbm4b:s30+s1] =	stream.linear.scatter [tilespmem:s17], [sflag:$0x5], $0x2800, $0x38;
	[tilespmem:$0x12000] =	vst v63  }
0x7a: {  	_ =	swait.ge [sflag:s12], $0x2800  }
0x7b: {  	[sflag:s12] =	ssyncset.done $0x0  }
0x7c: {  	[sflag:s12] =	ssyncadd.s32 $0xFFFFD800  }
0x7d: {  	_ =	swait.ge [sflag:s22], $0x2800  }
0x7e: {  	[sflag:s22] =	ssyncset.done $0x0  }
0x7f: {  	s31 =	sadd.s32 $0x500, s24;
	[sflag:s22] =	ssyncadd.s32 $0xFFFFD800  }
0x80: {  	[hbm4b:s31+s1] =	stream.linear.scatter [tilespmem:s18], [sflag:$0x5], $0x2800, $0x38;
	[tilespmem:$0x12000] =	vst v63  }
0x81: {  	_ =	swait.ge [sflag:s12], $0x2800  }
0x82: {  	[sflag:s12] =	ssyncset.done $0x0  }
0x83: {  	[sflag:s12] =	ssyncadd.s32 $0xFFFFD800  }
0x84: {  	_ =	swait.ge [sflag:s19], $0x2800  }
0x85: {  	[sflag:s19] =	ssyncset.done $0x0  }
0x86: {  	[sflag:s19] =	ssyncadd.s32 $0xFFFFD800  }
0x87: {  	[hbm4b:s7+s1] =	stream.linear.scatter [tilespmem:s15], [sflag:$0x5], $0x2800, $0x38;
	[tilespmem:$0x12000] =	vst v63  }
0x88: {  	_ =	swait.ge [sflag:s12], $0x2800  }
0x89: {  	[sflag:s12] =	ssyncset.done $0x0  }
0x8a: {  	[sflag:s12] =	ssyncadd.s32 $0xFFFFD800  }
0x8b: {  	s23 =	sadd.s32 $0x1, s23;
	_ =	swait.ge [sflag:s20], $0x2800  }
0x8c: {  	p0 =	sne.s32 s23, s9;
	[sflag:s20] =	ssyncset.done $0x0  }
.Ltmp1:
0x8d: {  	[sflag:s20] =	ssyncadd.s32 $0xFFFFD800;
	(pc) =	sbr.rel @p0 .LBB2_1-.Ltmp1, $4  }
0x8e: {  	[hbm4b:s8+s1] =	stream.linear.scatter [tilespmem:s16], [sflag:$0x5], $0x2800, $0x38;
	[tilespmem:$0x12000] =	vst v63  }
0x8f: {  	_ =	swait.ge [sflag:s12], $0x2800  }
0x90: {  	[sflag:s12] =	ssyncset.done $0x0  }
0x91: {  	[sflag:s12] =	ssyncadd.s32 $0xFFFFD800  }
0x92: {  	_ =	sfence.sel $0x180000  }
0x93: {  	[bflag:$0x0] =	sbarrier.arrive $0xFFFF  }
0x94: {  	p0 =	sne.s32 s2, $0x0;
	_ =	strace $0x9000004D  }
0x95: {  	s0 =	sadd.s32 @!p0 $0x100000, s0;
	[bflag:$0x2] =	sbarrier.arrive $0xFFFF  }
0x96: {  	[sflag:s0] =	ssyncadd.tile.s32 @!p0 $0x1;
	_ =	shalt  }
.Lfunc_end2:
_tile_overlayer_lowered:
.L_overlay_start_2:
0x97: {  	(tag) =	ssettag $0x2  }
0x98: {  	s0 =	rddreg [dreg:$0x0];
	s2 =	stileid.u32  }
0x99: {  	s1 =	rddreg [dreg:$0x1];
	p0 =	sne.s32 s2, $0x0  }
0x9a: {  	s3 =	rddreg [dreg:$0x2];
	[bflag:$0x3] =	sbarrier.arrive $0xFFFF;
	s2 =	simm.s32 @!p0 $0x1C05  }
0x9b: {  	[timem:s3], [sflag:s2] =	dma.local @!p0 [hbm:s0], s1  }
0x9c: {  	s0 =	simm.s32 @!p0 $0x5  }
0x9d: {  	_ =	swait.ge @!p0 [sflag:s0], s1  }
0x9e: {  	s1 =	ssub.s32 @!p0 $0x0, s1;
	[sflag:s0] =	ssyncset.done @!p0 $0x0  }
0x9f: {  	[sflag:s0] =	ssyncadd.s32 @!p0 s1  }
0xa0: {  	[bflag:$0x3] =	sbarrier.arrive $0xFFFF  }
0xa1: {  	_ =	shalt  }

// kernel: kernel.28.cloned.1.call-start
scs
__scs_entry_jumppad:
0x0: {  	(pc) =	sbr.rel $0x88, $3  }
0x1: {  	(tag) =	ssettag $0x0;
	lr =	simm.s32 $0x1  }
0x2: {  	[smem:$0x3F8F] =	sst lr;
	_ =	strace $0xD0000000  }
0x3: {  	_ = 	snop  }
0x4: {  	_ = 	snop  }
0x5: {  	_ = 	snop  }
0x6: {  	_ = 	snop  }
0x7: {  	_ = 	snop  }
__scs_overlays_trampoline_lowered:
0x8: {  	[smem:$0x3F9E] =	sst s0  }
0x9: {  	[smem:$0x3F9F] =	sst s1  }
0xa: {  	[smem:$0x3FA0] =	sst s2  }
0xb: {  	[smem:$0x3FA1] =	sst s3  }
0xc: {  	[smem:$0x3FA2] =	sst s4  }
0xd: {  	[smem:$0x3FA3] =	sst s5  }
0xe: {  	[smem:$0x3FA4] =	sst s6  }
0xf: {  	[smem:$0x3FA5] =	sst s7  }
0x10: {  	[smem:$0x3FA6] =	sst s8  }
0x11: {  	[smem:$0x3FA7] =	sst s9;
	s0 =	simm.s32 @!p0 $0x0  }
0x12: {  	s1 =	sld [smem:$0x3F8D];
	s0 =	simm.s32 @p0 $0x1  }
0x13: {  	[smem:$0x3FA8] =	sst s0;
	s0 =	simm.s32 @!p1 $0x0  }
0x14: {  	s2 =	sld [smem:$0x3F8C];
	s0 =	simm.s32 @p1 $0x1  }
0x15: {  	[smem:$0x3FA9] =	sst s0;
	s0 =	simm.s32 @!p2 $0x0  }
0x16: {  	s3 =	sld [smem:$0x3FDB];
	s0 =	simm.s32 @p2 $0x1  }
0x17: {  	s4 =	simm.s32 $0x1BF5;
	[smem:$0x3FAB] =	sst s0  }
0x18: {  	s0 =	sld [smem:$0x3F8E];
	_ =	swait.ge [sflag:s4], $0x0  }
0x19: {  	s7 =	sld [smem:$0x3F8F]  }
0x1a: {  	s8 =	sadd.s32 $0xFFFFE003, lr  }
0x1b: {  	s9 =	sadd.s32 $0xFFFFFEF7, lr;
	s5 =	simm.s32 $0xFFFFFFFF;
	p2 =	slt.u32 s8, $0xFFFFF086  }
0x1c: {  	p1 =	slt.u32 s9, $0xF7A;
	s5 =	simm.s32 @!p2 $0x0  }
0x1d: {  	s5 =	simm.s32 @p1 $0x1;
	p0 =	seq.s32 s7, s2  }
0x1e: {  	s7 =	smul.u32 @!p0 $0xF7A, s2;
	p2 =	seq.s32 @!p0 s5, $0x0  }
0x1f: {  	s9 =	smul.u32 $0xF7A, s1;
	s8 =	simm.s32 @!p0 $0x1BF5;
	p2 =	por !p2, p0  }
0x20: {  	[sflag:s8] =	ssyncset.s32 @!p0 $0xFFFFF086;
	s6 =	sadd.s32 @!p0 s3, s7;
	s7 =	simm.s32 @!p0 $0x108  }
0x21: {  	s3 =	sadd.s32 s3, s9;
	s6 =	sadd.s32 @!p0 $0x88, s6;
	s7 =	simm.s32 @p2 $0x1082  }
0x22: {  	[simem:s7], [sflag:s8] =	dma.local @!p0 [hbm:s6], $0xF7A  }
0x23: {  	s9 =	sor.u32 $0xD0000000, s2;
	s6 =	simm.s32 $0x108;
	_ =	swait.ge @!p0 [sflag:s8], $0x0  }
0x24: {  	s3 =	sadd.s32 $0x88, s3;
	s6 =	simm.s32 @!p1 $0x1082;
	[sflag:s4] =	ssyncset.s32 $0xFFFFF086  }
0x25: {  	[simem:s6], [sflag:s4] =	dma.local [hbm:s3], $0xF7A  }
0x26: {  	[smem:$0x3F8F] =	sst s1;
	(tag) =	ssettag s2;
	_ =	strace s9  }
0x27: {  	s1 =	sld [smem:$0x3F9F]  }
0x28: {  	s2 =	sld [smem:$0x3FA0]  }
0x29: {  	s4 =	sld [smem:$0x3FA2]  }
0x2a: {  	p0 =	seq.s32 s5, $0x0;
	s5 =	sld [smem:$0x3FA3]  }
0x2b: {  	s6 =	sld [smem:$0x3FA4]  }
0x2c: {  	s7 =	sld [smem:$0x3FA5]  }
0x2d: {  	s3 =	simm.s32 $0x108;
	s8 =	sld [smem:$0x3FA6]  }
0x2e: {  	s3 =	simm.s32 @!p0 $0x1082;
	s9 =	sld [smem:$0x3FA7]  }
0x2f: {  	lr =	sadd.s32 s0, s3;
	s0 =	sld [smem:$0x3F9E]  }
0x30: {  	s3 =	sld [smem:$0x3FA1]  }
0x31: {  	[smem:$0x3FAA] =	sst s10  }
0x32: {  	s10 =	sld [smem:$0x3FA8];
	_ =	sdelay $0x3  }
0x33: {  	p0 =	seq.s32 s10, $0x1;
	s10 =	sld [smem:$0x3FAA];
	_ =	sdelay $0x3  }
0x34: {  	[smem:$0x3FAA] =	sst s10  }
0x35: {  	s10 =	sld [smem:$0x3FA9];
	_ =	sdelay $0x3  }
0x36: {  	p1 =	seq.s32 s10, $0x1;
	s10 =	sld [smem:$0x3FAA];
	_ =	sdelay $0x3  }
0x37: {  	[smem:$0x3FAA] =	sst s10  }
0x38: {  	s10 =	sld [smem:$0x3FAB]  }
0x39: {  	_ = 	snop;
	(pc) =	sbr.ind lr, $3  }
0x3a: {  	_ = 	snop  }
0x3b: {  	_ = 	snop  }
0x3c: {  	p2 =	seq.s32 s10, $0x1;
	s10 =	sld [smem:$0x3FAA]  }
0x3d: {  	_ =	shalt  }
0x3e: {  	_ =	shalt  }
0x3f: {  	_ =	shalt  }
0x40: {  	_ =	shalt  }
0x41: {  	_ =	shalt  }
0x42: {  	_ =	shalt  }
0x43: {  	_ =	shalt  }
0x44: {  	_ =	shalt  }
0x45: {  	_ =	shalt  }
0x46: {  	_ =	shalt  }
0x47: {  	_ =	shalt  }
0x48: {  	_ =	shalt  }
0x49: {  	_ =	shalt  }
0x4a: {  	_ =	shalt  }
0x4b: {  	_ =	shalt  }
0x4c: {  	_ =	shalt  }
0x4d: {  	_ =	shalt  }
0x4e: {  	_ =	shalt  }
0x4f: {  	_ =	shalt  }
0x50: {  	_ =	shalt  }
0x51: {  	_ =	shalt  }
0x52: {  	_ =	shalt  }
0x53: {  	_ =	shalt  }
0x54: {  	_ =	shalt  }
0x55: {  	_ =	shalt  }
0x56: {  	_ =	shalt  }
0x57: {  	_ =	shalt  }
0x58: {  	_ =	shalt  }
0x59: {  	_ =	shalt  }
0x5a: {  	_ =	shalt  }
0x5b: {  	_ =	shalt  }
0x5c: {  	_ =	shalt  }
0x5d: {  	_ =	shalt  }
0x5e: {  	_ =	shalt  }
0x5f: {  	_ =	shalt  }
0x60: {  	_ =	shalt  }
0x61: {  	_ =	shalt  }
0x62: {  	_ =	shalt  }
0x63: {  	_ =	shalt  }
0x64: {  	_ =	shalt  }
0x65: {  	_ =	shalt  }
0x66: {  	_ =	shalt  }
0x67: {  	_ =	shalt  }
0x68: {  	_ =	shalt  }
0x69: {  	_ =	shalt  }
0x6a: {  	_ =	shalt  }
0x6b: {  	_ =	shalt  }
0x6c: {  	_ =	shalt  }
0x6d: {  	_ =	shalt  }
0x6e: {  	_ =	shalt  }
0x6f: {  	_ =	shalt  }
0x70: {  	_ =	shalt  }
0x71: {  	_ =	shalt  }
0x72: {  	_ =	shalt  }
0x73: {  	_ =	shalt  }
0x74: {  	_ =	shalt  }
0x75: {  	_ =	shalt  }
0x76: {  	_ =	shalt  }
0x77: {  	_ =	shalt  }
0x78: {  	_ =	shalt  }
0x79: {  	_ =	shalt  }
0x7a: {  	_ =	shalt  }
0x7b: {  	_ =	shalt  }
0x7c: {  	_ =	shalt  }
0x7d: {  	_ =	shalt  }
0x7e: {  	_ =	shalt  }
0x7f: {  	_ =	shalt  }
0x80: {  	_ =	shalt  }
0x81: {  	_ =	shalt  }
0x82: {  	_ =	shalt  }
0x83: {  	_ =	shalt  }
0x84: {  	_ =	shalt  }
0x85: {  	_ =	shalt  }
0x86: {  	_ =	shalt  }
0x87: {  	_ =	shalt  }
.Lfunc_end0:
.L_simem_size_0:
called_computation.3_lowered:
.L_overlay_start_0:
0x88: {  	s2 =	sld [smem:$0x3FD9]  }
0x89: {  	s3 =	sld [smem:$0x3FFE];
	_ =	sdelay $0x1  }
0x8a: {  	s1 =	srdreg.scid  }
0x8b: {  	s0 =	sand.u32 $0x1, s1  }
0x8c: {  	s16 =	sshll.u32 s0, $0xA;
	s2 =	sadd.s32 s3, s2  }
0x8d: {  	s2 =	sadd.s32 s2, s16  }
0x8e: {  	[smem:$0x3FB6] =	sst s2  }
0x8f: {  	_ = 	snop  }
0x90: {  	(tm) =	ssettm $0x1  }
0x91: {  	s17 =	sld [smem:$0x3FFB];
	_ =	sdelay $0x3  }
0x92: {  	_ =	strace s17  }
0x93: {  	s2 =	sld [smem:$0x3FFC];
	_ =	sdelay $0x3  }
0x94: {  	_ =	strace s2  }
0x95: {  	s2 =	sld [smem:$0x3FFD];
	_ =	sdelay $0x3  }
0x96: {  	_ =	strace s2  }
0x97: {  	_ =	strace $0x8FFFFFFF  }
0x98: {  	s18 =	sld [smem:$0x3FDB];
	_ =	sdelay $0x1  }
0x99: {  	s19 =	simm.s32 $_scs_section_size  }
0x9a: {  	s4 =	simm.s32 $_size__tile_overlayer_lowered;
	s5 =	simm.s32 $_tile_overlayer_lowered  }
0x9b: {  	s22 =	simm.s32 $0x1BFF;
	s21 =	sshll.u32 s5, $0x1;
	s2 =	sadd.s32 s19, s18  }
0x9c: {  	s6 =	simm.s32 $0x0;
	s20 =	sshll.u32 s4, $0x1;
	s4 =	sadd.s32 s21, s2  }
0x9d: {  	[timem:s6], [sflag:s22] =	dma.local [hbm:s4], s20  }
0x9e: {  	_ =	swait.ge [sflag:s22], s20  }
0x9f: {  	s3 =	ssub.s32 $0x0, s20;
	[sflag:s22] =	ssyncset.done $0x0  }
0xa0: {  	[sflag:s22] =	ssyncadd.s32 s3;
	_ =	sdelay $0x1  }
0xa1: {  	s23 =	simm.s32 $0x1B8B  }
0xa2: {  	_ =	swait.ge [sflag:s23], $0x1  }
0xa3: {  	[sflag:s23] =	ssyncset.done $0x0  }
0xa4: {  	s25 =	simm.s32 $0x1B8E;
	s24 =	sld [smem:$0x3FFE];
	[sflag:s23] =	ssyncadd.s32 $0xFFFFFFFF  }
0xa5: {  	s26 =	simm.s32 $execute0_lowered;
	[smem:$0x3FD2] =	sst s25  }
0xa6: {  	s4 =	sshll.u32 s26, $0x1;
	_ =	strace $0x8000004F;
	[dreg:$0x1] =	wrdreg $0xFFFFFFFF  }
0xa7: {  	s28 =	simm.s32 $_size_execute0_lowered;
	s2 =	sadd.s32 s2, s4;
	[dreg:$0x0] =	wrdreg $0x0  }
0xa8: {  	s4 =	sshll.u32 s28, $0x1;
	[dreg:$0x2] =	wrdreg s2  }
0xa9: {  	[dreg:$0x3] =	wrdreg s4  }
0xaa: {  	[dreg:$0x4] =	wrdreg $0xC0  }
0xab: {  	_ =	task [dreg:s6], $0x5FFFF  }
0xac: {  	[dreg:$0x1] =	wrdreg $0xFFFFFFFF  }
0xad: {  	[dreg:$0x0] =	wrdreg $0x60  }
0xae: {  	[dreg:$0x2] =	wrdreg s24  }
0xaf: {  	[dreg:$0x3] =	wrdreg $0xA0000  }
0xb0: {  	[dreg:$0x4] =	wrdreg $0x9  }
0xb1: {  	_ =	task.clear_ibuf [dreg:s6], $0x5FFFF;
	_ =	strace $0x9000004F  }
0xb2: {  	s29 =	simm.s32 $0x9;
	_ =	strace $0x80000051  }
0xb3: {  	_ =	swait.ge [sflag:s29], $0x1  }
0xb4: {  	[sflag:s29] =	ssyncadd.s32 $0xFFFFFFFF  }
0xb5: {  	_ =	strace $0x90000051  }
0xb6: {  	_ =	sfence  }
0xb7: {  	s30 =	sld [smem:$0x0];
	_ =	sdelay $0x2  }
0xb8: {  	s31 =	sshll.u32 s1, $0xD;
	s1 =	sshrl.u32 s1, $0x2  }
0xb9: {  	s3 =	sand.u32 $0x4000, s31;
	s1 =	sadd.s32 s1, s30  }
0xba: {  	s0 =	sor.u32 s3, s0;
	s1 =	sshll.u32 s1, $0x11  }
0xbb: {  	s0 =	sor.u32 s1, s0  }
0xbc: {  	s0 =	sadd.s32 $0x8F2B, s0  }
0xbd: {  	[sflag:s0] =	ssyncadd.remote.s32 $0x1  }
0xbe: {  	_ =	sfence.sel $0xFFFF  }
0xbf: {  	[dreg:$0x0] =	wrdreg $0xFFFFFFFF;
	(pc) =	sbr.abs _section_cstart, $3  }
0xc0: {  	[dreg:$0x1] =	wrdreg $0xFFFFFFFF  }
0xc1: {  	_ =	task.clear_ibuf [dreg:s6], $0x2FFFF;
	_ =	strace $0x9FFFFFFF  }
0xc2: {  	(tm) =	ssettm $0x7FFFFFFF  }
0xc3: {  	_ =	shalt  }
tec
execute0_lowered:
.L_overlay_start_1:
0x0: {  	(tag) =	ssettag $0x1  }
0x1: {  	s4 =	rddreg [dreg:$0x0]  }
0x2: {  	s1 =	rddreg [dreg:$0x1];
	s2 =	srdreg.scid  }
0x3: {  	s0 =	rddreg [dreg:$0x2];
	s3 =	simm.s32 $0x0;
	s15 =	simm.s32 $0x1  }
0x4: {  	s16 =	simm.s32 $0x50;
	s17 =	simm.s32 $0x2;
	s7 =	sand.u32 $0x1, s2  }
0x5: {  	s18 =	simm.s32 $0x3E00;
	s2 =	stileid.u32;
	s10 =	smul.u32 $0x138800, s7  }
0x6: {  	s21 =	simm.s32 $0x0;
	[smem:$0x7FF] =	sst s3;
	s12 =	smul.u32 $0x13800, s2  }
0x7: {  	s8 =	sadd.s32 $0x142BA00, s4;
	s13 =	sadd.s32 $0x2E400, s4;
	s26 =	smul.u32 $0x4E000, s2  }
0x8: {  	s19 =	sadd.s32 $0x124800, s1;
	s5 =	sshll.u32 s7, $0x4;
	s28 =	smul.u32 $0x4E200, s2  }
0x9: {  	_ =	strace $0x80000050;
	s9 =	ssub.s32 $0x2, s7;
	s14 =	smul.u32 $0x271000, s7  }
0xa: {  	s30 =	smul.u32 $0x27100, s2;
	p0 =	seq.s32 s2, $0xF;
	s5 =	sor.u32 s2, s5  }
0xb: {  	s11 =	sshrl.u32 s9, $0x1;
	s19 =	sshrl.u32 @p0 s19, $0x3;
	s6 =	sshll.u32 s5, $0xB  }
0xc: {  	s9 =	ssub.s32 s9, s11;
	s5 =	smul.u32 $0x27100, s5;
	s25 =	sadd.s32 s12, s10  }
0xd: {  	s10 =	sshrl.u32 s10, $0x3;
	s29 =	sshrl.u32 s26, $0x2;
	s31 =	sshrl.u32 s28, $0x2  }
0xe: {  	s12 =	simm.s32 $0x9000;
	s6 =	sadd.s32 s6, s4;
	s10 =	sadd.s32 s13, s10  }
0xf: {  	s20 =	sadd.s32 s29, s1;
	s4 =	sadd.s32 $0x19C00, s6;
	s5 =	sadd.s32 s8, s5  }
0x10: {  	s6 =	sshrl.u32 s25, $0x3;
	s7 =	sadd.s32 $0x24900, s10;
	s8 =	sadd.s32 s14, s8  }
0x11: {  	s14 =	simm.s32 $0x6800;
	s20 =	sshrl.u32 @!p0 s20, $0x3;
	s6 =	sadd.s32 s13, s6  }
0x12: {  	s11 =	sadd.s32 s30, s8;
	s8 =	smax.u32 s9, $0x1;
	s9 =	sadd.s32 s31, s1  }
0x13: {  	v0 =	vimm.f32 $0.0e+00;
	s13 =	simm.s32 $0x4000;
	s10 =	sadd.s32 $0xA00, s11;
	s11 =	simm.s32 $0x3  }
.LBB2_1:
0x14: {  	[tilespmem:s3], [sflag:$0x3] =	stream.linear.gather [hbm4b:s4+s3], $0x3E80, $0x38;
	[tilespmem:$0x1D880] =	vst v63  }
0x15: {  	_ =	swait.ge [sflag:s11], $0x3E80  }
0x16: {  	[sflag:s11] =	ssyncset.done $0x0  }
0x17: {  	s22 =	simm.s32 $0x0;
	s23 =	simm.s32 $0x200;
	[sflag:s11] =	ssyncadd.s32 $0xFFFFC180  }
.LBB2_2:
0x18: {  	p1 =	sne.s32 s23, $0x3000;
	[tilespmem:s22+$0x9070] =	vst v0  }
0x19: {  	[tilespmem:s22+$0x9000] =	vst v0  }
0x1a: {  	[tilespmem:s22+$0x9010] =	vst v0  }
.Ltmp0:
0x1b: {  	[tilespmem:s22+$0x9020] =	vst v0;
	(pc) =	sbr.rel @p1 .LBB2_2-.Ltmp0, $4  }
0x1c: {  	[tilespmem:s22+$0x9030] =	vst v0  }
0x1d: {  	[tilespmem:s22+$0x9040] =	vst v0  }
0x1e: {  	[tilespmem:s22+$0x9050] =	vst v0  }
0x1f: {  	[tilespmem:s22+$0x9060] =	vst v0;
	s22 =	sshra.s32 s23, $0x2;
	s23 =	sadd.s32 $0x200, s23  }
0x20: {  	[tilespmem:s22+$0x9070] =	vst v0  }
0x21: {  	[tilespmem:s22+$0x9000] =	vst v0  }
0x22: {  	[tilespmem:s22+$0x9010] =	vst v0  }
0x23: {  	[tilespmem:s22+$0x9020] =	vst v0  }
0x24: {  	[tilespmem:s22+$0x9030] =	vst v0  }
0x25: {  	[tilespmem:s22+$0x9040] =	vst v0  }
0x26: {  	[tilespmem:s22+$0x9050] =	vst v0  }
0x27: {  	[tilespmem:s22+$0x9060] =	vst v0;
	s31 =	sadd.s32 $0x0, s9  }
0x28: {  	[spmem:s31] =	stream.linear.scatter [tilespmem:s12], [sflag:$0x3], $0xC80, $0x38;
	[tilespmem:$0x1D880] =	vst v63  }
0x29: {  	s22 =	simm.s32 $0x3200;
	_ =	swait.ge [sflag:s11], $0xC80  }
.LBB2_4:
0x2a: {  	s23 =	sshra.s32 s22, $0x2;
	[sflag:s11] =	ssyncset.done $0x0;
	p1 =	sne.s32 s22, $0x4B000  }
.Ltmp1:
0x2b: {  	s23 =	sadd.s32 s23, s9;
	[sflag:s11] =	ssyncadd.s32 $0xFFFFF380;
	(pc) =	sbr.rel @p1 .LBB2_4-.Ltmp1, $3  }
0x2c: {  	[spmem:s23] =	stream.linear.scatter [tilespmem:s12], [sflag:$0x3], $0xC80, $0x38;
	[tilespmem:$0x1D880] =	vst v63  }
0x2d: {  	s22 =	sadd.s32 $0x3200, s22;
	_ =	sdelay $0x1  }
0x2e: {  	_ =	swait.ge [sflag:s11], $0xC80  }
0x2f: {  	[sflag:s11] =	ssyncset.done $0x0  }
0x30: {  	[sflag:s11] =	ssyncadd.s32 $0xFFFFF380  }
0x31: {  	s22 =	simm.s32 $0x0;
	[bflag:$0x0] =	sbarrier.arrive $0xFFFF  }
0x32: {  	[tilespmem:s13], [sflag:$0x1] =	stream.linear.gather [hbm4b:s5+s22], $0x2800, $0x38;
	[tilespmem:$0x1D880] =	vst v63  }
0x33: {  	s29 =	sadd.s32 $0xFFFFFB00, s10  }
0x34: {  	[tilespmem:s14], [sflag:$0x2] =	stream.linear.gather [hbm4b:s29+s3], $0x2800, $0x38;
	[tilespmem:$0x1D880] =	vst v63  }
0x35: {  	_ =	swait.ge [sflag:s15], $0x2800  }
0x36: {  	[sflag:s15] =	ssyncset.done $0x0  }
0x37: {  	s30 =	simm.s32 $0x0;
	[sflag:s15] =	ssyncadd.s32 $0xFFFFD800  }
0x38: {  	[spmem:s1] =	stream.indirect.scatter.add.f32 [tilespmem:s13], [sflag:$0x3], $0x80, s30, s16, $0xb8;
	[tilespmem:$0x1D880] =	vst v63  }
0x39: {  	_ =	swait.ge [sflag:s11], $0x2800  }
0x3a: {  	[sflag:s11] =	ssyncset.done $0x0  }
0x3b: {  	[sflag:s11] =	ssyncadd.s32 $0xFFFFD800  }
0x3c: {  	[tilespmem:s13], [sflag:$0x1] =	stream.linear.gather [hbm4b:s10+s3], $0x2800, $0x38;
	[tilespmem:$0x1D880] =	vst v63  }
0x3d: {  	_ =	swait.ge [sflag:s17], $0x2800  }
0x3e: {  	[sflag:s17] =	ssyncset.done $0x0  }
0x3f: {  	s31 =	simm.s32 $0x80;
	[sflag:s17] =	ssyncadd.s32 $0xFFFFD800  }
0x40: {  	[spmem:s1] =	stream.indirect.scatter.add.f32 [tilespmem:s14], [sflag:$0x3], $0x80, s31, s16, $0xb8;
	[tilespmem:$0x1D880] =	vst v63  }
0x41: {  	s23 =	simm.s32 $0x400;
	_ =	swait.ge [sflag:s11], $0x2800  }
0x42: {  	s24 =	simm.s32 $0x800;
	s22 =	sadd.s32 $0xA00, s10;
	[sflag:s11] =	ssyncset.done $0x0  }
.LBB2_6:
0x43: {  	p1 =	sne.s32 s24, $0xF400;
	s25 =	sadd.s32 $0xFFFFFB00, s22;
	[sflag:s11] =	ssyncadd.s32 $0xFFFFD800  }
0x44: {  	[tilespmem:s14], [sflag:$0x2] =	stream.linear.gather [hbm4b:s25+s3], $0x2800, $0x38;
	[tilespmem:$0x1D880] =	vst v63  }
0x45: {  	s25 =	smov.u32 s24;
	s24 =	sadd.s32 $0x400, s24;
	_ =	swait.ge [sflag:s15], $0x2800  }
0x46: {  	[sflag:s15] =	ssyncset.done $0x0  }
0x47: {  	s26 =	sshra.s32 s23, $0x2;
	s23 =	smov.u32 s25;
	[sflag:s15] =	ssyncadd.s32 $0xFFFFD800  }
0x48: {  	[spmem:s1] =	stream.indirect.scatter.add.f32 [tilespmem:s13], [sflag:$0x3], $0x80, s26, s16, $0xb8;
	[tilespmem:$0x1D880] =	vst v63  }
0x49: {  	_ =	swait.ge [sflag:s11], $0x2800  }
0x4a: {  	[sflag:s11] =	ssyncset.done $0x0  }
0x4b: {  	[sflag:s11] =	ssyncadd.s32 $0xFFFFD800  }
0x4c: {  	[tilespmem:s13], [sflag:$0x1] =	stream.linear.gather [hbm4b:s22+s3], $0x2800, $0x38;
	[tilespmem:$0x1D880] =	vst v63  }
0x4d: {  	_ =	swait.ge [sflag:s17], $0x2800  }
.Ltmp2:
0x4e: {  	[sflag:s17] =	ssyncset.done $0x0;
	(pc) =	sbr.rel @p1 .LBB2_6-.Ltmp2, $4  }
0x4f: {  	s25 =	sadd.s32 $0x80, s26;
	[sflag:s17] =	ssyncadd.s32 $0xFFFFD800  }
0x50: {  	[spmem:s1] =	stream.indirect.scatter.add.f32 [tilespmem:s14], [sflag:$0x3], $0x80, s25, s16, $0xb8;
	[tilespmem:$0x1D880] =	vst v63  }
0x51: {  	_ =	swait.ge [sflag:s11], $0x2800  }
0x52: {  	s22 =	sadd.s32 $0xA00, s22;
	[sflag:s11] =	ssyncset.done $0x0  }
0x53: {  	s24 =	sadd.s32 $0xFFFFFB00, s22;
	[sflag:s11] =	ssyncadd.s32 $0xFFFFD800  }
0x54: {  	[tilespmem:s14], [sflag:$0x2] =	stream.linear.gather [hbm4b:s24+s3], $0x2800, $0x38;
	[tilespmem:$0x1D880] =	vst v63  }
0x55: {  	_ =	swait.ge [sflag:s15], $0x2800  }
0x56: {  	[sflag:s15] =	ssyncset.done $0x0  }
0x57: {  	s23 =	sshra.s32 s23, $0x2;
	[sflag:s15] =	ssyncadd.s32 $0xFFFFD800  }
0x58: {  	[spmem:s1] =	stream.indirect.scatter.add.f32 [tilespmem:s13], [sflag:$0x3], $0x80, s23, s16, $0xb8;
	[tilespmem:$0x1D880] =	vst v63  }
0x59: {  	_ =	swait.ge [sflag:s11], $0x2800  }
0x5a: {  	[sflag:s11] =	ssyncset.done $0x0  }
0x5b: {  	[sflag:s11] =	ssyncadd.s32 $0xFFFFD800  }
0x5c: {  	[tilespmem:s13], [sflag:$0x1] =	stream.linear.gather [hbm4b:s22+s3], $0x2800, $0x38;
	[tilespmem:$0x1D880] =	vst v63  }
0x5d: {  	_ =	swait.ge [sflag:s17], $0x2800  }
0x5e: {  	[sflag:s17] =	ssyncset.done $0x0  }
0x5f: {  	s31 =	sadd.s32 $0x80, s23;
	[sflag:s17] =	ssyncadd.s32 $0xFFFFD800  }
0x60: {  	[spmem:s1] =	stream.indirect.scatter.add.f32 [tilespmem:s14], [sflag:$0x3], $0x80, s31, s16, $0xb8;
	[tilespmem:$0x1D880] =	vst v63  }
0x61: {  	_ =	swait.ge [sflag:s11], $0x2800  }
0x62: {  	[sflag:s11] =	ssyncset.done $0x0  }
0x63: {  	[sflag:s11] =	ssyncadd.s32 $0xFFFFD800  }
0x64: {  	_ =	swait.ge [sflag:s15], $0x2800  }
0x65: {  	[sflag:s15] =	ssyncset.done $0x0  }
0x66: {  	[sflag:s15] =	ssyncadd.s32 $0xFFFFD800  }
0x67: {  	[spmem:s1] =	stream.indirect.scatter.add.f32 [tilespmem:s13], [sflag:$0x3], $0x80, s18, s16, $0xb8;
	[tilespmem:$0x1D880] =	vst v63  }
0x68: {  	_ =	swait.ge [sflag:s11], $0x2800  }
0x69: {  	[sflag:s11] =	ssyncset.done $0x0  }
0x6a: {  	[sflag:s11] =	ssyncadd.s32 $0xFFFFD800  }
0x6b: {  	s22 =	simm.s32 @p0 $0x1FC3;
	[bflag:$0x0] =	sbarrier.arrive $0xFFFF  }
0x6c: {  	[hbm:s7], [sflag:s22] =	dma.local @p0 [spmem:s19], $0x2800  }
0x6d: {  	s22 =	simm.s32 @p0 $0x3  }
0x6e: {  	_ =	swait.ge @p0 [sflag:s22], $0x2800  }
0x6f: {  	s21 =	sadd.s32 $0x1, s21;
	s23 =	sshll.u32 @!p0 s2, $0x6;
	[sflag:s22] =	ssyncset.done @p0 $0x0  }
0x70: {  	p1 =	sne.s32 s21, s8;
	[sflag:s22] =	ssyncadd.s32 @p0 $0xFFFFD800;
	s22 =	sor.u32 @!p0 $0x1C03, s23  }
0x71: {  	[hbm:s6], [sflag:s22] =	dma.local @!p0 [spmem:s20], $0x2700  }
.Ltmp3:
0x72: {  	_ = 	snop;
	(pc) =	sbr.rel @p1 .LBB2_1-.Ltmp3, $4  }
0x73: {  	s22 =	simm.s32 @!p0 $0x3  }
0x74: {  	_ =	swait.ge @!p0 [sflag:s22], $0x2700  }
0x75: {  	[sflag:s22] =	ssyncset.done @!p0 $0x0  }
0x76: {  	[sflag:s22] =	ssyncadd.s32 @!p0 $0xFFFFD900  }
0x77: {  	_ =	sfence.sel $0x180000  }
0x78: {  	[bflag:$0x0] =	sbarrier.arrive $0xFFFF  }
0x79: {  	p0 =	sne.s32 s2, $0x0;
	_ =	strace $0x90000050  }
0x7a: {  	s0 =	sadd.s32 @!p0 $0x100000, s0;
	[bflag:$0x2] =	sbarrier.arrive $0xFFFF  }
0x7b: {  	[sflag:s0] =	ssyncadd.tile.s32 @!p0 $0x1;
	_ =	shalt  }
.Lfunc_end2:
_tile_overlayer_lowered:
.L_overlay_start_2:
0x7c: {  	(tag) =	ssettag $0x2  }
0x7d: {  	s0 =	rddreg [dreg:$0x0];
	s2 =	stileid.u32  }
0x7e: {  	s1 =	rddreg [dreg:$0x1];
	p0 =	sne.s32 s2, $0x0  }
0x7f: {  	s3 =	rddreg [dreg:$0x2];
	[bflag:$0x3] =	sbarrier.arrive $0xFFFF;
	s2 =	simm.s32 @!p0 $0x1C03  }
0x80: {  	[timem:s3], [sflag:s2] =	dma.local @!p0 [hbm:s0], s1  }
0x81: {  	s0 =	simm.s32 @!p0 $0x3  }
0x82: {  	_ =	swait.ge @!p0 [sflag:s0], s1  }
0x83: {  	s1 =	ssub.s32 @!p0 $0x0, s1;
	[sflag:s0] =	ssyncset.done @!p0 $0x0  }
0x84: {  	[sflag:s0] =	ssyncadd.s32 @!p0 s1  }
0x85: {  	[bflag:$0x3] =	sbarrier.arrive $0xFFFF  }
0x86: {  	_ =	shalt  }

// kernel: kernel.31.cloned.1.call-start
scs
__scs_entry_jumppad:
0x0: {  	(pc) =	sbr.rel $0x88, $3  }
0x1: {  	(tag) =	ssettag $0x0;
	lr =	simm.s32 $0x1  }
0x2: {  	[smem:$0x3F8F] =	sst lr;
	_ =	strace $0xD0000000  }
0x3: {  	_ = 	snop  }
0x4: {  	_ = 	snop  }
0x5: {  	_ = 	snop  }
0x6: {  	_ = 	snop  }
0x7: {  	_ = 	snop  }
__scs_overlays_trampoline_lowered:
0x8: {  	[smem:$0x3F9E] =	sst s0  }
0x9: {  	[smem:$0x3F9F] =	sst s1  }
0xa: {  	[smem:$0x3FA0] =	sst s2  }
0xb: {  	[smem:$0x3FA1] =	sst s3  }
0xc: {  	[smem:$0x3FA2] =	sst s4  }
0xd: {  	[smem:$0x3FA3] =	sst s5  }
0xe: {  	[smem:$0x3FA4] =	sst s6  }
0xf: {  	[smem:$0x3FA5] =	sst s7  }
0x10: {  	[smem:$0x3FA6] =	sst s8  }
0x11: {  	[smem:$0x3FA7] =	sst s9;
	s0 =	simm.s32 @!p0 $0x0  }
0x12: {  	s1 =	sld [smem:$0x3F8D];
	s0 =	simm.s32 @p0 $0x1  }
0x13: {  	[smem:$0x3FA8] =	sst s0;
	s0 =	simm.s32 @!p1 $0x0  }
0x14: {  	s2 =	sld [smem:$0x3F8C];
	s0 =	simm.s32 @p1 $0x1  }
0x15: {  	[smem:$0x3FA9] =	sst s0;
	s0 =	simm.s32 @!p2 $0x0  }
0x16: {  	s3 =	sld [smem:$0x3FDB];
	s0 =	simm.s32 @p2 $0x1  }
0x17: {  	s4 =	simm.s32 $0x1BF5;
	[smem:$0x3FAB] =	sst s0  }
0x18: {  	s0 =	sld [smem:$0x3F8E];
	_ =	swait.ge [sflag:s4], $0x0  }
0x19: {  	s7 =	sld [smem:$0x3F8F]  }
0x1a: {  	s8 =	sadd.s32 $0xFFFFE003, lr  }
0x1b: {  	s9 =	sadd.s32 $0xFFFFFEF7, lr;
	s5 =	simm.s32 $0xFFFFFFFF;
	p2 =	slt.u32 s8, $0xFFFFF086  }
0x1c: {  	p1 =	slt.u32 s9, $0xF7A;
	s5 =	simm.s32 @!p2 $0x0  }
0x1d: {  	s5 =	simm.s32 @p1 $0x1;
	p0 =	seq.s32 s7, s2  }
0x1e: {  	s7 =	smul.u32 @!p0 $0xF7A, s2;
	p2 =	seq.s32 @!p0 s5, $0x0  }
0x1f: {  	s9 =	smul.u32 $0xF7A, s1;
	s8 =	simm.s32 @!p0 $0x1BF5;
	p2 =	por !p2, p0  }
0x20: {  	[sflag:s8] =	ssyncset.s32 @!p0 $0xFFFFF086;
	s6 =	sadd.s32 @!p0 s3, s7;
	s7 =	simm.s32 @!p0 $0x108  }
0x21: {  	s3 =	sadd.s32 s3, s9;
	s6 =	sadd.s32 @!p0 $0x88, s6;
	s7 =	simm.s32 @p2 $0x1082  }
0x22: {  	[simem:s7], [sflag:s8] =	dma.local @!p0 [hbm:s6], $0xF7A  }
0x23: {  	s9 =	sor.u32 $0xD0000000, s2;
	s6 =	simm.s32 $0x108;
	_ =	swait.ge @!p0 [sflag:s8], $0x0  }
0x24: {  	s3 =	sadd.s32 $0x88, s3;
	s6 =	simm.s32 @!p1 $0x1082;
	[sflag:s4] =	ssyncset.s32 $0xFFFFF086  }
0x25: {  	[simem:s6], [sflag:s4] =	dma.local [hbm:s3], $0xF7A  }
0x26: {  	[smem:$0x3F8F] =	sst s1;
	(tag) =	ssettag s2;
	_ =	strace s9  }
0x27: {  	s1 =	sld [smem:$0x3F9F]  }
0x28: {  	s2 =	sld [smem:$0x3FA0]  }
0x29: {  	s4 =	sld [smem:$0x3FA2]  }
0x2a: {  	p0 =	seq.s32 s5, $0x0;
	s5 =	sld [smem:$0x3FA3]  }
0x2b: {  	s6 =	sld [smem:$0x3FA4]  }
0x2c: {  	s7 =	sld [smem:$0x3FA5]  }
0x2d: {  	s3 =	simm.s32 $0x108;
	s8 =	sld [smem:$0x3FA6]  }
0x2e: {  	s3 =	simm.s32 @!p0 $0x1082;
	s9 =	sld [smem:$0x3FA7]  }
0x2f: {  	lr =	sadd.s32 s0, s3;
	s0 =	sld [smem:$0x3F9E]  }
0x30: {  	s3 =	sld [smem:$0x3FA1]  }
0x31: {  	[smem:$0x3FAA] =	sst s10  }
0x32: {  	s10 =	sld [smem:$0x3FA8];
	_ =	sdelay $0x3  }
0x33: {  	p0 =	seq.s32 s10, $0x1;
	s10 =	sld [smem:$0x3FAA];
	_ =	sdelay $0x3  }
0x34: {  	[smem:$0x3FAA] =	sst s10  }
0x35: {  	s10 =	sld [smem:$0x3FA9];
	_ =	sdelay $0x3  }
0x36: {  	p1 =	seq.s32 s10, $0x1;
	s10 =	sld [smem:$0x3FAA];
	_ =	sdelay $0x3  }
0x37: {  	[smem:$0x3FAA] =	sst s10  }
0x38: {  	s10 =	sld [smem:$0x3FAB]  }
0x39: {  	_ = 	snop;
	(pc) =	sbr.ind lr, $3  }
0x3a: {  	_ = 	snop  }
0x3b: {  	_ = 	snop  }
0x3c: {  	p2 =	seq.s32 s10, $0x1;
	s10 =	sld [smem:$0x3FAA]  }
0x3d: {  	_ =	shalt  }
0x3e: {  	_ =	shalt  }
0x3f: {  	_ =	shalt  }
0x40: {  	_ =	shalt  }
0x41: {  	_ =	shalt  }
0x42: {  	_ =	shalt  }
0x43: {  	_ =	shalt  }
0x44: {  	_ =	shalt  }
0x45: {  	_ =	shalt  }
0x46: {  	_ =	shalt  }
0x47: {  	_ =	shalt  }
0x48: {  	_ =	shalt  }
0x49: {  	_ =	shalt  }
0x4a: {  	_ =	shalt  }
0x4b: {  	_ =	shalt  }
0x4c: {  	_ =	shalt  }
0x4d: {  	_ =	shalt  }
0x4e: {  	_ =	shalt  }
0x4f: {  	_ =	shalt  }
0x50: {  	_ =	shalt  }
0x51: {  	_ =	shalt  }
0x52: {  	_ =	shalt  }
0x53: {  	_ =	shalt  }
0x54: {  	_ =	shalt  }
0x55: {  	_ =	shalt  }
0x56: {  	_ =	shalt  }
0x57: {  	_ =	shalt  }
0x58: {  	_ =	shalt  }
0x59: {  	_ =	shalt  }
0x5a: {  	_ =	shalt  }
0x5b: {  	_ =	shalt  }
0x5c: {  	_ =	shalt  }
0x5d: {  	_ =	shalt  }
0x5e: {  	_ =	shalt  }
0x5f: {  	_ =	shalt  }
0x60: {  	_ =	shalt  }
0x61: {  	_ =	shalt  }
0x62: {  	_ =	shalt  }
0x63: {  	_ =	shalt  }
0x64: {  	_ =	shalt  }
0x65: {  	_ =	shalt  }
0x66: {  	_ =	shalt  }
0x67: {  	_ =	shalt  }
0x68: {  	_ =	shalt  }
0x69: {  	_ =	shalt  }
0x6a: {  	_ =	shalt  }
0x6b: {  	_ =	shalt  }
0x6c: {  	_ =	shalt  }
0x6d: {  	_ =	shalt  }
0x6e: {  	_ =	shalt  }
0x6f: {  	_ =	shalt  }
0x70: {  	_ =	shalt  }
0x71: {  	_ =	shalt  }
0x72: {  	_ =	shalt  }
0x73: {  	_ =	shalt  }
0x74: {  	_ =	shalt  }
0x75: {  	_ =	shalt  }
0x76: {  	_ =	shalt  }
0x77: {  	_ =	shalt  }
0x78: {  	_ =	shalt  }
0x79: {  	_ =	shalt  }
0x7a: {  	_ =	shalt  }
0x7b: {  	_ =	shalt  }
0x7c: {  	_ =	shalt  }
0x7d: {  	_ =	shalt  }
0x7e: {  	_ =	shalt  }
0x7f: {  	_ =	shalt  }
0x80: {  	_ =	shalt  }
0x81: {  	_ =	shalt  }
0x82: {  	_ =	shalt  }
0x83: {  	_ =	shalt  }
0x84: {  	_ =	shalt  }
0x85: {  	_ =	shalt  }
0x86: {  	_ =	shalt  }
0x87: {  	_ =	shalt  }
.Lfunc_end0:
.L_simem_size_0:
called_computation.4_lowered:
.L_overlay_start_0:
0x88: {  	s2 =	sld [smem:$0x3FD9]  }
0x89: {  	s3 =	sld [smem:$0x3FFE];
	_ =	sdelay $0x1  }
0x8a: {  	s1 =	srdreg.scid  }
0x8b: {  	s0 =	sand.u32 $0x1, s1  }
0x8c: {  	s16 =	sshll.u32 s0, $0xA;
	s2 =	sadd.s32 s3, s2  }
0x8d: {  	s2 =	sadd.s32 s2, s16  }
0x8e: {  	[smem:$0x3FB6] =	sst s2  }
0x8f: {  	_ = 	snop  }
0x90: {  	(tm) =	ssettm $0x1  }
0x91: {  	s17 =	sld [smem:$0x3FFB];
	_ =	sdelay $0x3  }
0x92: {  	_ =	strace s17  }
0x93: {  	s2 =	sld [smem:$0x3FFC];
	_ =	sdelay $0x3  }
0x94: {  	_ =	strace s2  }
0x95: {  	s2 =	sld [smem:$0x3FFD];
	_ =	sdelay $0x3  }
0x96: {  	_ =	strace s2  }
0x97: {  	_ =	strace $0x8FFFFFFF  }
0x98: {  	s18 =	sld [smem:$0x3FDB];
	_ =	sdelay $0x1  }
0x99: {  	s19 =	simm.s32 $_scs_section_size  }
0x9a: {  	s4 =	simm.s32 $_size__tile_overlayer_lowered;
	s5 =	simm.s32 $_tile_overlayer_lowered  }
0x9b: {  	s22 =	simm.s32 $0x1BFF;
	s21 =	sshll.u32 s5, $0x1;
	s2 =	sadd.s32 s19, s18  }
0x9c: {  	s6 =	simm.s32 $0x0;
	s20 =	sshll.u32 s4, $0x1;
	s4 =	sadd.s32 s21, s2  }
0x9d: {  	[timem:s6], [sflag:s22] =	dma.local [hbm:s4], s20  }
0x9e: {  	_ =	swait.ge [sflag:s22], s20  }
0x9f: {  	s3 =	ssub.s32 $0x0, s20;
	[sflag:s22] =	ssyncset.done $0x0  }
0xa0: {  	[sflag:s22] =	ssyncadd.s32 s3;
	_ =	sdelay $0x1  }
0xa1: {  	s23 =	simm.s32 $0x1B8B  }
0xa2: {  	_ =	swait.ge [sflag:s23], $0x1  }
0xa3: {  	[sflag:s23] =	ssyncset.done $0x0  }
0xa4: {  	s25 =	simm.s32 $0x1B8E;
	s24 =	sld [smem:$0x3FFE];
	[sflag:s23] =	ssyncadd.s32 $0xFFFFFFFF  }
0xa5: {  	s26 =	simm.s32 $execute0_lowered;
	[smem:$0x3FD2] =	sst s25  }
0xa6: {  	s4 =	sshll.u32 s26, $0x1;
	_ =	strace $0x80000052;
	[dreg:$0x1] =	wrdreg $0xFFFFFFFF  }
0xa7: {  	s28 =	simm.s32 $_size_execute0_lowered;
	s2 =	sadd.s32 s2, s4;
	[dreg:$0x0] =	wrdreg $0x0  }
0xa8: {  	s4 =	sshll.u32 s28, $0x1;
	[dreg:$0x2] =	wrdreg s2  }
0xa9: {  	[dreg:$0x3] =	wrdreg s4  }
0xaa: {  	[dreg:$0x4] =	wrdreg $0xC0  }
0xab: {  	_ =	task [dreg:s6], $0x5FFFF  }
0xac: {  	[dreg:$0x1] =	wrdreg $0xFFFFFFFF  }
0xad: {  	[dreg:$0x0] =	wrdreg $0x60  }
0xae: {  	[dreg:$0x2] =	wrdreg s24  }
0xaf: {  	[dreg:$0x3] =	wrdreg $0x9  }
0xb0: {  	_ =	task.clear_ibuf [dreg:s6], $0x4FFFF;
	_ =	strace $0x90000052  }
0xb1: {  	s29 =	simm.s32 $0x9;
	_ =	strace $0x80000054  }
0xb2: {  	_ =	swait.ge [sflag:s29], $0x1  }
0xb3: {  	[sflag:s29] =	ssyncadd.s32 $0xFFFFFFFF  }
0xb4: {  	_ =	strace $0x90000054  }
0xb5: {  	_ =	sfence  }
0xb6: {  	s30 =	sld [smem:$0x0];
	_ =	sdelay $0x2  }
0xb7: {  	s31 =	sshll.u32 s1, $0xD;
	s1 =	sshrl.u32 s1, $0x2  }
0xb8: {  	s3 =	sand.u32 $0x4000, s31;
	s1 =	sadd.s32 s1, s30  }
0xb9: {  	s0 =	sor.u32 s3, s0;
	s1 =	sshll.u32 s1, $0x11  }
0xba: {  	s0 =	sor.u32 s1, s0  }
0xbb: {  	s0 =	sadd.s32 $0x8F2B, s0  }
0xbc: {  	[sflag:s0] =	ssyncadd.remote.s32 $0x1  }
0xbd: {  	_ =	sfence.sel $0xFFFF  }
0xbe: {  	[dreg:$0x0] =	wrdreg $0xFFFFFFFF;
	(pc) =	sbr.abs _section_cstart, $3  }
0xbf: {  	[dreg:$0x1] =	wrdreg $0xFFFFFFFF  }
0xc0: {  	_ =	task.clear_ibuf [dreg:s6], $0x2FFFF;
	_ =	strace $0x9FFFFFFF  }
0xc1: {  	(tm) =	ssettm $0x7FFFFFFF  }
tec
execute0_lowered:
.L_overlay_start_1:
0x0: {  	(tag) =	ssettag $0x1  }
0x1: {  	s5 =	rddreg [dreg:$0x0]  }
0x2: {  	s0 =	rddreg [dreg:$0x1];
	s1 =	simm.s32 $0x0  }
0x3: {  	s2 =	srdreg.scid;
	s15 =	simm.s32 $0x8000;
	s16 =	simm.s32 $0xA800  }
0x4: {  	s17 =	simm.s32 $0xD000;
	s18 =	simm.s32 $0xF800;
	s19 =	simm.s32 $0x1  }
0x5: {  	s20 =	simm.s32 $0x2;
	s21 =	simm.s32 $0x3;
	s22 =	simm.s32 $0x4  }
0x6: {  	s23 =	simm.s32 $0x0;
	[smem:$0x7FF] =	sst s1;
	s6 =	sand.u32 $0x1, s2  }
0x7: {  	s2 =	stileid.u32;
	s3 =	sadd.s32 $0xA69600, s5;
	s4 =	sadd.s32 $0xA90800, s5  }
0x8: {  	s10 =	sadd.s32 $0x29C00, s5;
	s12 =	sadd.s32 $0x50BC00, s5;
	s7 =	sshll.u32 s6, $0x4  }
0x9: {  	s9 =	ssub.s32 $0x2, s6;
	s13 =	smul.u32 $0x271000, s6;
	s7 =	sor.u32 s2, s7  }
0xa: {  	s11 =	sshrl.u32 s9, $0x1;
	s8 =	sshll.u32 s7, $0xB;
	s7 =	smul.u32 $0x138800, s7  }
0xb: {  	_ =	strace $0x80000053;
	s14 =	smul.u32 $0x27100, s2;
	s9 =	ssub.s32 s9, s11  }
0xc: {  	s31 =	sadd.s32 s13, s12;
	s8 =	sadd.s32 s8, s5;
	s7 =	sshrl.u32 s7, $0x3  }
0xd: {  	s9 =	smax.u32 s9, $0x1;
	s11 =	sadd.s32 s14, s31;
	s30 =	sadd.s32 $0x26C00, s7  }
0xe: {  	s5 =	sadd.s32 $0x9C00, s8;
	s6 =	sadd.s32 $0x19C00, s8;
	s7 =	sadd.s32 s10, s30  }
0xf: {  	s8 =	sadd.s32 s12, s30;
	s10 =	sadd.s32 s13, s10;
	s12 =	simm.s32 $0x5  }
0x10: {  	s13 =	simm.s32 $0x4000;
	s10 =	sadd.s32 s14, s10;
	s14 =	simm.s32 $0x50  }
.LBB2_1:
0x11: {  	[tilespmem:s1], [sflag:$0x5] =	stream.linear.gather [hbm4b:s5+s1], $0x3E80, $0x38;
	[tilespmem:$0x12000] =	vst v63  }
0x12: {  	_ =	swait.ge [sflag:s12], $0x3E80  }
0x13: {  	[sflag:s12] =	ssyncset.done $0x0  }
0x14: {  	[sflag:s12] =	ssyncadd.s32 $0xFFFFC180  }
0x15: {  	[tilespmem:s13], [sflag:$0x5] =	stream.linear.gather [hbm4b:s6+s1], $0x3E80, $0x38;
	[tilespmem:$0x12000] =	vst v63  }
0x16: {  	_ =	swait.ge [sflag:s12], $0x3E80  }
0x17: {  	[sflag:s12] =	ssyncset.done $0x0  }
0x18: {  	[sflag:s12] =	ssyncadd.s32 $0xFFFFC180  }
0x19: {  	[tilespmem:s15], [sflag:$0x1] =	stream.indirect.gather [hbm4b:s3+s14], $0x80, s1, s14, $0xb8;
	[tilespmem:$0x12000] =	vst v63  }
0x1a: {  	_ = 	snop  }
0x1b: {  	[tilespmem:s16], [sflag:$0x2] =	stream.indirect.gather [hbm4b:s4+s14], $0x80, s13, s14, $0xb8;
	[tilespmem:$0x12000] =	vst v63  }
0x1c: {  	s24 =	simm.s32 $0x80  }
0x1d: {  	[tilespmem:s17], [sflag:$0x3] =	stream.indirect.gather [hbm4b:s3+s14], $0x80, s24, s14, $0xb8;
	[tilespmem:$0x12000] =	vst v63  }
0x1e: {  	s25 =	simm.s32 $0x4080  }
0x1f: {  	[tilespmem:s18], [sflag:$0x4] =	stream.indirect.gather [hbm4b:s4+s14], $0x80, s25, s14, $0xb8;
	[tilespmem:$0x12000] =	vst v63  }
0x20: {  	_ =	swait.ge [sflag:s19], $0x2800  }
0x21: {  	[sflag:s19] =	ssyncset.done $0x0  }
0x22: {  	[sflag:s19] =	ssyncadd.s32 $0xFFFFD800  }
0x23: {  	[hbm4b:s10+s1] =	stream.linear.scatter [tilespmem:s15], [sflag:$0x5], $0x2800, $0x38;
	[tilespmem:$0x12000] =	vst v63  }
0x24: {  	_ =	swait.ge [sflag:s12], $0x2800  }
0x25: {  	[sflag:s12] =	ssyncset.done $0x0  }
0x26: {  	[sflag:s12] =	ssyncadd.s32 $0xFFFFD800  }
0x27: {  	_ =	swait.ge [sflag:s20], $0x2800  }
0x28: {  	[sflag:s20] =	ssyncset.done $0x0  }
0x29: {  	[sflag:s20] =	ssyncadd.s32 $0xFFFFD800  }
0x2a: {  	[hbm4b:s11+s1] =	stream.linear.scatter [tilespmem:s16], [sflag:$0x5], $0x2800, $0x38;
	[tilespmem:$0x12000] =	vst v63  }
0x2b: {  	_ =	swait.ge [sflag:s12], $0x2800  }
0x2c: {  	[sflag:s12] =	ssyncset.done $0x0  }
0x2d: {  	s26 =	simm.s32 $0x100;
	[sflag:s12] =	ssyncadd.s32 $0xFFFFD800  }
0x2e: {  	[tilespmem:s15], [sflag:$0x1] =	stream.indirect.gather [hbm4b:s3+s14], $0x80, s26, s14, $0xb8;
	[tilespmem:$0x12000] =	vst v63  }
0x2f: {  	s28 =	simm.s32 $0x4100  }
0x30: {  	[tilespmem:s16], [sflag:$0x2] =	stream.indirect.gather [hbm4b:s4+s14], $0x80, s28, s14, $0xb8;
	[tilespmem:$0x12000] =	vst v63  }
0x31: {  	_ =	swait.ge [sflag:s21], $0x2800  }
0x32: {  	[sflag:s21] =	ssyncset.done $0x0  }
0x33: {  	s29 =	sadd.s32 $0x500, s10;
	[sflag:s21] =	ssyncadd.s32 $0xFFFFD800  }
0x34: {  	[hbm4b:s29+s1] =	stream.linear.scatter [tilespmem:s17], [sflag:$0x5], $0x2800, $0x38;
	[tilespmem:$0x12000] =	vst v63  }
0x35: {  	_ =	swait.ge [sflag:s12], $0x2800  }
0x36: {  	[sflag:s12] =	ssyncset.done $0x0  }
0x37: {  	[sflag:s12] =	ssyncadd.s32 $0xFFFFD800  }
0x38: {  	_ =	swait.ge [sflag:s22], $0x2800  }
0x39: {  	[sflag:s22] =	ssyncset.done $0x0  }
0x3a: {  	s31 =	sadd.s32 $0x500, s11;
	[sflag:s22] =	ssyncadd.s32 $0xFFFFD800  }
0x3b: {  	[hbm4b:s31+s1] =	stream.linear.scatter [tilespmem:s18], [sflag:$0x5], $0x2800, $0x38;
	[tilespmem:$0x12000] =	vst v63  }
0x3c: {  	s30 =	simm.s32 $0x800;
	s24 =	sadd.s32 $0xA00, s11;
	_ =	swait.ge [sflag:s12], $0x2800  }
0x3d: {  	s25 =	sadd.s32 $0xA00, s10;
	s26 =	simm.s32 $0x100;
	[sflag:s12] =	ssyncset.done $0x0  }
.LBB2_2:
0x3e: {  	s31 =	sadd.s32 $0x80, s26  }
0x3f: {  	[sflag:s12] =	ssyncadd.s32 $0xFFFFD800;
	s29 =	smov.u32 s30;
	s28 =	sadd.s32 $0x400, s30  }
0x40: {  	[tilespmem:s17], [sflag:$0x3] =	stream.indirect.gather [hbm4b:s3+s14], $0x80, s31, s14, $0xb8;
	[tilespmem:$0x12000] =	vst v63  }
0x41: {  	p0 =	sne.s32 s30, $0xF400;
	s30 =	sadd.s32 $0x4080, s26  }
0x42: {  	[tilespmem:s18], [sflag:$0x4] =	stream.indirect.gather [hbm4b:s4+s14], $0x80, s30, s14, $0xb8;
	[tilespmem:$0x12000] =	vst v63  }
0x43: {  	_ =	swait.ge [sflag:s19], $0x2800  }
0x44: {  	[sflag:s19] =	ssyncset.done $0x0  }
0x45: {  	[sflag:s19] =	ssyncadd.s32 $0xFFFFD800  }
0x46: {  	[hbm4b:s25+s1] =	stream.linear.scatter [tilespmem:s15], [sflag:$0x5], $0x2800, $0x38;
	[tilespmem:$0x12000] =	vst v63  }
0x47: {  	_ =	swait.ge [sflag:s12], $0x2800  }
0x48: {  	[sflag:s12] =	ssyncset.done $0x0  }
0x49: {  	[sflag:s12] =	ssyncadd.s32 $0xFFFFD800  }
0x4a: {  	_ =	swait.ge [sflag:s20], $0x2800  }
0x4b: {  	[sflag:s20] =	ssyncset.done $0x0  }
0x4c: {  	[sflag:s20] =	ssyncadd.s32 $0xFFFFD800  }
0x4d: {  	[hbm4b:s24+s1] =	stream.linear.scatter [tilespmem:s16], [sflag:$0x5], $0x2800, $0x38;
	[tilespmem:$0x12000] =	vst v63  }
0x4e: {  	_ =	swait.ge [sflag:s12], $0x2800  }
0x4f: {  	[sflag:s12] =	ssyncset.done $0x0  }
0x50: {  	s30 =	sadd.s32 $0x100, s26;
	[sflag:s12] =	ssyncadd.s32 $0xFFFFD800  }
0x51: {  	[tilespmem:s15], [sflag:$0x1] =	stream.indirect.gather [hbm4b:s3+s14], $0x80, s30, s14, $0xb8;
	[tilespmem:$0x12000] =	vst v63  }
0x52: {  	s26 =	sadd.s32 $0x4100, s26  }
0x53: {  	[tilespmem:s16], [sflag:$0x2] =	stream.indirect.gather [hbm4b:s4+s14], $0x80, s26, s14, $0xb8;
	[tilespmem:$0x12000] =	vst v63  }
0x54: {  	_ =	swait.ge [sflag:s21], $0x2800  }
0x55: {  	[sflag:s21] =	ssyncset.done $0x0  }
0x56: {  	s26 =	sadd.s32 $0x500, s25;
	[sflag:s21] =	ssyncadd.s32 $0xFFFFD800  }
0x57: {  	[hbm4b:s26+s1] =	stream.linear.scatter [tilespmem:s17], [sflag:$0x5], $0x2800, $0x38;
	[tilespmem:$0x12000] =	vst v63  }
0x58: {  	_ =	swait.ge [sflag:s12], $0x2800  }
0x59: {  	[sflag:s12] =	ssyncset.done $0x0  }
0x5a: {  	[sflag:s12] =	ssyncadd.s32 $0xFFFFD800  }
0x5b: {  	_ =	swait.ge [sflag:s22], $0x2800  }
.Ltmp0:
0x5c: {  	[sflag:s22] =	ssyncset.done $0x0;
	(pc) =	sbr.rel @p0 .LBB2_2-.Ltmp0, $4  }
0x5d: {  	s26 =	sadd.s32 $0x500, s24;
	[sflag:s22] =	ssyncadd.s32 $0xFFFFD800  }
0x5e: {  	[hbm4b:s26+s1] =	stream.linear.scatter [tilespmem:s18], [sflag:$0x5], $0x2800, $0x38;
	[tilespmem:$0x12000] =	vst v63  }
0x5f: {  	s30 =	smov.u32 s28;
	s24 =	sadd.s32 $0xA00, s24;
	_ =	swait.ge [sflag:s12], $0x2800  }
0x60: {  	s25 =	sadd.s32 $0xA00, s25;
	s26 =	sshra.s32 s29, $0x2;
	[sflag:s12] =	ssyncset.done $0x0  }
0x61: {  	s28 =	sadd.s32 $0x80, s26;
	[sflag:s12] =	ssyncadd.s32 $0xFFFFD800  }
0x62: {  	[tilespmem:s17], [sflag:$0x3] =	stream.indirect.gather [hbm4b:s3+s14], $0x80, s28, s14, $0xb8;
	[tilespmem:$0x12000] =	vst v63  }
0x63: {  	s30 =	sadd.s32 $0x4080, s26  }
0x64: {  	[tilespmem:s18], [sflag:$0x4] =	stream.indirect.gather [hbm4b:s4+s14], $0x80, s30, s14, $0xb8;
	[tilespmem:$0x12000] =	vst v63  }
0x65: {  	_ =	swait.ge [sflag:s19], $0x2800  }
0x66: {  	[sflag:s19] =	ssyncset.done $0x0  }
0x67: {  	[sflag:s19] =	ssyncadd.s32 $0xFFFFD800  }
0x68: {  	[hbm4b:s25+s1] =	stream.linear.scatter [tilespmem:s15], [sflag:$0x5], $0x2800, $0x38;
	[tilespmem:$0x12000] =	vst v63  }
0x69: {  	_ =	swait.ge [sflag:s12], $0x2800  }
0x6a: {  	[sflag:s12] =	ssyncset.done $0x0  }
0x6b: {  	[sflag:s12] =	ssyncadd.s32 $0xFFFFD800  }
0x6c: {  	_ =	swait.ge [sflag:s20], $0x2800  }
0x6d: {  	[sflag:s20] =	ssyncset.done $0x0  }
0x6e: {  	[sflag:s20] =	ssyncadd.s32 $0xFFFFD800  }
0x6f: {  	[hbm4b:s24+s1] =	stream.linear.scatter [tilespmem:s16], [sflag:$0x5], $0x2800, $0x38;
	[tilespmem:$0x12000] =	vst v63  }
0x70: {  	_ =	swait.ge [sflag:s12], $0x2800  }
0x71: {  	[sflag:s12] =	ssyncset.done $0x0  }
0x72: {  	s31 =	sadd.s32 $0x100, s26;
	[sflag:s12] =	ssyncadd.s32 $0xFFFFD800  }
0x73: {  	[tilespmem:s15], [sflag:$0x1] =	stream.indirect.gather [hbm4b:s3+s14], $0x80, s31, s14, $0xb8;
	[tilespmem:$0x12000] =	vst v63  }
0x74: {  	s29 =	sadd.s32 $0x4100, s26  }
0x75: {  	[tilespmem:s16], [sflag:$0x2] =	stream.indirect.gather [hbm4b:s4+s14], $0x80, s29, s14, $0xb8;
	[tilespmem:$0x12000] =	vst v63  }
0x76: {  	_ =	swait.ge [sflag:s21], $0x2800  }
0x77: {  	[sflag:s21] =	ssyncset.done $0x0  }
0x78: {  	s30 =	sadd.s32 $0x500, s25;
	[sflag:s21] =	ssyncadd.s32 $0xFFFFD800  }
0x79: {  	[hbm4b:s30+s1] =	stream.linear.scatter [tilespmem:s17], [sflag:$0x5], $0x2800, $0x38;
	[tilespmem:$0x12000] =	vst v63  }
0x7a: {  	_ =	swait.ge [sflag:s12], $0x2800  }
0x7b: {  	[sflag:s12] =	ssyncset.done $0x0  }
0x7c: {  	[sflag:s12] =	ssyncadd.s32 $0xFFFFD800  }
0x7d: {  	_ =	swait.ge [sflag:s22], $0x2800  }
0x7e: {  	[sflag:s22] =	ssyncset.done $0x0  }
0x7f: {  	s31 =	sadd.s32 $0x500, s24;
	[sflag:s22] =	ssyncadd.s32 $0xFFFFD800  }
0x80: {  	[hbm4b:s31+s1] =	stream.linear.scatter [tilespmem:s18], [sflag:$0x5], $0x2800, $0x38;
	[tilespmem:$0x12000] =	vst v63  }
0x81: {  	_ =	swait.ge [sflag:s12], $0x2800  }
0x82: {  	[sflag:s12] =	ssyncset.done $0x0  }
0x83: {  	[sflag:s12] =	ssyncadd.s32 $0xFFFFD800  }
0x84: {  	_ =	swait.ge [sflag:s19], $0x2800  }
0x85: {  	[sflag:s19] =	ssyncset.done $0x0  }
0x86: {  	[sflag:s19] =	ssyncadd.s32 $0xFFFFD800  }
0x87: {  	[hbm4b:s7+s1] =	stream.linear.scatter [tilespmem:s15], [sflag:$0x5], $0x2800, $0x38;
	[tilespmem:$0x12000] =	vst v63  }
0x88: {  	_ =	swait.ge [sflag:s12], $0x2800  }
0x89: {  	[sflag:s12] =	ssyncset.done $0x0  }
0x8a: {  	[sflag:s12] =	ssyncadd.s32 $0xFFFFD800  }
0x8b: {  	s23 =	sadd.s32 $0x1, s23;
	_ =	swait.ge [sflag:s20], $0x2800  }
0x8c: {  	p0 =	sne.s32 s23, s9;
	[sflag:s20] =	ssyncset.done $0x0  }
.Ltmp1:
0x8d: {  	[sflag:s20] =	ssyncadd.s32 $0xFFFFD800;
	(pc) =	sbr.rel @p0 .LBB2_1-.Ltmp1, $4  }
0x8e: {  	[hbm4b:s8+s1] =	stream.linear.scatter [tilespmem:s16], [sflag:$0x5], $0x2800, $0x38;
	[tilespmem:$0x12000] =	vst v63  }
0x8f: {  	_ =	swait.ge [sflag:s12], $0x2800  }
0x90: {  	[sflag:s12] =	ssyncset.done $0x0  }
0x91: {  	[sflag:s12] =	ssyncadd.s32 $0xFFFFD800  }
0x92: {  	_ =	sfence.sel $0x180000  }
0x93: {  	[bflag:$0x0] =	sbarrier.arrive $0xFFFF  }
0x94: {  	p0 =	sne.s32 s2, $0x0;
	_ =	strace $0x90000053  }
0x95: {  	s0 =	sadd.s32 @!p0 $0x100000, s0;
	[bflag:$0x2] =	sbarrier.arrive $0xFFFF  }
0x96: {  	[sflag:s0] =	ssyncadd.tile.s32 @!p0 $0x1;
	_ =	shalt  }
.Lfunc_end2:
_tile_overlayer_lowered:
.L_overlay_start_2:
0x97: {  	(tag) =	ssettag $0x2  }
0x98: {  	s0 =	rddreg [dreg:$0x0];
	s2 =	stileid.u32  }
0x99: {  	s1 =	rddreg [dreg:$0x1];
	p0 =	sne.s32 s2, $0x0  }
0x9a: {  	s3 =	rddreg [dreg:$0x2];
	[bflag:$0x3] =	sbarrier.arrive $0xFFFF;
	s2 =	simm.s32 @!p0 $0x1C05  }
0x9b: {  	[timem:s3], [sflag:s2] =	dma.local @!p0 [hbm:s0], s1  }
0x9c: {  	s0 =	simm.s32 @!p0 $0x5  }
0x9d: {  	_ =	swait.ge @!p0 [sflag:s0], s1  }
0x9e: {  	s1 =	ssub.s32 @!p0 $0x0, s1;
	[sflag:s0] =	ssyncset.done @!p0 $0x0  }
0x9f: {  	[sflag:s0] =	ssyncadd.s32 @!p0 s1  }
0xa0: {  	[bflag:$0x3] =	sbarrier.arrive $0xFFFF  }
0xa1: {  	_ =	shalt  }

// kernel: kernel.34.cloned.1.call-start
scs
__scs_entry_jumppad:
0x0: {  	(pc) =	sbr.rel $0x88, $3  }
0x1: {  	(tag) =	ssettag $0x0;
	lr =	simm.s32 $0x1  }
0x2: {  	[smem:$0x3F8F] =	sst lr;
	_ =	strace $0xD0000000  }
0x3: {  	_ = 	snop  }
0x4: {  	_ = 	snop  }
0x5: {  	_ = 	snop  }
0x6: {  	_ = 	snop  }
0x7: {  	_ = 	snop  }
__scs_overlays_trampoline_lowered:
0x8: {  	[smem:$0x3F9E] =	sst s0  }
0x9: {  	[smem:$0x3F9F] =	sst s1  }
0xa: {  	[smem:$0x3FA0] =	sst s2  }
0xb: {  	[smem:$0x3FA1] =	sst s3  }
0xc: {  	[smem:$0x3FA2] =	sst s4  }
0xd: {  	[smem:$0x3FA3] =	sst s5  }
0xe: {  	[smem:$0x3FA4] =	sst s6  }
0xf: {  	[smem:$0x3FA5] =	sst s7  }
0x10: {  	[smem:$0x3FA6] =	sst s8  }
0x11: {  	[smem:$0x3FA7] =	sst s9;
	s0 =	simm.s32 @!p0 $0x0  }
0x12: {  	s1 =	sld [smem:$0x3F8D];
	s0 =	simm.s32 @p0 $0x1  }
0x13: {  	[smem:$0x3FA8] =	sst s0;
	s0 =	simm.s32 @!p1 $0x0  }
0x14: {  	s2 =	sld [smem:$0x3F8C];
	s0 =	simm.s32 @p1 $0x1  }
0x15: {  	[smem:$0x3FA9] =	sst s0;
	s0 =	simm.s32 @!p2 $0x0  }
0x16: {  	s3 =	sld [smem:$0x3FDB];
	s0 =	simm.s32 @p2 $0x1  }
0x17: {  	s4 =	simm.s32 $0x1BF5;
	[smem:$0x3FAB] =	sst s0  }
0x18: {  	s0 =	sld [smem:$0x3F8E];
	_ =	swait.ge [sflag:s4], $0x0  }
0x19: {  	s7 =	sld [smem:$0x3F8F]  }
0x1a: {  	s8 =	sadd.s32 $0xFFFFE003, lr  }
0x1b: {  	s9 =	sadd.s32 $0xFFFFFEF7, lr;
	s5 =	simm.s32 $0xFFFFFFFF;
	p2 =	slt.u32 s8, $0xFFFFF086  }
0x1c: {  	p1 =	slt.u32 s9, $0xF7A;
	s5 =	simm.s32 @!p2 $0x0  }
0x1d: {  	s5 =	simm.s32 @p1 $0x1;
	p0 =	seq.s32 s7, s2  }
0x1e: {  	s7 =	smul.u32 @!p0 $0xF7A, s2;
	p2 =	seq.s32 @!p0 s5, $0x0  }
0x1f: {  	s9 =	smul.u32 $0xF7A, s1;
	s8 =	simm.s32 @!p0 $0x1BF5;
	p2 =	por !p2, p0  }
0x20: {  	[sflag:s8] =	ssyncset.s32 @!p0 $0xFFFFF086;
	s6 =	sadd.s32 @!p0 s3, s7;
	s7 =	simm.s32 @!p0 $0x108  }
0x21: {  	s3 =	sadd.s32 s3, s9;
	s6 =	sadd.s32 @!p0 $0x88, s6;
	s7 =	simm.s32 @p2 $0x1082  }
0x22: {  	[simem:s7], [sflag:s8] =	dma.local @!p0 [hbm:s6], $0xF7A  }
0x23: {  	s9 =	sor.u32 $0xD0000000, s2;
	s6 =	simm.s32 $0x108;
	_ =	swait.ge @!p0 [sflag:s8], $0x0  }
0x24: {  	s3 =	sadd.s32 $0x88, s3;
	s6 =	simm.s32 @!p1 $0x1082;
	[sflag:s4] =	ssyncset.s32 $0xFFFFF086  }
0x25: {  	[simem:s6], [sflag:s4] =	dma.local [hbm:s3], $0xF7A  }
0x26: {  	[smem:$0x3F8F] =	sst s1;
	(tag) =	ssettag s2;
	_ =	strace s9  }
0x27: {  	s1 =	sld [smem:$0x3F9F]  }
0x28: {  	s2 =	sld [smem:$0x3FA0]  }
0x29: {  	s4 =	sld [smem:$0x3FA2]  }
0x2a: {  	p0 =	seq.s32 s5, $0x0;
	s5 =	sld [smem:$0x3FA3]  }
0x2b: {  	s6 =	sld [smem:$0x3FA4]  }
0x2c: {  	s7 =	sld [smem:$0x3FA5]  }
0x2d: {  	s3 =	simm.s32 $0x108;
	s8 =	sld [smem:$0x3FA6]  }
0x2e: {  	s3 =	simm.s32 @!p0 $0x1082;
	s9 =	sld [smem:$0x3FA7]  }
0x2f: {  	lr =	sadd.s32 s0, s3;
	s0 =	sld [smem:$0x3F9E]  }
0x30: {  	s3 =	sld [smem:$0x3FA1]  }
0x31: {  	[smem:$0x3FAA] =	sst s10  }
0x32: {  	s10 =	sld [smem:$0x3FA8];
	_ =	sdelay $0x3  }
0x33: {  	p0 =	seq.s32 s10, $0x1;
	s10 =	sld [smem:$0x3FAA];
	_ =	sdelay $0x3  }
0x34: {  	[smem:$0x3FAA] =	sst s10  }
0x35: {  	s10 =	sld [smem:$0x3FA9];
	_ =	sdelay $0x3  }
0x36: {  	p1 =	seq.s32 s10, $0x1;
	s10 =	sld [smem:$0x3FAA];
	_ =	sdelay $0x3  }
0x37: {  	[smem:$0x3FAA] =	sst s10  }
0x38: {  	s10 =	sld [smem:$0x3FAB]  }
0x39: {  	_ = 	snop;
	(pc) =	sbr.ind lr, $3  }
0x3a: {  	_ = 	snop  }
0x3b: {  	_ = 	snop  }
0x3c: {  	p2 =	seq.s32 s10, $0x1;
	s10 =	sld [smem:$0x3FAA]  }
0x3d: {  	_ =	shalt  }
0x3e: {  	_ =	shalt  }
0x3f: {  	_ =	shalt  }
0x40: {  	_ =	shalt  }
0x41: {  	_ =	shalt  }
0x42: {  	_ =	shalt  }
0x43: {  	_ =	shalt  }
0x44: {  	_ =	shalt  }
0x45: {  	_ =	shalt  }
0x46: {  	_ =	shalt  }
0x47: {  	_ =	shalt  }
0x48: {  	_ =	shalt  }
0x49: {  	_ =	shalt  }
0x4a: {  	_ =	shalt  }
0x4b: {  	_ =	shalt  }
0x4c: {  	_ =	shalt  }
0x4d: {  	_ =	shalt  }
0x4e: {  	_ =	shalt  }
0x4f: {  	_ =	shalt  }
0x50: {  	_ =	shalt  }
0x51: {  	_ =	shalt  }
0x52: {  	_ =	shalt  }
0x53: {  	_ =	shalt  }
0x54: {  	_ =	shalt  }
0x55: {  	_ =	shalt  }
0x56: {  	_ =	shalt  }
0x57: {  	_ =	shalt  }
0x58: {  	_ =	shalt  }
0x59: {  	_ =	shalt  }
0x5a: {  	_ =	shalt  }
0x5b: {  	_ =	shalt  }
0x5c: {  	_ =	shalt  }
0x5d: {  	_ =	shalt  }
0x5e: {  	_ =	shalt  }
0x5f: {  	_ =	shalt  }
0x60: {  	_ =	shalt  }
0x61: {  	_ =	shalt  }
0x62: {  	_ =	shalt  }
0x63: {  	_ =	shalt  }
0x64: {  	_ =	shalt  }
0x65: {  	_ =	shalt  }
0x66: {  	_ =	shalt  }
0x67: {  	_ =	shalt  }
0x68: {  	_ =	shalt  }
0x69: {  	_ =	shalt  }
0x6a: {  	_ =	shalt  }
0x6b: {  	_ =	shalt  }
0x6c: {  	_ =	shalt  }
0x6d: {  	_ =	shalt  }
0x6e: {  	_ =	shalt  }
0x6f: {  	_ =	shalt  }
0x70: {  	_ =	shalt  }
0x71: {  	_ =	shalt  }
0x72: {  	_ =	shalt  }
0x73: {  	_ =	shalt  }
0x74: {  	_ =	shalt  }
0x75: {  	_ =	shalt  }
0x76: {  	_ =	shalt  }
0x77: {  	_ =	shalt  }
0x78: {  	_ =	shalt  }
0x79: {  	_ =	shalt  }
0x7a: {  	_ =	shalt  }
0x7b: {  	_ =	shalt  }
0x7c: {  	_ =	shalt  }
0x7d: {  	_ =	shalt  }
0x7e: {  	_ =	shalt  }
0x7f: {  	_ =	shalt  }
0x80: {  	_ =	shalt  }
0x81: {  	_ =	shalt  }
0x82: {  	_ =	shalt  }
0x83: {  	_ =	shalt  }
0x84: {  	_ =	shalt  }
0x85: {  	_ =	shalt  }
0x86: {  	_ =	shalt  }
0x87: {  	_ =	shalt  }
.Lfunc_end0:
.L_simem_size_0:
called_computation.5_lowered:
.L_overlay_start_0:
0x88: {  	s2 =	sld [smem:$0x3FD9]  }
0x89: {  	s3 =	sld [smem:$0x3FFE];
	_ =	sdelay $0x1  }
0x8a: {  	s1 =	srdreg.scid  }
0x8b: {  	s0 =	sand.u32 $0x1, s1  }
0x8c: {  	s16 =	sshll.u32 s0, $0xA;
	s2 =	sadd.s32 s3, s2  }
0x8d: {  	s2 =	sadd.s32 s2, s16  }
0x8e: {  	[smem:$0x3FB6] =	sst s2  }
0x8f: {  	_ = 	snop  }
0x90: {  	(tm) =	ssettm $0x1  }
0x91: {  	s17 =	sld [smem:$0x3FFB];
	_ =	sdelay $0x3  }
0x92: {  	_ =	strace s17  }
0x93: {  	s2 =	sld [smem:$0x3FFC];
	_ =	sdelay $0x3  }
0x94: {  	_ =	strace s2  }
0x95: {  	s2 =	sld [smem:$0x3FFD];
	_ =	sdelay $0x3  }
0x96: {  	_ =	strace s2  }
0x97: {  	_ =	strace $0x8FFFFFFF  }
0x98: {  	s18 =	sld [smem:$0x3FDB];
	_ =	sdelay $0x1  }
0x99: {  	s19 =	simm.s32 $_scs_section_size  }
0x9a: {  	s4 =	simm.s32 $_size__tile_overlayer_lowered;
	s5 =	simm.s32 $_tile_overlayer_lowered  }
0x9b: {  	s22 =	simm.s32 $0x1BFF;
	s21 =	sshll.u32 s5, $0x1;
	s2 =	sadd.s32 s19, s18  }
0x9c: {  	s6 =	simm.s32 $0x0;
	s20 =	sshll.u32 s4, $0x1;
	s4 =	sadd.s32 s21, s2  }
0x9d: {  	[timem:s6], [sflag:s22] =	dma.local [hbm:s4], s20  }
0x9e: {  	_ =	swait.ge [sflag:s22], s20  }
0x9f: {  	s3 =	ssub.s32 $0x0, s20;
	[sflag:s22] =	ssyncset.done $0x0  }
0xa0: {  	[sflag:s22] =	ssyncadd.s32 s3;
	_ =	sdelay $0x1  }
0xa1: {  	s23 =	simm.s32 $0x1B8B  }
0xa2: {  	_ =	swait.ge [sflag:s23], $0x1  }
0xa3: {  	[sflag:s23] =	ssyncset.done $0x0  }
0xa4: {  	s25 =	simm.s32 $0x1B8E;
	s24 =	sld [smem:$0x3FFE];
	[sflag:s23] =	ssyncadd.s32 $0xFFFFFFFF  }
0xa5: {  	s26 =	simm.s32 $execute0_lowered;
	[smem:$0x3FD2] =	sst s25  }
0xa6: {  	s4 =	sshll.u32 s26, $0x1;
	_ =	strace $0x80000055;
	[dreg:$0x1] =	wrdreg $0xFFFFFFFF  }
0xa7: {  	s28 =	simm.s32 $_size_execute0_lowered;
	s2 =	sadd.s32 s2, s4;
	[dreg:$0x0] =	wrdreg $0x0  }
0xa8: {  	s4 =	sshll.u32 s28, $0x1;
	[dreg:$0x2] =	wrdreg s2  }
0xa9: {  	[dreg:$0x3] =	wrdreg s4  }
0xaa: {  	[dreg:$0x4] =	wrdreg $0xC0  }
0xab: {  	_ =	task [dreg:s6], $0x5FFFF  }
0xac: {  	[dreg:$0x1] =	wrdreg $0xFFFFFFFF  }
0xad: {  	[dreg:$0x0] =	wrdreg $0x60  }
0xae: {  	[dreg:$0x2] =	wrdreg s24  }
0xaf: {  	[dreg:$0x3] =	wrdreg $0xA0000  }
0xb0: {  	[dreg:$0x4] =	wrdreg $0x9  }
0xb1: {  	_ =	task.clear_ibuf [dreg:s6], $0x5FFFF;
	_ =	strace $0x90000055  }
0xb2: {  	s29 =	simm.s32 $0x9;
	_ =	strace $0x80000057  }
0xb3: {  	_ =	swait.ge [sflag:s29], $0x1  }
0xb4: {  	[sflag:s29] =	ssyncadd.s32 $0xFFFFFFFF  }
0xb5: {  	_ =	strace $0x90000057  }
0xb6: {  	_ =	sfence  }
0xb7: {  	s30 =	sld [smem:$0x0];
	_ =	sdelay $0x2  }
0xb8: {  	s31 =	sshll.u32 s1, $0xD;
	s1 =	sshrl.u32 s1, $0x2  }
0xb9: {  	s3 =	sand.u32 $0x4000, s31;
	s1 =	sadd.s32 s1, s30  }
0xba: {  	s0 =	sor.u32 s3, s0;
	s1 =	sshll.u32 s1, $0x11  }
0xbb: {  	s0 =	sor.u32 s1, s0  }
0xbc: {  	s0 =	sadd.s32 $0x8F2B, s0  }
0xbd: {  	[sflag:s0] =	ssyncadd.remote.s32 $0x1  }
0xbe: {  	_ =	sfence.sel $0xFFFF  }
0xbf: {  	[dreg:$0x0] =	wrdreg $0xFFFFFFFF;
	(pc) =	sbr.abs _section_cstart, $3  }
0xc0: {  	[dreg:$0x1] =	wrdreg $0xFFFFFFFF  }
0xc1: {  	_ =	task.clear_ibuf [dreg:s6], $0x2FFFF;
	_ =	strace $0x9FFFFFFF  }
0xc2: {  	(tm) =	ssettm $0x7FFFFFFF  }
0xc3: {  	_ =	shalt  }
tec
execute0_lowered:
.L_overlay_start_1:
0x0: {  	(tag) =	ssettag $0x1  }
0x1: {  	s4 =	rddreg [dreg:$0x0]  }
0x2: {  	s1 =	rddreg [dreg:$0x1];
	s2 =	srdreg.scid  }
0x3: {  	s0 =	rddreg [dreg:$0x2];
	s3 =	simm.s32 $0x0;
	s15 =	simm.s32 $0x1  }
0x4: {  	s16 =	simm.s32 $0x50;
	s17 =	simm.s32 $0x2;
	s7 =	sand.u32 $0x1, s2  }
0x5: {  	s18 =	simm.s32 $0x3E00;
	s2 =	stileid.u32;
	s10 =	smul.u32 $0x138800, s7  }
0x6: {  	s21 =	simm.s32 $0x0;
	s8 =	sadd.s32 $0x142BA00, s4;
	s12 =	smul.u32 $0x13800, s2  }
0x7: {  	[smem:$0x7FF] =	sst s3;
	s13 =	sadd.s32 $0xA69600, s4;
	s26 =	smul.u32 $0x4E000, s2  }
0x8: {  	s19 =	sadd.s32 $0x124800, s1;
	s5 =	sshll.u32 s7, $0x4;
	s28 =	smul.u32 $0x4E200, s2  }
0x9: {  	_ =	strace $0x80000056;
	s9 =	ssub.s32 $0x2, s7;
	s14 =	smul.u32 $0x271000, s7  }
0xa: {  	s30 =	smul.u32 $0x27100, s2;
	p0 =	seq.s32 s2, $0xF;
	s5 =	sor.u32 s2, s5  }
0xb: {  	s11 =	sshrl.u32 s9, $0x1;
	s19 =	sshrl.u32 @p0 s19, $0x3;
	s6 =	sshll.u32 s5, $0xB  }
0xc: {  	s9 =	ssub.s32 s9, s11;
	s5 =	smul.u32 $0x27100, s5;
	s25 =	sadd.s32 s12, s10  }
0xd: {  	s10 =	sshrl.u32 s10, $0x3;
	s29 =	sshrl.u32 s26, $0x2;
	s31 =	sshrl.u32 s28, $0x2  }
0xe: {  	s12 =	simm.s32 $0x9000;
	s6 =	sadd.s32 s6, s4;
	s10 =	sadd.s32 s13, s10  }
0xf: {  	s20 =	sadd.s32 s29, s1;
	s4 =	sadd.s32 $0x19C00, s6;
	s5 =	sadd.s32 s8, s5  }
0x10: {  	s6 =	sshrl.u32 s25, $0x3;
	s7 =	sadd.s32 $0x24900, s10;
	s8 =	sadd.s32 s14, s8  }
0x11: {  	s14 =	simm.s32 $0x6800;
	s20 =	sshrl.u32 @!p0 s20, $0x3;
	s6 =	sadd.s32 s13, s6  }
0x12: {  	s11 =	sadd.s32 s30, s8;
	s8 =	smax.u32 s9, $0x1;
	s9 =	sadd.s32 s31, s1  }
0x13: {  	v0 =	vimm.f32 $0.0e+00;
	s13 =	simm.s32 $0x4000;
	s10 =	sadd.s32 $0xA00, s11;
	s11 =	simm.s32 $0x3  }
.LBB2_1:
0x14: {  	[tilespmem:s3], [sflag:$0x3] =	stream.linear.gather [hbm4b:s4+s3], $0x3E80, $0x38;
	[tilespmem:$0x1D880] =	vst v63  }
0x15: {  	_ =	swait.ge [sflag:s11], $0x3E80  }
0x16: {  	[sflag:s11] =	ssyncset.done $0x0  }
0x17: {  	s22 =	simm.s32 $0x0;
	s23 =	simm.s32 $0x200;
	[sflag:s11] =	ssyncadd.s32 $0xFFFFC180  }
.LBB2_2:
0x18: {  	p1 =	sne.s32 s23, $0x3000;
	[tilespmem:s22+$0x9070] =	vst v0  }
0x19: {  	[tilespmem:s22+$0x9000] =	vst v0  }
0x1a: {  	[tilespmem:s22+$0x9010] =	vst v0  }
.Ltmp0:
0x1b: {  	[tilespmem:s22+$0x9020] =	vst v0;
	(pc) =	sbr.rel @p1 .LBB2_2-.Ltmp0, $4  }
0x1c: {  	[tilespmem:s22+$0x9030] =	vst v0  }
0x1d: {  	[tilespmem:s22+$0x9040] =	vst v0  }
0x1e: {  	[tilespmem:s22+$0x9050] =	vst v0  }
0x1f: {  	[tilespmem:s22+$0x9060] =	vst v0;
	s22 =	sshra.s32 s23, $0x2;
	s23 =	sadd.s32 $0x200, s23  }
0x20: {  	[tilespmem:s22+$0x9070] =	vst v0  }
0x21: {  	[tilespmem:s22+$0x9000] =	vst v0  }
0x22: {  	[tilespmem:s22+$0x9010] =	vst v0  }
0x23: {  	[tilespmem:s22+$0x9020] =	vst v0  }
0x24: {  	[tilespmem:s22+$0x9030] =	vst v0  }
0x25: {  	[tilespmem:s22+$0x9040] =	vst v0  }
0x26: {  	[tilespmem:s22+$0x9050] =	vst v0  }
0x27: {  	[tilespmem:s22+$0x9060] =	vst v0;
	s31 =	sadd.s32 $0x0, s9  }
0x28: {  	[spmem:s31] =	stream.linear.scatter [tilespmem:s12], [sflag:$0x3], $0xC80, $0x38;
	[tilespmem:$0x1D880] =	vst v63  }
0x29: {  	s22 =	simm.s32 $0x3200;
	_ =	swait.ge [sflag:s11], $0xC80  }
.LBB2_4:
0x2a: {  	s23 =	sshra.s32 s22, $0x2;
	[sflag:s11] =	ssyncset.done $0x0;
	p1 =	sne.s32 s22, $0x4B000  }
.Ltmp1:
0x2b: {  	s23 =	sadd.s32 s23, s9;
	[sflag:s11] =	ssyncadd.s32 $0xFFFFF380;
	(pc) =	sbr.rel @p1 .LBB2_4-.Ltmp1, $3  }
0x2c: {  	[spmem:s23] =	stream.linear.scatter [tilespmem:s12], [sflag:$0x3], $0xC80, $0x38;
	[tilespmem:$0x1D880] =	vst v63  }
0x2d: {  	s22 =	sadd.s32 $0x3200, s22;
	_ =	sdelay $0x1  }
0x2e: {  	_ =	swait.ge [sflag:s11], $0xC80  }
0x2f: {  	[sflag:s11] =	ssyncset.done $0x0  }
0x30: {  	[sflag:s11] =	ssyncadd.s32 $0xFFFFF380  }
0x31: {  	s22 =	simm.s32 $0x0;
	[bflag:$0x0] =	sbarrier.arrive $0xFFFF  }
0x32: {  	[tilespmem:s13], [sflag:$0x1] =	stream.linear.gather [hbm4b:s5+s22], $0x2800, $0x38;
	[tilespmem:$0x1D880] =	vst v63  }
0x33: {  	s29 =	sadd.s32 $0xFFFFFB00, s10  }
0x34: {  	[tilespmem:s14], [sflag:$0x2] =	stream.linear.gather [hbm4b:s29+s3], $0x2800, $0x38;
	[tilespmem:$0x1D880] =	vst v63  }
0x35: {  	_ =	swait.ge [sflag:s15], $0x2800  }
0x36: {  	[sflag:s15] =	ssyncset.done $0x0  }
0x37: {  	s30 =	simm.s32 $0x0;
	[sflag:s15] =	ssyncadd.s32 $0xFFFFD800  }
0x38: {  	[spmem:s1] =	stream.indirect.scatter.add.f32 [tilespmem:s13], [sflag:$0x3], $0x80, s30, s16, $0xb8;
	[tilespmem:$0x1D880] =	vst v63  }
0x39: {  	_ =	swait.ge [sflag:s11], $0x2800  }
0x3a: {  	[sflag:s11] =	ssyncset.done $0x0  }
0x3b: {  	[sflag:s11] =	ssyncadd.s32 $0xFFFFD800  }
0x3c: {  	[tilespmem:s13], [sflag:$0x1] =	stream.linear.gather [hbm4b:s10+s3], $0x2800, $0x38;
	[tilespmem:$0x1D880] =	vst v63  }
0x3d: {  	_ =	swait.ge [sflag:s17], $0x2800  }
0x3e: {  	[sflag:s17] =	ssyncset.done $0x0  }
0x3f: {  	s31 =	simm.s32 $0x80;
	[sflag:s17] =	ssyncadd.s32 $0xFFFFD800  }
0x40: {  	[spmem:s1] =	stream.indirect.scatter.add.f32 [tilespmem:s14], [sflag:$0x3], $0x80, s31, s16, $0xb8;
	[tilespmem:$0x1D880] =	vst v63  }
0x41: {  	s23 =	simm.s32 $0x400;
	_ =	swait.ge [sflag:s11], $0x2800  }
0x42: {  	s24 =	simm.s32 $0x800;
	s22 =	sadd.s32 $0xA00, s10;
	[sflag:s11] =	ssyncset.done $0x0  }
.LBB2_6:
0x43: {  	p1 =	sne.s32 s24, $0xF400;
	s25 =	sadd.s32 $0xFFFFFB00, s22;
	[sflag:s11] =	ssyncadd.s32 $0xFFFFD800  }
0x44: {  	[tilespmem:s14], [sflag:$0x2] =	stream.linear.gather [hbm4b:s25+s3], $0x2800, $0x38;
	[tilespmem:$0x1D880] =	vst v63  }
0x45: {  	s25 =	smov.u32 s24;
	s24 =	sadd.s32 $0x400, s24;
	_ =	swait.ge [sflag:s15], $0x2800  }
0x46: {  	[sflag:s15] =	ssyncset.done $0x0  }
0x47: {  	s26 =	sshra.s32 s23, $0x2;
	s23 =	smov.u32 s25;
	[sflag:s15] =	ssyncadd.s32 $0xFFFFD800  }
0x48: {  	[spmem:s1] =	stream.indirect.scatter.add.f32 [tilespmem:s13], [sflag:$0x3], $0x80, s26, s16, $0xb8;
	[tilespmem:$0x1D880] =	vst v63  }
0x49: {  	_ =	swait.ge [sflag:s11], $0x2800  }
0x4a: {  	[sflag:s11] =	ssyncset.done $0x0  }
0x4b: {  	[sflag:s11] =	ssyncadd.s32 $0xFFFFD800  }
0x4c: {  	[tilespmem:s13], [sflag:$0x1] =	stream.linear.gather [hbm4b:s22+s3], $0x2800, $0x38;
	[tilespmem:$0x1D880] =	vst v63  }
0x4d: {  	_ =	swait.ge [sflag:s17], $0x2800  }
.Ltmp2:
0x4e: {  	[sflag:s17] =	ssyncset.done $0x0;
	(pc) =	sbr.rel @p1 .LBB2_6-.Ltmp2, $4  }
0x4f: {  	s25 =	sadd.s32 $0x80, s26;
	[sflag:s17] =	ssyncadd.s32 $0xFFFFD800  }
0x50: {  	[spmem:s1] =	stream.indirect.scatter.add.f32 [tilespmem:s14], [sflag:$0x3], $0x80, s25, s16, $0xb8;
	[tilespmem:$0x1D880] =	vst v63  }
0x51: {  	_ =	swait.ge [sflag:s11], $0x2800  }
0x52: {  	s22 =	sadd.s32 $0xA00, s22;
	[sflag:s11] =	ssyncset.done $0x0  }
0x53: {  	s24 =	sadd.s32 $0xFFFFFB00, s22;
	[sflag:s11] =	ssyncadd.s32 $0xFFFFD800  }
0x54: {  	[tilespmem:s14], [sflag:$0x2] =	stream.linear.gather [hbm4b:s24+s3], $0x2800, $0x38;
	[tilespmem:$0x1D880] =	vst v63  }
0x55: {  	_ =	swait.ge [sflag:s15], $0x2800  }
0x56: {  	[sflag:s15] =	ssyncset.done $0x0  }
0x57: {  	s23 =	sshra.s32 s23, $0x2;
	[sflag:s15] =	ssyncadd.s32 $0xFFFFD800  }
0x58: {  	[spmem:s1] =	stream.indirect.scatter.add.f32 [tilespmem:s13], [sflag:$0x3], $0x80, s23, s16, $0xb8;
	[tilespmem:$0x1D880] =	vst v63  }
0x59: {  	_ =	swait.ge [sflag:s11], $0x2800  }
0x5a: {  	[sflag:s11] =	ssyncset.done $0x0  }
0x5b: {  	[sflag:s11] =	ssyncadd.s32 $0xFFFFD800  }
0x5c: {  	[tilespmem:s13], [sflag:$0x1] =	stream.linear.gather [hbm4b:s22+s3], $0x2800, $0x38;
	[tilespmem:$0x1D880] =	vst v63  }
0x5d: {  	_ =	swait.ge [sflag:s17], $0x2800  }
0x5e: {  	[sflag:s17] =	ssyncset.done $0x0  }
0x5f: {  	s31 =	sadd.s32 $0x80, s23;
	[sflag:s17] =	ssyncadd.s32 $0xFFFFD800  }
0x60: {  	[spmem:s1] =	stream.indirect.scatter.add.f32 [tilespmem:s14], [sflag:$0x3], $0x80, s31, s16, $0xb8;
	[tilespmem:$0x1D880] =	vst v63  }
0x61: {  	_ =	swait.ge [sflag:s11], $0x2800  }
0x62: {  	[sflag:s11] =	ssyncset.done $0x0  }
0x63: {  	[sflag:s11] =	ssyncadd.s32 $0xFFFFD800  }
0x64: {  	_ =	swait.ge [sflag:s15], $0x2800  }
0x65: {  	[sflag:s15] =	ssyncset.done $0x0  }
0x66: {  	[sflag:s15] =	ssyncadd.s32 $0xFFFFD800  }
0x67: {  	[spmem:s1] =	stream.indirect.scatter.add.f32 [tilespmem:s13], [sflag:$0x3], $0x80, s18, s16, $0xb8;
	[tilespmem:$0x1D880] =	vst v63  }
0x68: {  	_ =	swait.ge [sflag:s11], $0x2800  }
0x69: {  	[sflag:s11] =	ssyncset.done $0x0  }
0x6a: {  	[sflag:s11] =	ssyncadd.s32 $0xFFFFD800  }
0x6b: {  	s22 =	simm.s32 @p0 $0x1FC3;
	[bflag:$0x0] =	sbarrier.arrive $0xFFFF  }
0x6c: {  	[hbm:s7], [sflag:s22] =	dma.local @p0 [spmem:s19], $0x2800  }
0x6d: {  	s22 =	simm.s32 @p0 $0x3  }
0x6e: {  	_ =	swait.ge @p0 [sflag:s22], $0x2800  }
0x6f: {  	s21 =	sadd.s32 $0x1, s21;
	s23 =	sshll.u32 @!p0 s2, $0x6;
	[sflag:s22] =	ssyncset.done @p0 $0x0  }
0x70: {  	p1 =	sne.s32 s21, s8;
	[sflag:s22] =	ssyncadd.s32 @p0 $0xFFFFD800;
	s22 =	sor.u32 @!p0 $0x1C03, s23  }
0x71: {  	[hbm:s6], [sflag:s22] =	dma.local @!p0 [spmem:s20], $0x2700  }
.Ltmp3:
0x72: {  	_ = 	snop;
	(pc) =	sbr.rel @p1 .LBB2_1-.Ltmp3, $4  }
0x73: {  	s22 =	simm.s32 @!p0 $0x3  }
0x74: {  	_ =	swait.ge @!p0 [sflag:s22], $0x2700  }
0x75: {  	[sflag:s22] =	ssyncset.done @!p0 $0x0  }
0x76: {  	[sflag:s22] =	ssyncadd.s32 @!p0 $0xFFFFD900  }
0x77: {  	_ =	sfence.sel $0x180000  }
0x78: {  	[bflag:$0x0] =	sbarrier.arrive $0xFFFF  }
0x79: {  	p0 =	sne.s32 s2, $0x0;
	_ =	strace $0x90000056  }
0x7a: {  	s0 =	sadd.s32 @!p0 $0x100000, s0;
	[bflag:$0x2] =	sbarrier.arrive $0xFFFF  }
0x7b: {  	[sflag:s0] =	ssyncadd.tile.s32 @!p0 $0x1;
	_ =	shalt  }
.Lfunc_end2:
_tile_overlayer_lowered:
.L_overlay_start_2:
0x7c: {  	(tag) =	ssettag $0x2  }
0x7d: {  	s0 =	rddreg [dreg:$0x0];
	s2 =	stileid.u32  }
0x7e: {  	s1 =	rddreg [dreg:$0x1];
	p0 =	sne.s32 s2, $0x0  }
0x7f: {  	s3 =	rddreg [dreg:$0x2];
	[bflag:$0x3] =	sbarrier.arrive $0xFFFF;
	s2 =	simm.s32 @!p0 $0x1C03  }
0x80: {  	[timem:s3], [sflag:s2] =	dma.local @!p0 [hbm:s0], s1  }
0x81: {  	s0 =	simm.s32 @!p0 $0x3  }
0x82: {  	_ =	swait.ge @!p0 [sflag:s0], s1  }
0x83: {  	s1 =	ssub.s32 @!p0 $0x0, s1;
	[sflag:s0] =	ssyncset.done @!p0 $0x0  }
0x84: {  	[sflag:s0] =	ssyncadd.s32 @!p0 s1  }
0x85: {  	[bflag:$0x3] =	sbarrier.arrive $0xFFFF  }
0x86: {  	_ =	shalt  }

</sc_bundles>
